<compile_context>
chip_gen: v7x
topology: tpu7x:2x2x1
jax: 0.10.2.dev20260603
libtpu: 0.0.44.dev20260713+nightly
codegen_flags: <defaults>
</compile_context>

<pallas_src>
import functools

import jax
import jax.numpy as jnp
from jax import lax
from jax.experimental import pallas as pl
from jax.experimental.pallas import tpu as pltpu
from jax.experimental.pallas import tpu_sc as plsc

B = 16384
D = 32
NUM_ITEMS = 1000000
NC = 2
NS = 16
NW = NC * NS
BPW = B // NW
NCHUNK = 4
CHUNK = BPW // NCHUNK
GPC = CHUNK // 16

_CLAMP = 1.0 + 1e-7
_KEXP = 0.1353352832366127
_MAGIC = 0x5F3759DF


def _fermi_dirac_from_z(z):
    z = jnp.maximum(z, _CLAMP)
    w = (z - 1.0) * (z + 1.0)
    i = plsc.bitcast(w, jnp.int32)
    r = plsc.bitcast(_MAGIC - (i >> 1), jnp.float32)
    r = r * (1.5 - 0.5 * w * r * r)
    r = r * (1.5 - 0.5 * w * r * r)
    r = r * (1.5 - 0.5 * w * r * r)
    s = w * r
    return 1.0 / (_KEXP * (z + s) + 1.0)


def _make_kernel():
    mesh = plsc.VectorSubcoreMesh(core_axis_name="c", subcore_axis_name="s")

    @functools.partial(
        pl.kernel,
        out_type=jax.ShapeDtypeStruct((B,), jnp.float32),
        mesh=mesh,
        compiler_params=pltpu.CompilerParams(
            use_tc_tiling_on_sc=False, needs_layout_passes=False),
        scratch_types=[
            pltpu.VMEM((NCHUNK, CHUNK), jnp.int32),
            pltpu.VMEM((NCHUNK, CHUNK), jnp.int32),
            pltpu.VMEM((BPW, D), jnp.float32),
            pltpu.VMEM((BPW, D), jnp.float32),
            pltpu.VMEM((BPW,), jnp.float32),
            pltpu.SemaphoreType.DMA,
            pltpu.SemaphoreType.DMA,
            pltpu.SemaphoreType.DMA,
            pltpu.SemaphoreType.DMA,
        ],
    )
    def lorentz_fd(u_hbm, v_hbm, theta_hbm, out_hbm, ui, vi, ru, rv, ov,
                   s0, s1, s2, s3):
        sems = [s0, s1, s2, s3]
        wid = lax.axis_index("s") * NC + lax.axis_index("c")
        pltpu.sync_copy(u_hbm.at[wid], ui)
        pltpu.sync_copy(v_hbm.at[wid], vi)
        copies = []
        for j in range(NCHUNK):
            cu = pltpu.async_copy(theta_hbm.at[ui.at[j]],
                                  ru.at[pl.ds(j * CHUNK, CHUNK)], sems[j])
            cv = pltpu.async_copy(theta_hbm.at[vi.at[j]],
                                  rv.at[pl.ds(j * CHUNK, CHUNK)], sems[j])
            copies.append((cu, cv))

        iota16 = lax.iota(jnp.int32, 16)

        def group_body(g, carry):
            rid = g * 16 + iota16
            c0 = jnp.zeros((16,), jnp.int32)
            p0 = plsc.load_gather(ru, [rid, c0]) * plsc.load_gather(rv, [rid, c0])
            acc = jnp.zeros((16,), jnp.float32)
            for dd in range(1, D):
                cd = jnp.full((16,), dd, jnp.int32)
                acc = acc + (plsc.load_gather(ru, [rid, cd]) *
                             plsc.load_gather(rv, [rid, cd]))
            ov[pl.ds(g * 16, 16)] = _fermi_dirac_from_z(p0 - acc)
            return carry

        for j in range(NCHUNK):
            cu, cv = copies[j]
            cu.wait()
            cv.wait()
            lax.fori_loop(j * GPC, (j + 1) * GPC, group_body, 0)

        pltpu.sync_copy(ov, out_hbm.at[pl.ds(wid * BPW, BPW)])

    return lorentz_fd


_lorentz = _make_kernel()


def kernel(u, v, theta):
    u3 = u.astype(jnp.int32).reshape(NW, NCHUNK, CHUNK)
    v3 = v.astype(jnp.int32).reshape(NW, NCHUNK, CHUNK)
    return _lorentz(u3, v3, theta)

# --- scband reference (transcript-rebuilt; emitter-appended) ---
"""Pipeline reference for scband-lorentz-embedding-16355235463645 (READ-ONLY COPY).

The authoritative reference and input builder live on the scoring server;
editing this copy changes nothing except your own understanding.
"""

import jax, jax.numpy as jnp
import numpy as np

NUM_ITEMS = 1000000
LATENT_DIM = 32
R = 2.0
T = 1.0
EPS = 1e-05
BATCH = 16384


def setup_inputs(seed: int = 0) -> dict:
    key = jax.random.key(seed)
    k1, k2, k3 = jax.random.split(key, 3)
    u = jax.random.randint(k1, (BATCH,), 0, NUM_ITEMS)
    v = jax.random.randint(k2, (BATCH,), 0, NUM_ITEMS)
    # LorentzInitializer: small uniform spatial coords, time coord set so points
    # lie on the hyperboloid  -x0^2 + sum(xi^2) = -1  (i.e. x0 = sqrt(1+||xs||^2))
    spatial = jax.random.uniform(k3, (NUM_ITEMS, LATENT_DIM - 1), minval=-1e-3, maxval=1e-3, dtype=jnp.float32)
    x0 = jnp.sqrt(1.0 + jnp.sum(spatial * spatial, axis=1, keepdims=True))
    theta = jnp.concatenate([x0, spatial], axis=1)
    return {"u": u, "v": v, "theta": theta}


def lorentz_scalar_product(x, y):
    p = x * y
    dotL = -1.0 * p[:, 0]
    dotL = dotL + jnp.sum(p[:, 1:], axis=1)
    return dotL


def dist(x, y):
    # clamp argument of arccosh to its valid domain (numerical safety; matches EPS intent)
    return jnp.arccosh(jnp.maximum(-1.0 * lorentz_scalar_product(x, y), 1.0 + 1e-7))


def fermi_dirac(duv):
    return 1.0 / (jnp.exp((duv - R) / T) + 1.0)


def reference(u, v, theta):
    eu = jnp.take(theta, u, axis=0)
    ev = jnp.take(theta, v, axis=0)
    duv = dist(eu, ev)
    return fermi_dirac(duv)

if __name__ == "__main__":
    import jax
    _d = setup_inputs()
    print(jax.jit(kernel)(*tuple(_d.values())))

</pallas_src>

<mosaic_0001>
#map = affine_map<(d0, d1) -> (0, 0, 0)>
#map1 = affine_map<(d0, d1) -> (0, 0)>
#map2 = affine_map<(d0, d1) -> (0)>
module attributes {stable_mosaic.version = 14 : i64} {
  func.func @lorentz_fd(%arg0: i32, %arg1: i32, %arg2: memref<32x4x128xi32, #tpu.memory_space<hbm>>, %arg3: memref<32x4x128xi32, #tpu.memory_space<hbm>>, %arg4: memref<1000000x32xf32, #tpu.memory_space<hbm>>, %arg5: memref<16384xf32, #tpu.memory_space<hbm>>, %arg6: memref<4x128xi32, #tpu.memory_space<vmem>>, %arg7: memref<4x128xi32, #tpu.memory_space<vmem>>, %arg8: memref<512x32xf32, #tpu.memory_space<vmem>>, %arg9: memref<512x32xf32, #tpu.memory_space<vmem>>, %arg10: memref<512xf32, #tpu.memory_space<vmem>>, %arg11: memref<!tpu.dma_semaphore, #tpu.memory_space<semaphore_mem>>, %arg12: memref<!tpu.dma_semaphore, #tpu.memory_space<semaphore_mem>>, %arg13: memref<!tpu.dma_semaphore, #tpu.memory_space<semaphore_mem>>, %arg14: memref<!tpu.dma_semaphore, #tpu.memory_space<semaphore_mem>>) attributes {dimension_semantics = [#tpu.dimension_semantics<core_parallel>, #tpu.dimension_semantics<subcore_parallel>], iteration_bounds = array<i64: 2, 16>, scalar_prefetch = 0 : i64, scratch_operands = 9 : i64, tpu.core_type = #tpu.core_type<sc_vector_subcore>, window_params = [{transform_indices = #map}, {transform_indices = #map}, {transform_indices = #map1}, {transform_indices = #map2}]} {
    %mul3A = arith.constant 2 : i32
    %mul3A_0 = arith.muli %arg1, %mul3A : i32
    %add3A = arith.addi %mul3A_0, %arg0 : i32
    "tpu.region"() ({
      %run_scoped3A = tpu.sem_alloc : memref<!tpu.dma_semaphore, #tpu.memory_space<semaphore_mem>>
      %dma_start3A_184 = arith.constant 0 : i32
      %dma_start3A_185 = arith.constant 0 : i32
      %dma_start3A_186 = tpu.memref_slice %arg2[%add3A, %dma_start3A_184, %dma_start3A_185] : memref<32x4x128xi32, #tpu.memory_space<hbm>> -> memref<1x4x128xi32, #tpu.memory_space<hbm>>
      %dma_start3A_187 = tpu.memref_squeeze %dma_start3A_186 : memref<1x4x128xi32, #tpu.memory_space<hbm>> -> memref<4x128xi32, #tpu.memory_space<hbm>>
      %dma_start3A_188 = arith.constant 0 : i32
      %dma_start3A_189 = arith.constant 0 : i32
      %dma_start3A_190 = tpu.memref_slice %arg2[%add3A, %dma_start3A_188, %dma_start3A_189] : memref<32x4x128xi32, #tpu.memory_space<hbm>> -> memref<1x4x128xi32, #tpu.memory_space<hbm>>
      %dma_start3A_191 = tpu.memref_squeeze %dma_start3A_190 : memref<1x4x128xi32, #tpu.memory_space<hbm>> -> memref<4x128xi32, #tpu.memory_space<hbm>>
      tpu.enqueue_dma source(%dma_start3A_191 : memref<4x128xi32, #tpu.memory_space<hbm>>) target(%arg6 : memref<4x128xi32, #tpu.memory_space<vmem>>) target_semaphore(%run_scoped3A : memref<!tpu.dma_semaphore, #tpu.memory_space<semaphore_mem>>)
      %dma_wait3A_192 = arith.constant 0 : i32
      %dma_wait3A_193 = arith.constant 0 : i32
      %dma_wait3A_194 = tpu.memref_slice %arg2[%add3A, %dma_wait3A_192, %dma_wait3A_193] : memref<32x4x128xi32, #tpu.memory_space<hbm>> -> memref<1x4x128xi32, #tpu.memory_space<hbm>>
      %dma_wait3A_195 = tpu.memref_squeeze %dma_wait3A_194 : memref<1x4x128xi32, #tpu.memory_space<hbm>> -> memref<4x128xi32, #tpu.memory_space<hbm>>
      %dma_wait3A_196 = arith.constant 0 : i32
      %dma_wait3A_197 = arith.constant 0 : i32
      %dma_wait3A_198 = tpu.memref_slice %arg2[%add3A, %dma_wait3A_196, %dma_wait3A_197] : memref<32x4x128xi32, #tpu.memory_space<hbm>> -> memref<1x4x128xi32, #tpu.memory_space<hbm>>
      %dma_wait3A_199 = tpu.memref_squeeze %dma_wait3A_198 : memref<1x4x128xi32, #tpu.memory_space<hbm>> -> memref<4x128xi32, #tpu.memory_space<hbm>>
      tpu.wait_dma2 semaphore(%run_scoped3A : memref<!tpu.dma_semaphore, #tpu.memory_space<semaphore_mem>>) src(%dma_wait3A_199 : memref<4x128xi32, #tpu.memory_space<hbm>>) dst(%arg6 : memref<4x128xi32, #tpu.memory_space<vmem>>)
      tpu.yield
    }) : () -> ()
    "tpu.region"() ({
      %run_scoped3A = tpu.sem_alloc : memref<!tpu.dma_semaphore, #tpu.memory_space<semaphore_mem>>
      %dma_start3A_184 = arith.constant 0 : i32
      %dma_start3A_185 = arith.constant 0 : i32
      %dma_start3A_186 = tpu.memref_slice %arg3[%add3A, %dma_start3A_184, %dma_start3A_185] : memref<32x4x128xi32, #tpu.memory_space<hbm>> -> memref<1x4x128xi32, #tpu.memory_space<hbm>>
      %dma_start3A_187 = tpu.memref_squeeze %dma_start3A_186 : memref<1x4x128xi32, #tpu.memory_space<hbm>> -> memref<4x128xi32, #tpu.memory_space<hbm>>
      %dma_start3A_188 = arith.constant 0 : i32
      %dma_start3A_189 = arith.constant 0 : i32
      %dma_start3A_190 = tpu.memref_slice %arg3[%add3A, %dma_start3A_188, %dma_start3A_189] : memref<32x4x128xi32, #tpu.memory_space<hbm>> -> memref<1x4x128xi32, #tpu.memory_space<hbm>>
      %dma_start3A_191 = tpu.memref_squeeze %dma_start3A_190 : memref<1x4x128xi32, #tpu.memory_space<hbm>> -> memref<4x128xi32, #tpu.memory_space<hbm>>
      tpu.enqueue_dma source(%dma_start3A_191 : memref<4x128xi32, #tpu.memory_space<hbm>>) target(%arg7 : memref<4x128xi32, #tpu.memory_space<vmem>>) target_semaphore(%run_scoped3A : memref<!tpu.dma_semaphore, #tpu.memory_space<semaphore_mem>>)
      %dma_wait3A_192 = arith.constant 0 : i32
      %dma_wait3A_193 = arith.constant 0 : i32
      %dma_wait3A_194 = tpu.memref_slice %arg3[%add3A, %dma_wait3A_192, %dma_wait3A_193] : memref<32x4x128xi32, #tpu.memory_space<hbm>> -> memref<1x4x128xi32, #tpu.memory_space<hbm>>
      %dma_wait3A_195 = tpu.memref_squeeze %dma_wait3A_194 : memref<1x4x128xi32, #tpu.memory_space<hbm>> -> memref<4x128xi32, #tpu.memory_space<hbm>>
      %dma_wait3A_196 = arith.constant 0 : i32
      %dma_wait3A_197 = arith.constant 0 : i32
      %dma_wait3A_198 = tpu.memref_slice %arg3[%add3A, %dma_wait3A_196, %dma_wait3A_197] : memref<32x4x128xi32, #tpu.memory_space<hbm>> -> memref<1x4x128xi32, #tpu.memory_space<hbm>>
      %dma_wait3A_199 = tpu.memref_squeeze %dma_wait3A_198 : memref<1x4x128xi32, #tpu.memory_space<hbm>> -> memref<4x128xi32, #tpu.memory_space<hbm>>
      tpu.wait_dma2 semaphore(%run_scoped3A : memref<!tpu.dma_semaphore, #tpu.memory_space<semaphore_mem>>) src(%dma_wait3A_199 : memref<4x128xi32, #tpu.memory_space<hbm>>) dst(%arg7 : memref<4x128xi32, #tpu.memory_space<vmem>>)
      tpu.yield
    }) : () -> ()
    %dma_start3A = arith.constant 0 : i32
    %dma_start3A_1 = arith.constant 0 : i32
    %dma_start3A_2 = arith.constant 0 : i32
    %dma_start3A_3 = tpu.memref_slice %arg8[%dma_start3A_1, %dma_start3A_2] : memref<512x32xf32, #tpu.memory_space<vmem>> -> memref<128x32xf32, #tpu.memory_space<vmem>>
    %dma_start3A_4 = arith.constant 0 : i32
    %dma_start3A_5 = tpu.memref_slice %arg6[%dma_start3A, %dma_start3A_4] : memref<4x128xi32, #tpu.memory_space<vmem>> -> memref<1x128xi32, #tpu.memory_space<vmem>>
    %dma_start3A_6 = tpu.memref_squeeze %dma_start3A_5 : memref<1x128xi32, #tpu.memory_space<vmem>> -> memref<128xi32, #tpu.memory_space<vmem>>
    %dma_start3A_7 = arith.constant 0 : i32
    %dma_start3A_8 = arith.constant 0 : i32
    %dma_start3A_9 = tpu.memref_slice %arg4[%dma_start3A_7, %dma_start3A_8] : memref<1000000x32xf32, #tpu.memory_space<hbm>> -> memref<1000000x32xf32, #tpu.memory_space<hbm>>
    tpu.enqueue_indirect_dma source(%dma_start3A_9 : memref<1000000x32xf32, #tpu.memory_space<hbm>>) target(%dma_start3A_3 : memref<128x32xf32, #tpu.memory_space<vmem>>) offsets(%dma_start3A_6 : memref<128xi32, #tpu.memory_space<vmem>>) semaphore(%arg11 : memref<!tpu.dma_semaphore, #tpu.memory_space<semaphore_mem>>)
    %dma_start3A_10 = arith.constant 0 : i32
    %dma_start3A_11 = arith.constant 0 : i32
    %dma_start3A_12 = arith.constant 0 : i32
    %dma_start3A_13 = tpu.memref_slice %arg9[%dma_start3A_11, %dma_start3A_12] : memref<512x32xf32, #tpu.memory_space<vmem>> -> memref<128x32xf32, #tpu.memory_space<vmem>>
    %dma_start3A_14 = arith.constant 0 : i32
    %dma_start3A_15 = tpu.memref_slice %arg7[%dma_start3A_10, %dma_start3A_14] : memref<4x128xi32, #tpu.memory_space<vmem>> -> memref<1x128xi32, #tpu.memory_space<vmem>>
    %dma_start3A_16 = tpu.memref_squeeze %dma_start3A_15 : memref<1x128xi32, #tpu.memory_space<vmem>> -> memref<128xi32, #tpu.memory_space<vmem>>
    %dma_start3A_17 = arith.constant 0 : i32
    %dma_start3A_18 = arith.constant 0 : i32
    %dma_start3A_19 = tpu.memref_slice %arg4[%dma_start3A_17, %dma_start3A_18] : memref<1000000x32xf32, #tpu.memory_space<hbm>> -> memref<1000000x32xf32, #tpu.memory_space<hbm>>
    tpu.enqueue_indirect_dma source(%dma_start3A_19 : memref<1000000x32xf32, #tpu.memory_space<hbm>>) target(%dma_start3A_13 : memref<128x32xf32, #tpu.memory_space<vmem>>) offsets(%dma_start3A_16 : memref<128xi32, #tpu.memory_space<vmem>>) semaphore(%arg11 : memref<!tpu.dma_semaphore, #tpu.memory_space<semaphore_mem>>)
    %dma_start3A_20 = arith.constant 1 : i32
    %dma_start3A_21 = arith.constant 128 : i32
    %dma_start3A_22 = arith.constant 0 : i32
    %dma_start3A_23 = tpu.memref_slice %arg8[%dma_start3A_21, %dma_start3A_22] : memref<512x32xf32, #tpu.memory_space<vmem>> -> memref<128x32xf32, #tpu.memory_space<vmem>>
    %dma_start3A_24 = arith.constant 0 : i32
    %dma_start3A_25 = tpu.memref_slice %arg6[%dma_start3A_20, %dma_start3A_24] : memref<4x128xi32, #tpu.memory_space<vmem>> -> memref<1x128xi32, #tpu.memory_space<vmem>>
    %dma_start3A_26 = tpu.memref_squeeze %dma_start3A_25 : memref<1x128xi32, #tpu.memory_space<vmem>> -> memref<128xi32, #tpu.memory_space<vmem>>
    %dma_start3A_27 = arith.constant 0 : i32
    %dma_start3A_28 = arith.constant 0 : i32
    %dma_start3A_29 = tpu.memref_slice %arg4[%dma_start3A_27, %dma_start3A_28] : memref<1000000x32xf32, #tpu.memory_space<hbm>> -> memref<1000000x32xf32, #tpu.memory_space<hbm>>
    tpu.enqueue_indirect_dma source(%dma_start3A_29 : memref<1000000x32xf32, #tpu.memory_space<hbm>>) target(%dma_start3A_23 : memref<128x32xf32, #tpu.memory_space<vmem>>) offsets(%dma_start3A_26 : memref<128xi32, #tpu.memory_space<vmem>>) semaphore(%arg12 : memref<!tpu.dma_semaphore, #tpu.memory_space<semaphore_mem>>)
    %dma_start3A_30 = arith.constant 1 : i32
    %dma_start3A_31 = arith.constant 128 : i32
    %dma_start3A_32 = arith.constant 0 : i32
    %dma_start3A_33 = tpu.memref_slice %arg9[%dma_start3A_31, %dma_start3A_32] : memref<512x32xf32, #tpu.memory_space<vmem>> -> memref<128x32xf32, #tpu.memory_space<vmem>>
    %dma_start3A_34 = arith.constant 0 : i32
    %dma_start3A_35 = tpu.memref_slice %arg7[%dma_start3A_30, %dma_start3A_34] : memref<4x128xi32, #tpu.memory_space<vmem>> -> memref<1x128xi32, #tpu.memory_space<vmem>>
    %dma_start3A_36 = tpu.memref_squeeze %dma_start3A_35 : memref<1x128xi32, #tpu.memory_space<vmem>> -> memref<128xi32, #tpu.memory_space<vmem>>
    %dma_start3A_37 = arith.constant 0 : i32
    %dma_start3A_38 = arith.constant 0 : i32
    %dma_start3A_39 = tpu.memref_slice %arg4[%dma_start3A_37, %dma_start3A_38] : memref<1000000x32xf32, #tpu.memory_space<hbm>> -> memref<1000000x32xf32, #tpu.memory_space<hbm>>
    tpu.enqueue_indirect_dma source(%dma_start3A_39 : memref<1000000x32xf32, #tpu.memory_space<hbm>>) target(%dma_start3A_33 : memref<128x32xf32, #tpu.memory_space<vmem>>) offsets(%dma_start3A_36 : memref<128xi32, #tpu.memory_space<vmem>>) semaphore(%arg12 : memref<!tpu.dma_semaphore, #tpu.memory_space<semaphore_mem>>)
    %dma_start3A_40 = arith.constant 2 : i32
    %dma_start3A_41 = arith.constant 256 : i32
    %dma_start3A_42 = arith.constant 0 : i32
    %dma_start3A_43 = tpu.memref_slice %arg8[%dma_start3A_41, %dma_start3A_42] : memref<512x32xf32, #tpu.memory_space<vmem>> -> memref<128x32xf32, #tpu.memory_space<vmem>>
    %dma_start3A_44 = arith.constant 0 : i32
    %dma_start3A_45 = tpu.memref_slice %arg6[%dma_start3A_40, %dma_start3A_44] : memref<4x128xi32, #tpu.memory_space<vmem>> -> memref<1x128xi32, #tpu.memory_space<vmem>>
    %dma_start3A_46 = tpu.memref_squeeze %dma_start3A_45 : memref<1x128xi32, #tpu.memory_space<vmem>> -> memref<128xi32, #tpu.memory_space<vmem>>
    %dma_start3A_47 = arith.constant 0 : i32
    %dma_start3A_48 = arith.constant 0 : i32
    %dma_start3A_49 = tpu.memref_slice %arg4[%dma_start3A_47, %dma_start3A_48] : memref<1000000x32xf32, #tpu.memory_space<hbm>> -> memref<1000000x32xf32, #tpu.memory_space<hbm>>
    tpu.enqueue_indirect_dma source(%dma_start3A_49 : memref<1000000x32xf32, #tpu.memory_space<hbm>>) target(%dma_start3A_43 : memref<128x32xf32, #tpu.memory_space<vmem>>) offsets(%dma_start3A_46 : memref<128xi32, #tpu.memory_space<vmem>>) semaphore(%arg13 : memref<!tpu.dma_semaphore, #tpu.memory_space<semaphore_mem>>)
    %dma_start3A_50 = arith.constant 2 : i32
    %dma_start3A_51 = arith.constant 256 : i32
    %dma_start3A_52 = arith.constant 0 : i32
    %dma_start3A_53 = tpu.memref_slice %arg9[%dma_start3A_51, %dma_start3A_52] : memref<512x32xf32, #tpu.memory_space<vmem>> -> memref<128x32xf32, #tpu.memory_space<vmem>>
    %dma_start3A_54 = arith.constant 0 : i32
    %dma_start3A_55 = tpu.memref_slice %arg7[%dma_start3A_50, %dma_start3A_54] : memref<4x128xi32, #tpu.memory_space<vmem>> -> memref<1x128xi32, #tpu.memory_space<vmem>>
    %dma_start3A_56 = tpu.memref_squeeze %dma_start3A_55 : memref<1x128xi32, #tpu.memory_space<vmem>> -> memref<128xi32, #tpu.memory_space<vmem>>
    %dma_start3A_57 = arith.constant 0 : i32
    %dma_start3A_58 = arith.constant 0 : i32
    %dma_start3A_59 = tpu.memref_slice %arg4[%dma_start3A_57, %dma_start3A_58] : memref<1000000x32xf32, #tpu.memory_space<hbm>> -> memref<1000000x32xf32, #tpu.memory_space<hbm>>
    tpu.enqueue_indirect_dma source(%dma_start3A_59 : memref<1000000x32xf32, #tpu.memory_space<hbm>>) target(%dma_start3A_53 : memref<128x32xf32, #tpu.memory_space<vmem>>) offsets(%dma_start3A_56 : memref<128xi32, #tpu.memory_space<vmem>>) semaphore(%arg13 : memref<!tpu.dma_semaphore, #tpu.memory_space<semaphore_mem>>)
    %dma_start3A_60 = arith.constant 3 : i32
    %dma_start3A_61 = arith.constant 384 : i32
    %dma_start3A_62 = arith.constant 0 : i32
    %dma_start3A_63 = tpu.memref_slice %arg8[%dma_start3A_61, %dma_start3A_62] : memref<512x32xf32, #tpu.memory_space<vmem>> -> memref<128x32xf32, #tpu.memory_space<vmem>>
    %dma_start3A_64 = arith.constant 0 : i32
    %dma_start3A_65 = tpu.memref_slice %arg6[%dma_start3A_60, %dma_start3A_64] : memref<4x128xi32, #tpu.memory_space<vmem>> -> memref<1x128xi32, #tpu.memory_space<vmem>>
    %dma_start3A_66 = tpu.memref_squeeze %dma_start3A_65 : memref<1x128xi32, #tpu.memory_space<vmem>> -> memref<128xi32, #tpu.memory_space<vmem>>
    %dma_start3A_67 = arith.constant 0 : i32
    %dma_start3A_68 = arith.constant 0 : i32
    %dma_start3A_69 = tpu.memref_slice %arg4[%dma_start3A_67, %dma_start3A_68] : memref<1000000x32xf32, #tpu.memory_space<hbm>> -> memref<1000000x32xf32, #tpu.memory_space<hbm>>
    tpu.enqueue_indirect_dma source(%dma_start3A_69 : memref<1000000x32xf32, #tpu.memory_space<hbm>>) target(%dma_start3A_63 : memref<128x32xf32, #tpu.memory_space<vmem>>) offsets(%dma_start3A_66 : memref<128xi32, #tpu.memory_space<vmem>>) semaphore(%arg14 : memref<!tpu.dma_semaphore, #tpu.memory_space<semaphore_mem>>)
    %dma_start3A_70 = arith.constant 3 : i32
    %dma_start3A_71 = arith.constant 384 : i32
    %dma_start3A_72 = arith.constant 0 : i32
    %dma_start3A_73 = tpu.memref_slice %arg9[%dma_start3A_71, %dma_start3A_72] : memref<512x32xf32, #tpu.memory_space<vmem>> -> memref<128x32xf32, #tpu.memory_space<vmem>>
    %dma_start3A_74 = arith.constant 0 : i32
    %dma_start3A_75 = tpu.memref_slice %arg7[%dma_start3A_70, %dma_start3A_74] : memref<4x128xi32, #tpu.memory_space<vmem>> -> memref<1x128xi32, #tpu.memory_space<vmem>>
    %dma_start3A_76 = tpu.memref_squeeze %dma_start3A_75 : memref<1x128xi32, #tpu.memory_space<vmem>> -> memref<128xi32, #tpu.memory_space<vmem>>
    %dma_start3A_77 = arith.constant 0 : i32
    %dma_start3A_78 = arith.constant 0 : i32
    %dma_start3A_79 = tpu.memref_slice %arg4[%dma_start3A_77, %dma_start3A_78] : memref<1000000x32xf32, #tpu.memory_space<hbm>> -> memref<1000000x32xf32, #tpu.memory_space<hbm>>
    tpu.enqueue_indirect_dma source(%dma_start3A_79 : memref<1000000x32xf32, #tpu.memory_space<hbm>>) target(%dma_start3A_73 : memref<128x32xf32, #tpu.memory_space<vmem>>) offsets(%dma_start3A_76 : memref<128xi32, #tpu.memory_space<vmem>>) semaphore(%arg14 : memref<!tpu.dma_semaphore, #tpu.memory_space<semaphore_mem>>)
    %iota3A = tpu.iota {dimensions = array<i32: 0>} : vector<16xi32>
    %dma_wait3A = arith.constant 0 : i32
    %dma_wait3A_80 = arith.constant 0 : i32
    %dma_wait3A_81 = arith.constant 0 : i32
    %dma_wait3A_82 = tpu.memref_slice %arg8[%dma_wait3A_80, %dma_wait3A_81] : memref<512x32xf32, #tpu.memory_space<vmem>> -> memref<128x32xf32, #tpu.memory_space<vmem>>
    %dma_wait3A_83 = arith.constant 0 : i32
    %dma_wait3A_84 = tpu.memref_slice %arg6[%dma_wait3A, %dma_wait3A_83] : memref<4x128xi32, #tpu.memory_space<vmem>> -> memref<1x128xi32, #tpu.memory_space<vmem>>
    %dma_wait3A_85 = tpu.memref_squeeze %dma_wait3A_84 : memref<1x128xi32, #tpu.memory_space<vmem>> -> memref<128xi32, #tpu.memory_space<vmem>>
    %dma_wait3A_86 = arith.constant 0 : i32
    %dma_wait3A_87 = arith.constant 0 : i32
    %dma_wait3A_88 = tpu.memref_slice %arg4[%dma_wait3A_86, %dma_wait3A_87] : memref<1000000x32xf32, #tpu.memory_space<hbm>> -> memref<1000000x32xf32, #tpu.memory_space<hbm>>
    tpu.wait_indirect_dma semaphore(%arg11 : memref<!tpu.dma_semaphore, #tpu.memory_space<semaphore_mem>>) src(%dma_wait3A_88 : memref<1000000x32xf32, #tpu.memory_space<hbm>>) dst(%dma_wait3A_82 : memref<128x32xf32, #tpu.memory_space<vmem>>)
    %dma_wait3A_89 = arith.constant 0 : i32
    %dma_wait3A_90 = arith.constant 0 : i32
    %dma_wait3A_91 = arith.constant 0 : i32
    %dma_wait3A_92 = tpu.memref_slice %arg9[%dma_wait3A_90, %dma_wait3A_91] : memref<512x32xf32, #tpu.memory_space<vmem>> -> memref<128x32xf32, #tpu.memory_space<vmem>>
    %dma_wait3A_93 = arith.constant 0 : i32
    %dma_wait3A_94 = tpu.memref_slice %arg7[%dma_wait3A_89, %dma_wait3A_93] : memref<4x128xi32, #tpu.memory_space<vmem>> -> memref<1x128xi32, #tpu.memory_space<vmem>>
    %dma_wait3A_95 = tpu.memref_squeeze %dma_wait3A_94 : memref<1x128xi32, #tpu.memory_space<vmem>> -> memref<128xi32, #tpu.memory_space<vmem>>
    %dma_wait3A_96 = arith.constant 0 : i32
    %dma_wait3A_97 = arith.constant 0 : i32
    %dma_wait3A_98 = tpu.memref_slice %arg4[%dma_wait3A_96, %dma_wait3A_97] : memref<1000000x32xf32, #tpu.memory_space<hbm>> -> memref<1000000x32xf32, #tpu.memory_space<hbm>>
    tpu.wait_indirect_dma semaphore(%arg11 : memref<!tpu.dma_semaphore, #tpu.memory_space<semaphore_mem>>) src(%dma_wait3A_98 : memref<1000000x32xf32, #tpu.memory_space<hbm>>) dst(%dma_wait3A_92 : memref<128x32xf32, #tpu.memory_space<vmem>>)
    %scan3A = arith.constant 0 : i32
    %scan3A_99 = arith.constant 0 : i32
    %scan3A_100 = arith.constant 8 : i32
    %scan3A_101 = arith.addi %scan3A_99, %scan3A_100 : i32
    %scan3A_102 = arith.constant 1 : i32
    scf.for %scan3A_184 = %scan3A_99 to %scan3A_101 step %scan3A_102  : i32 {
      %mul3A_185 = arith.constant 16 : i32
      %mul3A_186 = arith.muli %scan3A_184, %mul3A_185 : i32
      %add3A_187 = vector.broadcast %mul3A_186 : i32 to vector<16xi32>
      %add3A_188 = arith.addi %add3A_187, %iota3A : vector<16xi32>
      %broadcast_in_dim3A = arith.constant 0 : i32
      %broadcast_in_dim3A_189 = vector.broadcast %broadcast_in_dim3A : i32 to vector<16xi32>
      %gather3A = tpu.vector_load_idx %arg8[%add3A_188, %broadcast_in_dim3A_189] : memref<512x32xf32, #tpu.memory_space<vmem>>[vector<16xi32>, vector<16xi32>], vector<16xf32>,
      %gather3A_190 = tpu.vector_load_idx %arg9[%add3A_188, %broadcast_in_dim3A_189] : memref<512x32xf32, #tpu.memory_space<vmem>>[vector<16xi32>, vector<16xi32>], vector<16xf32>,
      %mul3A_191 = arith.mulf %gather3A, %gather3A_190 : vector<16xf32>
      %broadcast_in_dim3A_192 = arith.constant 0.000000e+00 : f32
      %broadcast_in_dim3A_193 = vector.broadcast %broadcast_in_dim3A_192 : f32 to vector<16xf32>
      %broadcast_in_dim3A_194 = arith.constant 1 : i32
      %broadcast_in_dim3A_195 = vector.broadcast %broadcast_in_dim3A_194 : i32 to vector<16xi32>
      %gather3A_196 = tpu.vector_load_idx %arg8[%add3A_188, %broadcast_in_dim3A_195] : memref<512x32xf32, #tpu.memory_space<vmem>>[vector<16xi32>, vector<16xi32>], vector<16xf32>,
      %gather3A_197 = tpu.vector_load_idx %arg9[%add3A_188, %broadcast_in_dim3A_195] : memref<512x32xf32, #tpu.memory_space<vmem>>[vector<16xi32>, vector<16xi32>], vector<16xf32>,
      %mul3A_198 = arith.mulf %gather3A_196, %gather3A_197 : vector<16xf32>
      %add3A_199 = arith.addf %broadcast_in_dim3A_193, %mul3A_198 : vector<16xf32>
      %broadcast_in_dim3A_200 = arith.constant 2 : i32
      %broadcast_in_dim3A_201 = vector.broadcast %broadcast_in_dim3A_200 : i32 to vector<16xi32>
      %gather3A_202 = tpu.vector_load_idx %arg8[%add3A_188, %broadcast_in_dim3A_201] : memref<512x32xf32, #tpu.memory_space<vmem>>[vector<16xi32>, vector<16xi32>], vector<16xf32>,
      %gather3A_203 = tpu.vector_load_idx %arg9[%add3A_188, %broadcast_in_dim3A_201] : memref<512x32xf32, #tpu.memory_space<vmem>>[vector<16xi32>, vector<16xi32>], vector<16xf32>,
      %mul3A_204 = arith.mulf %gather3A_202, %gather3A_203 : vector<16xf32>
      %add3A_205 = arith.addf %add3A_199, %mul3A_204 : vector<16xf32>
      %broadcast_in_dim3A_206 = arith.constant 3 : i32
      %broadcast_in_dim3A_207 = vector.broadcast %broadcast_in_dim3A_206 : i32 to vector<16xi32>
      %gather3A_208 = tpu.vector_load_idx %arg8[%add3A_188, %broadcast_in_dim3A_207] : memref<512x32xf32, #tpu.memory_space<vmem>>[vector<16xi32>, vector<16xi32>], vector<16xf32>,
      %gather3A_209 = tpu.vector_load_idx %arg9[%add3A_188, %broadcast_in_dim3A_207] : memref<512x32xf32, #tpu.memory_space<vmem>>[vector<16xi32>, vector<16xi32>], vector<16xf32>,
      %mul3A_210 = arith.mulf %gather3A_208, %gather3A_209 : vector<16xf32>
      %add3A_211 = arith.addf %add3A_205, %mul3A_210 : vector<16xf32>
      %broadcast_in_dim3A_212 = arith.constant 4 : i32
      %broadcast_in_dim3A_213 = vector.broadcast %broadcast_in_dim3A_212 : i32 to vector<16xi32>
      %gather3A_214 = tpu.vector_load_idx %arg8[%add3A_188, %broadcast_in_dim3A_213] : memref<512x32xf32, #tpu.memory_space<vmem>>[vector<16xi32>, vector<16xi32>], vector<16xf32>,
      %gather3A_215 = tpu.vector_load_idx %arg9[%add3A_188, %broadcast_in_dim3A_213] : memref<512x32xf32, #tpu.memory_space<vmem>>[vector<16xi32>, vector<16xi32>], vector<16xf32>,
      %mul3A_216 = arith.mulf %gather3A_214, %gather3A_215 : vector<16xf32>
      %add3A_217 = arith.addf %add3A_211, %mul3A_216 : vector<16xf32>
      %broadcast_in_dim3A_218 = arith.constant 5 : i32
      %broadcast_in_dim3A_219 = vector.broadcast %broadcast_in_dim3A_218 : i32 to vector<16xi32>
      %gather3A_220 = tpu.vector_load_idx %arg8[%add3A_188, %broadcast_in_dim3A_219] : memref<512x32xf32, #tpu.memory_space<vmem>>[vector<16xi32>, vector<16xi32>], vector<16xf32>,
      %gather3A_221 = tpu.vector_load_idx %arg9[%add3A_188, %broadcast_in_dim3A_219] : memref<512x32xf32, #tpu.memory_space<vmem>>[vector<16xi32>, vector<16xi32>], vector<16xf32>,
      %mul3A_222 = arith.mulf %gather3A_220, %gather3A_221 : vector<16xf32>
      %add3A_223 = arith.addf %add3A_217, %mul3A_222 : vector<16xf32>
      %broadcast_in_dim3A_224 = arith.constant 6 : i32
      %broadcast_in_dim3A_225 = vector.broadcast %broadcast_in_dim3A_224 : i32 to vector<16xi32>
      %gather3A_226 = tpu.vector_load_idx %arg8[%add3A_188, %broadcast_in_dim3A_225] : memref<512x32xf32, #tpu.memory_space<vmem>>[vector<16xi32>, vector<16xi32>], vector<16xf32>,
      %gather3A_227 = tpu.vector_load_idx %arg9[%add3A_188, %broadcast_in_dim3A_225] : memref<512x32xf32, #tpu.memory_space<vmem>>[vector<16xi32>, vector<16xi32>], vector<16xf32>,
      %mul3A_228 = arith.mulf %gather3A_226, %gather3A_227 : vector<16xf32>
      %add3A_229 = arith.addf %add3A_223, %mul3A_228 : vector<16xf32>
      %broadcast_in_dim3A_230 = arith.constant 7 : i32
      %broadcast_in_dim3A_231 = vector.broadcast %broadcast_in_dim3A_230 : i32 to vector<16xi32>
      %gather3A_232 = tpu.vector_load_idx %arg8[%add3A_188, %broadcast_in_dim3A_231] : memref<512x32xf32, #tpu.memory_space<vmem>>[vector<16xi32>, vector<16xi32>], vector<16xf32>,
      %gather3A_233 = tpu.vector_load_idx %arg9[%add3A_188, %broadcast_in_dim3A_231] : memref<512x32xf32, #tpu.memory_space<vmem>>[vector<16xi32>, vector<16xi32>], vector<16xf32>,
      %mul3A_234 = arith.mulf %gather3A_232, %gather3A_233 : vector<16xf32>
      %add3A_235 = arith.addf %add3A_229, %mul3A_234 : vector<16xf32>
      %broadcast_in_dim3A_236 = arith.constant 8 : i32
      %broadcast_in_dim3A_237 = vector.broadcast %broadcast_in_dim3A_236 : i32 to vector<16xi32>
      %gather3A_238 = tpu.vector_load_idx %arg8[%add3A_188, %broadcast_in_dim3A_237] : memref<512x32xf32, #tpu.memory_space<vmem>>[vector<16xi32>, vector<16xi32>], vector<16xf32>,
      %gather3A_239 = tpu.vector_load_idx %arg9[%add3A_188, %broadcast_in_dim3A_237] : memref<512x32xf32, #tpu.memory_space<vmem>>[vector<16xi32>, vector<16xi32>], vector<16xf32>,
      %mul3A_240 = arith.mulf %gather3A_238, %gather3A_239 : vector<16xf32>
      %add3A_241 = arith.addf %add3A_235, %mul3A_240 : vector<16xf32>
      %broadcast_in_dim3A_242 = arith.constant 9 : i32
      %broadcast_in_dim3A_243 = vector.broadcast %broadcast_in_dim3A_242 : i32 to vector<16xi32>
      %gather3A_244 = tpu.vector_load_idx %arg8[%add3A_188, %broadcast_in_dim3A_243] : memref<512x32xf32, #tpu.memory_space<vmem>>[vector<16xi32>, vector<16xi32>], vector<16xf32>,
      %gather3A_245 = tpu.vector_load_idx %arg9[%add3A_188, %broadcast_in_dim3A_243] : memref<512x32xf32, #tpu.memory_space<vmem>>[vector<16xi32>, vector<16xi32>], vector<16xf32>,
      %mul3A_246 = arith.mulf %gather3A_244, %gather3A_245 : vector<16xf32>
      %add3A_247 = arith.addf %add3A_241, %mul3A_246 : vector<16xf32>
      %broadcast_in_dim3A_248 = arith.constant 10 : i32
      %broadcast_in_dim3A_249 = vector.broadcast %broadcast_in_dim3A_248 : i32 to vector<16xi32>
      %gather3A_250 = tpu.vector_load_idx %arg8[%add3A_188, %broadcast_in_dim3A_249] : memref<512x32xf32, #tpu.memory_space<vmem>>[vector<16xi32>, vector<16xi32>], vector<16xf32>,
      %gather3A_251 = tpu.vector_load_idx %arg9[%add3A_188, %broadcast_in_dim3A_249] : memref<512x32xf32, #tpu.memory_space<vmem>>[vector<16xi32>, vector<16xi32>], vector<16xf32>,
      %mul3A_252 = arith.mulf %gather3A_250, %gather3A_251 : vector<16xf32>
      %add3A_253 = arith.addf %add3A_247, %mul3A_252 : vector<16xf32>
      %broadcast_in_dim3A_254 = arith.constant 11 : i32
      %broadcast_in_dim3A_255 = vector.broadcast %broadcast_in_dim3A_254 : i32 to vector<16xi32>
      %gather3A_256 = tpu.vector_load_idx %arg8[%add3A_188, %broadcast_in_dim3A_255] : memref<512x32xf32, #tpu.memory_space<vmem>>[vector<16xi32>, vector<16xi32>], vector<16xf32>,
      %gather3A_257 = tpu.vector_load_idx %arg9[%add3A_188, %broadcast_in_dim3A_255] : memref<512x32xf32, #tpu.memory_space<vmem>>[vector<16xi32>, vector<16xi32>], vector<16xf32>,
      %mul3A_258 = arith.mulf %gather3A_256, %gather3A_257 : vector<16xf32>
      %add3A_259 = arith.addf %add3A_253, %mul3A_258 : vector<16xf32>
      %broadcast_in_dim3A_260 = arith.constant 12 : i32
      %broadcast_in_dim3A_261 = vector.broadcast %broadcast_in_dim3A_260 : i32 to vector<16xi32>
      %gather3A_262 = tpu.vector_load_idx %arg8[%add3A_188, %broadcast_in_dim3A_261] : memref<512x32xf32, #tpu.memory_space<vmem>>[vector<16xi32>, vector<16xi32>], vector<16xf32>,
      %gather3A_263 = tpu.vector_load_idx %arg9[%add3A_188, %broadcast_in_dim3A_261] : memref<512x32xf32, #tpu.memory_space<vmem>>[vector<16xi32>, vector<16xi32>], vector<16xf32>,
      %mul3A_264 = arith.mulf %gather3A_262, %gather3A_263 : vector<16xf32>
      %add3A_265 = arith.addf %add3A_259, %mul3A_264 : vector<16xf32>
      %broadcast_in_dim3A_266 = arith.constant 13 : i32
      %broadcast_in_dim3A_267 = vector.broadcast %broadcast_in_dim3A_266 : i32 to vector<16xi32>
      %gather3A_268 = tpu.vector_load_idx %arg8[%add3A_188, %broadcast_in_dim3A_267] : memref<512x32xf32, #tpu.memory_space<vmem>>[vector<16xi32>, vector<16xi32>], vector<16xf32>,
      %gather3A_269 = tpu.vector_load_idx %arg9[%add3A_188, %broadcast_in_dim3A_267] : memref<512x32xf32, #tpu.memory_space<vmem>>[vector<16xi32>, vector<16xi32>], vector<16xf32>,
      %mul3A_270 = arith.mulf %gather3A_268, %gather3A_269 : vector<16xf32>
      %add3A_271 = arith.addf %add3A_265, %mul3A_270 : vector<16xf32>
      %broadcast_in_dim3A_272 = arith.constant 14 : i32
      %broadcast_in_dim3A_273 = vector.broadcast %broadcast_in_dim3A_272 : i32 to vector<16xi32>
      %gather3A_274 = tpu.vector_load_idx %arg8[%add3A_188, %broadcast_in_dim3A_273] : memref<512x32xf32, #tpu.memory_space<vmem>>[vector<16xi32>, vector<16xi32>], vector<16xf32>,
      %gather3A_275 = tpu.vector_load_idx %arg9[%add3A_188, %broadcast_in_dim3A_273] : memref<512x32xf32, #tpu.memory_space<vmem>>[vector<16xi32>, vector<16xi32>], vector<16xf32>,
      %mul3A_276 = arith.mulf %gather3A_274, %gather3A_275 : vector<16xf32>
      %add3A_277 = arith.addf %add3A_271, %mul3A_276 : vector<16xf32>
      %broadcast_in_dim3A_278 = arith.constant 15 : i32
      %broadcast_in_dim3A_279 = vector.broadcast %broadcast_in_dim3A_278 : i32 to vector<16xi32>
      %gather3A_280 = tpu.vector_load_idx %arg8[%add3A_188, %broadcast_in_dim3A_279] : memref<512x32xf32, #tpu.memory_space<vmem>>[vector<16xi32>, vector<16xi32>], vector<16xf32>,
      %gather3A_281 = tpu.vector_load_idx %arg9[%add3A_188, %broadcast_in_dim3A_279] : memref<512x32xf32, #tpu.memory_space<vmem>>[vector<16xi32>, vector<16xi32>], vector<16xf32>,
      %mul3A_282 = arith.mulf %gather3A_280, %gather3A_281 : vector<16xf32>
      %add3A_283 = arith.addf %add3A_277, %mul3A_282 : vector<16xf32>
      %broadcast_in_dim3A_284 = arith.constant 16 : i32
      %broadcast_in_dim3A_285 = vector.broadcast %broadcast_in_dim3A_284 : i32 to vector<16xi32>
      %gather3A_286 = tpu.vector_load_idx %arg8[%add3A_188, %broadcast_in_dim3A_285] : memref<512x32xf32, #tpu.memory_space<vmem>>[vector<16xi32>, vector<16xi32>], vector<16xf32>,
      %gather3A_287 = tpu.vector_load_idx %arg9[%add3A_188, %broadcast_in_dim3A_285] : memref<512x32xf32, #tpu.memory_space<vmem>>[vector<16xi32>, vector<16xi32>], vector<16xf32>,
      %mul3A_288 = arith.mulf %gather3A_286, %gather3A_287 : vector<16xf32>
      %add3A_289 = arith.addf %add3A_283, %mul3A_288 : vector<16xf32>
      %broadcast_in_dim3A_290 = arith.constant 17 : i32
      %broadcast_in_dim3A_291 = vector.broadcast %broadcast_in_dim3A_290 : i32 to vector<16xi32>
      %gather3A_292 = tpu.vector_load_idx %arg8[%add3A_188, %broadcast_in_dim3A_291] : memref<512x32xf32, #tpu.memory_space<vmem>>[vector<16xi32>, vector<16xi32>], vector<16xf32>,
      %gather3A_293 = tpu.vector_load_idx %arg9[%add3A_188, %broadcast_in_dim3A_291] : memref<512x32xf32, #tpu.memory_space<vmem>>[vector<16xi32>, vector<16xi32>], vector<16xf32>,
      %mul3A_294 = arith.mulf %gather3A_292, %gather3A_293 : vector<16xf32>
      %add3A_295 = arith.addf %add3A_289, %mul3A_294 : vector<16xf32>
      %broadcast_in_dim3A_296 = arith.constant 18 : i32
      %broadcast_in_dim3A_297 = vector.broadcast %broadcast_in_dim3A_296 : i32 to vector<16xi32>
      %gather3A_298 = tpu.vector_load_idx %arg8[%add3A_188, %broadcast_in_dim3A_297] : memref<512x32xf32, #tpu.memory_space<vmem>>[vector<16xi32>, vector<16xi32>], vector<16xf32>,
      %gather3A_299 = tpu.vector_load_idx %arg9[%add3A_188, %broadcast_in_dim3A_297] : memref<512x32xf32, #tpu.memory_space<vmem>>[vector<16xi32>, vector<16xi32>], vector<16xf32>,
      %mul3A_300 = arith.mulf %gather3A_298, %gather3A_299 : vector<16xf32>
      %add3A_301 = arith.addf %add3A_295, %mul3A_300 : vector<16xf32>
      %broadcast_in_dim3A_302 = arith.constant 19 : i32
      %broadcast_in_dim3A_303 = vector.broadcast %broadcast_in_dim3A_302 : i32 to vector<16xi32>
      %gather3A_304 = tpu.vector_load_idx %arg8[%add3A_188, %broadcast_in_dim3A_303] : memref<512x32xf32, #tpu.memory_space<vmem>>[vector<16xi32>, vector<16xi32>], vector<16xf32>,
      %gather3A_305 = tpu.vector_load_idx %arg9[%add3A_188, %broadcast_in_dim3A_303] : memref<512x32xf32, #tpu.memory_space<vmem>>[vector<16xi32>, vector<16xi32>], vector<16xf32>,
      %mul3A_306 = arith.mulf %gather3A_304, %gather3A_305 : vector<16xf32>
      %add3A_307 = arith.addf %add3A_301, %mul3A_306 : vector<16xf32>
      %broadcast_in_dim3A_308 = arith.constant 20 : i32
      %broadcast_in_dim3A_309 = vector.broadcast %broadcast_in_dim3A_308 : i32 to vector<16xi32>
      %gather3A_310 = tpu.vector_load_idx %arg8[%add3A_188, %broadcast_in_dim3A_309] : memref<512x32xf32, #tpu.memory_space<vmem>>[vector<16xi32>, vector<16xi32>], vector<16xf32>,
      %gather3A_311 = tpu.vector_load_idx %arg9[%add3A_188, %broadcast_in_dim3A_309] : memref<512x32xf32, #tpu.memory_space<vmem>>[vector<16xi32>, vector<16xi32>], vector<16xf32>,
      %mul3A_312 = arith.mulf %gather3A_310, %gather3A_311 : vector<16xf32>
      %add3A_313 = arith.addf %add3A_307, %mul3A_312 : vector<16xf32>
      %broadcast_in_dim3A_314 = arith.constant 21 : i32
      %broadcast_in_dim3A_315 = vector.broadcast %broadcast_in_dim3A_314 : i32 to vector<16xi32>
      %gather3A_316 = tpu.vector_load_idx %arg8[%add3A_188, %broadcast_in_dim3A_315] : memref<512x32xf32, #tpu.memory_space<vmem>>[vector<16xi32>, vector<16xi32>], vector<16xf32>,
      %gather3A_317 = tpu.vector_load_idx %arg9[%add3A_188, %broadcast_in_dim3A_315] : memref<512x32xf32, #tpu.memory_space<vmem>>[vector<16xi32>, vector<16xi32>], vector<16xf32>,
      %mul3A_318 = arith.mulf %gather3A_316, %gather3A_317 : vector<16xf32>
      %add3A_319 = arith.addf %add3A_313, %mul3A_318 : vector<16xf32>
      %broadcast_in_dim3A_320 = arith.constant 22 : i32
      %broadcast_in_dim3A_321 = vector.broadcast %broadcast_in_dim3A_320 : i32 to vector<16xi32>
      %gather3A_322 = tpu.vector_load_idx %arg8[%add3A_188, %broadcast_in_dim3A_321] : memref<512x32xf32, #tpu.memory_space<vmem>>[vector<16xi32>, vector<16xi32>], vector<16xf32>,
      %gather3A_323 = tpu.vector_load_idx %arg9[%add3A_188, %broadcast_in_dim3A_321] : memref<512x32xf32, #tpu.memory_space<vmem>>[vector<16xi32>, vector<16xi32>], vector<16xf32>,
      %mul3A_324 = arith.mulf %gather3A_322, %gather3A_323 : vector<16xf32>
      %add3A_325 = arith.addf %add3A_319, %mul3A_324 : vector<16xf32>
      %broadcast_in_dim3A_326 = arith.constant 23 : i32
      %broadcast_in_dim3A_327 = vector.broadcast %broadcast_in_dim3A_326 : i32 to vector<16xi32>
      %gather3A_328 = tpu.vector_load_idx %arg8[%add3A_188, %broadcast_in_dim3A_327] : memref<512x32xf32, #tpu.memory_space<vmem>>[vector<16xi32>, vector<16xi32>], vector<16xf32>,
      %gather3A_329 = tpu.vector_load_idx %arg9[%add3A_188, %broadcast_in_dim3A_327] : memref<512x32xf32, #tpu.memory_space<vmem>>[vector<16xi32>, vector<16xi32>], vector<16xf32>,
      %mul3A_330 = arith.mulf %gather3A_328, %gather3A_329 : vector<16xf32>
      %add3A_331 = arith.addf %add3A_325, %mul3A_330 : vector<16xf32>
      %broadcast_in_dim3A_332 = arith.constant 24 : i32
      %broadcast_in_dim3A_333 = vector.broadcast %broadcast_in_dim3A_332 : i32 to vector<16xi32>
      %gather3A_334 = tpu.vector_load_idx %arg8[%add3A_188, %broadcast_in_dim3A_333] : memref<512x32xf32, #tpu.memory_space<vmem>>[vector<16xi32>, vector<16xi32>], vector<16xf32>,
      %gather3A_335 = tpu.vector_load_idx %arg9[%add3A_188, %broadcast_in_dim3A_333] : memref<512x32xf32, #tpu.memory_space<vmem>>[vector<16xi32>, vector<16xi32>], vector<16xf32>,
      %mul3A_336 = arith.mulf %gather3A_334, %gather3A_335 : vector<16xf32>
      %add3A_337 = arith.addf %add3A_331, %mul3A_336 : vector<16xf32>
      %broadcast_in_dim3A_338 = arith.constant 25 : i32
      %broadcast_in_dim3A_339 = vector.broadcast %broadcast_in_dim3A_338 : i32 to vector<16xi32>
      %gather3A_340 = tpu.vector_load_idx %arg8[%add3A_188, %broadcast_in_dim3A_339] : memref<512x32xf32, #tpu.memory_space<vmem>>[vector<16xi32>, vector<16xi32>], vector<16xf32>,
      %gather3A_341 = tpu.vector_load_idx %arg9[%add3A_188, %broadcast_in_dim3A_339] : memref<512x32xf32, #tpu.memory_space<vmem>>[vector<16xi32>, vector<16xi32>], vector<16xf32>,
      %mul3A_342 = arith.mulf %gather3A_340, %gather3A_341 : vector<16xf32>
      %add3A_343 = arith.addf %add3A_337, %mul3A_342 : vector<16xf32>
      %broadcast_in_dim3A_344 = arith.constant 26 : i32
      %broadcast_in_dim3A_345 = vector.broadcast %broadcast_in_dim3A_344 : i32 to vector<16xi32>
      %gather3A_346 = tpu.vector_load_idx %arg8[%add3A_188, %broadcast_in_dim3A_345] : memref<512x32xf32, #tpu.memory_space<vmem>>[vector<16xi32>, vector<16xi32>], vector<16xf32>,
      %gather3A_347 = tpu.vector_load_idx %arg9[%add3A_188, %broadcast_in_dim3A_345] : memref<512x32xf32, #tpu.memory_space<vmem>>[vector<16xi32>, vector<16xi32>], vector<16xf32>,
      %mul3A_348 = arith.mulf %gather3A_346, %gather3A_347 : vector<16xf32>
      %add3A_349 = arith.addf %add3A_343, %mul3A_348 : vector<16xf32>
      %broadcast_in_dim3A_350 = arith.constant 27 : i32
      %broadcast_in_dim3A_351 = vector.broadcast %broadcast_in_dim3A_350 : i32 to vector<16xi32>
      %gather3A_352 = tpu.vector_load_idx %arg8[%add3A_188, %broadcast_in_dim3A_351] : memref<512x32xf32, #tpu.memory_space<vmem>>[vector<16xi32>, vector<16xi32>], vector<16xf32>,
      %gather3A_353 = tpu.vector_load_idx %arg9[%add3A_188, %broadcast_in_dim3A_351] : memref<512x32xf32, #tpu.memory_space<vmem>>[vector<16xi32>, vector<16xi32>], vector<16xf32>,
      %mul3A_354 = arith.mulf %gather3A_352, %gather3A_353 : vector<16xf32>
      %add3A_355 = arith.addf %add3A_349, %mul3A_354 : vector<16xf32>
      %broadcast_in_dim3A_356 = arith.constant 28 : i32
      %broadcast_in_dim3A_357 = vector.broadcast %broadcast_in_dim3A_356 : i32 to vector<16xi32>
      %gather3A_358 = tpu.vector_load_idx %arg8[%add3A_188, %broadcast_in_dim3A_357] : memref<512x32xf32, #tpu.memory_space<vmem>>[vector<16xi32>, vector<16xi32>], vector<16xf32>,
      %gather3A_359 = tpu.vector_load_idx %arg9[%add3A_188, %broadcast_in_dim3A_357] : memref<512x32xf32, #tpu.memory_space<vmem>>[vector<16xi32>, vector<16xi32>], vector<16xf32>,
      %mul3A_360 = arith.mulf %gather3A_358, %gather3A_359 : vector<16xf32>
      %add3A_361 = arith.addf %add3A_355, %mul3A_360 : vector<16xf32>
      %broadcast_in_dim3A_362 = arith.constant 29 : i32
      %broadcast_in_dim3A_363 = vector.broadcast %broadcast_in_dim3A_362 : i32 to vector<16xi32>
      %gather3A_364 = tpu.vector_load_idx %arg8[%add3A_188, %broadcast_in_dim3A_363] : memref<512x32xf32, #tpu.memory_space<vmem>>[vector<16xi32>, vector<16xi32>], vector<16xf32>,
      %gather3A_365 = tpu.vector_load_idx %arg9[%add3A_188, %broadcast_in_dim3A_363] : memref<512x32xf32, #tpu.memory_space<vmem>>[vector<16xi32>, vector<16xi32>], vector<16xf32>,
      %mul3A_366 = arith.mulf %gather3A_364, %gather3A_365 : vector<16xf32>
      %add3A_367 = arith.addf %add3A_361, %mul3A_366 : vector<16xf32>
      %broadcast_in_dim3A_368 = arith.constant 30 : i32
      %broadcast_in_dim3A_369 = vector.broadcast %broadcast_in_dim3A_368 : i32 to vector<16xi32>
      %gather3A_370 = tpu.vector_load_idx %arg8[%add3A_188, %broadcast_in_dim3A_369] : memref<512x32xf32, #tpu.memory_space<vmem>>[vector<16xi32>, vector<16xi32>], vector<16xf32>,
      %gather3A_371 = tpu.vector_load_idx %arg9[%add3A_188, %broadcast_in_dim3A_369] : memref<512x32xf32, #tpu.memory_space<vmem>>[vector<16xi32>, vector<16xi32>], vector<16xf32>,
      %mul3A_372 = arith.mulf %gather3A_370, %gather3A_371 : vector<16xf32>
      %add3A_373 = arith.addf %add3A_367, %mul3A_372 : vector<16xf32>
      %broadcast_in_dim3A_374 = arith.constant 31 : i32
      %broadcast_in_dim3A_375 = vector.broadcast %broadcast_in_dim3A_374 : i32 to vector<16xi32>
      %gather3A_376 = tpu.vector_load_idx %arg8[%add3A_188, %broadcast_in_dim3A_375] : memref<512x32xf32, #tpu.memory_space<vmem>>[vector<16xi32>, vector<16xi32>], vector<16xf32>,
      %gather3A_377 = tpu.vector_load_idx %arg9[%add3A_188, %broadcast_in_dim3A_375] : memref<512x32xf32, #tpu.memory_space<vmem>>[vector<16xi32>, vector<16xi32>], vector<16xf32>,
      %mul3A_378 = arith.mulf %gather3A_376, %gather3A_377 : vector<16xf32>
      %add3A_379 = arith.addf %add3A_373, %mul3A_378 : vector<16xf32>
      %sub3A = arith.subf %mul3A_191, %add3A_379 : vector<16xf32>
      %max3A = arith.constant 1.00000012 : f32
      %max3A_380 = vector.broadcast %max3A : f32 to vector<16xf32>
      %max3A_381 = arith.maximumf %sub3A, %max3A_380 : vector<16xf32>
      %sub3A_382 = arith.constant 1.000000e+00 : f32
      %sub3A_383 = vector.broadcast %sub3A_382 : f32 to vector<16xf32>
      %sub3A_384 = arith.subf %max3A_381, %sub3A_383 : vector<16xf32>
      %add3A_385 = arith.constant 1.000000e+00 : f32
      %add3A_386 = vector.broadcast %add3A_385 : f32 to vector<16xf32>
      %add3A_387 = arith.addf %max3A_381, %add3A_386 : vector<16xf32>
      %mul3A_388 = arith.mulf %sub3A_384, %add3A_387 : vector<16xf32>
      %bitcast3A = vector.bitcast %mul3A_388 : vector<16xf32> to vector<16xi32>
      %shift_right_arithmetic3A = arith.constant 1 : i32
      %shift_right_arithmetic3A_389 = vector.broadcast %shift_right_arithmetic3A : i32 to vector<16xi32>
      %shift_right_arithmetic3A_390 = arith.shrsi %bitcast3A, %shift_right_arithmetic3A_389 : vector<16xi32>
      %sub3A_391 = arith.constant 1597463007 : i32
      %sub3A_392 = vector.broadcast %sub3A_391 : i32 to vector<16xi32>
      %sub3A_393 = arith.subi %sub3A_392, %shift_right_arithmetic3A_390 : vector<16xi32>
      %bitcast3A_394 = vector.bitcast %sub3A_393 : vector<16xi32> to vector<16xf32>
      %mul3A_395 = arith.constant 5.000000e-01 : f32
      %mul3A_396 = vector.broadcast %mul3A_395 : f32 to vector<16xf32>
      %mul3A_397 = arith.mulf %mul3A_396, %mul3A_388 : vector<16xf32>
      %mul3A_398 = arith.mulf %mul3A_397, %bitcast3A_394 : vector<16xf32>
      %mul3A_399 = arith.mulf %mul3A_398, %bitcast3A_394 : vector<16xf32>
      %sub3A_400 = arith.constant 1.500000e+00 : f32
      %sub3A_401 = vector.broadcast %sub3A_400 : f32 to vector<16xf32>
      %sub3A_402 = arith.subf %sub3A_401, %mul3A_399 : vector<16xf32>
      %mul3A_403 = arith.mulf %bitcast3A_394, %sub3A_402 : vector<16xf32>
      %mul3A_404 = arith.constant 5.000000e-01 : f32
      %mul3A_405 = vector.broadcast %mul3A_404 : f32 to vector<16xf32>
      %mul3A_406 = arith.mulf %mul3A_405, %mul3A_388 : vector<16xf32>
      %mul3A_407 = arith.mulf %mul3A_406, %mul3A_403 : vector<16xf32>
      %mul3A_408 = arith.mulf %mul3A_407, %mul3A_403 : vector<16xf32>
      %sub3A_409 = arith.constant 1.500000e+00 : f32
      %sub3A_410 = vector.broadcast %sub3A_409 : f32 to vector<16xf32>
      %sub3A_411 = arith.subf %sub3A_410, %mul3A_408 : vector<16xf32>
      %mul3A_412 = arith.mulf %mul3A_403, %sub3A_411 : vector<16xf32>
      %mul3A_413 = arith.constant 5.000000e-01 : f32
      %mul3A_414 = vector.broadcast %mul3A_413 : f32 to vector<16xf32>
      %mul3A_415 = arith.mulf %mul3A_414, %mul3A_388 : vector<16xf32>
      %mul3A_416 = arith.mulf %mul3A_415, %mul3A_412 : vector<16xf32>
      %mul3A_417 = arith.mulf %mul3A_416, %mul3A_412 : vector<16xf32>
      %sub3A_418 = arith.constant 1.500000e+00 : f32
      %sub3A_419 = vector.broadcast %sub3A_418 : f32 to vector<16xf32>
      %sub3A_420 = arith.subf %sub3A_419, %mul3A_417 : vector<16xf32>
      %mul3A_421 = arith.mulf %mul3A_412, %sub3A_420 : vector<16xf32>
      %mul3A_422 = arith.mulf %mul3A_388, %mul3A_421 : vector<16xf32>
      %add3A_423 = arith.addf %max3A_381, %mul3A_422 : vector<16xf32>
      %mul3A_424 = arith.constant 0.135335281 : f32
      %mul3A_425 = vector.broadcast %mul3A_424 : f32 to vector<16xf32>
      %mul3A_426 = arith.mulf %mul3A_425, %add3A_423 : vector<16xf32>
      %add3A_427 = arith.constant 1.000000e+00 : f32
      %add3A_428 = vector.broadcast %add3A_427 : f32 to vector<16xf32>
      %add3A_429 = arith.addf %mul3A_426, %add3A_428 : vector<16xf32>
      %div3A = arith.constant 1.000000e+00 : f32
      %div3A_430 = vector.broadcast %div3A : f32 to vector<16xf32>
      %div3A_431 = arith.divf %div3A_430, %add3A_429 : vector<16xf32>
      %mul3A_432 = arith.constant 16 : i32
      %mul3A_433 = arith.muli %scan3A_184, %mul3A_432 : i32
      %swap3A = arith.index_cast %mul3A_433 : i32 to index
      %swap3A_434 = tpu.vector_load %arg10[%swap3A] {strides = array<i32>} : memref<512xf32, #tpu.memory_space<vmem>>, vector<16xf32>,
      tpu.vector_store %arg10[%swap3A], %div3A_431 {strides = array<i32>} : memref<512xf32, #tpu.memory_space<vmem>>, vector<16xf32>,
    }
    %scan3A_103 = arith.constant 8 : i32
    %dma_wait3A_104 = arith.constant 1 : i32
    %dma_wait3A_105 = arith.constant 128 : i32
    %dma_wait3A_106 = arith.constant 0 : i32
    %dma_wait3A_107 = tpu.memref_slice %arg8[%dma_wait3A_105, %dma_wait3A_106] : memref<512x32xf32, #tpu.memory_space<vmem>> -> memref<128x32xf32, #tpu.memory_space<vmem>>
    %dma_wait3A_108 = arith.constant 0 : i32
    %dma_wait3A_109 = tpu.memref_slice %arg6[%dma_wait3A_104, %dma_wait3A_108] : memref<4x128xi32, #tpu.memory_space<vmem>> -> memref<1x128xi32, #tpu.memory_space<vmem>>
    %dma_wait3A_110 = tpu.memref_squeeze %dma_wait3A_109 : memref<1x128xi32, #tpu.memory_space<vmem>> -> memref<128xi32, #tpu.memory_space<vmem>>
    %dma_wait3A_111 = arith.constant 0 : i32
    %dma_wait3A_112 = arith.constant 0 : i32
    %dma_wait3A_113 = tpu.memref_slice %arg4[%dma_wait3A_111, %dma_wait3A_112] : memref<1000000x32xf32, #tpu.memory_space<hbm>> -> memref<1000000x32xf32, #tpu.memory_space<hbm>>
    tpu.wait_indirect_dma semaphore(%arg12 : memref<!tpu.dma_semaphore, #tpu.memory_space<semaphore_mem>>) src(%dma_wait3A_113 : memref<1000000x32xf32, #tpu.memory_space<hbm>>) dst(%dma_wait3A_107 : memref<128x32xf32, #tpu.memory_space<vmem>>)
    %dma_wait3A_114 = arith.constant 1 : i32
    %dma_wait3A_115 = arith.constant 128 : i32
    %dma_wait3A_116 = arith.constant 0 : i32
    %dma_wait3A_117 = tpu.memref_slice %arg9[%dma_wait3A_115, %dma_wait3A_116] : memref<512x32xf32, #tpu.memory_space<vmem>> -> memref<128x32xf32, #tpu.memory_space<vmem>>
    %dma_wait3A_118 = arith.constant 0 : i32
    %dma_wait3A_119 = tpu.memref_slice %arg7[%dma_wait3A_114, %dma_wait3A_118] : memref<4x128xi32, #tpu.memory_space<vmem>> -> memref<1x128xi32, #tpu.memory_space<vmem>>
    %dma_wait3A_120 = tpu.memref_squeeze %dma_wait3A_119 : memref<1x128xi32, #tpu.memory_space<vmem>> -> memref<128xi32, #tpu.memory_space<vmem>>
    %dma_wait3A_121 = arith.constant 0 : i32
    %dma_wait3A_122 = arith.constant 0 : i32
    %dma_wait3A_123 = tpu.memref_slice %arg4[%dma_wait3A_121, %dma_wait3A_122] : memref<1000000x32xf32, #tpu.memory_space<hbm>> -> memref<1000000x32xf32, #tpu.memory_space<hbm>>
    tpu.wait_indirect_dma semaphore(%arg12 : memref<!tpu.dma_semaphore, #tpu.memory_space<semaphore_mem>>) src(%dma_wait3A_123 : memref<1000000x32xf32, #tpu.memory_space<hbm>>) dst(%dma_wait3A_117 : memref<128x32xf32, #tpu.memory_space<vmem>>)
    %scan3A_124 = arith.constant 0 : i32
    %scan3A_125 = arith.constant 8 : i32
    %scan3A_126 = arith.constant 8 : i32
    %scan3A_127 = arith.addi %scan3A_125, %scan3A_126 : i32
    %scan3A_128 = arith.constant 1 : i32
    scf.for %scan3A_184 = %scan3A_125 to %scan3A_127 step %scan3A_128  : i32 {
      %mul3A_185 = arith.constant 16 : i32
      %mul3A_186 = arith.muli %scan3A_184, %mul3A_185 : i32
      %add3A_187 = vector.broadcast %mul3A_186 : i32 to vector<16xi32>
      %add3A_188 = arith.addi %add3A_187, %iota3A : vector<16xi32>
      %broadcast_in_dim3A = arith.constant 0 : i32
      %broadcast_in_dim3A_189 = vector.broadcast %broadcast_in_dim3A : i32 to vector<16xi32>
      %gather3A = tpu.vector_load_idx %arg8[%add3A_188, %broadcast_in_dim3A_189] : memref<512x32xf32, #tpu.memory_space<vmem>>[vector<16xi32>, vector<16xi32>], vector<16xf32>,
      %gather3A_190 = tpu.vector_load_idx %arg9[%add3A_188, %broadcast_in_dim3A_189] : memref<512x32xf32, #tpu.memory_space<vmem>>[vector<16xi32>, vector<16xi32>], vector<16xf32>,
      %mul3A_191 = arith.mulf %gather3A, %gather3A_190 : vector<16xf32>
      %broadcast_in_dim3A_192 = arith.constant 0.000000e+00 : f32
      %broadcast_in_dim3A_193 = vector.broadcast %broadcast_in_dim3A_192 : f32 to vector<16xf32>
      %broadcast_in_dim3A_194 = arith.constant 1 : i32
      %broadcast_in_dim3A_195 = vector.broadcast %broadcast_in_dim3A_194 : i32 to vector<16xi32>
      %gather3A_196 = tpu.vector_load_idx %arg8[%add3A_188, %broadcast_in_dim3A_195] : memref<512x32xf32, #tpu.memory_space<vmem>>[vector<16xi32>, vector<16xi32>], vector<16xf32>,
      %gather3A_197 = tpu.vector_load_idx %arg9[%add3A_188, %broadcast_in_dim3A_195] : memref<512x32xf32, #tpu.memory_space<vmem>>[vector<16xi32>, vector<16xi32>], vector<16xf32>,
      %mul3A_198 = arith.mulf %gather3A_196, %gather3A_197 : vector<16xf32>
      %add3A_199 = arith.addf %broadcast_in_dim3A_193, %mul3A_198 : vector<16xf32>
      %broadcast_in_dim3A_200 = arith.constant 2 : i32
      %broadcast_in_dim3A_201 = vector.broadcast %broadcast_in_dim3A_200 : i32 to vector<16xi32>
      %gather3A_202 = tpu.vector_load_idx %arg8[%add3A_188, %broadcast_in_dim3A_201] : memref<512x32xf32, #tpu.memory_space<vmem>>[vector<16xi32>, vector<16xi32>], vector<16xf32>,
      %gather3A_203 = tpu.vector_load_idx %arg9[%add3A_188, %broadcast_in_dim3A_201] : memref<512x32xf32, #tpu.memory_space<vmem>>[vector<16xi32>, vector<16xi32>], vector<16xf32>,
      %mul3A_204 = arith.mulf %gather3A_202, %gather3A_203 : vector<16xf32>
      %add3A_205 = arith.addf %add3A_199, %mul3A_204 : vector<16xf32>
      %broadcast_in_dim3A_206 = arith.constant 3 : i32
      %broadcast_in_dim3A_207 = vector.broadcast %broadcast_in_dim3A_206 : i32 to vector<16xi32>
      %gather3A_208 = tpu.vector_load_idx %arg8[%add3A_188, %broadcast_in_dim3A_207] : memref<512x32xf32, #tpu.memory_space<vmem>>[vector<16xi32>, vector<16xi32>], vector<16xf32>,
      %gather3A_209 = tpu.vector_load_idx %arg9[%add3A_188, %broadcast_in_dim3A_207] : memref<512x32xf32, #tpu.memory_space<vmem>>[vector<16xi32>, vector<16xi32>], vector<16xf32>,
      %mul3A_210 = arith.mulf %gather3A_208, %gather3A_209 : vector<16xf32>
      %add3A_211 = arith.addf %add3A_205, %mul3A_210 : vector<16xf32>
      %broadcast_in_dim3A_212 = arith.constant 4 : i32
      %broadcast_in_dim3A_213 = vector.broadcast %broadcast_in_dim3A_212 : i32 to vector<16xi32>
      %gather3A_214 = tpu.vector_load_idx %arg8[%add3A_188, %broadcast_in_dim3A_213] : memref<512x32xf32, #tpu.memory_space<vmem>>[vector<16xi32>, vector<16xi32>], vector<16xf32>,
      %gather3A_215 = tpu.vector_load_idx %arg9[%add3A_188, %broadcast_in_dim3A_213] : memref<512x32xf32, #tpu.memory_space<vmem>>[vector<16xi32>, vector<16xi32>], vector<16xf32>,
      %mul3A_216 = arith.mulf %gather3A_214, %gather3A_215 : vector<16xf32>
      %add3A_217 = arith.addf %add3A_211, %mul3A_216 : vector<16xf32>
      %broadcast_in_dim3A_218 = arith.constant 5 : i32
      %broadcast_in_dim3A_219 = vector.broadcast %broadcast_in_dim3A_218 : i32 to vector<16xi32>
      %gather3A_220 = tpu.vector_load_idx %arg8[%add3A_188, %broadcast_in_dim3A_219] : memref<512x32xf32, #tpu.memory_space<vmem>>[vector<16xi32>, vector<16xi32>], vector<16xf32>,
      %gather3A_221 = tpu.vector_load_idx %arg9[%add3A_188, %broadcast_in_dim3A_219] : memref<512x32xf32, #tpu.memory_space<vmem>>[vector<16xi32>, vector<16xi32>], vector<16xf32>,
      %mul3A_222 = arith.mulf %gather3A_220, %gather3A_221 : vector<16xf32>
      %add3A_223 = arith.addf %add3A_217, %mul3A_222 : vector<16xf32>
      %broadcast_in_dim3A_224 = arith.constant 6 : i32
      %broadcast_in_dim3A_225 = vector.broadcast %broadcast_in_dim3A_224 : i32 to vector<16xi32>
      %gather3A_226 = tpu.vector_load_idx %arg8[%add3A_188, %broadcast_in_dim3A_225] : memref<512x32xf32, #tpu.memory_space<vmem>>[vector<16xi32>, vector<16xi32>], vector<16xf32>,
      %gather3A_227 = tpu.vector_load_idx %arg9[%add3A_188, %broadcast_in_dim3A_225] : memref<512x32xf32, #tpu.memory_space<vmem>>[vector<16xi32>, vector<16xi32>], vector<16xf32>,
      %mul3A_228 = arith.mulf %gather3A_226, %gather3A_227 : vector<16xf32>
      %add3A_229 = arith.addf %add3A_223, %mul3A_228 : vector<16xf32>
      %broadcast_in_dim3A_230 = arith.constant 7 : i32
      %broadcast_in_dim3A_231 = vector.broadcast %broadcast_in_dim3A_230 : i32 to vector<16xi32>
      %gather3A_232 = tpu.vector_load_idx %arg8[%add3A_188, %broadcast_in_dim3A_231] : memref<512x32xf32, #tpu.memory_space<vmem>>[vector<16xi32>, vector<16xi32>], vector<16xf32>,
      %gather3A_233 = tpu.vector_load_idx %arg9[%add3A_188, %broadcast_in_dim3A_231] : memref<512x32xf32, #tpu.memory_space<vmem>>[vector<16xi32>, vector<16xi32>], vector<16xf32>,
      %mul3A_234 = arith.mulf %gather3A_232, %gather3A_233 : vector<16xf32>
      %add3A_235 = arith.addf %add3A_229, %mul3A_234 : vector<16xf32>
      %broadcast_in_dim3A_236 = arith.constant 8 : i32
      %broadcast_in_dim3A_237 = vector.broadcast %broadcast_in_dim3A_236 : i32 to vector<16xi32>
      %gather3A_238 = tpu.vector_load_idx %arg8[%add3A_188, %broadcast_in_dim3A_237] : memref<512x32xf32, #tpu.memory_space<vmem>>[vector<16xi32>, vector<16xi32>], vector<16xf32>,
      %gather3A_239 = tpu.vector_load_idx %arg9[%add3A_188, %broadcast_in_dim3A_237] : memref<512x32xf32, #tpu.memory_space<vmem>>[vector<16xi32>, vector<16xi32>], vector<16xf32>,
      %mul3A_240 = arith.mulf %gather3A_238, %gather3A_239 : vector<16xf32>
      %add3A_241 = arith.addf %add3A_235, %mul3A_240 : vector<16xf32>
      %broadcast_in_dim3A_242 = arith.constant 9 : i32
      %broadcast_in_dim3A_243 = vector.broadcast %broadcast_in_dim3A_242 : i32 to vector<16xi32>
      %gather3A_244 = tpu.vector_load_idx %arg8[%add3A_188, %broadcast_in_dim3A_243] : memref<512x32xf32, #tpu.memory_space<vmem>>[vector<16xi32>, vector<16xi32>], vector<16xf32>,
      %gather3A_245 = tpu.vector_load_idx %arg9[%add3A_188, %broadcast_in_dim3A_243] : memref<512x32xf32, #tpu.memory_space<vmem>>[vector<16xi32>, vector<16xi32>], vector<16xf32>,
      %mul3A_246 = arith.mulf %gather3A_244, %gather3A_245 : vector<16xf32>
      %add3A_247 = arith.addf %add3A_241, %mul3A_246 : vector<16xf32>
      %broadcast_in_dim3A_248 = arith.constant 10 : i32
      %broadcast_in_dim3A_249 = vector.broadcast %broadcast_in_dim3A_248 : i32 to vector<16xi32>
      %gather3A_250 = tpu.vector_load_idx %arg8[%add3A_188, %broadcast_in_dim3A_249] : memref<512x32xf32, #tpu.memory_space<vmem>>[vector<16xi32>, vector<16xi32>], vector<16xf32>,
      %gather3A_251 = tpu.vector_load_idx %arg9[%add3A_188, %broadcast_in_dim3A_249] : memref<512x32xf32, #tpu.memory_space<vmem>>[vector<16xi32>, vector<16xi32>], vector<16xf32>,
      %mul3A_252 = arith.mulf %gather3A_250, %gather3A_251 : vector<16xf32>
      %add3A_253 = arith.addf %add3A_247, %mul3A_252 : vector<16xf32>
      %broadcast_in_dim3A_254 = arith.constant 11 : i32
      %broadcast_in_dim3A_255 = vector.broadcast %broadcast_in_dim3A_254 : i32 to vector<16xi32>
      %gather3A_256 = tpu.vector_load_idx %arg8[%add3A_188, %broadcast_in_dim3A_255] : memref<512x32xf32, #tpu.memory_space<vmem>>[vector<16xi32>, vector<16xi32>], vector<16xf32>,
      %gather3A_257 = tpu.vector_load_idx %arg9[%add3A_188, %broadcast_in_dim3A_255] : memref<512x32xf32, #tpu.memory_space<vmem>>[vector<16xi32>, vector<16xi32>], vector<16xf32>,
      %mul3A_258 = arith.mulf %gather3A_256, %gather3A_257 : vector<16xf32>
      %add3A_259 = arith.addf %add3A_253, %mul3A_258 : vector<16xf32>
      %broadcast_in_dim3A_260 = arith.constant 12 : i32
      %broadcast_in_dim3A_261 = vector.broadcast %broadcast_in_dim3A_260 : i32 to vector<16xi32>
      %gather3A_262 = tpu.vector_load_idx %arg8[%add3A_188, %broadcast_in_dim3A_261] : memref<512x32xf32, #tpu.memory_space<vmem>>[vector<16xi32>, vector<16xi32>], vector<16xf32>,
      %gather3A_263 = tpu.vector_load_idx %arg9[%add3A_188, %broadcast_in_dim3A_261] : memref<512x32xf32, #tpu.memory_space<vmem>>[vector<16xi32>, vector<16xi32>], vector<16xf32>,
      %mul3A_264 = arith.mulf %gather3A_262, %gather3A_263 : vector<16xf32>
      %add3A_265 = arith.addf %add3A_259, %mul3A_264 : vector<16xf32>
      %broadcast_in_dim3A_266 = arith.constant 13 : i32
      %broadcast_in_dim3A_267 = vector.broadcast %broadcast_in_dim3A_266 : i32 to vector<16xi32>
      %gather3A_268 = tpu.vector_load_idx %arg8[%add3A_188, %broadcast_in_dim3A_267] : memref<512x32xf32, #tpu.memory_space<vmem>>[vector<16xi32>, vector<16xi32>], vector<16xf32>,
      %gather3A_269 = tpu.vector_load_idx %arg9[%add3A_188, %broadcast_in_dim3A_267] : memref<512x32xf32, #tpu.memory_space<vmem>>[vector<16xi32>, vector<16xi32>], vector<16xf32>,
      %mul3A_270 = arith.mulf %gather3A_268, %gather3A_269 : vector<16xf32>
      %add3A_271 = arith.addf %add3A_265, %mul3A_270 : vector<16xf32>
      %broadcast_in_dim3A_272 = arith.constant 14 : i32
      %broadcast_in_dim3A_273 = vector.broadcast %broadcast_in_dim3A_272 : i32 to vector<16xi32>
      %gather3A_274 = tpu.vector_load_idx %arg8[%add3A_188, %broadcast_in_dim3A_273] : memref<512x32xf32, #tpu.memory_space<vmem>>[vector<16xi32>, vector<16xi32>], vector<16xf32>,
      %gather3A_275 = tpu.vector_load_idx %arg9[%add3A_188, %broadcast_in_dim3A_273] : memref<512x32xf32, #tpu.memory_space<vmem>>[vector<16xi32>, vector<16xi32>], vector<16xf32>,
      %mul3A_276 = arith.mulf %gather3A_274, %gather3A_275 : vector<16xf32>
      %add3A_277 = arith.addf %add3A_271, %mul3A_276 : vector<16xf32>
      %broadcast_in_dim3A_278 = arith.constant 15 : i32
      %broadcast_in_dim3A_279 = vector.broadcast %broadcast_in_dim3A_278 : i32 to vector<16xi32>
      %gather3A_280 = tpu.vector_load_idx %arg8[%add3A_188, %broadcast_in_dim3A_279] : memref<512x32xf32, #tpu.memory_space<vmem>>[vector<16xi32>, vector<16xi32>], vector<16xf32>,
      %gather3A_281 = tpu.vector_load_idx %arg9[%add3A_188, %broadcast_in_dim3A_279] : memref<512x32xf32, #tpu.memory_space<vmem>>[vector<16xi32>, vector<16xi32>], vector<16xf32>,
      %mul3A_282 = arith.mulf %gather3A_280, %gather3A_281 : vector<16xf32>
      %add3A_283 = arith.addf %add3A_277, %mul3A_282 : vector<16xf32>
      %broadcast_in_dim3A_284 = arith.constant 16 : i32
      %broadcast_in_dim3A_285 = vector.broadcast %broadcast_in_dim3A_284 : i32 to vector<16xi32>
      %gather3A_286 = tpu.vector_load_idx %arg8[%add3A_188, %broadcast_in_dim3A_285] : memref<512x32xf32, #tpu.memory_space<vmem>>[vector<16xi32>, vector<16xi32>], vector<16xf32>,
      %gather3A_287 = tpu.vector_load_idx %arg9[%add3A_188, %broadcast_in_dim3A_285] : memref<512x32xf32, #tpu.memory_space<vmem>>[vector<16xi32>, vector<16xi32>], vector<16xf32>,
      %mul3A_288 = arith.mulf %gather3A_286, %gather3A_287 : vector<16xf32>
      %add3A_289 = arith.addf %add3A_283, %mul3A_288 : vector<16xf32>
      %broadcast_in_dim3A_290 = arith.constant 17 : i32
      %broadcast_in_dim3A_291 = vector.broadcast %broadcast_in_dim3A_290 : i32 to vector<16xi32>
      %gather3A_292 = tpu.vector_load_idx %arg8[%add3A_188, %broadcast_in_dim3A_291] : memref<512x32xf32, #tpu.memory_space<vmem>>[vector<16xi32>, vector<16xi32>], vector<16xf32>,
      %gather3A_293 = tpu.vector_load_idx %arg9[%add3A_188, %broadcast_in_dim3A_291] : memref<512x32xf32, #tpu.memory_space<vmem>>[vector<16xi32>, vector<16xi32>], vector<16xf32>,
      %mul3A_294 = arith.mulf %gather3A_292, %gather3A_293 : vector<16xf32>
      %add3A_295 = arith.addf %add3A_289, %mul3A_294 : vector<16xf32>
      %broadcast_in_dim3A_296 = arith.constant 18 : i32
      %broadcast_in_dim3A_297 = vector.broadcast %broadcast_in_dim3A_296 : i32 to vector<16xi32>
      %gather3A_298 = tpu.vector_load_idx %arg8[%add3A_188, %broadcast_in_dim3A_297] : memref<512x32xf32, #tpu.memory_space<vmem>>[vector<16xi32>, vector<16xi32>], vector<16xf32>,
      %gather3A_299 = tpu.vector_load_idx %arg9[%add3A_188, %broadcast_in_dim3A_297] : memref<512x32xf32, #tpu.memory_space<vmem>>[vector<16xi32>, vector<16xi32>], vector<16xf32>,
      %mul3A_300 = arith.mulf %gather3A_298, %gather3A_299 : vector<16xf32>
      %add3A_301 = arith.addf %add3A_295, %mul3A_300 : vector<16xf32>
      %broadcast_in_dim3A_302 = arith.constant 19 : i32
      %broadcast_in_dim3A_303 = vector.broadcast %broadcast_in_dim3A_302 : i32 to vector<16xi32>
      %gather3A_304 = tpu.vector_load_idx %arg8[%add3A_188, %broadcast_in_dim3A_303] : memref<512x32xf32, #tpu.memory_space<vmem>>[vector<16xi32>, vector<16xi32>], vector<16xf32>,
      %gather3A_305 = tpu.vector_load_idx %arg9[%add3A_188, %broadcast_in_dim3A_303] : memref<512x32xf32, #tpu.memory_space<vmem>>[vector<16xi32>, vector<16xi32>], vector<16xf32>,
      %mul3A_306 = arith.mulf %gather3A_304, %gather3A_305 : vector<16xf32>
      %add3A_307 = arith.addf %add3A_301, %mul3A_306 : vector<16xf32>
      %broadcast_in_dim3A_308 = arith.constant 20 : i32
      %broadcast_in_dim3A_309 = vector.broadcast %broadcast_in_dim3A_308 : i32 to vector<16xi32>
      %gather3A_310 = tpu.vector_load_idx %arg8[%add3A_188, %broadcast_in_dim3A_309] : memref<512x32xf32, #tpu.memory_space<vmem>>[vector<16xi32>, vector<16xi32>], vector<16xf32>,
      %gather3A_311 = tpu.vector_load_idx %arg9[%add3A_188, %broadcast_in_dim3A_309] : memref<512x32xf32, #tpu.memory_space<vmem>>[vector<16xi32>, vector<16xi32>], vector<16xf32>,
      %mul3A_312 = arith.mulf %gather3A_310, %gather3A_311 : vector<16xf32>
      %add3A_313 = arith.addf %add3A_307, %mul3A_312 : vector<16xf32>
      %broadcast_in_dim3A_314 = arith.constant 21 : i32
      %broadcast_in_dim3A_315 = vector.broadcast %broadcast_in_dim3A_314 : i32 to vector<16xi32>
      %gather3A_316 = tpu.vector_load_idx %arg8[%add3A_188, %broadcast_in_dim3A_315] : memref<512x32xf32, #tpu.memory_space<vmem>>[vector<16xi32>, vector<16xi32>], vector<16xf32>,
      %gather3A_317 = tpu.vector_load_idx %arg9[%add3A_188, %broadcast_in_dim3A_315] : memref<512x32xf32, #tpu.memory_space<vmem>>[vector<16xi32>, vector<16xi32>], vector<16xf32>,
      %mul3A_318 = arith.mulf %gather3A_316, %gather3A_317 : vector<16xf32>
      %add3A_319 = arith.addf %add3A_313, %mul3A_318 : vector<16xf32>
      %broadcast_in_dim3A_320 = arith.constant 22 : i32
      %broadcast_in_dim3A_321 = vector.broadcast %broadcast_in_dim3A_320 : i32 to vector<16xi32>
      %gather3A_322 = tpu.vector_load_idx %arg8[%add3A_188, %broadcast_in_dim3A_321] : memref<512x32xf32, #tpu.memory_space<vmem>>[vector<16xi32>, vector<16xi32>], vector<16xf32>,
      %gather3A_323 = tpu.vector_load_idx %arg9[%add3A_188, %broadcast_in_dim3A_321] : memref<512x32xf32, #tpu.memory_space<vmem>>[vector<16xi32>, vector<16xi32>], vector<16xf32>,
      %mul3A_324 = arith.mulf %gather3A_322, %gather3A_323 : vector<16xf32>
      %add3A_325 = arith.addf %add3A_319, %mul3A_324 : vector<16xf32>
      %broadcast_in_dim3A_326 = arith.constant 23 : i32
      %broadcast_in_dim3A_327 = vector.broadcast %broadcast_in_dim3A_326 : i32 to vector<16xi32>
      %gather3A_328 = tpu.vector_load_idx %arg8[%add3A_188, %broadcast_in_dim3A_327] : memref<512x32xf32, #tpu.memory_space<vmem>>[vector<16xi32>, vector<16xi32>], vector<16xf32>,
      %gather3A_329 = tpu.vector_load_idx %arg9[%add3A_188, %broadcast_in_dim3A_327] : memref<512x32xf32, #tpu.memory_space<vmem>>[vector<16xi32>, vector<16xi32>], vector<16xf32>,
      %mul3A_330 = arith.mulf %gather3A_328, %gather3A_329 : vector<16xf32>
      %add3A_331 = arith.addf %add3A_325, %mul3A_330 : vector<16xf32>
      %broadcast_in_dim3A_332 = arith.constant 24 : i32
      %broadcast_in_dim3A_333 = vector.broadcast %broadcast_in_dim3A_332 : i32 to vector<16xi32>
      %gather3A_334 = tpu.vector_load_idx %arg8[%add3A_188, %broadcast_in_dim3A_333] : memref<512x32xf32, #tpu.memory_space<vmem>>[vector<16xi32>, vector<16xi32>], vector<16xf32>,
      %gather3A_335 = tpu.vector_load_idx %arg9[%add3A_188, %broadcast_in_dim3A_333] : memref<512x32xf32, #tpu.memory_space<vmem>>[vector<16xi32>, vector<16xi32>], vector<16xf32>,
      %mul3A_336 = arith.mulf %gather3A_334, %gather3A_335 : vector<16xf32>
      %add3A_337 = arith.addf %add3A_331, %mul3A_336 : vector<16xf32>
      %broadcast_in_dim3A_338 = arith.constant 25 : i32
      %broadcast_in_dim3A_339 = vector.broadcast %broadcast_in_dim3A_338 : i32 to vector<16xi32>
      %gather3A_340 = tpu.vector_load_idx %arg8[%add3A_188, %broadcast_in_dim3A_339] : memref<512x32xf32, #tpu.memory_space<vmem>>[vector<16xi32>, vector<16xi32>], vector<16xf32>,
      %gather3A_341 = tpu.vector_load_idx %arg9[%add3A_188, %broadcast_in_dim3A_339] : memref<512x32xf32, #tpu.memory_space<vmem>>[vector<16xi32>, vector<16xi32>], vector<16xf32>,
      %mul3A_342 = arith.mulf %gather3A_340, %gather3A_341 : vector<16xf32>
      %add3A_343 = arith.addf %add3A_337, %mul3A_342 : vector<16xf32>
      %broadcast_in_dim3A_344 = arith.constant 26 : i32
      %broadcast_in_dim3A_345 = vector.broadcast %broadcast_in_dim3A_344 : i32 to vector<16xi32>
      %gather3A_346 = tpu.vector_load_idx %arg8[%add3A_188, %broadcast_in_dim3A_345] : memref<512x32xf32, #tpu.memory_space<vmem>>[vector<16xi32>, vector<16xi32>], vector<16xf32>,
      %gather3A_347 = tpu.vector_load_idx %arg9[%add3A_188, %broadcast_in_dim3A_345] : memref<512x32xf32, #tpu.memory_space<vmem>>[vector<16xi32>, vector<16xi32>], vector<16xf32>,
      %mul3A_348 = arith.mulf %gather3A_346, %gather3A_347 : vector<16xf32>
      %add3A_349 = arith.addf %add3A_343, %mul3A_348 : vector<16xf32>
      %broadcast_in_dim3A_350 = arith.constant 27 : i32
      %broadcast_in_dim3A_351 = vector.broadcast %broadcast_in_dim3A_350 : i32 to vector<16xi32>
      %gather3A_352 = tpu.vector_load_idx %arg8[%add3A_188, %broadcast_in_dim3A_351] : memref<512x32xf32, #tpu.memory_space<vmem>>[vector<16xi32>, vector<16xi32>], vector<16xf32>,
      %gather3A_353 = tpu.vector_load_idx %arg9[%add3A_188, %broadcast_in_dim3A_351] : memref<512x32xf32, #tpu.memory_space<vmem>>[vector<16xi32>, vector<16xi32>], vector<16xf32>,
      %mul3A_354 = arith.mulf %gather3A_352, %gather3A_353 : vector<16xf32>
      %add3A_355 = arith.addf %add3A_349, %mul3A_354 : vector<16xf32>
      %broadcast_in_dim3A_356 = arith.constant 28 : i32
      %broadcast_in_dim3A_357 = vector.broadcast %broadcast_in_dim3A_356 : i32 to vector<16xi32>
      %gather3A_358 = tpu.vector_load_idx %arg8[%add3A_188, %broadcast_in_dim3A_357] : memref<512x32xf32, #tpu.memory_space<vmem>>[vector<16xi32>, vector<16xi32>], vector<16xf32>,
      %gather3A_359 = tpu.vector_load_idx %arg9[%add3A_188, %broadcast_in_dim3A_357] : memref<512x32xf32, #tpu.memory_space<vmem>>[vector<16xi32>, vector<16xi32>], vector<16xf32>,
      %mul3A_360 = arith.mulf %gather3A_358, %gather3A_359 : vector<16xf32>
      %add3A_361 = arith.addf %add3A_355, %mul3A_360 : vector<16xf32>
      %broadcast_in_dim3A_362 = arith.constant 29 : i32
      %broadcast_in_dim3A_363 = vector.broadcast %broadcast_in_dim3A_362 : i32 to vector<16xi32>
      %gather3A_364 = tpu.vector_load_idx %arg8[%add3A_188, %broadcast_in_dim3A_363] : memref<512x32xf32, #tpu.memory_space<vmem>>[vector<16xi32>, vector<16xi32>], vector<16xf32>,
      %gather3A_365 = tpu.vector_load_idx %arg9[%add3A_188, %broadcast_in_dim3A_363] : memref<512x32xf32, #tpu.memory_space<vmem>>[vector<16xi32>, vector<16xi32>], vector<16xf32>,
      %mul3A_366 = arith.mulf %gather3A_364, %gather3A_365 : vector<16xf32>
      %add3A_367 = arith.addf %add3A_361, %mul3A_366 : vector<16xf32>
      %broadcast_in_dim3A_368 = arith.constant 30 : i32
      %broadcast_in_dim3A_369 = vector.broadcast %broadcast_in_dim3A_368 : i32 to vector<16xi32>
      %gather3A_370 = tpu.vector_load_idx %arg8[%add3A_188, %broadcast_in_dim3A_369] : memref<512x32xf32, #tpu.memory_space<vmem>>[vector<16xi32>, vector<16xi32>], vector<16xf32>,
      %gather3A_371 = tpu.vector_load_idx %arg9[%add3A_188, %broadcast_in_dim3A_369] : memref<512x32xf32, #tpu.memory_space<vmem>>[vector<16xi32>, vector<16xi32>], vector<16xf32>,
      %mul3A_372 = arith.mulf %gather3A_370, %gather3A_371 : vector<16xf32>
      %add3A_373 = arith.addf %add3A_367, %mul3A_372 : vector<16xf32>
      %broadcast_in_dim3A_374 = arith.constant 31 : i32
      %broadcast_in_dim3A_375 = vector.broadcast %broadcast_in_dim3A_374 : i32 to vector<16xi32>
      %gather3A_376 = tpu.vector_load_idx %arg8[%add3A_188, %broadcast_in_dim3A_375] : memref<512x32xf32, #tpu.memory_space<vmem>>[vector<16xi32>, vector<16xi32>], vector<16xf32>,
      %gather3A_377 = tpu.vector_load_idx %arg9[%add3A_188, %broadcast_in_dim3A_375] : memref<512x32xf32, #tpu.memory_space<vmem>>[vector<16xi32>, vector<16xi32>], vector<16xf32>,
      %mul3A_378 = arith.mulf %gather3A_376, %gather3A_377 : vector<16xf32>
      %add3A_379 = arith.addf %add3A_373, %mul3A_378 : vector<16xf32>
      %sub3A = arith.subf %mul3A_191, %add3A_379 : vector<16xf32>
      %max3A = arith.constant 1.00000012 : f32
      %max3A_380 = vector.broadcast %max3A : f32 to vector<16xf32>
      %max3A_381 = arith.maximumf %sub3A, %max3A_380 : vector<16xf32>
      %sub3A_382 = arith.constant 1.000000e+00 : f32
      %sub3A_383 = vector.broadcast %sub3A_382 : f32 to vector<16xf32>
      %sub3A_384 = arith.subf %max3A_381, %sub3A_383 : vector<16xf32>
      %add3A_385 = arith.constant 1.000000e+00 : f32
      %add3A_386 = vector.broadcast %add3A_385 : f32 to vector<16xf32>
      %add3A_387 = arith.addf %max3A_381, %add3A_386 : vector<16xf32>
      %mul3A_388 = arith.mulf %sub3A_384, %add3A_387 : vector<16xf32>
      %bitcast3A = vector.bitcast %mul3A_388 : vector<16xf32> to vector<16xi32>
      %shift_right_arithmetic3A = arith.constant 1 : i32
      %shift_right_arithmetic3A_389 = vector.broadcast %shift_right_arithmetic3A : i32 to vector<16xi32>
      %shift_right_arithmetic3A_390 = arith.shrsi %bitcast3A, %shift_right_arithmetic3A_389 : vector<16xi32>
      %sub3A_391 = arith.constant 1597463007 : i32
      %sub3A_392 = vector.broadcast %sub3A_391 : i32 to vector<16xi32>
      %sub3A_393 = arith.subi %sub3A_392, %shift_right_arithmetic3A_390 : vector<16xi32>
      %bitcast3A_394 = vector.bitcast %sub3A_393 : vector<16xi32> to vector<16xf32>
      %mul3A_395 = arith.constant 5.000000e-01 : f32
      %mul3A_396 = vector.broadcast %mul3A_395 : f32 to vector<16xf32>
      %mul3A_397 = arith.mulf %mul3A_396, %mul3A_388 : vector<16xf32>
      %mul3A_398 = arith.mulf %mul3A_397, %bitcast3A_394 : vector<16xf32>
      %mul3A_399 = arith.mulf %mul3A_398, %bitcast3A_394 : vector<16xf32>
      %sub3A_400 = arith.constant 1.500000e+00 : f32
      %sub3A_401 = vector.broadcast %sub3A_400 : f32 to vector<16xf32>
      %sub3A_402 = arith.subf %sub3A_401, %mul3A_399 : vector<16xf32>
      %mul3A_403 = arith.mulf %bitcast3A_394, %sub3A_402 : vector<16xf32>
      %mul3A_404 = arith.constant 5.000000e-01 : f32
      %mul3A_405 = vector.broadcast %mul3A_404 : f32 to vector<16xf32>
      %mul3A_406 = arith.mulf %mul3A_405, %mul3A_388 : vector<16xf32>
      %mul3A_407 = arith.mulf %mul3A_406, %mul3A_403 : vector<16xf32>
      %mul3A_408 = arith.mulf %mul3A_407, %mul3A_403 : vector<16xf32>
      %sub3A_409 = arith.constant 1.500000e+00 : f32
      %sub3A_410 = vector.broadcast %sub3A_409 : f32 to vector<16xf32>
      %sub3A_411 = arith.subf %sub3A_410, %mul3A_408 : vector<16xf32>
      %mul3A_412 = arith.mulf %mul3A_403, %sub3A_411 : vector<16xf32>
      %mul3A_413 = arith.constant 5.000000e-01 : f32
      %mul3A_414 = vector.broadcast %mul3A_413 : f32 to vector<16xf32>
      %mul3A_415 = arith.mulf %mul3A_414, %mul3A_388 : vector<16xf32>
      %mul3A_416 = arith.mulf %mul3A_415, %mul3A_412 : vector<16xf32>
      %mul3A_417 = arith.mulf %mul3A_416, %mul3A_412 : vector<16xf32>
      %sub3A_418 = arith.constant 1.500000e+00 : f32
      %sub3A_419 = vector.broadcast %sub3A_418 : f32 to vector<16xf32>
      %sub3A_420 = arith.subf %sub3A_419, %mul3A_417 : vector<16xf32>
      %mul3A_421 = arith.mulf %mul3A_412, %sub3A_420 : vector<16xf32>
      %mul3A_422 = arith.mulf %mul3A_388, %mul3A_421 : vector<16xf32>
      %add3A_423 = arith.addf %max3A_381, %mul3A_422 : vector<16xf32>
      %mul3A_424 = arith.constant 0.135335281 : f32
      %mul3A_425 = vector.broadcast %mul3A_424 : f32 to vector<16xf32>
      %mul3A_426 = arith.mulf %mul3A_425, %add3A_423 : vector<16xf32>
      %add3A_427 = arith.constant 1.000000e+00 : f32
      %add3A_428 = vector.broadcast %add3A_427 : f32 to vector<16xf32>
      %add3A_429 = arith.addf %mul3A_426, %add3A_428 : vector<16xf32>
      %div3A = arith.constant 1.000000e+00 : f32
      %div3A_430 = vector.broadcast %div3A : f32 to vector<16xf32>
      %div3A_431 = arith.divf %div3A_430, %add3A_429 : vector<16xf32>
      %mul3A_432 = arith.constant 16 : i32
      %mul3A_433 = arith.muli %scan3A_184, %mul3A_432 : i32
      %swap3A = arith.index_cast %mul3A_433 : i32 to index
      %swap3A_434 = tpu.vector_load %arg10[%swap3A] {strides = array<i32>} : memref<512xf32, #tpu.memory_space<vmem>>, vector<16xf32>,
      tpu.vector_store %arg10[%swap3A], %div3A_431 {strides = array<i32>} : memref<512xf32, #tpu.memory_space<vmem>>, vector<16xf32>,
    }
    %scan3A_129 = arith.constant 8 : i32
    %dma_wait3A_130 = arith.constant 2 : i32
    %dma_wait3A_131 = arith.constant 256 : i32
    %dma_wait3A_132 = arith.constant 0 : i32
    %dma_wait3A_133 = tpu.memref_slice %arg8[%dma_wait3A_131, %dma_wait3A_132] : memref<512x32xf32, #tpu.memory_space<vmem>> -> memref<128x32xf32, #tpu.memory_space<vmem>>
    %dma_wait3A_134 = arith.constant 0 : i32
    %dma_wait3A_135 = tpu.memref_slice %arg6[%dma_wait3A_130, %dma_wait3A_134] : memref<4x128xi32, #tpu.memory_space<vmem>> -> memref<1x128xi32, #tpu.memory_space<vmem>>
    %dma_wait3A_136 = tpu.memref_squeeze %dma_wait3A_135 : memref<1x128xi32, #tpu.memory_space<vmem>> -> memref<128xi32, #tpu.memory_space<vmem>>
    %dma_wait3A_137 = arith.constant 0 : i32
    %dma_wait3A_138 = arith.constant 0 : i32
    %dma_wait3A_139 = tpu.memref_slice %arg4[%dma_wait3A_137, %dma_wait3A_138] : memref<1000000x32xf32, #tpu.memory_space<hbm>> -> memref<1000000x32xf32, #tpu.memory_space<hbm>>
    tpu.wait_indirect_dma semaphore(%arg13 : memref<!tpu.dma_semaphore, #tpu.memory_space<semaphore_mem>>) src(%dma_wait3A_139 : memref<1000000x32xf32, #tpu.memory_space<hbm>>) dst(%dma_wait3A_133 : memref<128x32xf32, #tpu.memory_space<vmem>>)
    %dma_wait3A_140 = arith.constant 2 : i32
    %dma_wait3A_141 = arith.constant 256 : i32
    %dma_wait3A_142 = arith.constant 0 : i32
    %dma_wait3A_143 = tpu.memref_slice %arg9[%dma_wait3A_141, %dma_wait3A_142] : memref<512x32xf32, #tpu.memory_space<vmem>> -> memref<128x32xf32, #tpu.memory_space<vmem>>
    %dma_wait3A_144 = arith.constant 0 : i32
    %dma_wait3A_145 = tpu.memref_slice %arg7[%dma_wait3A_140, %dma_wait3A_144] : memref<4x128xi32, #tpu.memory_space<vmem>> -> memref<1x128xi32, #tpu.memory_space<vmem>>
    %dma_wait3A_146 = tpu.memref_squeeze %dma_wait3A_145 : memref<1x128xi32, #tpu.memory_space<vmem>> -> memref<128xi32, #tpu.memory_space<vmem>>
    %dma_wait3A_147 = arith.constant 0 : i32
    %dma_wait3A_148 = arith.constant 0 : i32
    %dma_wait3A_149 = tpu.memref_slice %arg4[%dma_wait3A_147, %dma_wait3A_148] : memref<1000000x32xf32, #tpu.memory_space<hbm>> -> memref<1000000x32xf32, #tpu.memory_space<hbm>>
    tpu.wait_indirect_dma semaphore(%arg13 : memref<!tpu.dma_semaphore, #tpu.memory_space<semaphore_mem>>) src(%dma_wait3A_149 : memref<1000000x32xf32, #tpu.memory_space<hbm>>) dst(%dma_wait3A_143 : memref<128x32xf32, #tpu.memory_space<vmem>>)
    %scan3A_150 = arith.constant 0 : i32
    %scan3A_151 = arith.constant 16 : i32
    %scan3A_152 = arith.constant 8 : i32
    %scan3A_153 = arith.addi %scan3A_151, %scan3A_152 : i32
    %scan3A_154 = arith.constant 1 : i32
    scf.for %scan3A_184 = %scan3A_151 to %scan3A_153 step %scan3A_154  : i32 {
      %mul3A_185 = arith.constant 16 : i32
      %mul3A_186 = arith.muli %scan3A_184, %mul3A_185 : i32
      %add3A_187 = vector.broadcast %mul3A_186 : i32 to vector<16xi32>
      %add3A_188 = arith.addi %add3A_187, %iota3A : vector<16xi32>
      %broadcast_in_dim3A = arith.constant 0 : i32
      %broadcast_in_dim3A_189 = vector.broadcast %broadcast_in_dim3A : i32 to vector<16xi32>
      %gather3A = tpu.vector_load_idx %arg8[%add3A_188, %broadcast_in_dim3A_189] : memref<512x32xf32, #tpu.memory_space<vmem>>[vector<16xi32>, vector<16xi32>], vector<16xf32>,
      %gather3A_190 = tpu.vector_load_idx %arg9[%add3A_188, %broadcast_in_dim3A_189] : memref<512x32xf32, #tpu.memory_space<vmem>>[vector<16xi32>, vector<16xi32>], vector<16xf32>,
      %mul3A_191 = arith.mulf %gather3A, %gather3A_190 : vector<16xf32>
      %broadcast_in_dim3A_192 = arith.constant 0.000000e+00 : f32
      %broadcast_in_dim3A_193 = vector.broadcast %broadcast_in_dim3A_192 : f32 to vector<16xf32>
      %broadcast_in_dim3A_194 = arith.constant 1 : i32
      %broadcast_in_dim3A_195 = vector.broadcast %broadcast_in_dim3A_194 : i32 to vector<16xi32>
      %gather3A_196 = tpu.vector_load_idx %arg8[%add3A_188, %broadcast_in_dim3A_195] : memref<512x32xf32, #tpu.memory_space<vmem>>[vector<16xi32>, vector<16xi32>], vector<16xf32>,
      %gather3A_197 = tpu.vector_load_idx %arg9[%add3A_188, %broadcast_in_dim3A_195] : memref<512x32xf32, #tpu.memory_space<vmem>>[vector<16xi32>, vector<16xi32>], vector<16xf32>,
      %mul3A_198 = arith.mulf %gather3A_196, %gather3A_197 : vector<16xf32>
      %add3A_199 = arith.addf %broadcast_in_dim3A_193, %mul3A_198 : vector<16xf32>
      %broadcast_in_dim3A_200 = arith.constant 2 : i32
      %broadcast_in_dim3A_201 = vector.broadcast %broadcast_in_dim3A_200 : i32 to vector<16xi32>
      %gather3A_202 = tpu.vector_load_idx %arg8[%add3A_188, %broadcast_in_dim3A_201] : memref<512x32xf32, #tpu.memory_space<vmem>>[vector<16xi32>, vector<16xi32>], vector<16xf32>,
      %gather3A_203 = tpu.vector_load_idx %arg9[%add3A_188, %broadcast_in_dim3A_201] : memref<512x32xf32, #tpu.memory_space<vmem>>[vector<16xi32>, vector<16xi32>], vector<16xf32>,
      %mul3A_204 = arith.mulf %gather3A_202, %gather3A_203 : vector<16xf32>
      %add3A_205 = arith.addf %add3A_199, %mul3A_204 : vector<16xf32>
      %broadcast_in_dim3A_206 = arith.constant 3 : i32
      %broadcast_in_dim3A_207 = vector.broadcast %broadcast_in_dim3A_206 : i32 to vector<16xi32>
      %gather3A_208 = tpu.vector_load_idx %arg8[%add3A_188, %broadcast_in_dim3A_207] : memref<512x32xf32, #tpu.memory_space<vmem>>[vector<16xi32>, vector<16xi32>], vector<16xf32>,
      %gather3A_209 = tpu.vector_load_idx %arg9[%add3A_188, %broadcast_in_dim3A_207] : memref<512x32xf32, #tpu.memory_space<vmem>>[vector<16xi32>, vector<16xi32>], vector<16xf32>,
      %mul3A_210 = arith.mulf %gather3A_208, %gather3A_209 : vector<16xf32>
      %add3A_211 = arith.addf %add3A_205, %mul3A_210 : vector<16xf32>
      %broadcast_in_dim3A_212 = arith.constant 4 : i32
      %broadcast_in_dim3A_213 = vector.broadcast %broadcast_in_dim3A_212 : i32 to vector<16xi32>
      %gather3A_214 = tpu.vector_load_idx %arg8[%add3A_188, %broadcast_in_dim3A_213] : memref<512x32xf32, #tpu.memory_space<vmem>>[vector<16xi32>, vector<16xi32>], vector<16xf32>,
      %gather3A_215 = tpu.vector_load_idx %arg9[%add3A_188, %broadcast_in_dim3A_213] : memref<512x32xf32, #tpu.memory_space<vmem>>[vector<16xi32>, vector<16xi32>], vector<16xf32>,
      %mul3A_216 = arith.mulf %gather3A_214, %gather3A_215 : vector<16xf32>
      %add3A_217 = arith.addf %add3A_211, %mul3A_216 : vector<16xf32>
      %broadcast_in_dim3A_218 = arith.constant 5 : i32
      %broadcast_in_dim3A_219 = vector.broadcast %broadcast_in_dim3A_218 : i32 to vector<16xi32>
      %gather3A_220 = tpu.vector_load_idx %arg8[%add3A_188, %broadcast_in_dim3A_219] : memref<512x32xf32, #tpu.memory_space<vmem>>[vector<16xi32>, vector<16xi32>], vector<16xf32>,
      %gather3A_221 = tpu.vector_load_idx %arg9[%add3A_188, %broadcast_in_dim3A_219] : memref<512x32xf32, #tpu.memory_space<vmem>>[vector<16xi32>, vector<16xi32>], vector<16xf32>,
      %mul3A_222 = arith.mulf %gather3A_220, %gather3A_221 : vector<16xf32>
      %add3A_223 = arith.addf %add3A_217, %mul3A_222 : vector<16xf32>
      %broadcast_in_dim3A_224 = arith.constant 6 : i32
      %broadcast_in_dim3A_225 = vector.broadcast %broadcast_in_dim3A_224 : i32 to vector<16xi32>
      %gather3A_226 = tpu.vector_load_idx %arg8[%add3A_188, %broadcast_in_dim3A_225] : memref<512x32xf32, #tpu.memory_space<vmem>>[vector<16xi32>, vector<16xi32>], vector<16xf32>,
      %gather3A_227 = tpu.vector_load_idx %arg9[%add3A_188, %broadcast_in_dim3A_225] : memref<512x32xf32, #tpu.memory_space<vmem>>[vector<16xi32>, vector<16xi32>], vector<16xf32>,
      %mul3A_228 = arith.mulf %gather3A_226, %gather3A_227 : vector<16xf32>
      %add3A_229 = arith.addf %add3A_223, %mul3A_228 : vector<16xf32>
      %broadcast_in_dim3A_230 = arith.constant 7 : i32
      %broadcast_in_dim3A_231 = vector.broadcast %broadcast_in_dim3A_230 : i32 to vector<16xi32>
      %gather3A_232 = tpu.vector_load_idx %arg8[%add3A_188, %broadcast_in_dim3A_231] : memref<512x32xf32, #tpu.memory_space<vmem>>[vector<16xi32>, vector<16xi32>], vector<16xf32>,
      %gather3A_233 = tpu.vector_load_idx %arg9[%add3A_188, %broadcast_in_dim3A_231] : memref<512x32xf32, #tpu.memory_space<vmem>>[vector<16xi32>, vector<16xi32>], vector<16xf32>,
      %mul3A_234 = arith.mulf %gather3A_232, %gather3A_233 : vector<16xf32>
      %add3A_235 = arith.addf %add3A_229, %mul3A_234 : vector<16xf32>
      %broadcast_in_dim3A_236 = arith.constant 8 : i32
      %broadcast_in_dim3A_237 = vector.broadcast %broadcast_in_dim3A_236 : i32 to vector<16xi32>
      %gather3A_238 = tpu.vector_load_idx %arg8[%add3A_188, %broadcast_in_dim3A_237] : memref<512x32xf32, #tpu.memory_space<vmem>>[vector<16xi32>, vector<16xi32>], vector<16xf32>,
      %gather3A_239 = tpu.vector_load_idx %arg9[%add3A_188, %broadcast_in_dim3A_237] : memref<512x32xf32, #tpu.memory_space<vmem>>[vector<16xi32>, vector<16xi32>], vector<16xf32>,
      %mul3A_240 = arith.mulf %gather3A_238, %gather3A_239 : vector<16xf32>
      %add3A_241 = arith.addf %add3A_235, %mul3A_240 : vector<16xf32>
      %broadcast_in_dim3A_242 = arith.constant 9 : i32
      %broadcast_in_dim3A_243 = vector.broadcast %broadcast_in_dim3A_242 : i32 to vector<16xi32>
      %gather3A_244 = tpu.vector_load_idx %arg8[%add3A_188, %broadcast_in_dim3A_243] : memref<512x32xf32, #tpu.memory_space<vmem>>[vector<16xi32>, vector<16xi32>], vector<16xf32>,
      %gather3A_245 = tpu.vector_load_idx %arg9[%add3A_188, %broadcast_in_dim3A_243] : memref<512x32xf32, #tpu.memory_space<vmem>>[vector<16xi32>, vector<16xi32>], vector<16xf32>,
      %mul3A_246 = arith.mulf %gather3A_244, %gather3A_245 : vector<16xf32>
      %add3A_247 = arith.addf %add3A_241, %mul3A_246 : vector<16xf32>
      %broadcast_in_dim3A_248 = arith.constant 10 : i32
      %broadcast_in_dim3A_249 = vector.broadcast %broadcast_in_dim3A_248 : i32 to vector<16xi32>
      %gather3A_250 = tpu.vector_load_idx %arg8[%add3A_188, %broadcast_in_dim3A_249] : memref<512x32xf32, #tpu.memory_space<vmem>>[vector<16xi32>, vector<16xi32>], vector<16xf32>,
      %gather3A_251 = tpu.vector_load_idx %arg9[%add3A_188, %broadcast_in_dim3A_249] : memref<512x32xf32, #tpu.memory_space<vmem>>[vector<16xi32>, vector<16xi32>], vector<16xf32>,
      %mul3A_252 = arith.mulf %gather3A_250, %gather3A_251 : vector<16xf32>
      %add3A_253 = arith.addf %add3A_247, %mul3A_252 : vector<16xf32>
      %broadcast_in_dim3A_254 = arith.constant 11 : i32
      %broadcast_in_dim3A_255 = vector.broadcast %broadcast_in_dim3A_254 : i32 to vector<16xi32>
      %gather3A_256 = tpu.vector_load_idx %arg8[%add3A_188, %broadcast_in_dim3A_255] : memref<512x32xf32, #tpu.memory_space<vmem>>[vector<16xi32>, vector<16xi32>], vector<16xf32>,
      %gather3A_257 = tpu.vector_load_idx %arg9[%add3A_188, %broadcast_in_dim3A_255] : memref<512x32xf32, #tpu.memory_space<vmem>>[vector<16xi32>, vector<16xi32>], vector<16xf32>,
      %mul3A_258 = arith.mulf %gather3A_256, %gather3A_257 : vector<16xf32>
      %add3A_259 = arith.addf %add3A_253, %mul3A_258 : vector<16xf32>
      %broadcast_in_dim3A_260 = arith.constant 12 : i32
      %broadcast_in_dim3A_261 = vector.broadcast %broadcast_in_dim3A_260 : i32 to vector<16xi32>
      %gather3A_262 = tpu.vector_load_idx %arg8[%add3A_188, %broadcast_in_dim3A_261] : memref<512x32xf32, #tpu.memory_space<vmem>>[vector<16xi32>, vector<16xi32>], vector<16xf32>,
      %gather3A_263 = tpu.vector_load_idx %arg9[%add3A_188, %broadcast_in_dim3A_261] : memref<512x32xf32, #tpu.memory_space<vmem>>[vector<16xi32>, vector<16xi32>], vector<16xf32>,
      %mul3A_264 = arith.mulf %gather3A_262, %gather3A_263 : vector<16xf32>
      %add3A_265 = arith.addf %add3A_259, %mul3A_264 : vector<16xf32>
      %broadcast_in_dim3A_266 = arith.constant 13 : i32
      %broadcast_in_dim3A_267 = vector.broadcast %broadcast_in_dim3A_266 : i32 to vector<16xi32>
      %gather3A_268 = tpu.vector_load_idx %arg8[%add3A_188, %broadcast_in_dim3A_267] : memref<512x32xf32, #tpu.memory_space<vmem>>[vector<16xi32>, vector<16xi32>], vector<16xf32>,
      %gather3A_269 = tpu.vector_load_idx %arg9[%add3A_188, %broadcast_in_dim3A_267] : memref<512x32xf32, #tpu.memory_space<vmem>>[vector<16xi32>, vector<16xi32>], vector<16xf32>,
      %mul3A_270 = arith.mulf %gather3A_268, %gather3A_269 : vector<16xf32>
      %add3A_271 = arith.addf %add3A_265, %mul3A_270 : vector<16xf32>
      %broadcast_in_dim3A_272 = arith.constant 14 : i32
      %broadcast_in_dim3A_273 = vector.broadcast %broadcast_in_dim3A_272 : i32 to vector<16xi32>
      %gather3A_274 = tpu.vector_load_idx %arg8[%add3A_188, %broadcast_in_dim3A_273] : memref<512x32xf32, #tpu.memory_space<vmem>>[vector<16xi32>, vector<16xi32>], vector<16xf32>,
      %gather3A_275 = tpu.vector_load_idx %arg9[%add3A_188, %broadcast_in_dim3A_273] : memref<512x32xf32, #tpu.memory_space<vmem>>[vector<16xi32>, vector<16xi32>], vector<16xf32>,
      %mul3A_276 = arith.mulf %gather3A_274, %gather3A_275 : vector<16xf32>
      %add3A_277 = arith.addf %add3A_271, %mul3A_276 : vector<16xf32>
      %broadcast_in_dim3A_278 = arith.constant 15 : i32
      %broadcast_in_dim3A_279 = vector.broadcast %broadcast_in_dim3A_278 : i32 to vector<16xi32>
      %gather3A_280 = tpu.vector_load_idx %arg8[%add3A_188, %broadcast_in_dim3A_279] : memref<512x32xf32, #tpu.memory_space<vmem>>[vector<16xi32>, vector<16xi32>], vector<16xf32>,
      %gather3A_281 = tpu.vector_load_idx %arg9[%add3A_188, %broadcast_in_dim3A_279] : memref<512x32xf32, #tpu.memory_space<vmem>>[vector<16xi32>, vector<16xi32>], vector<16xf32>,
      %mul3A_282 = arith.mulf %gather3A_280, %gather3A_281 : vector<16xf32>
      %add3A_283 = arith.addf %add3A_277, %mul3A_282 : vector<16xf32>
      %broadcast_in_dim3A_284 = arith.constant 16 : i32
      %broadcast_in_dim3A_285 = vector.broadcast %broadcast_in_dim3A_284 : i32 to vector<16xi32>
      %gather3A_286 = tpu.vector_load_idx %arg8[%add3A_188, %broadcast_in_dim3A_285] : memref<512x32xf32, #tpu.memory_space<vmem>>[vector<16xi32>, vector<16xi32>], vector<16xf32>,
      %gather3A_287 = tpu.vector_load_idx %arg9[%add3A_188, %broadcast_in_dim3A_285] : memref<512x32xf32, #tpu.memory_space<vmem>>[vector<16xi32>, vector<16xi32>], vector<16xf32>,
      %mul3A_288 = arith.mulf %gather3A_286, %gather3A_287 : vector<16xf32>
      %add3A_289 = arith.addf %add3A_283, %mul3A_288 : vector<16xf32>
      %broadcast_in_dim3A_290 = arith.constant 17 : i32
      %broadcast_in_dim3A_291 = vector.broadcast %broadcast_in_dim3A_290 : i32 to vector<16xi32>
      %gather3A_292 = tpu.vector_load_idx %arg8[%add3A_188, %broadcast_in_dim3A_291] : memref<512x32xf32, #tpu.memory_space<vmem>>[vector<16xi32>, vector<16xi32>], vector<16xf32>,
      %gather3A_293 = tpu.vector_load_idx %arg9[%add3A_188, %broadcast_in_dim3A_291] : memref<512x32xf32, #tpu.memory_space<vmem>>[vector<16xi32>, vector<16xi32>], vector<16xf32>,
      %mul3A_294 = arith.mulf %gather3A_292, %gather3A_293 : vector<16xf32>
      %add3A_295 = arith.addf %add3A_289, %mul3A_294 : vector<16xf32>
      %broadcast_in_dim3A_296 = arith.constant 18 : i32
      %broadcast_in_dim3A_297 = vector.broadcast %broadcast_in_dim3A_296 : i32 to vector<16xi32>
      %gather3A_298 = tpu.vector_load_idx %arg8[%add3A_188, %broadcast_in_dim3A_297] : memref<512x32xf32, #tpu.memory_space<vmem>>[vector<16xi32>, vector<16xi32>], vector<16xf32>,
      %gather3A_299 = tpu.vector_load_idx %arg9[%add3A_188, %broadcast_in_dim3A_297] : memref<512x32xf32, #tpu.memory_space<vmem>>[vector<16xi32>, vector<16xi32>], vector<16xf32>,
      %mul3A_300 = arith.mulf %gather3A_298, %gather3A_299 : vector<16xf32>
      %add3A_301 = arith.addf %add3A_295, %mul3A_300 : vector<16xf32>
      %broadcast_in_dim3A_302 = arith.constant 19 : i32
      %broadcast_in_dim3A_303 = vector.broadcast %broadcast_in_dim3A_302 : i32 to vector<16xi32>
      %gather3A_304 = tpu.vector_load_idx %arg8[%add3A_188, %broadcast_in_dim3A_303] : memref<512x32xf32, #tpu.memory_space<vmem>>[vector<16xi32>, vector<16xi32>], vector<16xf32>,
      %gather3A_305 = tpu.vector_load_idx %arg9[%add3A_188, %broadcast_in_dim3A_303] : memref<512x32xf32, #tpu.memory_space<vmem>>[vector<16xi32>, vector<16xi32>], vector<16xf32>,
      %mul3A_306 = arith.mulf %gather3A_304, %gather3A_305 : vector<16xf32>
      %add3A_307 = arith.addf %add3A_301, %mul3A_306 : vector<16xf32>
      %broadcast_in_dim3A_308 = arith.constant 20 : i32
      %broadcast_in_dim3A_309 = vector.broadcast %broadcast_in_dim3A_308 : i32 to vector<16xi32>
      %gather3A_310 = tpu.vector_load_idx %arg8[%add3A_188, %broadcast_in_dim3A_309] : memref<512x32xf32, #tpu.memory_space<vmem>>[vector<16xi32>, vector<16xi32>], vector<16xf32>,
      %gather3A_311 = tpu.vector_load_idx %arg9[%add3A_188, %broadcast_in_dim3A_309] : memref<512x32xf32, #tpu.memory_space<vmem>>[vector<16xi32>, vector<16xi32>], vector<16xf32>,
      %mul3A_312 = arith.mulf %gather3A_310, %gather3A_311 : vector<16xf32>
      %add3A_313 = arith.addf %add3A_307, %mul3A_312 : vector<16xf32>
      %broadcast_in_dim3A_314 = arith.constant 21 : i32
      %broadcast_in_dim3A_315 = vector.broadcast %broadcast_in_dim3A_314 : i32 to vector<16xi32>
      %gather3A_316 = tpu.vector_load_idx %arg8[%add3A_188, %broadcast_in_dim3A_315] : memref<512x32xf32, #tpu.memory_space<vmem>>[vector<16xi32>, vector<16xi32>], vector<16xf32>,
      %gather3A_317 = tpu.vector_load_idx %arg9[%add3A_188, %broadcast_in_dim3A_315] : memref<512x32xf32, #tpu.memory_space<vmem>>[vector<16xi32>, vector<16xi32>], vector<16xf32>,
      %mul3A_318 = arith.mulf %gather3A_316, %gather3A_317 : vector<16xf32>
      %add3A_319 = arith.addf %add3A_313, %mul3A_318 : vector<16xf32>
      %broadcast_in_dim3A_320 = arith.constant 22 : i32
      %broadcast_in_dim3A_321 = vector.broadcast %broadcast_in_dim3A_320 : i32 to vector<16xi32>
      %gather3A_322 = tpu.vector_load_idx %arg8[%add3A_188, %broadcast_in_dim3A_321] : memref<512x32xf32, #tpu.memory_space<vmem>>[vector<16xi32>, vector<16xi32>], vector<16xf32>,
      %gather3A_323 = tpu.vector_load_idx %arg9[%add3A_188, %broadcast_in_dim3A_321] : memref<512x32xf32, #tpu.memory_space<vmem>>[vector<16xi32>, vector<16xi32>], vector<16xf32>,
      %mul3A_324 = arith.mulf %gather3A_322, %gather3A_323 : vector<16xf32>
      %add3A_325 = arith.addf %add3A_319, %mul3A_324 : vector<16xf32>
      %broadcast_in_dim3A_326 = arith.constant 23 : i32
      %broadcast_in_dim3A_327 = vector.broadcast %broadcast_in_dim3A_326 : i32 to vector<16xi32>
      %gather3A_328 = tpu.vector_load_idx %arg8[%add3A_188, %broadcast_in_dim3A_327] : memref<512x32xf32, #tpu.memory_space<vmem>>[vector<16xi32>, vector<16xi32>], vector<16xf32>,
      %gather3A_329 = tpu.vector_load_idx %arg9[%add3A_188, %broadcast_in_dim3A_327] : memref<512x32xf32, #tpu.memory_space<vmem>>[vector<16xi32>, vector<16xi32>], vector<16xf32>,
      %mul3A_330 = arith.mulf %gather3A_328, %gather3A_329 : vector<16xf32>
      %add3A_331 = arith.addf %add3A_325, %mul3A_330 : vector<16xf32>
      %broadcast_in_dim3A_332 = arith.constant 24 : i32
      %broadcast_in_dim3A_333 = vector.broadcast %broadcast_in_dim3A_332 : i32 to vector<16xi32>
      %gather3A_334 = tpu.vector_load_idx %arg8[%add3A_188, %broadcast_in_dim3A_333] : memref<512x32xf32, #tpu.memory_space<vmem>>[vector<16xi32>, vector<16xi32>], vector<16xf32>,
      %gather3A_335 = tpu.vector_load_idx %arg9[%add3A_188, %broadcast_in_dim3A_333] : memref<512x32xf32, #tpu.memory_space<vmem>>[vector<16xi32>, vector<16xi32>], vector<16xf32>,
      %mul3A_336 = arith.mulf %gather3A_334, %gather3A_335 : vector<16xf32>
      %add3A_337 = arith.addf %add3A_331, %mul3A_336 : vector<16xf32>
      %broadcast_in_dim3A_338 = arith.constant 25 : i32
      %broadcast_in_dim3A_339 = vector.broadcast %broadcast_in_dim3A_338 : i32 to vector<16xi32>
      %gather3A_340 = tpu.vector_load_idx %arg8[%add3A_188, %broadcast_in_dim3A_339] : memref<512x32xf32, #tpu.memory_space<vmem>>[vector<16xi32>, vector<16xi32>], vector<16xf32>,
      %gather3A_341 = tpu.vector_load_idx %arg9[%add3A_188, %broadcast_in_dim3A_339] : memref<512x32xf32, #tpu.memory_space<vmem>>[vector<16xi32>, vector<16xi32>], vector<16xf32>,
      %mul3A_342 = arith.mulf %gather3A_340, %gather3A_341 : vector<16xf32>
      %add3A_343 = arith.addf %add3A_337, %mul3A_342 : vector<16xf32>
      %broadcast_in_dim3A_344 = arith.constant 26 : i32
      %broadcast_in_dim3A_345 = vector.broadcast %broadcast_in_dim3A_344 : i32 to vector<16xi32>
      %gather3A_346 = tpu.vector_load_idx %arg8[%add3A_188, %broadcast_in_dim3A_345] : memref<512x32xf32, #tpu.memory_space<vmem>>[vector<16xi32>, vector<16xi32>], vector<16xf32>,
      %gather3A_347 = tpu.vector_load_idx %arg9[%add3A_188, %broadcast_in_dim3A_345] : memref<512x32xf32, #tpu.memory_space<vmem>>[vector<16xi32>, vector<16xi32>], vector<16xf32>,
      %mul3A_348 = arith.mulf %gather3A_346, %gather3A_347 : vector<16xf32>
      %add3A_349 = arith.addf %add3A_343, %mul3A_348 : vector<16xf32>
      %broadcast_in_dim3A_350 = arith.constant 27 : i32
      %broadcast_in_dim3A_351 = vector.broadcast %broadcast_in_dim3A_350 : i32 to vector<16xi32>
      %gather3A_352 = tpu.vector_load_idx %arg8[%add3A_188, %broadcast_in_dim3A_351] : memref<512x32xf32, #tpu.memory_space<vmem>>[vector<16xi32>, vector<16xi32>], vector<16xf32>,
      %gather3A_353 = tpu.vector_load_idx %arg9[%add3A_188, %broadcast_in_dim3A_351] : memref<512x32xf32, #tpu.memory_space<vmem>>[vector<16xi32>, vector<16xi32>], vector<16xf32>,
      %mul3A_354 = arith.mulf %gather3A_352, %gather3A_353 : vector<16xf32>
      %add3A_355 = arith.addf %add3A_349, %mul3A_354 : vector<16xf32>
      %broadcast_in_dim3A_356 = arith.constant 28 : i32
      %broadcast_in_dim3A_357 = vector.broadcast %broadcast_in_dim3A_356 : i32 to vector<16xi32>
      %gather3A_358 = tpu.vector_load_idx %arg8[%add3A_188, %broadcast_in_dim3A_357] : memref<512x32xf32, #tpu.memory_space<vmem>>[vector<16xi32>, vector<16xi32>], vector<16xf32>,
      %gather3A_359 = tpu.vector_load_idx %arg9[%add3A_188, %broadcast_in_dim3A_357] : memref<512x32xf32, #tpu.memory_space<vmem>>[vector<16xi32>, vector<16xi32>], vector<16xf32>,
      %mul3A_360 = arith.mulf %gather3A_358, %gather3A_359 : vector<16xf32>
      %add3A_361 = arith.addf %add3A_355, %mul3A_360 : vector<16xf32>
      %broadcast_in_dim3A_362 = arith.constant 29 : i32
      %broadcast_in_dim3A_363 = vector.broadcast %broadcast_in_dim3A_362 : i32 to vector<16xi32>
      %gather3A_364 = tpu.vector_load_idx %arg8[%add3A_188, %broadcast_in_dim3A_363] : memref<512x32xf32, #tpu.memory_space<vmem>>[vector<16xi32>, vector<16xi32>], vector<16xf32>,
      %gather3A_365 = tpu.vector_load_idx %arg9[%add3A_188, %broadcast_in_dim3A_363] : memref<512x32xf32, #tpu.memory_space<vmem>>[vector<16xi32>, vector<16xi32>], vector<16xf32>,
      %mul3A_366 = arith.mulf %gather3A_364, %gather3A_365 : vector<16xf32>
      %add3A_367 = arith.addf %add3A_361, %mul3A_366 : vector<16xf32>
      %broadcast_in_dim3A_368 = arith.constant 30 : i32
      %broadcast_in_dim3A_369 = vector.broadcast %broadcast_in_dim3A_368 : i32 to vector<16xi32>
      %gather3A_370 = tpu.vector_load_idx %arg8[%add3A_188, %broadcast_in_dim3A_369] : memref<512x32xf32, #tpu.memory_space<vmem>>[vector<16xi32>, vector<16xi32>], vector<16xf32>,
      %gather3A_371 = tpu.vector_load_idx %arg9[%add3A_188, %broadcast_in_dim3A_369] : memref<512x32xf32, #tpu.memory_space<vmem>>[vector<16xi32>, vector<16xi32>], vector<16xf32>,
      %mul3A_372 = arith.mulf %gather3A_370, %gather3A_371 : vector<16xf32>
      %add3A_373 = arith.addf %add3A_367, %mul3A_372 : vector<16xf32>
      %broadcast_in_dim3A_374 = arith.constant 31 : i32
      %broadcast_in_dim3A_375 = vector.broadcast %broadcast_in_dim3A_374 : i32 to vector<16xi32>
      %gather3A_376 = tpu.vector_load_idx %arg8[%add3A_188, %broadcast_in_dim3A_375] : memref<512x32xf32, #tpu.memory_space<vmem>>[vector<16xi32>, vector<16xi32>], vector<16xf32>,
      %gather3A_377 = tpu.vector_load_idx %arg9[%add3A_188, %broadcast_in_dim3A_375] : memref<512x32xf32, #tpu.memory_space<vmem>>[vector<16xi32>, vector<16xi32>], vector<16xf32>,
      %mul3A_378 = arith.mulf %gather3A_376, %gather3A_377 : vector<16xf32>
      %add3A_379 = arith.addf %add3A_373, %mul3A_378 : vector<16xf32>
      %sub3A = arith.subf %mul3A_191, %add3A_379 : vector<16xf32>
      %max3A = arith.constant 1.00000012 : f32
      %max3A_380 = vector.broadcast %max3A : f32 to vector<16xf32>
      %max3A_381 = arith.maximumf %sub3A, %max3A_380 : vector<16xf32>
      %sub3A_382 = arith.constant 1.000000e+00 : f32
      %sub3A_383 = vector.broadcast %sub3A_382 : f32 to vector<16xf32>
      %sub3A_384 = arith.subf %max3A_381, %sub3A_383 : vector<16xf32>
      %add3A_385 = arith.constant 1.000000e+00 : f32
      %add3A_386 = vector.broadcast %add3A_385 : f32 to vector<16xf32>
      %add3A_387 = arith.addf %max3A_381, %add3A_386 : vector<16xf32>
      %mul3A_388 = arith.mulf %sub3A_384, %add3A_387 : vector<16xf32>
      %bitcast3A = vector.bitcast %mul3A_388 : vector<16xf32> to vector<16xi32>
      %shift_right_arithmetic3A = arith.constant 1 : i32
      %shift_right_arithmetic3A_389 = vector.broadcast %shift_right_arithmetic3A : i32 to vector<16xi32>
      %shift_right_arithmetic3A_390 = arith.shrsi %bitcast3A, %shift_right_arithmetic3A_389 : vector<16xi32>
      %sub3A_391 = arith.constant 1597463007 : i32
      %sub3A_392 = vector.broadcast %sub3A_391 : i32 to vector<16xi32>
      %sub3A_393 = arith.subi %sub3A_392, %shift_right_arithmetic3A_390 : vector<16xi32>
      %bitcast3A_394 = vector.bitcast %sub3A_393 : vector<16xi32> to vector<16xf32>
      %mul3A_395 = arith.constant 5.000000e-01 : f32
      %mul3A_396 = vector.broadcast %mul3A_395 : f32 to vector<16xf32>
      %mul3A_397 = arith.mulf %mul3A_396, %mul3A_388 : vector<16xf32>
      %mul3A_398 = arith.mulf %mul3A_397, %bitcast3A_394 : vector<16xf32>
      %mul3A_399 = arith.mulf %mul3A_398, %bitcast3A_394 : vector<16xf32>
      %sub3A_400 = arith.constant 1.500000e+00 : f32
      %sub3A_401 = vector.broadcast %sub3A_400 : f32 to vector<16xf32>
      %sub3A_402 = arith.subf %sub3A_401, %mul3A_399 : vector<16xf32>
      %mul3A_403 = arith.mulf %bitcast3A_394, %sub3A_402 : vector<16xf32>
      %mul3A_404 = arith.constant 5.000000e-01 : f32
      %mul3A_405 = vector.broadcast %mul3A_404 : f32 to vector<16xf32>
      %mul3A_406 = arith.mulf %mul3A_405, %mul3A_388 : vector<16xf32>
      %mul3A_407 = arith.mulf %mul3A_406, %mul3A_403 : vector<16xf32>
      %mul3A_408 = arith.mulf %mul3A_407, %mul3A_403 : vector<16xf32>
      %sub3A_409 = arith.constant 1.500000e+00 : f32
      %sub3A_410 = vector.broadcast %sub3A_409 : f32 to vector<16xf32>
      %sub3A_411 = arith.subf %sub3A_410, %mul3A_408 : vector<16xf32>
      %mul3A_412 = arith.mulf %mul3A_403, %sub3A_411 : vector<16xf32>
      %mul3A_413 = arith.constant 5.000000e-01 : f32
      %mul3A_414 = vector.broadcast %mul3A_413 : f32 to vector<16xf32>
      %mul3A_415 = arith.mulf %mul3A_414, %mul3A_388 : vector<16xf32>
      %mul3A_416 = arith.mulf %mul3A_415, %mul3A_412 : vector<16xf32>
      %mul3A_417 = arith.mulf %mul3A_416, %mul3A_412 : vector<16xf32>
      %sub3A_418 = arith.constant 1.500000e+00 : f32
      %sub3A_419 = vector.broadcast %sub3A_418 : f32 to vector<16xf32>
      %sub3A_420 = arith.subf %sub3A_419, %mul3A_417 : vector<16xf32>
      %mul3A_421 = arith.mulf %mul3A_412, %sub3A_420 : vector<16xf32>
      %mul3A_422 = arith.mulf %mul3A_388, %mul3A_421 : vector<16xf32>
      %add3A_423 = arith.addf %max3A_381, %mul3A_422 : vector<16xf32>
      %mul3A_424 = arith.constant 0.135335281 : f32
      %mul3A_425 = vector.broadcast %mul3A_424 : f32 to vector<16xf32>
      %mul3A_426 = arith.mulf %mul3A_425, %add3A_423 : vector<16xf32>
      %add3A_427 = arith.constant 1.000000e+00 : f32
      %add3A_428 = vector.broadcast %add3A_427 : f32 to vector<16xf32>
      %add3A_429 = arith.addf %mul3A_426, %add3A_428 : vector<16xf32>
      %div3A = arith.constant 1.000000e+00 : f32
      %div3A_430 = vector.broadcast %div3A : f32 to vector<16xf32>
      %div3A_431 = arith.divf %div3A_430, %add3A_429 : vector<16xf32>
      %mul3A_432 = arith.constant 16 : i32
      %mul3A_433 = arith.muli %scan3A_184, %mul3A_432 : i32
      %swap3A = arith.index_cast %mul3A_433 : i32 to index
      %swap3A_434 = tpu.vector_load %arg10[%swap3A] {strides = array<i32>} : memref<512xf32, #tpu.memory_space<vmem>>, vector<16xf32>,
      tpu.vector_store %arg10[%swap3A], %div3A_431 {strides = array<i32>} : memref<512xf32, #tpu.memory_space<vmem>>, vector<16xf32>,
    }
    %scan3A_155 = arith.constant 8 : i32
    %dma_wait3A_156 = arith.constant 3 : i32
    %dma_wait3A_157 = arith.constant 384 : i32
    %dma_wait3A_158 = arith.constant 0 : i32
    %dma_wait3A_159 = tpu.memref_slice %arg8[%dma_wait3A_157, %dma_wait3A_158] : memref<512x32xf32, #tpu.memory_space<vmem>> -> memref<128x32xf32, #tpu.memory_space<vmem>>
    %dma_wait3A_160 = arith.constant 0 : i32
    %dma_wait3A_161 = tpu.memref_slice %arg6[%dma_wait3A_156, %dma_wait3A_160] : memref<4x128xi32, #tpu.memory_space<vmem>> -> memref<1x128xi32, #tpu.memory_space<vmem>>
    %dma_wait3A_162 = tpu.memref_squeeze %dma_wait3A_161 : memref<1x128xi32, #tpu.memory_space<vmem>> -> memref<128xi32, #tpu.memory_space<vmem>>
    %dma_wait3A_163 = arith.constant 0 : i32
    %dma_wait3A_164 = arith.constant 0 : i32
    %dma_wait3A_165 = tpu.memref_slice %arg4[%dma_wait3A_163, %dma_wait3A_164] : memref<1000000x32xf32, #tpu.memory_space<hbm>> -> memref<1000000x32xf32, #tpu.memory_space<hbm>>
    tpu.wait_indirect_dma semaphore(%arg14 : memref<!tpu.dma_semaphore, #tpu.memory_space<semaphore_mem>>) src(%dma_wait3A_165 : memref<1000000x32xf32, #tpu.memory_space<hbm>>) dst(%dma_wait3A_159 : memref<128x32xf32, #tpu.memory_space<vmem>>)
    %dma_wait3A_166 = arith.constant 3 : i32
    %dma_wait3A_167 = arith.constant 384 : i32
    %dma_wait3A_168 = arith.constant 0 : i32
    %dma_wait3A_169 = tpu.memref_slice %arg9[%dma_wait3A_167, %dma_wait3A_168] : memref<512x32xf32, #tpu.memory_space<vmem>> -> memref<128x32xf32, #tpu.memory_space<vmem>>
    %dma_wait3A_170 = arith.constant 0 : i32
    %dma_wait3A_171 = tpu.memref_slice %arg7[%dma_wait3A_166, %dma_wait3A_170] : memref<4x128xi32, #tpu.memory_space<vmem>> -> memref<1x128xi32, #tpu.memory_space<vmem>>
    %dma_wait3A_172 = tpu.memref_squeeze %dma_wait3A_171 : memref<1x128xi32, #tpu.memory_space<vmem>> -> memref<128xi32, #tpu.memory_space<vmem>>
    %dma_wait3A_173 = arith.constant 0 : i32
    %dma_wait3A_174 = arith.constant 0 : i32
    %dma_wait3A_175 = tpu.memref_slice %arg4[%dma_wait3A_173, %dma_wait3A_174] : memref<1000000x32xf32, #tpu.memory_space<hbm>> -> memref<1000000x32xf32, #tpu.memory_space<hbm>>
    tpu.wait_indirect_dma semaphore(%arg14 : memref<!tpu.dma_semaphore, #tpu.memory_space<semaphore_mem>>) src(%dma_wait3A_175 : memref<1000000x32xf32, #tpu.memory_space<hbm>>) dst(%dma_wait3A_169 : memref<128x32xf32, #tpu.memory_space<vmem>>)
    %scan3A_176 = arith.constant 0 : i32
    %scan3A_177 = arith.constant 24 : i32
    %scan3A_178 = arith.constant 8 : i32
    %scan3A_179 = arith.addi %scan3A_177, %scan3A_178 : i32
    %scan3A_180 = arith.constant 1 : i32
    scf.for %scan3A_184 = %scan3A_177 to %scan3A_179 step %scan3A_180  : i32 {
      %mul3A_185 = arith.constant 16 : i32
      %mul3A_186 = arith.muli %scan3A_184, %mul3A_185 : i32
      %add3A_187 = vector.broadcast %mul3A_186 : i32 to vector<16xi32>
      %add3A_188 = arith.addi %add3A_187, %iota3A : vector<16xi32>
      %broadcast_in_dim3A = arith.constant 0 : i32
      %broadcast_in_dim3A_189 = vector.broadcast %broadcast_in_dim3A : i32 to vector<16xi32>
      %gather3A = tpu.vector_load_idx %arg8[%add3A_188, %broadcast_in_dim3A_189] : memref<512x32xf32, #tpu.memory_space<vmem>>[vector<16xi32>, vector<16xi32>], vector<16xf32>,
      %gather3A_190 = tpu.vector_load_idx %arg9[%add3A_188, %broadcast_in_dim3A_189] : memref<512x32xf32, #tpu.memory_space<vmem>>[vector<16xi32>, vector<16xi32>], vector<16xf32>,
      %mul3A_191 = arith.mulf %gather3A, %gather3A_190 : vector<16xf32>
      %broadcast_in_dim3A_192 = arith.constant 0.000000e+00 : f32
      %broadcast_in_dim3A_193 = vector.broadcast %broadcast_in_dim3A_192 : f32 to vector<16xf32>
      %broadcast_in_dim3A_194 = arith.constant 1 : i32
      %broadcast_in_dim3A_195 = vector.broadcast %broadcast_in_dim3A_194 : i32 to vector<16xi32>
      %gather3A_196 = tpu.vector_load_idx %arg8[%add3A_188, %broadcast_in_dim3A_195] : memref<512x32xf32, #tpu.memory_space<vmem>>[vector<16xi32>, vector<16xi32>], vector<16xf32>,
      %gather3A_197 = tpu.vector_load_idx %arg9[%add3A_188, %broadcast_in_dim3A_195] : memref<512x32xf32, #tpu.memory_space<vmem>>[vector<16xi32>, vector<16xi32>], vector<16xf32>,
      %mul3A_198 = arith.mulf %gather3A_196, %gather3A_197 : vector<16xf32>
      %add3A_199 = arith.addf %broadcast_in_dim3A_193, %mul3A_198 : vector<16xf32>
      %broadcast_in_dim3A_200 = arith.constant 2 : i32
      %broadcast_in_dim3A_201 = vector.broadcast %broadcast_in_dim3A_200 : i32 to vector<16xi32>
      %gather3A_202 = tpu.vector_load_idx %arg8[%add3A_188, %broadcast_in_dim3A_201] : memref<512x32xf32, #tpu.memory_space<vmem>>[vector<16xi32>, vector<16xi32>], vector<16xf32>,
      %gather3A_203 = tpu.vector_load_idx %arg9[%add3A_188, %broadcast_in_dim3A_201] : memref<512x32xf32, #tpu.memory_space<vmem>>[vector<16xi32>, vector<16xi32>], vector<16xf32>,
      %mul3A_204 = arith.mulf %gather3A_202, %gather3A_203 : vector<16xf32>
      %add3A_205 = arith.addf %add3A_199, %mul3A_204 : vector<16xf32>
      %broadcast_in_dim3A_206 = arith.constant 3 : i32
      %broadcast_in_dim3A_207 = vector.broadcast %broadcast_in_dim3A_206 : i32 to vector<16xi32>
      %gather3A_208 = tpu.vector_load_idx %arg8[%add3A_188, %broadcast_in_dim3A_207] : memref<512x32xf32, #tpu.memory_space<vmem>>[vector<16xi32>, vector<16xi32>], vector<16xf32>,
      %gather3A_209 = tpu.vector_load_idx %arg9[%add3A_188, %broadcast_in_dim3A_207] : memref<512x32xf32, #tpu.memory_space<vmem>>[vector<16xi32>, vector<16xi32>], vector<16xf32>,
      %mul3A_210 = arith.mulf %gather3A_208, %gather3A_209 : vector<16xf32>
      %add3A_211 = arith.addf %add3A_205, %mul3A_210 : vector<16xf32>
      %broadcast_in_dim3A_212 = arith.constant 4 : i32
      %broadcast_in_dim3A_213 = vector.broadcast %broadcast_in_dim3A_212 : i32 to vector<16xi32>
      %gather3A_214 = tpu.vector_load_idx %arg8[%add3A_188, %broadcast_in_dim3A_213] : memref<512x32xf32, #tpu.memory_space<vmem>>[vector<16xi32>, vector<16xi32>], vector<16xf32>,
      %gather3A_215 = tpu.vector_load_idx %arg9[%add3A_188, %broadcast_in_dim3A_213] : memref<512x32xf32, #tpu.memory_space<vmem>>[vector<16xi32>, vector<16xi32>], vector<16xf32>,
      %mul3A_216 = arith.mulf %gather3A_214, %gather3A_215 : vector<16xf32>
      %add3A_217 = arith.addf %add3A_211, %mul3A_216 : vector<16xf32>
      %broadcast_in_dim3A_218 = arith.constant 5 : i32
      %broadcast_in_dim3A_219 = vector.broadcast %broadcast_in_dim3A_218 : i32 to vector<16xi32>
      %gather3A_220 = tpu.vector_load_idx %arg8[%add3A_188, %broadcast_in_dim3A_219] : memref<512x32xf32, #tpu.memory_space<vmem>>[vector<16xi32>, vector<16xi32>], vector<16xf32>,
      %gather3A_221 = tpu.vector_load_idx %arg9[%add3A_188, %broadcast_in_dim3A_219] : memref<512x32xf32, #tpu.memory_space<vmem>>[vector<16xi32>, vector<16xi32>], vector<16xf32>,
      %mul3A_222 = arith.mulf %gather3A_220, %gather3A_221 : vector<16xf32>
      %add3A_223 = arith.addf %add3A_217, %mul3A_222 : vector<16xf32>
      %broadcast_in_dim3A_224 = arith.constant 6 : i32
      %broadcast_in_dim3A_225 = vector.broadcast %broadcast_in_dim3A_224 : i32 to vector<16xi32>
      %gather3A_226 = tpu.vector_load_idx %arg8[%add3A_188, %broadcast_in_dim3A_225] : memref<512x32xf32, #tpu.memory_space<vmem>>[vector<16xi32>, vector<16xi32>], vector<16xf32>,
      %gather3A_227 = tpu.vector_load_idx %arg9[%add3A_188, %broadcast_in_dim3A_225] : memref<512x32xf32, #tpu.memory_space<vmem>>[vector<16xi32>, vector<16xi32>], vector<16xf32>,
      %mul3A_228 = arith.mulf %gather3A_226, %gather3A_227 : vector<16xf32>
      %add3A_229 = arith.addf %add3A_223, %mul3A_228 : vector<16xf32>
      %broadcast_in_dim3A_230 = arith.constant 7 : i32
      %broadcast_in_dim3A_231 = vector.broadcast %broadcast_in_dim3A_230 : i32 to vector<16xi32>
      %gather3A_232 = tpu.vector_load_idx %arg8[%add3A_188, %broadcast_in_dim3A_231] : memref<512x32xf32, #tpu.memory_space<vmem>>[vector<16xi32>, vector<16xi32>], vector<16xf32>,
      %gather3A_233 = tpu.vector_load_idx %arg9[%add3A_188, %broadcast_in_dim3A_231] : memref<512x32xf32, #tpu.memory_space<vmem>>[vector<16xi32>, vector<16xi32>], vector<16xf32>,
      %mul3A_234 = arith.mulf %gather3A_232, %gather3A_233 : vector<16xf32>
      %add3A_235 = arith.addf %add3A_229, %mul3A_234 : vector<16xf32>
      %broadcast_in_dim3A_236 = arith.constant 8 : i32
      %broadcast_in_dim3A_237 = vector.broadcast %broadcast_in_dim3A_236 : i32 to vector<16xi32>
      %gather3A_238 = tpu.vector_load_idx %arg8[%add3A_188, %broadcast_in_dim3A_237] : memref<512x32xf32, #tpu.memory_space<vmem>>[vector<16xi32>, vector<16xi32>], vector<16xf32>,
      %gather3A_239 = tpu.vector_load_idx %arg9[%add3A_188, %broadcast_in_dim3A_237] : memref<512x32xf32, #tpu.memory_space<vmem>>[vector<16xi32>, vector<16xi32>], vector<16xf32>,
      %mul3A_240 = arith.mulf %gather3A_238, %gather3A_239 : vector<16xf32>
      %add3A_241 = arith.addf %add3A_235, %mul3A_240 : vector<16xf32>
      %broadcast_in_dim3A_242 = arith.constant 9 : i32
      %broadcast_in_dim3A_243 = vector.broadcast %broadcast_in_dim3A_242 : i32 to vector<16xi32>
      %gather3A_244 = tpu.vector_load_idx %arg8[%add3A_188, %broadcast_in_dim3A_243] : memref<512x32xf32, #tpu.memory_space<vmem>>[vector<16xi32>, vector<16xi32>], vector<16xf32>,
      %gather3A_245 = tpu.vector_load_idx %arg9[%add3A_188, %broadcast_in_dim3A_243] : memref<512x32xf32, #tpu.memory_space<vmem>>[vector<16xi32>, vector<16xi32>], vector<16xf32>,
      %mul3A_246 = arith.mulf %gather3A_244, %gather3A_245 : vector<16xf32>
      %add3A_247 = arith.addf %add3A_241, %mul3A_246 : vector<16xf32>
      %broadcast_in_dim3A_248 = arith.constant 10 : i32
      %broadcast_in_dim3A_249 = vector.broadcast %broadcast_in_dim3A_248 : i32 to vector<16xi32>
      %gather3A_250 = tpu.vector_load_idx %arg8[%add3A_188, %broadcast_in_dim3A_249] : memref<512x32xf32, #tpu.memory_space<vmem>>[vector<16xi32>, vector<16xi32>], vector<16xf32>,
      %gather3A_251 = tpu.vector_load_idx %arg9[%add3A_188, %broadcast_in_dim3A_249] : memref<512x32xf32, #tpu.memory_space<vmem>>[vector<16xi32>, vector<16xi32>], vector<16xf32>,
      %mul3A_252 = arith.mulf %gather3A_250, %gather3A_251 : vector<16xf32>
      %add3A_253 = arith.addf %add3A_247, %mul3A_252 : vector<16xf32>
      %broadcast_in_dim3A_254 = arith.constant 11 : i32
      %broadcast_in_dim3A_255 = vector.broadcast %broadcast_in_dim3A_254 : i32 to vector<16xi32>
      %gather3A_256 = tpu.vector_load_idx %arg8[%add3A_188, %broadcast_in_dim3A_255] : memref<512x32xf32, #tpu.memory_space<vmem>>[vector<16xi32>, vector<16xi32>], vector<16xf32>,
      %gather3A_257 = tpu.vector_load_idx %arg9[%add3A_188, %broadcast_in_dim3A_255] : memref<512x32xf32, #tpu.memory_space<vmem>>[vector<16xi32>, vector<16xi32>], vector<16xf32>,
      %mul3A_258 = arith.mulf %gather3A_256, %gather3A_257 : vector<16xf32>
      %add3A_259 = arith.addf %add3A_253, %mul3A_258 : vector<16xf32>
      %broadcast_in_dim3A_260 = arith.constant 12 : i32
      %broadcast_in_dim3A_261 = vector.broadcast %broadcast_in_dim3A_260 : i32 to vector<16xi32>
      %gather3A_262 = tpu.vector_load_idx %arg8[%add3A_188, %broadcast_in_dim3A_261] : memref<512x32xf32, #tpu.memory_space<vmem>>[vector<16xi32>, vector<16xi32>], vector<16xf32>,
      %gather3A_263 = tpu.vector_load_idx %arg9[%add3A_188, %broadcast_in_dim3A_261] : memref<512x32xf32, #tpu.memory_space<vmem>>[vector<16xi32>, vector<16xi32>], vector<16xf32>,
      %mul3A_264 = arith.mulf %gather3A_262, %gather3A_263 : vector<16xf32>
      %add3A_265 = arith.addf %add3A_259, %mul3A_264 : vector<16xf32>
      %broadcast_in_dim3A_266 = arith.constant 13 : i32
      %broadcast_in_dim3A_267 = vector.broadcast %broadcast_in_dim3A_266 : i32 to vector<16xi32>
      %gather3A_268 = tpu.vector_load_idx %arg8[%add3A_188, %broadcast_in_dim3A_267] : memref<512x32xf32, #tpu.memory_space<vmem>>[vector<16xi32>, vector<16xi32>], vector<16xf32>,
      %gather3A_269 = tpu.vector_load_idx %arg9[%add3A_188, %broadcast_in_dim3A_267] : memref<512x32xf32, #tpu.memory_space<vmem>>[vector<16xi32>, vector<16xi32>], vector<16xf32>,
      %mul3A_270 = arith.mulf %gather3A_268, %gather3A_269 : vector<16xf32>
      %add3A_271 = arith.addf %add3A_265, %mul3A_270 : vector<16xf32>
      %broadcast_in_dim3A_272 = arith.constant 14 : i32
      %broadcast_in_dim3A_273 = vector.broadcast %broadcast_in_dim3A_272 : i32 to vector<16xi32>
      %gather3A_274 = tpu.vector_load_idx %arg8[%add3A_188, %broadcast_in_dim3A_273] : memref<512x32xf32, #tpu.memory_space<vmem>>[vector<16xi32>, vector<16xi32>], vector<16xf32>,
      %gather3A_275 = tpu.vector_load_idx %arg9[%add3A_188, %broadcast_in_dim3A_273] : memref<512x32xf32, #tpu.memory_space<vmem>>[vector<16xi32>, vector<16xi32>], vector<16xf32>,
      %mul3A_276 = arith.mulf %gather3A_274, %gather3A_275 : vector<16xf32>
      %add3A_277 = arith.addf %add3A_271, %mul3A_276 : vector<16xf32>
      %broadcast_in_dim3A_278 = arith.constant 15 : i32
      %broadcast_in_dim3A_279 = vector.broadcast %broadcast_in_dim3A_278 : i32 to vector<16xi32>
      %gather3A_280 = tpu.vector_load_idx %arg8[%add3A_188, %broadcast_in_dim3A_279] : memref<512x32xf32, #tpu.memory_space<vmem>>[vector<16xi32>, vector<16xi32>], vector<16xf32>,
      %gather3A_281 = tpu.vector_load_idx %arg9[%add3A_188, %broadcast_in_dim3A_279] : memref<512x32xf32, #tpu.memory_space<vmem>>[vector<16xi32>, vector<16xi32>], vector<16xf32>,
      %mul3A_282 = arith.mulf %gather3A_280, %gather3A_281 : vector<16xf32>
      %add3A_283 = arith.addf %add3A_277, %mul3A_282 : vector<16xf32>
      %broadcast_in_dim3A_284 = arith.constant 16 : i32
      %broadcast_in_dim3A_285 = vector.broadcast %broadcast_in_dim3A_284 : i32 to vector<16xi32>
      %gather3A_286 = tpu.vector_load_idx %arg8[%add3A_188, %broadcast_in_dim3A_285] : memref<512x32xf32, #tpu.memory_space<vmem>>[vector<16xi32>, vector<16xi32>], vector<16xf32>,
      %gather3A_287 = tpu.vector_load_idx %arg9[%add3A_188, %broadcast_in_dim3A_285] : memref<512x32xf32, #tpu.memory_space<vmem>>[vector<16xi32>, vector<16xi32>], vector<16xf32>,
      %mul3A_288 = arith.mulf %gather3A_286, %gather3A_287 : vector<16xf32>
      %add3A_289 = arith.addf %add3A_283, %mul3A_288 : vector<16xf32>
      %broadcast_in_dim3A_290 = arith.constant 17 : i32
      %broadcast_in_dim3A_291 = vector.broadcast %broadcast_in_dim3A_290 : i32 to vector<16xi32>
      %gather3A_292 = tpu.vector_load_idx %arg8[%add3A_188, %broadcast_in_dim3A_291] : memref<512x32xf32, #tpu.memory_space<vmem>>[vector<16xi32>, vector<16xi32>], vector<16xf32>,
      %gather3A_293 = tpu.vector_load_idx %arg9[%add3A_188, %broadcast_in_dim3A_291] : memref<512x32xf32, #tpu.memory_space<vmem>>[vector<16xi32>, vector<16xi32>], vector<16xf32>,
      %mul3A_294 = arith.mulf %gather3A_292, %gather3A_293 : vector<16xf32>
      %add3A_295 = arith.addf %add3A_289, %mul3A_294 : vector<16xf32>
      %broadcast_in_dim3A_296 = arith.constant 18 : i32
      %broadcast_in_dim3A_297 = vector.broadcast %broadcast_in_dim3A_296 : i32 to vector<16xi32>
      %gather3A_298 = tpu.vector_load_idx %arg8[%add3A_188, %broadcast_in_dim3A_297] : memref<512x32xf32, #tpu.memory_space<vmem>>[vector<16xi32>, vector<16xi32>], vector<16xf32>,
      %gather3A_299 = tpu.vector_load_idx %arg9[%add3A_188, %broadcast_in_dim3A_297] : memref<512x32xf32, #tpu.memory_space<vmem>>[vector<16xi32>, vector<16xi32>], vector<16xf32>,
      %mul3A_300 = arith.mulf %gather3A_298, %gather3A_299 : vector<16xf32>
      %add3A_301 = arith.addf %add3A_295, %mul3A_300 : vector<16xf32>
      %broadcast_in_dim3A_302 = arith.constant 19 : i32
      %broadcast_in_dim3A_303 = vector.broadcast %broadcast_in_dim3A_302 : i32 to vector<16xi32>
      %gather3A_304 = tpu.vector_load_idx %arg8[%add3A_188, %broadcast_in_dim3A_303] : memref<512x32xf32, #tpu.memory_space<vmem>>[vector<16xi32>, vector<16xi32>], vector<16xf32>,
      %gather3A_305 = tpu.vector_load_idx %arg9[%add3A_188, %broadcast_in_dim3A_303] : memref<512x32xf32, #tpu.memory_space<vmem>>[vector<16xi32>, vector<16xi32>], vector<16xf32>,
      %mul3A_306 = arith.mulf %gather3A_304, %gather3A_305 : vector<16xf32>
      %add3A_307 = arith.addf %add3A_301, %mul3A_306 : vector<16xf32>
      %broadcast_in_dim3A_308 = arith.constant 20 : i32
      %broadcast_in_dim3A_309 = vector.broadcast %broadcast_in_dim3A_308 : i32 to vector<16xi32>
      %gather3A_310 = tpu.vector_load_idx %arg8[%add3A_188, %broadcast_in_dim3A_309] : memref<512x32xf32, #tpu.memory_space<vmem>>[vector<16xi32>, vector<16xi32>], vector<16xf32>,
      %gather3A_311 = tpu.vector_load_idx %arg9[%add3A_188, %broadcast_in_dim3A_309] : memref<512x32xf32, #tpu.memory_space<vmem>>[vector<16xi32>, vector<16xi32>], vector<16xf32>,
      %mul3A_312 = arith.mulf %gather3A_310, %gather3A_311 : vector<16xf32>
      %add3A_313 = arith.addf %add3A_307, %mul3A_312 : vector<16xf32>
      %broadcast_in_dim3A_314 = arith.constant 21 : i32
      %broadcast_in_dim3A_315 = vector.broadcast %broadcast_in_dim3A_314 : i32 to vector<16xi32>
      %gather3A_316 = tpu.vector_load_idx %arg8[%add3A_188, %broadcast_in_dim3A_315] : memref<512x32xf32, #tpu.memory_space<vmem>>[vector<16xi32>, vector<16xi32>], vector<16xf32>,
      %gather3A_317 = tpu.vector_load_idx %arg9[%add3A_188, %broadcast_in_dim3A_315] : memref<512x32xf32, #tpu.memory_space<vmem>>[vector<16xi32>, vector<16xi32>], vector<16xf32>,
      %mul3A_318 = arith.mulf %gather3A_316, %gather3A_317 : vector<16xf32>
      %add3A_319 = arith.addf %add3A_313, %mul3A_318 : vector<16xf32>
      %broadcast_in_dim3A_320 = arith.constant 22 : i32
      %broadcast_in_dim3A_321 = vector.broadcast %broadcast_in_dim3A_320 : i32 to vector<16xi32>
      %gather3A_322 = tpu.vector_load_idx %arg8[%add3A_188, %broadcast_in_dim3A_321] : memref<512x32xf32, #tpu.memory_space<vmem>>[vector<16xi32>, vector<16xi32>], vector<16xf32>,
      %gather3A_323 = tpu.vector_load_idx %arg9[%add3A_188, %broadcast_in_dim3A_321] : memref<512x32xf32, #tpu.memory_space<vmem>>[vector<16xi32>, vector<16xi32>], vector<16xf32>,
      %mul3A_324 = arith.mulf %gather3A_322, %gather3A_323 : vector<16xf32>
      %add3A_325 = arith.addf %add3A_319, %mul3A_324 : vector<16xf32>
      %broadcast_in_dim3A_326 = arith.constant 23 : i32
      %broadcast_in_dim3A_327 = vector.broadcast %broadcast_in_dim3A_326 : i32 to vector<16xi32>
      %gather3A_328 = tpu.vector_load_idx %arg8[%add3A_188, %broadcast_in_dim3A_327] : memref<512x32xf32, #tpu.memory_space<vmem>>[vector<16xi32>, vector<16xi32>], vector<16xf32>,
      %gather3A_329 = tpu.vector_load_idx %arg9[%add3A_188, %broadcast_in_dim3A_327] : memref<512x32xf32, #tpu.memory_space<vmem>>[vector<16xi32>, vector<16xi32>], vector<16xf32>,
      %mul3A_330 = arith.mulf %gather3A_328, %gather3A_329 : vector<16xf32>
      %add3A_331 = arith.addf %add3A_325, %mul3A_330 : vector<16xf32>
      %broadcast_in_dim3A_332 = arith.constant 24 : i32
      %broadcast_in_dim3A_333 = vector.broadcast %broadcast_in_dim3A_332 : i32 to vector<16xi32>
      %gather3A_334 = tpu.vector_load_idx %arg8[%add3A_188, %broadcast_in_dim3A_333] : memref<512x32xf32, #tpu.memory_space<vmem>>[vector<16xi32>, vector<16xi32>], vector<16xf32>,
      %gather3A_335 = tpu.vector_load_idx %arg9[%add3A_188, %broadcast_in_dim3A_333] : memref<512x32xf32, #tpu.memory_space<vmem>>[vector<16xi32>, vector<16xi32>], vector<16xf32>,
      %mul3A_336 = arith.mulf %gather3A_334, %gather3A_335 : vector<16xf32>
      %add3A_337 = arith.addf %add3A_331, %mul3A_336 : vector<16xf32>
      %broadcast_in_dim3A_338 = arith.constant 25 : i32
      %broadcast_in_dim3A_339 = vector.broadcast %broadcast_in_dim3A_338 : i32 to vector<16xi32>
      %gather3A_340 = tpu.vector_load_idx %arg8[%add3A_188, %broadcast_in_dim3A_339] : memref<512x32xf32, #tpu.memory_space<vmem>>[vector<16xi32>, vector<16xi32>], vector<16xf32>,
      %gather3A_341 = tpu.vector_load_idx %arg9[%add3A_188, %broadcast_in_dim3A_339] : memref<512x32xf32, #tpu.memory_space<vmem>>[vector<16xi32>, vector<16xi32>], vector<16xf32>,
      %mul3A_342 = arith.mulf %gather3A_340, %gather3A_341 : vector<16xf32>
      %add3A_343 = arith.addf %add3A_337, %mul3A_342 : vector<16xf32>
      %broadcast_in_dim3A_344 = arith.constant 26 : i32
      %broadcast_in_dim3A_345 = vector.broadcast %broadcast_in_dim3A_344 : i32 to vector<16xi32>
      %gather3A_346 = tpu.vector_load_idx %arg8[%add3A_188, %broadcast_in_dim3A_345] : memref<512x32xf32, #tpu.memory_space<vmem>>[vector<16xi32>, vector<16xi32>], vector<16xf32>,
      %gather3A_347 = tpu.vector_load_idx %arg9[%add3A_188, %broadcast_in_dim3A_345] : memref<512x32xf32, #tpu.memory_space<vmem>>[vector<16xi32>, vector<16xi32>], vector<16xf32>,
      %mul3A_348 = arith.mulf %gather3A_346, %gather3A_347 : vector<16xf32>
      %add3A_349 = arith.addf %add3A_343, %mul3A_348 : vector<16xf32>
      %broadcast_in_dim3A_350 = arith.constant 27 : i32
      %broadcast_in_dim3A_351 = vector.broadcast %broadcast_in_dim3A_350 : i32 to vector<16xi32>
      %gather3A_352 = tpu.vector_load_idx %arg8[%add3A_188, %broadcast_in_dim3A_351] : memref<512x32xf32, #tpu.memory_space<vmem>>[vector<16xi32>, vector<16xi32>], vector<16xf32>,
      %gather3A_353 = tpu.vector_load_idx %arg9[%add3A_188, %broadcast_in_dim3A_351] : memref<512x32xf32, #tpu.memory_space<vmem>>[vector<16xi32>, vector<16xi32>], vector<16xf32>,
      %mul3A_354 = arith.mulf %gather3A_352, %gather3A_353 : vector<16xf32>
      %add3A_355 = arith.addf %add3A_349, %mul3A_354 : vector<16xf32>
      %broadcast_in_dim3A_356 = arith.constant 28 : i32
      %broadcast_in_dim3A_357 = vector.broadcast %broadcast_in_dim3A_356 : i32 to vector<16xi32>
      %gather3A_358 = tpu.vector_load_idx %arg8[%add3A_188, %broadcast_in_dim3A_357] : memref<512x32xf32, #tpu.memory_space<vmem>>[vector<16xi32>, vector<16xi32>], vector<16xf32>,
      %gather3A_359 = tpu.vector_load_idx %arg9[%add3A_188, %broadcast_in_dim3A_357] : memref<512x32xf32, #tpu.memory_space<vmem>>[vector<16xi32>, vector<16xi32>], vector<16xf32>,
      %mul3A_360 = arith.mulf %gather3A_358, %gather3A_359 : vector<16xf32>
      %add3A_361 = arith.addf %add3A_355, %mul3A_360 : vector<16xf32>
      %broadcast_in_dim3A_362 = arith.constant 29 : i32
      %broadcast_in_dim3A_363 = vector.broadcast %broadcast_in_dim3A_362 : i32 to vector<16xi32>
      %gather3A_364 = tpu.vector_load_idx %arg8[%add3A_188, %broadcast_in_dim3A_363] : memref<512x32xf32, #tpu.memory_space<vmem>>[vector<16xi32>, vector<16xi32>], vector<16xf32>,
      %gather3A_365 = tpu.vector_load_idx %arg9[%add3A_188, %broadcast_in_dim3A_363] : memref<512x32xf32, #tpu.memory_space<vmem>>[vector<16xi32>, vector<16xi32>], vector<16xf32>,
      %mul3A_366 = arith.mulf %gather3A_364, %gather3A_365 : vector<16xf32>
      %add3A_367 = arith.addf %add3A_361, %mul3A_366 : vector<16xf32>
      %broadcast_in_dim3A_368 = arith.constant 30 : i32
      %broadcast_in_dim3A_369 = vector.broadcast %broadcast_in_dim3A_368 : i32 to vector<16xi32>
      %gather3A_370 = tpu.vector_load_idx %arg8[%add3A_188, %broadcast_in_dim3A_369] : memref<512x32xf32, #tpu.memory_space<vmem>>[vector<16xi32>, vector<16xi32>], vector<16xf32>,
      %gather3A_371 = tpu.vector_load_idx %arg9[%add3A_188, %broadcast_in_dim3A_369] : memref<512x32xf32, #tpu.memory_space<vmem>>[vector<16xi32>, vector<16xi32>], vector<16xf32>,
      %mul3A_372 = arith.mulf %gather3A_370, %gather3A_371 : vector<16xf32>
      %add3A_373 = arith.addf %add3A_367, %mul3A_372 : vector<16xf32>
      %broadcast_in_dim3A_374 = arith.constant 31 : i32
      %broadcast_in_dim3A_375 = vector.broadcast %broadcast_in_dim3A_374 : i32 to vector<16xi32>
      %gather3A_376 = tpu.vector_load_idx %arg8[%add3A_188, %broadcast_in_dim3A_375] : memref<512x32xf32, #tpu.memory_space<vmem>>[vector<16xi32>, vector<16xi32>], vector<16xf32>,
      %gather3A_377 = tpu.vector_load_idx %arg9[%add3A_188, %broadcast_in_dim3A_375] : memref<512x32xf32, #tpu.memory_space<vmem>>[vector<16xi32>, vector<16xi32>], vector<16xf32>,
      %mul3A_378 = arith.mulf %gather3A_376, %gather3A_377 : vector<16xf32>
      %add3A_379 = arith.addf %add3A_373, %mul3A_378 : vector<16xf32>
      %sub3A = arith.subf %mul3A_191, %add3A_379 : vector<16xf32>
      %max3A = arith.constant 1.00000012 : f32
      %max3A_380 = vector.broadcast %max3A : f32 to vector<16xf32>
      %max3A_381 = arith.maximumf %sub3A, %max3A_380 : vector<16xf32>
      %sub3A_382 = arith.constant 1.000000e+00 : f32
      %sub3A_383 = vector.broadcast %sub3A_382 : f32 to vector<16xf32>
      %sub3A_384 = arith.subf %max3A_381, %sub3A_383 : vector<16xf32>
      %add3A_385 = arith.constant 1.000000e+00 : f32
      %add3A_386 = vector.broadcast %add3A_385 : f32 to vector<16xf32>
      %add3A_387 = arith.addf %max3A_381, %add3A_386 : vector<16xf32>
      %mul3A_388 = arith.mulf %sub3A_384, %add3A_387 : vector<16xf32>
      %bitcast3A = vector.bitcast %mul3A_388 : vector<16xf32> to vector<16xi32>
      %shift_right_arithmetic3A = arith.constant 1 : i32
      %shift_right_arithmetic3A_389 = vector.broadcast %shift_right_arithmetic3A : i32 to vector<16xi32>
      %shift_right_arithmetic3A_390 = arith.shrsi %bitcast3A, %shift_right_arithmetic3A_389 : vector<16xi32>
      %sub3A_391 = arith.constant 1597463007 : i32
      %sub3A_392 = vector.broadcast %sub3A_391 : i32 to vector<16xi32>
      %sub3A_393 = arith.subi %sub3A_392, %shift_right_arithmetic3A_390 : vector<16xi32>
      %bitcast3A_394 = vector.bitcast %sub3A_393 : vector<16xi32> to vector<16xf32>
      %mul3A_395 = arith.constant 5.000000e-01 : f32
      %mul3A_396 = vector.broadcast %mul3A_395 : f32 to vector<16xf32>
      %mul3A_397 = arith.mulf %mul3A_396, %mul3A_388 : vector<16xf32>
      %mul3A_398 = arith.mulf %mul3A_397, %bitcast3A_394 : vector<16xf32>
      %mul3A_399 = arith.mulf %mul3A_398, %bitcast3A_394 : vector<16xf32>
      %sub3A_400 = arith.constant 1.500000e+00 : f32
      %sub3A_401 = vector.broadcast %sub3A_400 : f32 to vector<16xf32>
      %sub3A_402 = arith.subf %sub3A_401, %mul3A_399 : vector<16xf32>
      %mul3A_403 = arith.mulf %bitcast3A_394, %sub3A_402 : vector<16xf32>
      %mul3A_404 = arith.constant 5.000000e-01 : f32
      %mul3A_405 = vector.broadcast %mul3A_404 : f32 to vector<16xf32>
      %mul3A_406 = arith.mulf %mul3A_405, %mul3A_388 : vector<16xf32>
      %mul3A_407 = arith.mulf %mul3A_406, %mul3A_403 : vector<16xf32>
      %mul3A_408 = arith.mulf %mul3A_407, %mul3A_403 : vector<16xf32>
      %sub3A_409 = arith.constant 1.500000e+00 : f32
      %sub3A_410 = vector.broadcast %sub3A_409 : f32 to vector<16xf32>
      %sub3A_411 = arith.subf %sub3A_410, %mul3A_408 : vector<16xf32>
      %mul3A_412 = arith.mulf %mul3A_403, %sub3A_411 : vector<16xf32>
      %mul3A_413 = arith.constant 5.000000e-01 : f32
      %mul3A_414 = vector.broadcast %mul3A_413 : f32 to vector<16xf32>
      %mul3A_415 = arith.mulf %mul3A_414, %mul3A_388 : vector<16xf32>
      %mul3A_416 = arith.mulf %mul3A_415, %mul3A_412 : vector<16xf32>
      %mul3A_417 = arith.mulf %mul3A_416, %mul3A_412 : vector<16xf32>
      %sub3A_418 = arith.constant 1.500000e+00 : f32
      %sub3A_419 = vector.broadcast %sub3A_418 : f32 to vector<16xf32>
      %sub3A_420 = arith.subf %sub3A_419, %mul3A_417 : vector<16xf32>
      %mul3A_421 = arith.mulf %mul3A_412, %sub3A_420 : vector<16xf32>
      %mul3A_422 = arith.mulf %mul3A_388, %mul3A_421 : vector<16xf32>
      %add3A_423 = arith.addf %max3A_381, %mul3A_422 : vector<16xf32>
      %mul3A_424 = arith.constant 0.135335281 : f32
      %mul3A_425 = vector.broadcast %mul3A_424 : f32 to vector<16xf32>
      %mul3A_426 = arith.mulf %mul3A_425, %add3A_423 : vector<16xf32>
      %add3A_427 = arith.constant 1.000000e+00 : f32
      %add3A_428 = vector.broadcast %add3A_427 : f32 to vector<16xf32>
      %add3A_429 = arith.addf %mul3A_426, %add3A_428 : vector<16xf32>
      %div3A = arith.constant 1.000000e+00 : f32
      %div3A_430 = vector.broadcast %div3A : f32 to vector<16xf32>
      %div3A_431 = arith.divf %div3A_430, %add3A_429 : vector<16xf32>
      %mul3A_432 = arith.constant 16 : i32
      %mul3A_433 = arith.muli %scan3A_184, %mul3A_432 : i32
      %swap3A = arith.index_cast %mul3A_433 : i32 to index
      %swap3A_434 = tpu.vector_load %arg10[%swap3A] {strides = array<i32>} : memref<512xf32, #tpu.memory_space<vmem>>, vector<16xf32>,
      tpu.vector_store %arg10[%swap3A], %div3A_431 {strides = array<i32>} : memref<512xf32, #tpu.memory_space<vmem>>, vector<16xf32>,
    }
    %scan3A_181 = arith.constant 8 : i32
    %mul3A_182 = arith.constant 512 : i32
    %mul3A_183 = arith.muli %add3A, %mul3A_182 : i32
    "tpu.region"() ({
      %run_scoped3A = tpu.sem_alloc : memref<!tpu.dma_semaphore, #tpu.memory_space<semaphore_mem>>
      %dma_start3A_184 = tpu.memref_slice %arg5[%mul3A_183] : memref<16384xf32, #tpu.memory_space<hbm>> -> memref<512xf32, #tpu.memory_space<hbm>>
      %dma_start3A_185 = tpu.memref_slice %arg5[%mul3A_183] : memref<16384xf32, #tpu.memory_space<hbm>> -> memref<512xf32, #tpu.memory_space<hbm>>
      tpu.enqueue_dma source(%arg10 : memref<512xf32, #tpu.memory_space<vmem>>) target(%dma_start3A_185 : memref<512xf32, #tpu.memory_space<hbm>>) target_semaphore(%run_scoped3A : memref<!tpu.dma_semaphore, #tpu.memory_space<semaphore_mem>>)
      %dma_wait3A_186 = tpu.memref_slice %arg5[%mul3A_183] : memref<16384xf32, #tpu.memory_space<hbm>> -> memref<512xf32, #tpu.memory_space<hbm>>
      %dma_wait3A_187 = tpu.memref_slice %arg5[%mul3A_183] : memref<16384xf32, #tpu.memory_space<hbm>> -> memref<512xf32, #tpu.memory_space<hbm>>
      tpu.wait_dma2 semaphore(%run_scoped3A : memref<!tpu.dma_semaphore, #tpu.memory_space<semaphore_mem>>) src(%arg10 : memref<512xf32, #tpu.memory_space<vmem>>) dst(%dma_wait3A_187 : memref<512xf32, #tpu.memory_space<hbm>>)
      tpu.yield
    }) : () -> ()
    return
  }
}

</mosaic_0001>

<sc_bundles>
// kernel: kernel.3.cloned.1.call-start
scs
__scs_entry_jumppad:
0x0: {  	(pc) =	sbr.rel $0x88, $3  }
0x1: {  	(tag) =	ssettag $0x0;
	lr =	simm.s32 $0x1  }
0x2: {  	[smem:$0x3F9E] =	sst lr;
	_ =	strace $0xD0000000  }
0x3: {  	_ = 	snop  }
0x4: {  	_ = 	snop  }
0x5: {  	_ = 	snop  }
0x6: {  	_ = 	snop  }
0x7: {  	_ = 	snop  }
__scs_overlays_trampoline_lowered:
0x8: {  	[smem:$0x3FAD] =	sst s0  }
0x9: {  	[smem:$0x3FAE] =	sst s1  }
0xa: {  	[smem:$0x3FAF] =	sst s2  }
0xb: {  	[smem:$0x3FB0] =	sst s3  }
0xc: {  	[smem:$0x3FB1] =	sst s4  }
0xd: {  	[smem:$0x3FB2] =	sst s5  }
0xe: {  	[smem:$0x3FB3] =	sst s6  }
0xf: {  	[smem:$0x3FB4] =	sst s7  }
0x10: {  	[smem:$0x3FB5] =	sst s8  }
0x11: {  	[smem:$0x3FB6] =	sst s9;
	s0 =	simm.s32 @!p0 $0x0  }
0x12: {  	s1 =	sld [smem:$0x3F9C];
	s0 =	simm.s32 @p0 $0x1  }
0x13: {  	[smem:$0x3FB7] =	sst s0;
	s0 =	simm.s32 @!p1 $0x0  }
0x14: {  	s2 =	sld [smem:$0x3F9B];
	s0 =	simm.s32 @p1 $0x1  }
0x15: {  	[smem:$0x3FB8] =	sst s0;
	s0 =	simm.s32 @!p2 $0x0  }
0x16: {  	s3 =	sld [smem:$0x3FDB];
	s0 =	simm.s32 @p2 $0x1  }
0x17: {  	s4 =	simm.s32 $0x1BF5;
	[smem:$0x3FBA] =	sst s0  }
0x18: {  	s0 =	sld [smem:$0x3F9D];
	_ =	swait.ge [sflag:s4], $0x0  }
0x19: {  	s7 =	sld [smem:$0x3F9E]  }
0x1a: {  	s8 =	sadd.s32 $0xFFFFE003, lr  }
0x1b: {  	s9 =	sadd.s32 $0xFFFFFEF7, lr;
	s5 =	simm.s32 $0xFFFFFFFF;
	p2 =	slt.u32 s8, $0xFFFFF086  }
0x1c: {  	p1 =	slt.u32 s9, $0xF7A;
	s5 =	simm.s32 @!p2 $0x0  }
0x1d: {  	s5 =	simm.s32 @p1 $0x1;
	p0 =	seq.s32 s7, s2  }
0x1e: {  	s7 =	smul.u32 @!p0 $0xF7A, s2;
	p2 =	seq.s32 @!p0 s5, $0x0  }
0x1f: {  	s9 =	smul.u32 $0xF7A, s1;
	s8 =	simm.s32 @!p0 $0x1BF5;
	p2 =	por !p2, p0  }
0x20: {  	[sflag:s8] =	ssyncset.s32 @!p0 $0xFFFFF086;
	s6 =	sadd.s32 @!p0 s3, s7;
	s7 =	simm.s32 @!p0 $0x108  }
0x21: {  	s3 =	sadd.s32 s3, s9;
	s6 =	sadd.s32 @!p0 $0x88, s6;
	s7 =	simm.s32 @p2 $0x1082  }
0x22: {  	[simem:s7], [sflag:s8] =	dma.local @!p0 [hbm:s6], $0xF7A  }
0x23: {  	s9 =	sor.u32 $0xD0000000, s2;
	s6 =	simm.s32 $0x108;
	_ =	swait.ge @!p0 [sflag:s8], $0x0  }
0x24: {  	s3 =	sadd.s32 $0x88, s3;
	s6 =	simm.s32 @!p1 $0x1082;
	[sflag:s4] =	ssyncset.s32 $0xFFFFF086  }
0x25: {  	[simem:s6], [sflag:s4] =	dma.local [hbm:s3], $0xF7A  }
0x26: {  	[smem:$0x3F9E] =	sst s1;
	(tag) =	ssettag s2;
	_ =	strace s9  }
0x27: {  	s1 =	sld [smem:$0x3FAE]  }
0x28: {  	s2 =	sld [smem:$0x3FAF]  }
0x29: {  	s4 =	sld [smem:$0x3FB1]  }
0x2a: {  	p0 =	seq.s32 s5, $0x0;
	s5 =	sld [smem:$0x3FB2]  }
0x2b: {  	s6 =	sld [smem:$0x3FB3]  }
0x2c: {  	s7 =	sld [smem:$0x3FB4]  }
0x2d: {  	s3 =	simm.s32 $0x108;
	s8 =	sld [smem:$0x3FB5]  }
0x2e: {  	s3 =	simm.s32 @!p0 $0x1082;
	s9 =	sld [smem:$0x3FB6]  }
0x2f: {  	lr =	sadd.s32 s0, s3;
	s0 =	sld [smem:$0x3FAD]  }
0x30: {  	s3 =	sld [smem:$0x3FB0]  }
0x31: {  	[smem:$0x3FB9] =	sst s10  }
0x32: {  	s10 =	sld [smem:$0x3FB7];
	_ =	sdelay $0x3  }
0x33: {  	p0 =	seq.s32 s10, $0x1;
	s10 =	sld [smem:$0x3FB9];
	_ =	sdelay $0x3  }
0x34: {  	[smem:$0x3FB9] =	sst s10  }
0x35: {  	s10 =	sld [smem:$0x3FB8];
	_ =	sdelay $0x3  }
0x36: {  	p1 =	seq.s32 s10, $0x1;
	s10 =	sld [smem:$0x3FB9];
	_ =	sdelay $0x3  }
0x37: {  	[smem:$0x3FB9] =	sst s10  }
0x38: {  	s10 =	sld [smem:$0x3FBA]  }
0x39: {  	_ = 	snop;
	(pc) =	sbr.ind lr, $3  }
0x3a: {  	_ = 	snop  }
0x3b: {  	_ = 	snop  }
0x3c: {  	p2 =	seq.s32 s10, $0x1;
	s10 =	sld [smem:$0x3FB9]  }
0x3d: {  	_ =	shalt  }
0x3e: {  	_ =	shalt  }
0x3f: {  	_ =	shalt  }
0x40: {  	_ =	shalt  }
0x41: {  	_ =	shalt  }
0x42: {  	_ =	shalt  }
0x43: {  	_ =	shalt  }
0x44: {  	_ =	shalt  }
0x45: {  	_ =	shalt  }
0x46: {  	_ =	shalt  }
0x47: {  	_ =	shalt  }
0x48: {  	_ =	shalt  }
0x49: {  	_ =	shalt  }
0x4a: {  	_ =	shalt  }
0x4b: {  	_ =	shalt  }
0x4c: {  	_ =	shalt  }
0x4d: {  	_ =	shalt  }
0x4e: {  	_ =	shalt  }
0x4f: {  	_ =	shalt  }
0x50: {  	_ =	shalt  }
0x51: {  	_ =	shalt  }
0x52: {  	_ =	shalt  }
0x53: {  	_ =	shalt  }
0x54: {  	_ =	shalt  }
0x55: {  	_ =	shalt  }
0x56: {  	_ =	shalt  }
0x57: {  	_ =	shalt  }
0x58: {  	_ =	shalt  }
0x59: {  	_ =	shalt  }
0x5a: {  	_ =	shalt  }
0x5b: {  	_ =	shalt  }
0x5c: {  	_ =	shalt  }
0x5d: {  	_ =	shalt  }
0x5e: {  	_ =	shalt  }
0x5f: {  	_ =	shalt  }
0x60: {  	_ =	shalt  }
0x61: {  	_ =	shalt  }
0x62: {  	_ =	shalt  }
0x63: {  	_ =	shalt  }
0x64: {  	_ =	shalt  }
0x65: {  	_ =	shalt  }
0x66: {  	_ =	shalt  }
0x67: {  	_ =	shalt  }
0x68: {  	_ =	shalt  }
0x69: {  	_ =	shalt  }
0x6a: {  	_ =	shalt  }
0x6b: {  	_ =	shalt  }
0x6c: {  	_ =	shalt  }
0x6d: {  	_ =	shalt  }
0x6e: {  	_ =	shalt  }
0x6f: {  	_ =	shalt  }
0x70: {  	_ =	shalt  }
0x71: {  	_ =	shalt  }
0x72: {  	_ =	shalt  }
0x73: {  	_ =	shalt  }
0x74: {  	_ =	shalt  }
0x75: {  	_ =	shalt  }
0x76: {  	_ =	shalt  }
0x77: {  	_ =	shalt  }
0x78: {  	_ =	shalt  }
0x79: {  	_ =	shalt  }
0x7a: {  	_ =	shalt  }
0x7b: {  	_ =	shalt  }
0x7c: {  	_ =	shalt  }
0x7d: {  	_ =	shalt  }
0x7e: {  	_ =	shalt  }
0x7f: {  	_ =	shalt  }
0x80: {  	_ =	shalt  }
0x81: {  	_ =	shalt  }
0x82: {  	_ =	shalt  }
0x83: {  	_ =	shalt  }
0x84: {  	_ =	shalt  }
0x85: {  	_ =	shalt  }
0x86: {  	_ =	shalt  }
0x87: {  	_ =	shalt  }
.Lfunc_end0:
.L_simem_size_0:
called_computation_lowered:
.L_overlay_start_0:
0x88: {  	s2 =	sld [smem:$0x3FD9]  }
0x89: {  	s3 =	sld [smem:$0x3FFE];
	_ =	sdelay $0x1  }
0x8a: {  	s1 =	srdreg.scid  }
0x8b: {  	s0 =	sand.u32 $0x1, s1  }
0x8c: {  	s17 =	sshll.u32 s0, $0xA;
	s2 =	sadd.s32 s3, s2  }
0x8d: {  	s2 =	sadd.s32 s2, s17  }
0x8e: {  	[smem:$0x3FC5] =	sst s2  }
0x8f: {  	_ = 	snop  }
0x90: {  	s2 =	sld [smem:$0x3FC9]  }
0x91: {  	s18 =	sld [smem:$0x3FC8]  }
0x92: {  	s4 =	sld [smem:$0x3FD0];
	(tm) =	ssettm $0x1  }
0x93: {  	s5 =	sld [smem:$0x3FFB];
	_ =	sdelay $0x3  }
0x94: {  	_ =	strace s5  }
0x95: {  	s5 =	sld [smem:$0x3FFC];
	_ =	sdelay $0x3  }
0x96: {  	_ =	strace s5  }
0x97: {  	s5 =	sld [smem:$0x3FFD];
	_ =	sdelay $0x3  }
0x98: {  	_ =	strace s5  }
0x99: {  	_ =	strace $0x8FFFFFFF  }
0x9a: {  	s19 =	sld [smem:$0x3FDB];
	_ =	sdelay $0x1  }
0x9b: {  	s6 =	simm.s32 $_scs_section_size  }
0x9c: {  	s7 =	simm.s32 $_size__tile_overlayer_lowered;
	s8 =	simm.s32 $_tile_overlayer_lowered  }
0x9d: {  	s22 =	simm.s32 $0x1BFF;
	s21 =	sshll.u32 s8, $0x1;
	s5 =	sadd.s32 s6, s19  }
0x9e: {  	s9 =	simm.s32 $0x0;
	s20 =	sshll.u32 s7, $0x1;
	s7 =	sadd.s32 s21, s5  }
0x9f: {  	[timem:s9], [sflag:s22] =	dma.local [hbm:s7], s20  }
0xa0: {  	_ =	swait.ge [sflag:s22], s20  }
0xa1: {  	s6 =	ssub.s32 $0x0, s20;
	[sflag:s22] =	ssyncset.done $0x0  }
0xa2: {  	[sflag:s22] =	ssyncadd.s32 s6;
	_ =	sdelay $0x1  }
0xa3: {  	s23 =	simm.s32 $0x1B8B  }
0xa4: {  	_ =	swait.ge [sflag:s23], $0x1  }
0xa5: {  	[sflag:s23] =	ssyncset.done $0x0  }
0xa6: {  	s25 =	simm.s32 $0x1B8E;
	s24 =	sld [smem:$0x3FFE];
	[sflag:s23] =	ssyncadd.s32 $0xFFFFFFFF  }
0xa7: {  	s26 =	simm.s32 $execute0_lowered;
	[smem:$0x3FD2] =	sst s25  }
0xa8: {  	s7 =	sshll.u32 s26, $0x1;
	_ =	strace $0x80000046;
	[dreg:$0x1] =	wrdreg $0xFFFFFFFF  }
0xa9: {  	s28 =	simm.s32 $_size_execute0_lowered;
	s5 =	sadd.s32 s5, s7;
	[dreg:$0x0] =	wrdreg $0x0  }
0xaa: {  	s7 =	sshll.u32 s28, $0x1;
	[dreg:$0x2] =	wrdreg s5  }
0xab: {  	[dreg:$0x3] =	wrdreg s7  }
0xac: {  	[dreg:$0x4] =	wrdreg $0xC0  }
0xad: {  	_ =	task [dreg:s9], $0x5FFFF  }
0xae: {  	[dreg:$0x1] =	wrdreg $0xFFFFFFFF  }
0xaf: {  	[dreg:$0x0] =	wrdreg $0x60  }
0xb0: {  	[dreg:$0x2] =	wrdreg s2  }
0xb1: {  	[dreg:$0x3] =	wrdreg s18  }
0xb2: {  	[dreg:$0x4] =	wrdreg s24  }
0xb3: {  	[dreg:$0x5] =	wrdreg s4  }
0xb4: {  	[dreg:$0x6] =	wrdreg $0x9  }
0xb5: {  	_ =	task.clear_ibuf [dreg:s9], $0x7FFFF;
	_ =	strace $0x90000046  }
0xb6: {  	s29 =	simm.s32 $0x9;
	_ =	strace $0x80000048  }
0xb7: {  	_ =	swait.ge [sflag:s29], $0x1  }
0xb8: {  	[sflag:s29] =	ssyncadd.s32 $0xFFFFFFFF  }
0xb9: {  	_ =	strace $0x90000048  }
0xba: {  	_ =	sfence  }
0xbb: {  	s30 =	sld [smem:$0x0];
	_ =	sdelay $0x2  }
0xbc: {  	s31 =	sshll.u32 s1, $0xD;
	s1 =	sshrl.u32 s1, $0x2  }
0xbd: {  	s3 =	sand.u32 $0x4000, s31;
	s1 =	sadd.s32 s1, s30  }
0xbe: {  	s0 =	sor.u32 s3, s0;
	s1 =	sshll.u32 s1, $0x11  }
0xbf: {  	s0 =	sor.u32 s1, s0  }
0xc0: {  	s0 =	sadd.s32 $0x8F2B, s0  }
0xc1: {  	[sflag:s0] =	ssyncadd.remote.s32 $0x1  }
0xc2: {  	_ =	sfence.sel $0xFFFF  }
0xc3: {  	[dreg:$0x0] =	wrdreg $0xFFFFFFFF;
	(pc) =	sbr.abs _section_cstart, $3  }
0xc4: {  	[dreg:$0x1] =	wrdreg $0xFFFFFFFF  }
0xc5: {  	_ =	task.clear_ibuf [dreg:s9], $0x2FFFF;
	_ =	strace $0x9FFFFFFF  }
0xc6: {  	(tm) =	ssettm $0x7FFFFFFF  }
0xc7: {  	_ =	shalt  }
tec
execute0_lowered:
.L_overlay_start_1:
0x0: {  	(tag) =	ssettag $0x1  }
0x1: {  	s0 =	rddreg [dreg:$0x0]  }
0x2: {  	s5 =	rddreg [dreg:$0x1]  }
0x3: {  	s3 =	rddreg [dreg:$0x2]  }
0x4: {  	s6 =	rddreg [dreg:$0x3]  }
0x5: {  	s2 =	simm.s32 $0x0;
	s4 =	srdreg.scid;
	s1 =	stileid.u32  }
0x6: {  	s10 =	simm.s32 $0x80;
	s11 =	simm.s32 $0x400;
	s12 =	simm.s32 $0x4400  }
0x7: {  	s13 =	simm.s32 $0x1400;
	s14 =	simm.s32 $0x280;
	s15 =	simm.s32 $0x5400  }
0x8: {  	s16 =	simm.s32 $0x100;
	s17 =	simm.s32 $0x2400;
	s18 =	simm.s32 $0x300  }
0x9: {  	s19 =	simm.s32 $0x6400;
	s20 =	simm.s32 $0x180;
	s21 =	simm.s32 $0x3400  }
0xa: {  	s22 =	simm.s32 $0x380;
	s23 =	simm.s32 $0x7400;
	s24 =	simm.s32 $0x1  }
0xb: {  	s25 =	simm.s32 $0x2;
	s26 =	simm.s32 $0x3;
	s28 =	simm.s32 $0x4  }
0xc: {  	s29 =	simm.s32 $0x8400;
	s30 =	simm.s32 $0x0;
	s4 =	sand.u32 $0x1, s4  }
0xd: {  	[smem:$0x7FF] =	sst s2;
	s8 =	sshll.u32 s1, $0x7;
	s7 =	ssub.s32 $0x2, s4  }
0xe: {  	s3 =	sadd.s32 $0xF42800, s3;
	s4 =	sshll.u32 s4, $0x6;
	s9 =	sshrl.u32 s7, $0x1  }
0xf: {  	v0 =	vlaneseq.u32;
	_ =	strace $0x80000047;
	s8 =	sor.u32 s4, s8;
	s7 =	ssub.s32 s7, s9  }
0x10: {  	v0 =	vmul.u32 $0x20, v0;
	s4 =	sadd.s32 s0, s8;
	s5 =	sadd.s32 s5, s8;
	s6 =	sadd.s32 s6, s8  }
0x11: {  	s8 =	simm.s32 $0x5;
	s9 =	simm.s32 $0x200;
	s7 =	smax.u32 s7, $0x1  }
.LBB2_1:
0x12: {  	[tilespmem:s2], [sflag:$0x5] =	stream.linear.gather [hbm4b:s4+s2], $0x200, $0x38;
	[tilespmem:$0x8600] =	vst v63  }
0x13: {  	_ =	swait.ge [sflag:s8], $0x200  }
0x14: {  	[sflag:s8] =	ssyncset.done $0x0  }
0x15: {  	[sflag:s8] =	ssyncadd.s32 $0xFFFFFE00  }
0x16: {  	[tilespmem:s9], [sflag:$0x5] =	stream.linear.gather [hbm4b:s5+s2], $0x200, $0x38;
	[tilespmem:$0x8600] =	vst v63  }
0x17: {  	_ =	swait.ge [sflag:s8], $0x200  }
0x18: {  	[sflag:s8] =	ssyncset.done $0x0  }
0x19: {  	[sflag:s8] =	ssyncadd.s32 $0xFFFFFE00  }
0x1a: {  	[tilespmem:s11], [sflag:$0x1] =	stream.indirect.gather [hbm4b:s3+s10], $0x20, s2, s10, $0xb8;
	[tilespmem:$0x8600] =	vst v63  }
0x1b: {  	_ = 	snop  }
0x1c: {  	[tilespmem:s12], [sflag:$0x1] =	stream.indirect.gather [hbm4b:s3+s10], $0x20, s9, s10, $0xb8;
	[tilespmem:$0x8600] =	vst v63  }
0x1d: {  	_ = 	snop  }
0x1e: {  	[tilespmem:s13], [sflag:$0x2] =	stream.indirect.gather [hbm4b:s3+s10], $0x20, s10, s10, $0xb8;
	[tilespmem:$0x8600] =	vst v63  }
0x1f: {  	_ = 	snop  }
0x20: {  	[tilespmem:s15], [sflag:$0x2] =	stream.indirect.gather [hbm4b:s3+s10], $0x20, s14, s10, $0xb8;
	[tilespmem:$0x8600] =	vst v63  }
0x21: {  	_ = 	snop  }
0x22: {  	[tilespmem:s17], [sflag:$0x3] =	stream.indirect.gather [hbm4b:s3+s10], $0x20, s16, s10, $0xb8;
	[tilespmem:$0x8600] =	vst v63  }
0x23: {  	_ = 	snop  }
0x24: {  	[tilespmem:s19], [sflag:$0x3] =	stream.indirect.gather [hbm4b:s3+s10], $0x20, s18, s10, $0xb8;
	[tilespmem:$0x8600] =	vst v63  }
0x25: {  	_ = 	snop  }
0x26: {  	[tilespmem:s21], [sflag:$0x4] =	stream.indirect.gather [hbm4b:s3+s10], $0x20, s20, s10, $0xb8;
	[tilespmem:$0x8600] =	vst v63  }
0x27: {  	v1 =	vmov s2  }
0x28: {  	v1 =	vshll.u32 v1, $0x5;
	[tilespmem:s23], [sflag:$0x4] =	stream.indirect.gather [hbm4b:s3+s10], $0x20, s22, s10, $0xb8;
	[tilespmem:$0x8600] =	vst v63  }
0x29: {  	v1 =	vor.u32 v0, v1;
	_ =	swait.ge [sflag:s24], $0x1000  }
0x2a: {  	v2 =	vor.u32 $0x1, v1;
	[sflag:s24] =	ssyncset.done $0x0  }
0x2b: {  	[sflag:s24] =	ssyncadd.s32 $0xFFFFF000  }
0x2c: {  	v3 =	vor.u32 $0x2, v1;
	_ =	swait.ge [sflag:s24], $0x1000  }
0x2d: {  	[sflag:s24] =	ssyncset.done $0x0  }
0x2e: {  	v4 =	vor.u32 $0x3, v1;
	[sflag:s24] =	ssyncadd.s32 $0xFFFFF000  }
0x2f: {  	v5 =	vld.idx.msk [tilespmem:v2+s12+$0x0], $0xffff  }
0x30: {  	v6 =	vor.u32 $0x4, v1;
	v2 =	vld.idx.msk [tilespmem:v2+s11+$0x0], $0xffff  }
0x31: {  	v7 =	vld.idx.msk [tilespmem:v3+s12+$0x0], $0xffff  }
0x32: {  	v8 =	vor.u32 $0x5, v1;
	v3 =	vld.idx.msk [tilespmem:v3+s11+$0x0], $0xffff  }
0x33: {  	v9 =	vld.idx.msk [tilespmem:v4+s12+$0x0], $0xffff  }
0x34: {  	v10 =	vor.u32 $0x6, v1;
	v4 =	vld.idx.msk [tilespmem:v4+s11+$0x0], $0xffff  }
0x35: {  	v11 =	vld.idx.msk [tilespmem:v6+s12+$0x0], $0xffff;
	v2 =	vmul.f32 v5, v2  }
0x36: {  	v40 =	vor.u32 $0x7, v1;
	v39 =	vld.idx.msk [tilespmem:v6+s11+$0x0], $0xffff  }
0x37: {  	v12 =	vld.idx.msk [tilespmem:v8+s12+$0x0], $0xffff;
	v3 =	vmul.f32 v7, v3;
	v2 =	vadd.f32 $0.0e+00, v2  }
0x38: {  	v42 =	vor.u32 $0x8, v1;
	v41 =	vld.idx.msk [tilespmem:v8+s11+$0x0], $0xffff  }
0x39: {  	v13 =	vld.idx.msk [tilespmem:v10+s12+$0x0], $0xffff;
	v2 =	vadd.f32 v3, v2;
	v3 =	vmul.f32 v9, v4  }
0x3a: {  	v44 =	vor.u32 $0x9, v1;
	v43 =	vld.idx.msk [tilespmem:v10+s11+$0x0], $0xffff  }
0x3b: {  	v45 =	vld.idx.msk [tilespmem:v40+s12+$0x0], $0xffff;
	v2 =	vadd.f32 v3, v2;
	v3 =	vmul.f32 v11, v39  }
0x3c: {  	v47 =	vor.u32 $0xA, v1;
	v46 =	vld.idx.msk [tilespmem:v40+s11+$0x0], $0xffff  }
0x3d: {  	v48 =	vld.idx.msk [tilespmem:v42+s12+$0x0], $0xffff;
	v2 =	vadd.f32 v3, v2;
	v3 =	vmul.f32 v12, v41  }
0x3e: {  	v50 =	vor.u32 $0xB, v1;
	v49 =	vld.idx.msk [tilespmem:v42+s11+$0x0], $0xffff  }
0x3f: {  	v51 =	vld.idx.msk [tilespmem:v44+s12+$0x0], $0xffff;
	v2 =	vadd.f32 v3, v2;
	v3 =	vmul.f32 v13, v43  }
0x40: {  	v53 =	vor.u32 $0xC, v1;
	v52 =	vld.idx.msk [tilespmem:v44+s11+$0x0], $0xffff  }
0x41: {  	v54 =	vld.idx.msk [tilespmem:v47+s12+$0x0], $0xffff;
	v2 =	vadd.f32 v3, v2;
	v3 =	vmul.f32 v45, v46  }
0x42: {  	v56 =	vor.u32 $0xD, v1;
	v55 =	vld.idx.msk [tilespmem:v47+s11+$0x0], $0xffff  }
0x43: {  	v57 =	vld.idx.msk [tilespmem:v50+s12+$0x0], $0xffff;
	v2 =	vadd.f32 v3, v2;
	v3 =	vmul.f32 v48, v49  }
0x44: {  	v59 =	vor.u32 $0xE, v1;
	v58 =	vld.idx.msk [tilespmem:v50+s11+$0x0], $0xffff  }
0x45: {  	v60 =	vld.idx.msk [tilespmem:v53+s12+$0x0], $0xffff;
	v2 =	vadd.f32 v3, v2;
	v3 =	vmul.f32 v51, v52  }
0x46: {  	v62 =	vor.u32 $0xF, v1;
	v61 =	vld.idx.msk [tilespmem:v53+s11+$0x0], $0xffff  }
0x47: {  	v63 =	vld.idx.msk [tilespmem:v56+s12+$0x0], $0xffff;
	v2 =	vadd.f32 v3, v2;
	v3 =	vmul.f32 v54, v55  }
0x48: {  	v17 =	vor.u32 $0x10, v1;
	v16 =	vld.idx.msk [tilespmem:v56+s11+$0x0], $0xffff  }
0x49: {  	v18 =	vld.idx.msk [tilespmem:v59+s12+$0x0], $0xffff;
	v2 =	vadd.f32 v3, v2;
	v3 =	vmul.f32 v57, v58  }
0x4a: {  	v20 =	vor.u32 $0x11, v1;
	v19 =	vld.idx.msk [tilespmem:v59+s11+$0x0], $0xffff  }
0x4b: {  	v21 =	vld.idx.msk [tilespmem:v62+s12+$0x0], $0xffff;
	v2 =	vadd.f32 v3, v2;
	v3 =	vmul.f32 v60, v61  }
0x4c: {  	v23 =	vor.u32 $0x12, v1;
	v22 =	vld.idx.msk [tilespmem:v62+s11+$0x0], $0xffff  }
0x4d: {  	v24 =	vld.idx.msk [tilespmem:v17+s12+$0x0], $0xffff;
	v2 =	vadd.f32 v3, v2;
	v3 =	vmul.f32 v63, v16  }
0x4e: {  	v26 =	vor.u32 $0x13, v1;
	v25 =	vld.idx.msk [tilespmem:v17+s11+$0x0], $0xffff  }
0x4f: {  	v27 =	vld.idx.msk [tilespmem:v20+s12+$0x0], $0xffff;
	v2 =	vadd.f32 v3, v2;
	v3 =	vmul.f32 v18, v19  }
0x50: {  	v29 =	vor.u32 $0x14, v1;
	v28 =	vld.idx.msk [tilespmem:v20+s11+$0x0], $0xffff  }
0x51: {  	v30 =	vld.idx.msk [tilespmem:v23+s12+$0x0], $0xffff;
	v2 =	vadd.f32 v3, v2;
	v3 =	vmul.f32 v21, v22  }
0x52: {  	v32 =	vor.u32 $0x15, v1;
	v31 =	vld.idx.msk [tilespmem:v23+s11+$0x0], $0xffff  }
0x53: {  	v33 =	vld.idx.msk [tilespmem:v26+s12+$0x0], $0xffff;
	v2 =	vadd.f32 v3, v2;
	v3 =	vmul.f32 v24, v25  }
0x54: {  	v35 =	vor.u32 $0x16, v1;
	v34 =	vld.idx.msk [tilespmem:v26+s11+$0x0], $0xffff  }
0x55: {  	v36 =	vld.idx.msk [tilespmem:v29+s12+$0x0], $0xffff;
	v2 =	vadd.f32 v3, v2;
	v3 =	vmul.f32 v27, v28  }
0x56: {  	v38 =	vor.u32 $0x17, v1;
	v37 =	vld.idx.msk [tilespmem:v29+s11+$0x0], $0xffff  }
0x57: {  	v40 =	vld.idx.msk [tilespmem:v32+s11+$0x0], $0xffff;
	v2 =	vadd.f32 v3, v2;
	v3 =	vmul.f32 v30, v31  }
0x58: {  	v39 =	vld.idx.msk [tilespmem:v32+s12+$0x0], $0xffff;
	v41 =	vor.u32 $0x18, v1  }
0x59: {  	v42 =	vld.idx.msk [tilespmem:v35+s12+$0x0], $0xffff;
	v2 =	vadd.f32 v3, v2;
	v3 =	vmul.f32 v33, v34  }
0x5a: {  	v44 =	vor.u32 $0x19, v1;
	v43 =	vld.idx.msk [tilespmem:v35+s11+$0x0], $0xffff  }
0x5b: {  	v45 =	vld.idx.msk [tilespmem:v38+s12+$0x0], $0xffff;
	v2 =	vadd.f32 v3, v2;
	v3 =	vmul.f32 v36, v37  }
0x5c: {  	v47 =	vor.u32 $0x1A, v1;
	v46 =	vld.idx.msk [tilespmem:v38+s11+$0x0], $0xffff  }
0x5d: {  	v48 =	vld.idx.msk [tilespmem:v41+s12+$0x0], $0xffff;
	v2 =	vadd.f32 v3, v2;
	v3 =	vmul.f32 v39, v40  }
0x5e: {  	v50 =	vor.u32 $0x1B, v1;
	v49 =	vld.idx.msk [tilespmem:v41+s11+$0x0], $0xffff  }
0x5f: {  	v51 =	vld.idx.msk [tilespmem:v44+s12+$0x0], $0xffff;
	v2 =	vadd.f32 v3, v2;
	v3 =	vmul.f32 v42, v43  }
0x60: {  	v53 =	vor.u32 $0x1C, v1;
	v52 =	vld.idx.msk [tilespmem:v44+s11+$0x0], $0xffff  }
0x61: {  	v54 =	vld.idx.msk [tilespmem:v47+s12+$0x0], $0xffff;
	v2 =	vadd.f32 v3, v2;
	v3 =	vmul.f32 v45, v46  }
0x62: {  	v56 =	vor.u32 $0x1D, v1;
	v55 =	vld.idx.msk [tilespmem:v47+s11+$0x0], $0xffff  }
0x63: {  	v57 =	vld.idx.msk [tilespmem:v50+s12+$0x0], $0xffff;
	v2 =	vadd.f32 v3, v2;
	v3 =	vmul.f32 v48, v49  }
0x64: {  	v59 =	vor.u32 $0x1E, v1;
	v58 =	vld.idx.msk [tilespmem:v50+s11+$0x0], $0xffff  }
0x65: {  	v60 =	vld.idx.msk [tilespmem:v53+s12+$0x0], $0xffff;
	v2 =	vadd.f32 v3, v2;
	v3 =	vmul.f32 v51, v52  }
0x66: {  	v62 =	vor.u32 $0x1F, v1;
	v61 =	vld.idx.msk [tilespmem:v53+s11+$0x0], $0xffff  }
0x67: {  	v13 =	vld.idx.msk [tilespmem:v56+s11+$0x0], $0xffff;
	v2 =	vadd.f32 v3, v2;
	v3 =	vmul.f32 v54, v55  }
0x68: {  	v63 =	vld.idx.msk [tilespmem:v56+s12+$0x0], $0xffff  }
0x69: {  	v14 =	vld.idx.msk [tilespmem:v59+s12+$0x0], $0xffff;
	v2 =	vadd.f32 v3, v2;
	v3 =	vmul.f32 v57, v58  }
0x6a: {  	v15 =	vld.idx.msk [tilespmem:v59+s11+$0x0], $0xffff  }
0x6b: {  	v17 =	vld.idx.msk [tilespmem:v62+s11+$0x0], $0xffff;
	v2 =	vadd.f32 v3, v2;
	v3 =	vmul.f32 v60, v61  }
0x6c: {  	v16 =	vld.idx.msk [tilespmem:v62+s12+$0x0], $0xffff  }
0x6d: {  	v18 =	vld.idx.msk [tilespmem:v1+s12+$0x0], $0xffff;
	v2 =	vadd.f32 v3, v2;
	v3 =	vmul.f32 v63, v13  }
0x6e: {  	v1 =	vld.idx.msk [tilespmem:v1+s11+$0x0], $0xffff  }
0x6f: {  	v2 =	vadd.f32 v3, v2;
	v3 =	vmul.f32 v14, v15;
	_ =	sdelay $0x1  }
0x70: {  	v2 =	vadd.f32 v3, v2;
	v3 =	vmul.f32 v16, v17;
	_ =	sdelay $0x1  }
0x71: {  	v1 =	vmul.f32 v18, v1;
	v2 =	vadd.f32 v3, v2;
	_ =	sdelay $0x1  }
0x72: {  	v1 =	vsub.f32 v1, v2;
	_ =	sdelay $0x1  }
0x73: {  	v1 =	vmax.f32 v1, $1.000000120e+00  }
0x74: {  	v2 =	vadd.f32 $-1.000000000e+00, v1;
	v3 =	vadd.f32 $1.000000000e+00, v1;
	_ =	sdelay $0x1  }
0x75: {  	v2 =	vmul.f32 v3, v2;
	_ =	sdelay $0x1  }
0x76: {  	v3 =	vshra.s32 v2, $0x1;
	v19 =	vmul.f32 $5.000000000e-01, v2  }
0x77: {  	v3 =	vsub.s32 $0x5F3759DF, v3  }
0x78: {  	v20 =	vmul.f32 v3, v19;
	_ =	sdelay $0x1  }
0x79: {  	v5 =	vmul.f32 v3, v20;
	_ =	sdelay $0x1  }
0x7a: {  	v5 =	vsub.f32 $1.500000000e+00, v5;
	_ =	sdelay $0x1  }
0x7b: {  	v3 =	vmul.f32 v3, v5;
	_ =	sdelay $0x1  }
0x7c: {  	v5 =	vmul.f32 v3, v19;
	_ =	sdelay $0x1  }
0x7d: {  	v5 =	vmul.f32 v5, v3;
	_ =	sdelay $0x1  }
0x7e: {  	v5 =	vsub.f32 $1.500000000e+00, v5;
	_ =	sdelay $0x1  }
0x7f: {  	v3 =	vmul.f32 v5, v3;
	_ =	sdelay $0x1  }
0x80: {  	v4 =	vmul.f32 v3, v19;
	_ =	sdelay $0x1  }
0x81: {  	v4 =	vmul.f32 v4, v3;
	_ =	sdelay $0x1  }
0x82: {  	v4 =	vsub.f32 $1.500000000e+00, v4;
	_ =	sdelay $0x1  }
0x83: {  	v3 =	vmul.f32 v4, v3;
	_ =	sdelay $0x1  }
0x84: {  	v2 =	vmul.f32 v3, v2;
	_ =	sdelay $0x1  }
0x85: {  	v1 =	vadd.f32 v2, v1;
	_ =	sdelay $0x1  }
0x86: {  	v1 =	vmul.f32 $1.353352810e-01, v1;
	_ =	sdelay $0x1  }
0x87: {  	v1 =	vadd.f32 $1.000000000e+00, v1;
	_ =	sdelay $0x1  }
0x88: {  	(erf) = vrcp.f32 v1;
	_ =	sdelay $0x1  }
0x89: {  	s0 =	simm.s32 $0x10  }
0x8a: {  	v1 =	vmov s0  }
0x8b: {  	v1 =	vshll.u32 v1, $0x5  }
0x8c: {  	v1 =	vor.u32 v0, v1  }
0x8d: {  	v2 =	vor.u32 $0x1, v1;
	_ =	sdelay $0x1  }
0x8e: {  	v3 =	vor.u32 $0x2, v1  }
0x8f: {  	v21 =	vpop (erf)  }
0x90: {  	v22 =	vor.u32 $0x3, v1;
	[tilespmem:s29+$0x0] =	vst v21  }
0x91: {  	v4 =	vld.idx.msk [tilespmem:v2+s12+$0x0], $0xffff  }
0x92: {  	v23 =	vor.u32 $0x4, v1;
	v2 =	vld.idx.msk [tilespmem:v2+s11+$0x0], $0xffff  }
0x93: {  	v24 =	vld.idx.msk [tilespmem:v3+s12+$0x0], $0xffff  }
0x94: {  	v25 =	vor.u32 $0x5, v1;
	v3 =	vld.idx.msk [tilespmem:v3+s11+$0x0], $0xffff  }
0x95: {  	v26 =	vld.idx.msk [tilespmem:v22+s12+$0x0], $0xffff  }
0x96: {  	v27 =	vor.u32 $0x6, v1;
	v5 =	vld.idx.msk [tilespmem:v22+s11+$0x0], $0xffff  }
0x97: {  	v28 =	vld.idx.msk [tilespmem:v23+s12+$0x0], $0xffff;
	v2 =	vmul.f32 v4, v2  }
0x98: {  	v30 =	vor.u32 $0x7, v1;
	v29 =	vld.idx.msk [tilespmem:v23+s11+$0x0], $0xffff  }
0x99: {  	v31 =	vld.idx.msk [tilespmem:v25+s12+$0x0], $0xffff;
	v3 =	vmul.f32 v24, v3;
	v2 =	vadd.f32 $0.0e+00, v2  }
0x9a: {  	v33 =	vor.u32 $0x8, v1;
	v32 =	vld.idx.msk [tilespmem:v25+s11+$0x0], $0xffff  }
0x9b: {  	v34 =	vld.idx.msk [tilespmem:v27+s12+$0x0], $0xffff;
	v2 =	vadd.f32 v3, v2;
	v3 =	vmul.f32 v26, v5  }
0x9c: {  	v36 =	vor.u32 $0x9, v1;
	v35 =	vld.idx.msk [tilespmem:v27+s11+$0x0], $0xffff  }
0x9d: {  	v37 =	vld.idx.msk [tilespmem:v30+s12+$0x0], $0xffff;
	v2 =	vadd.f32 v3, v2;
	v3 =	vmul.f32 v28, v29  }
0x9e: {  	v39 =	vor.u32 $0xA, v1;
	v38 =	vld.idx.msk [tilespmem:v30+s11+$0x0], $0xffff  }
0x9f: {  	v40 =	vld.idx.msk [tilespmem:v33+s12+$0x0], $0xffff;
	v2 =	vadd.f32 v3, v2;
	v3 =	vmul.f32 v31, v32  }
0xa0: {  	v42 =	vor.u32 $0xB, v1;
	v41 =	vld.idx.msk [tilespmem:v33+s11+$0x0], $0xffff  }
0xa1: {  	v43 =	vld.idx.msk [tilespmem:v36+s12+$0x0], $0xffff;
	v2 =	vadd.f32 v3, v2;
	v3 =	vmul.f32 v34, v35  }
0xa2: {  	v45 =	vor.u32 $0xC, v1;
	v44 =	vld.idx.msk [tilespmem:v36+s11+$0x0], $0xffff  }
0xa3: {  	v46 =	vld.idx.msk [tilespmem:v39+s12+$0x0], $0xffff;
	v2 =	vadd.f32 v3, v2;
	v3 =	vmul.f32 v37, v38  }
0xa4: {  	v48 =	vor.u32 $0xD, v1;
	v47 =	vld.idx.msk [tilespmem:v39+s11+$0x0], $0xffff  }
0xa5: {  	v49 =	vld.idx.msk [tilespmem:v42+s12+$0x0], $0xffff;
	v2 =	vadd.f32 v3, v2;
	v3 =	vmul.f32 v40, v41  }
0xa6: {  	v51 =	vor.u32 $0xE, v1;
	v50 =	vld.idx.msk [tilespmem:v42+s11+$0x0], $0xffff  }
0xa7: {  	v52 =	vld.idx.msk [tilespmem:v45+s12+$0x0], $0xffff;
	v2 =	vadd.f32 v3, v2;
	v3 =	vmul.f32 v43, v44  }
0xa8: {  	v54 =	vor.u32 $0xF, v1;
	v53 =	vld.idx.msk [tilespmem:v45+s11+$0x0], $0xffff  }
0xa9: {  	v55 =	vld.idx.msk [tilespmem:v48+s12+$0x0], $0xffff;
	v2 =	vadd.f32 v3, v2;
	v3 =	vmul.f32 v46, v47  }
0xaa: {  	v57 =	vor.u32 $0x10, v1;
	v56 =	vld.idx.msk [tilespmem:v48+s11+$0x0], $0xffff  }
0xab: {  	v58 =	vld.idx.msk [tilespmem:v51+s12+$0x0], $0xffff;
	v2 =	vadd.f32 v3, v2;
	v3 =	vmul.f32 v49, v50  }
0xac: {  	v60 =	vor.u32 $0x11, v1;
	v59 =	vld.idx.msk [tilespmem:v51+s11+$0x0], $0xffff  }
0xad: {  	v61 =	vld.idx.msk [tilespmem:v54+s12+$0x0], $0xffff;
	v2 =	vadd.f32 v3, v2;
	v3 =	vmul.f32 v52, v53  }
0xae: {  	v63 =	vor.u32 $0x12, v1;
	v62 =	vld.idx.msk [tilespmem:v54+s11+$0x0], $0xffff  }
0xaf: {  	v16 =	vld.idx.msk [tilespmem:v57+s12+$0x0], $0xffff;
	v2 =	vadd.f32 v3, v2;
	v3 =	vmul.f32 v55, v56  }
0xb0: {  	v18 =	vor.u32 $0x13, v1;
	v17 =	vld.idx.msk [tilespmem:v57+s11+$0x0], $0xffff  }
0xb1: {  	v19 =	vld.idx.msk [tilespmem:v60+s12+$0x0], $0xffff;
	v2 =	vadd.f32 v3, v2;
	v3 =	vmul.f32 v58, v59  }
0xb2: {  	v21 =	vor.u32 $0x14, v1;
	v20 =	vld.idx.msk [tilespmem:v60+s11+$0x0], $0xffff  }
0xb3: {  	v22 =	vld.idx.msk [tilespmem:v63+s12+$0x0], $0xffff;
	v2 =	vadd.f32 v3, v2;
	v3 =	vmul.f32 v61, v62  }
0xb4: {  	v23 =	vld.idx.msk [tilespmem:v63+s11+$0x0], $0xffff;
	v24 =	vor.u32 $0x15, v1  }
0xb5: {  	v25 =	vld.idx.msk [tilespmem:v18+s12+$0x0], $0xffff;
	v2 =	vadd.f32 v3, v2;
	v3 =	vmul.f32 v16, v17  }
0xb6: {  	v27 =	vor.u32 $0x16, v1;
	v26 =	vld.idx.msk [tilespmem:v18+s11+$0x0], $0xffff  }
0xb7: {  	v28 =	vld.idx.msk [tilespmem:v21+s12+$0x0], $0xffff;
	v2 =	vadd.f32 v3, v2;
	v3 =	vmul.f32 v19, v20  }
0xb8: {  	v30 =	vor.u32 $0x17, v1;
	v29 =	vld.idx.msk [tilespmem:v21+s11+$0x0], $0xffff  }
0xb9: {  	v31 =	vld.idx.msk [tilespmem:v24+s12+$0x0], $0xffff;
	v2 =	vadd.f32 v3, v2;
	v3 =	vmul.f32 v22, v23  }
0xba: {  	v33 =	vor.u32 $0x18, v1;
	v32 =	vld.idx.msk [tilespmem:v24+s11+$0x0], $0xffff  }
0xbb: {  	v34 =	vld.idx.msk [tilespmem:v27+s12+$0x0], $0xffff;
	v2 =	vadd.f32 v3, v2;
	v3 =	vmul.f32 v25, v26  }
0xbc: {  	v36 =	vor.u32 $0x19, v1;
	v35 =	vld.idx.msk [tilespmem:v27+s11+$0x0], $0xffff  }
0xbd: {  	v37 =	vld.idx.msk [tilespmem:v30+s12+$0x0], $0xffff;
	v2 =	vadd.f32 v3, v2;
	v3 =	vmul.f32 v28, v29  }
0xbe: {  	v39 =	vor.u32 $0x1A, v1;
	v38 =	vld.idx.msk [tilespmem:v30+s11+$0x0], $0xffff  }
0xbf: {  	v40 =	vld.idx.msk [tilespmem:v33+s12+$0x0], $0xffff;
	v2 =	vadd.f32 v3, v2;
	v3 =	vmul.f32 v31, v32  }
0xc0: {  	v42 =	vor.u32 $0x1B, v1;
	v41 =	vld.idx.msk [tilespmem:v33+s11+$0x0], $0xffff  }
0xc1: {  	v43 =	vld.idx.msk [tilespmem:v36+s12+$0x0], $0xffff;
	v2 =	vadd.f32 v3, v2;
	v3 =	vmul.f32 v34, v35  }
0xc2: {  	v45 =	vor.u32 $0x1C, v1;
	v44 =	vld.idx.msk [tilespmem:v36+s11+$0x0], $0xffff  }
0xc3: {  	v46 =	vld.idx.msk [tilespmem:v39+s12+$0x0], $0xffff;
	v2 =	vadd.f32 v3, v2;
	v3 =	vmul.f32 v37, v38  }
0xc4: {  	v48 =	vor.u32 $0x1D, v1;
	v47 =	vld.idx.msk [tilespmem:v39+s11+$0x0], $0xffff  }
0xc5: {  	v49 =	vld.idx.msk [tilespmem:v42+s12+$0x0], $0xffff;
	v2 =	vadd.f32 v3, v2;
	v3 =	vmul.f32 v40, v41  }
0xc6: {  	v51 =	vor.u32 $0x1E, v1;
	v50 =	vld.idx.msk [tilespmem:v42+s11+$0x0], $0xffff  }
0xc7: {  	v52 =	vld.idx.msk [tilespmem:v45+s12+$0x0], $0xffff;
	v2 =	vadd.f32 v3, v2;
	v3 =	vmul.f32 v43, v44  }
0xc8: {  	v54 =	vor.u32 $0x1F, v1;
	v53 =	vld.idx.msk [tilespmem:v45+s11+$0x0], $0xffff  }
0xc9: {  	v55 =	vld.idx.msk [tilespmem:v48+s12+$0x0], $0xffff;
	v2 =	vadd.f32 v3, v2;
	v3 =	vmul.f32 v46, v47  }
0xca: {  	v56 =	vld.idx.msk [tilespmem:v48+s11+$0x0], $0xffff  }
0xcb: {  	v57 =	vld.idx.msk [tilespmem:v51+s12+$0x0], $0xffff;
	v2 =	vadd.f32 v3, v2;
	v3 =	vmul.f32 v49, v50  }
0xcc: {  	v58 =	vld.idx.msk [tilespmem:v51+s11+$0x0], $0xffff  }
0xcd: {  	v60 =	vld.idx.msk [tilespmem:v54+s11+$0x0], $0xffff;
	v2 =	vadd.f32 v3, v2;
	v3 =	vmul.f32 v52, v53  }
0xce: {  	v59 =	vld.idx.msk [tilespmem:v54+s12+$0x0], $0xffff  }
0xcf: {  	v61 =	vld.idx.msk [tilespmem:v1+s12+$0x0], $0xffff;
	v2 =	vadd.f32 v3, v2;
	v3 =	vmul.f32 v55, v56  }
0xd0: {  	v1 =	vld.idx.msk [tilespmem:v1+s11+$0x0], $0xffff  }
0xd1: {  	v2 =	vadd.f32 v3, v2;
	v3 =	vmul.f32 v57, v58;
	_ =	sdelay $0x1  }
0xd2: {  	v2 =	vadd.f32 v3, v2;
	v3 =	vmul.f32 v59, v60;
	_ =	sdelay $0x1  }
0xd3: {  	v1 =	vmul.f32 v61, v1;
	v2 =	vadd.f32 v3, v2;
	_ =	sdelay $0x1  }
0xd4: {  	v1 =	vsub.f32 v1, v2;
	_ =	sdelay $0x1  }
0xd5: {  	v1 =	vmax.f32 v1, $1.000000120e+00  }
0xd6: {  	v2 =	vadd.f32 $-1.000000000e+00, v1;
	v3 =	vadd.f32 $1.000000000e+00, v1;
	_ =	sdelay $0x1  }
0xd7: {  	v2 =	vmul.f32 v3, v2;
	_ =	sdelay $0x1  }
0xd8: {  	v3 =	vshra.s32 v2, $0x1;
	v62 =	vmul.f32 $5.000000000e-01, v2  }
0xd9: {  	v3 =	vsub.s32 $0x5F3759DF, v3  }
0xda: {  	v63 =	vmul.f32 v3, v62;
	_ =	sdelay $0x1  }
0xdb: {  	v5 =	vmul.f32 v3, v63;
	_ =	sdelay $0x1  }
0xdc: {  	v5 =	vsub.f32 $1.500000000e+00, v5;
	_ =	sdelay $0x1  }
0xdd: {  	v3 =	vmul.f32 v3, v5;
	_ =	sdelay $0x1  }
0xde: {  	v5 =	vmul.f32 v3, v62;
	_ =	sdelay $0x1  }
0xdf: {  	v5 =	vmul.f32 v5, v3;
	_ =	sdelay $0x1  }
0xe0: {  	v5 =	vsub.f32 $1.500000000e+00, v5;
	_ =	sdelay $0x1  }
0xe1: {  	v3 =	vmul.f32 v5, v3;
	_ =	sdelay $0x1  }
0xe2: {  	v4 =	vmul.f32 v3, v62;
	_ =	sdelay $0x1  }
0xe3: {  	v4 =	vmul.f32 v4, v3;
	_ =	sdelay $0x1  }
0xe4: {  	v4 =	vsub.f32 $1.500000000e+00, v4;
	_ =	sdelay $0x1  }
0xe5: {  	v3 =	vmul.f32 v4, v3;
	_ =	sdelay $0x1  }
0xe6: {  	v2 =	vmul.f32 v3, v2;
	_ =	sdelay $0x1  }
0xe7: {  	v1 =	vadd.f32 v2, v1;
	_ =	sdelay $0x1  }
0xe8: {  	v1 =	vmul.f32 $1.353352810e-01, v1;
	_ =	sdelay $0x1  }
0xe9: {  	v1 =	vadd.f32 $1.000000000e+00, v1;
	_ =	sdelay $0x1  }
0xea: {  	(erf) = vrcp.f32 v1;
	_ =	sdelay $0x1  }
0xeb: {  	s0 =	simm.s32 $0x20  }
0xec: {  	v2 =	vmov s0  }
0xed: {  	s31 =	simm.s32 $0x8400;
	s0 =	simm.s32 $0x30;
	v1 =	vshll.u32 v2, $0x5  }
.LBB2_2:
0xee: {  	p0 =	sne.s32 s0, $0x70;
	v1 =	vor.u32 v0, v1  }
0xef: {  	v2 =	vor.u32 $0x1, v1;
	_ =	sdelay $0x1  }
0xf0: {  	v3 =	vor.u32 $0x2, v1  }
0xf1: {  	s31 =	sadd.s32 $0x10, s31;
	v4 =	vpop (erf)  }
0xf2: {  	v5 =	vor.u32 $0x3, v1;
	[tilespmem:s31+$0x0] =	vst v4  }
0xf3: {  	v4 =	vld.idx.msk [tilespmem:v2+s12+$0x0], $0xffff  }
0xf4: {  	v6 =	vor.u32 $0x4, v1;
	v2 =	vld.idx.msk [tilespmem:v2+s11+$0x0], $0xffff  }
0xf5: {  	v7 =	vld.idx.msk [tilespmem:v3+s12+$0x0], $0xffff  }
0xf6: {  	v8 =	vor.u32 $0x5, v1;
	v3 =	vld.idx.msk [tilespmem:v3+s11+$0x0], $0xffff  }
0xf7: {  	v9 =	vld.idx.msk [tilespmem:v5+s12+$0x0], $0xffff  }
0xf8: {  	v10 =	vor.u32 $0x6, v1;
	v5 =	vld.idx.msk [tilespmem:v5+s11+$0x0], $0xffff  }
0xf9: {  	v11 =	vld.idx.msk [tilespmem:v6+s12+$0x0], $0xffff  }
0xfa: {  	v2 =	vmul.f32 v4, v2;
	v4 =	vld.idx.msk [tilespmem:v6+s11+$0x0], $0xffff;
	v6 =	vor.u32 $0x7, v1  }
0xfb: {  	v12 =	vld.idx.msk [tilespmem:v8+s12+$0x0], $0xffff  }
0xfc: {  	v2 =	vadd.f32 $0.0e+00, v2;
	v3 =	vmul.f32 v7, v3;
	v7 =	vld.idx.msk [tilespmem:v8+s11+$0x0], $0xffff;
	v8 =	vor.u32 $0x8, v1  }
0xfd: {  	v13 =	vld.idx.msk [tilespmem:v10+s12+$0x0], $0xffff  }
0xfe: {  	v2 =	vadd.f32 v3, v2;
	v3 =	vmul.f32 v9, v5;
	v9 =	vor.u32 $0x9, v1;
	v5 =	vld.idx.msk [tilespmem:v10+s11+$0x0], $0xffff  }
0xff: {  	v10 =	vld.idx.msk [tilespmem:v6+s12+$0x0], $0xffff  }
0x100: {  	v2 =	vadd.f32 v3, v2;
	v3 =	vmul.f32 v11, v4;
	v4 =	vld.idx.msk [tilespmem:v6+s11+$0x0], $0xffff;
	v6 =	vor.u32 $0xA, v1  }
0x101: {  	v11 =	vld.idx.msk [tilespmem:v8+s12+$0x0], $0xffff  }
0x102: {  	v2 =	vadd.f32 v3, v2;
	v3 =	vmul.f32 v12, v7;
	v7 =	vld.idx.msk [tilespmem:v8+s11+$0x0], $0xffff;
	v8 =	vor.u32 $0xB, v1  }
0x103: {  	v12 =	vld.idx.msk [tilespmem:v9+s12+$0x0], $0xffff  }
0x104: {  	v2 =	vadd.f32 v3, v2;
	v3 =	vmul.f32 v13, v5;
	v5 =	vld.idx.msk [tilespmem:v9+s11+$0x0], $0xffff;
	v9 =	vor.u32 $0xC, v1  }
0x105: {  	v13 =	vld.idx.msk [tilespmem:v6+s12+$0x0], $0xffff  }
0x106: {  	v2 =	vadd.f32 v3, v2;
	v3 =	vmul.f32 v10, v4;
	v4 =	vld.idx.msk [tilespmem:v6+s11+$0x0], $0xffff;
	v6 =	vor.u32 $0xD, v1  }
0x107: {  	v10 =	vld.idx.msk [tilespmem:v8+s12+$0x0], $0xffff  }
0x108: {  	v2 =	vadd.f32 v3, v2;
	v3 =	vmul.f32 v11, v7;
	v7 =	vld.idx.msk [tilespmem:v8+s11+$0x0], $0xffff;
	v8 =	vor.u32 $0xE, v1  }
0x109: {  	v11 =	vld.idx.msk [tilespmem:v9+s12+$0x0], $0xffff  }
0x10a: {  	v2 =	vadd.f32 v3, v2;
	v3 =	vmul.f32 v12, v5;
	v5 =	vld.idx.msk [tilespmem:v9+s11+$0x0], $0xffff;
	v9 =	vor.u32 $0xF, v1  }
0x10b: {  	v12 =	vld.idx.msk [tilespmem:v6+s12+$0x0], $0xffff  }
0x10c: {  	v2 =	vadd.f32 v3, v2;
	v3 =	vmul.f32 v13, v4;
	v4 =	vld.idx.msk [tilespmem:v6+s11+$0x0], $0xffff;
	v6 =	vor.u32 $0x10, v1  }
0x10d: {  	v13 =	vld.idx.msk [tilespmem:v8+s12+$0x0], $0xffff  }
0x10e: {  	v2 =	vadd.f32 v3, v2;
	v3 =	vmul.f32 v10, v7;
	v7 =	vld.idx.msk [tilespmem:v8+s11+$0x0], $0xffff;
	v8 =	vor.u32 $0x11, v1  }
0x10f: {  	v10 =	vld.idx.msk [tilespmem:v9+s12+$0x0], $0xffff  }
0x110: {  	v2 =	vadd.f32 v3, v2;
	v3 =	vmul.f32 v11, v5;
	v5 =	vld.idx.msk [tilespmem:v9+s11+$0x0], $0xffff;
	v9 =	vor.u32 $0x12, v1  }
0x111: {  	v11 =	vld.idx.msk [tilespmem:v6+s12+$0x0], $0xffff  }
0x112: {  	v2 =	vadd.f32 v3, v2;
	v3 =	vmul.f32 v12, v4;
	v4 =	vld.idx.msk [tilespmem:v6+s11+$0x0], $0xffff;
	v6 =	vor.u32 $0x13, v1  }
0x113: {  	v12 =	vld.idx.msk [tilespmem:v8+s12+$0x0], $0xffff  }
0x114: {  	v2 =	vadd.f32 v3, v2;
	v3 =	vmul.f32 v13, v7;
	v7 =	vld.idx.msk [tilespmem:v8+s11+$0x0], $0xffff;
	v8 =	vor.u32 $0x14, v1  }
0x115: {  	v13 =	vld.idx.msk [tilespmem:v9+s12+$0x0], $0xffff  }
0x116: {  	v2 =	vadd.f32 v3, v2;
	v3 =	vmul.f32 v10, v5;
	v5 =	vld.idx.msk [tilespmem:v9+s11+$0x0], $0xffff;
	v9 =	vor.u32 $0x15, v1  }
0x117: {  	v10 =	vld.idx.msk [tilespmem:v6+s12+$0x0], $0xffff  }
0x118: {  	v2 =	vadd.f32 v3, v2;
	v3 =	vmul.f32 v11, v4;
	v4 =	vld.idx.msk [tilespmem:v6+s11+$0x0], $0xffff;
	v6 =	vor.u32 $0x16, v1  }
0x119: {  	v11 =	vld.idx.msk [tilespmem:v8+s12+$0x0], $0xffff  }
0x11a: {  	v2 =	vadd.f32 v3, v2;
	v3 =	vmul.f32 v12, v7;
	v7 =	vld.idx.msk [tilespmem:v8+s11+$0x0], $0xffff;
	v8 =	vor.u32 $0x17, v1  }
0x11b: {  	v12 =	vld.idx.msk [tilespmem:v9+s12+$0x0], $0xffff  }
0x11c: {  	v2 =	vadd.f32 v3, v2;
	v3 =	vmul.f32 v13, v5;
	v5 =	vld.idx.msk [tilespmem:v9+s11+$0x0], $0xffff;
	v9 =	vor.u32 $0x18, v1  }
0x11d: {  	v13 =	vld.idx.msk [tilespmem:v6+s12+$0x0], $0xffff  }
0x11e: {  	v2 =	vadd.f32 v3, v2;
	v3 =	vmul.f32 v10, v4;
	v4 =	vld.idx.msk [tilespmem:v6+s11+$0x0], $0xffff;
	v6 =	vor.u32 $0x19, v1  }
0x11f: {  	v10 =	vld.idx.msk [tilespmem:v8+s12+$0x0], $0xffff  }
0x120: {  	v2 =	vadd.f32 v3, v2;
	v3 =	vmul.f32 v11, v7;
	v7 =	vld.idx.msk [tilespmem:v8+s11+$0x0], $0xffff;
	v8 =	vor.u32 $0x1A, v1  }
0x121: {  	v11 =	vld.idx.msk [tilespmem:v9+s12+$0x0], $0xffff  }
0x122: {  	v2 =	vadd.f32 v3, v2;
	v3 =	vmul.f32 v12, v5;
	v5 =	vld.idx.msk [tilespmem:v9+s11+$0x0], $0xffff;
	v9 =	vor.u32 $0x1B, v1  }
0x123: {  	v12 =	vld.idx.msk [tilespmem:v6+s12+$0x0], $0xffff  }
0x124: {  	v2 =	vadd.f32 v3, v2;
	v3 =	vmul.f32 v13, v4;
	v4 =	vld.idx.msk [tilespmem:v6+s11+$0x0], $0xffff;
	v6 =	vor.u32 $0x1C, v1  }
0x125: {  	v13 =	vld.idx.msk [tilespmem:v8+s12+$0x0], $0xffff  }
0x126: {  	v2 =	vadd.f32 v3, v2;
	v3 =	vmul.f32 v10, v7;
	v7 =	vld.idx.msk [tilespmem:v8+s11+$0x0], $0xffff;
	v8 =	vor.u32 $0x1D, v1  }
0x127: {  	v10 =	vld.idx.msk [tilespmem:v9+s12+$0x0], $0xffff  }
0x128: {  	v2 =	vadd.f32 v3, v2;
	v3 =	vmul.f32 v11, v5;
	v5 =	vld.idx.msk [tilespmem:v9+s11+$0x0], $0xffff;
	v9 =	vor.u32 $0x1E, v1  }
0x129: {  	v11 =	vld.idx.msk [tilespmem:v6+s12+$0x0], $0xffff  }
0x12a: {  	v2 =	vadd.f32 v3, v2;
	v3 =	vmul.f32 v12, v4;
	v4 =	vld.idx.msk [tilespmem:v6+s11+$0x0], $0xffff;
	v6 =	vor.u32 $0x1F, v1  }
0x12b: {  	v12 =	vld.idx.msk [tilespmem:v8+s12+$0x0], $0xffff  }
0x12c: {  	v2 =	vadd.f32 v3, v2;
	v3 =	vmul.f32 v13, v7;
	v7 =	vld.idx.msk [tilespmem:v8+s11+$0x0], $0xffff  }
0x12d: {  	v8 =	vld.idx.msk [tilespmem:v9+s12+$0x0], $0xffff  }
0x12e: {  	v2 =	vadd.f32 v3, v2;
	v3 =	vmul.f32 v10, v5;
	v5 =	vld.idx.msk [tilespmem:v9+s11+$0x0], $0xffff  }
0x12f: {  	v9 =	vld.idx.msk [tilespmem:v6+s12+$0x0], $0xffff  }
0x130: {  	v2 =	vadd.f32 v3, v2;
	v3 =	vmul.f32 v11, v4;
	v4 =	vld.idx.msk [tilespmem:v6+s11+$0x0], $0xffff  }
0x131: {  	v6 =	vld.idx.msk [tilespmem:v1+s12+$0x0], $0xffff  }
0x132: {  	v2 =	vadd.f32 v3, v2;
	v3 =	vmul.f32 v12, v7;
	v1 =	vld.idx.msk [tilespmem:v1+s11+$0x0], $0xffff;
	_ =	sdelay $0x1  }
0x133: {  	v2 =	vadd.f32 v3, v2;
	v3 =	vmul.f32 v8, v5;
	_ =	sdelay $0x1  }
0x134: {  	v2 =	vadd.f32 v3, v2;
	v3 =	vmul.f32 v9, v4;
	_ =	sdelay $0x1  }
0x135: {  	v1 =	vmul.f32 v6, v1;
	v2 =	vadd.f32 v3, v2;
	_ =	sdelay $0x1  }
0x136: {  	v1 =	vsub.f32 v1, v2;
	_ =	sdelay $0x1  }
0x137: {  	v1 =	vmax.f32 v1, $1.000000120e+00  }
0x138: {  	v2 =	vadd.f32 $-1.000000000e+00, v1;
	v3 =	vadd.f32 $1.000000000e+00, v1;
	_ =	sdelay $0x1  }
0x139: {  	v2 =	vmul.f32 v3, v2;
	_ =	sdelay $0x1  }
0x13a: {  	v3 =	vshra.s32 v2, $0x1;
	v4 =	vmul.f32 $5.000000000e-01, v2  }
0x13b: {  	v3 =	vsub.s32 $0x5F3759DF, v3  }
0x13c: {  	v5 =	vmul.f32 v3, v4;
	_ =	sdelay $0x1  }
0x13d: {  	v5 =	vmul.f32 v3, v5;
	_ =	sdelay $0x1  }
0x13e: {  	v5 =	vsub.f32 $1.500000000e+00, v5;
	_ =	sdelay $0x1  }
0x13f: {  	v3 =	vmul.f32 v3, v5;
	_ =	sdelay $0x1  }
0x140: {  	v5 =	vmul.f32 v3, v4;
	_ =	sdelay $0x1  }
0x141: {  	v5 =	vmul.f32 v5, v3;
	_ =	sdelay $0x1  }
0x142: {  	v5 =	vsub.f32 $1.500000000e+00, v5;
	_ =	sdelay $0x1  }
0x143: {  	v3 =	vmul.f32 v5, v3;
	_ =	sdelay $0x1  }
0x144: {  	v4 =	vmul.f32 v3, v4;
	_ =	sdelay $0x1  }
0x145: {  	v4 =	vmul.f32 v4, v3;
	_ =	sdelay $0x1  }
0x146: {  	v4 =	vsub.f32 $1.500000000e+00, v4;
	_ =	sdelay $0x1  }
0x147: {  	v3 =	vmul.f32 v4, v3;
	_ =	sdelay $0x1  }
0x148: {  	v2 =	vmul.f32 v3, v2;
	_ =	sdelay $0x1  }
0x149: {  	v1 =	vadd.f32 v2, v1;
	_ =	sdelay $0x1  }
0x14a: {  	v1 =	vmul.f32 $1.353352810e-01, v1;
	_ =	sdelay $0x1  }
0x14b: {  	v1 =	vadd.f32 $1.000000000e+00, v1;
	_ =	sdelay $0x1  }
.Ltmp0:
0x14c: {  	(erf) = vrcp.f32 v1;
	(pc) =	sbr.rel @p0 .LBB2_2-.Ltmp0, $3  }
0x14d: {  	_ =	sdelay $0x1  }
0x14e: {  	v1 =	vmov s0  }
0x14f: {  	s0 =	sadd.s32 $0x10, s0;
	v1 =	vshll.u32 v1, $0x5  }
0x150: {  	v1 =	vor.u32 v0, v1  }
0x151: {  	v2 =	vor.u32 $0x1, v1;
	_ =	sdelay $0x1  }
0x152: {  	v3 =	vor.u32 $0x2, v1  }
0x153: {  	s0 =	sadd.s32 $0x10, s31;
	v4 =	vpop (erf)  }
0x154: {  	v5 =	vor.u32 $0x3, v1;
	[tilespmem:s0+$0x0] =	vst v4  }
0x155: {  	v4 =	vld.idx.msk [tilespmem:v2+s12+$0x0], $0xffff  }
0x156: {  	v6 =	vor.u32 $0x4, v1;
	v2 =	vld.idx.msk [tilespmem:v2+s11+$0x0], $0xffff  }
0x157: {  	v7 =	vld.idx.msk [tilespmem:v3+s12+$0x0], $0xffff  }
0x158: {  	v8 =	vor.u32 $0x5, v1;
	v3 =	vld.idx.msk [tilespmem:v3+s11+$0x0], $0xffff  }
0x159: {  	v9 =	vld.idx.msk [tilespmem:v5+s12+$0x0], $0xffff  }
0x15a: {  	v10 =	vor.u32 $0x6, v1;
	v5 =	vld.idx.msk [tilespmem:v5+s11+$0x0], $0xffff  }
0x15b: {  	v11 =	vld.idx.msk [tilespmem:v6+s12+$0x0], $0xffff;
	v2 =	vmul.f32 v4, v2  }
0x15c: {  	v45 =	vor.u32 $0x7, v1;
	v44 =	vld.idx.msk [tilespmem:v6+s11+$0x0], $0xffff  }
0x15d: {  	v12 =	vld.idx.msk [tilespmem:v8+s12+$0x0], $0xffff;
	v3 =	vmul.f32 v7, v3;
	v2 =	vadd.f32 $0.0e+00, v2  }
0x15e: {  	v47 =	vor.u32 $0x8, v1;
	v46 =	vld.idx.msk [tilespmem:v8+s11+$0x0], $0xffff  }
0x15f: {  	v13 =	vld.idx.msk [tilespmem:v10+s12+$0x0], $0xffff;
	v2 =	vadd.f32 v3, v2;
	v3 =	vmul.f32 v9, v5  }
0x160: {  	v49 =	vor.u32 $0x9, v1;
	v48 =	vld.idx.msk [tilespmem:v10+s11+$0x0], $0xffff  }
0x161: {  	v50 =	vld.idx.msk [tilespmem:v45+s12+$0x0], $0xffff;
	v2 =	vadd.f32 v3, v2;
	v3 =	vmul.f32 v11, v44  }
0x162: {  	v52 =	vor.u32 $0xA, v1;
	v51 =	vld.idx.msk [tilespmem:v45+s11+$0x0], $0xffff  }
0x163: {  	v53 =	vld.idx.msk [tilespmem:v47+s12+$0x0], $0xffff;
	v2 =	vadd.f32 v3, v2;
	v3 =	vmul.f32 v12, v46  }
0x164: {  	v55 =	vor.u32 $0xB, v1;
	v54 =	vld.idx.msk [tilespmem:v47+s11+$0x0], $0xffff  }
0x165: {  	v56 =	vld.idx.msk [tilespmem:v49+s12+$0x0], $0xffff;
	v2 =	vadd.f32 v3, v2;
	v3 =	vmul.f32 v13, v48  }
0x166: {  	v58 =	vor.u32 $0xC, v1;
	v57 =	vld.idx.msk [tilespmem:v49+s11+$0x0], $0xffff  }
0x167: {  	v59 =	vld.idx.msk [tilespmem:v52+s12+$0x0], $0xffff;
	v2 =	vadd.f32 v3, v2;
	v3 =	vmul.f32 v50, v51  }
0x168: {  	v61 =	vor.u32 $0xD, v1;
	v60 =	vld.idx.msk [tilespmem:v52+s11+$0x0], $0xffff  }
0x169: {  	v62 =	vld.idx.msk [tilespmem:v55+s12+$0x0], $0xffff;
	v2 =	vadd.f32 v3, v2;
	v3 =	vmul.f32 v53, v54  }
0x16a: {  	v16 =	vor.u32 $0xE, v1;
	v63 =	vld.idx.msk [tilespmem:v55+s11+$0x0], $0xffff  }
0x16b: {  	v17 =	vld.idx.msk [tilespmem:v58+s12+$0x0], $0xffff;
	v2 =	vadd.f32 v3, v2;
	v3 =	vmul.f32 v56, v57  }
0x16c: {  	v19 =	vor.u32 $0xF, v1;
	v18 =	vld.idx.msk [tilespmem:v58+s11+$0x0], $0xffff  }
0x16d: {  	v20 =	vld.idx.msk [tilespmem:v61+s12+$0x0], $0xffff;
	v2 =	vadd.f32 v3, v2;
	v3 =	vmul.f32 v59, v60  }
0x16e: {  	v22 =	vor.u32 $0x10, v1;
	v21 =	vld.idx.msk [tilespmem:v61+s11+$0x0], $0xffff  }
0x16f: {  	v23 =	vld.idx.msk [tilespmem:v16+s12+$0x0], $0xffff;
	v2 =	vadd.f32 v3, v2;
	v3 =	vmul.f32 v62, v63  }
0x170: {  	v25 =	vor.u32 $0x11, v1;
	v24 =	vld.idx.msk [tilespmem:v16+s11+$0x0], $0xffff  }
0x171: {  	v26 =	vld.idx.msk [tilespmem:v19+s12+$0x0], $0xffff;
	v2 =	vadd.f32 v3, v2;
	v3 =	vmul.f32 v17, v18  }
0x172: {  	v28 =	vor.u32 $0x12, v1;
	v27 =	vld.idx.msk [tilespmem:v19+s11+$0x0], $0xffff  }
0x173: {  	v29 =	vld.idx.msk [tilespmem:v22+s12+$0x0], $0xffff;
	v2 =	vadd.f32 v3, v2;
	v3 =	vmul.f32 v20, v21  }
0x174: {  	v31 =	vor.u32 $0x13, v1;
	v30 =	vld.idx.msk [tilespmem:v22+s11+$0x0], $0xffff  }
0x175: {  	v32 =	vld.idx.msk [tilespmem:v25+s12+$0x0], $0xffff;
	v2 =	vadd.f32 v3, v2;
	v3 =	vmul.f32 v23, v24  }
0x176: {  	v34 =	vor.u32 $0x14, v1;
	v33 =	vld.idx.msk [tilespmem:v25+s11+$0x0], $0xffff  }
0x177: {  	v35 =	vld.idx.msk [tilespmem:v28+s12+$0x0], $0xffff;
	v2 =	vadd.f32 v3, v2;
	v3 =	vmul.f32 v26, v27  }
0x178: {  	v37 =	vor.u32 $0x15, v1;
	v36 =	vld.idx.msk [tilespmem:v28+s11+$0x0], $0xffff  }
0x179: {  	v38 =	vld.idx.msk [tilespmem:v31+s12+$0x0], $0xffff;
	v2 =	vadd.f32 v3, v2;
	v3 =	vmul.f32 v29, v30  }
0x17a: {  	v40 =	vor.u32 $0x16, v1;
	v39 =	vld.idx.msk [tilespmem:v31+s11+$0x0], $0xffff  }
0x17b: {  	v41 =	vld.idx.msk [tilespmem:v34+s12+$0x0], $0xffff;
	v2 =	vadd.f32 v3, v2;
	v3 =	vmul.f32 v32, v33  }
0x17c: {  	v43 =	vor.u32 $0x17, v1;
	v42 =	vld.idx.msk [tilespmem:v34+s11+$0x0], $0xffff  }
0x17d: {  	v45 =	vld.idx.msk [tilespmem:v37+s11+$0x0], $0xffff;
	v2 =	vadd.f32 v3, v2;
	v3 =	vmul.f32 v35, v36  }
0x17e: {  	v44 =	vld.idx.msk [tilespmem:v37+s12+$0x0], $0xffff;
	v46 =	vor.u32 $0x18, v1  }
0x17f: {  	v47 =	vld.idx.msk [tilespmem:v40+s12+$0x0], $0xffff;
	v2 =	vadd.f32 v3, v2;
	v3 =	vmul.f32 v38, v39  }
0x180: {  	v49 =	vor.u32 $0x19, v1;
	v48 =	vld.idx.msk [tilespmem:v40+s11+$0x0], $0xffff  }
0x181: {  	v50 =	vld.idx.msk [tilespmem:v43+s12+$0x0], $0xffff;
	v2 =	vadd.f32 v3, v2;
	v3 =	vmul.f32 v41, v42  }
0x182: {  	v52 =	vor.u32 $0x1A, v1;
	v51 =	vld.idx.msk [tilespmem:v43+s11+$0x0], $0xffff  }
0x183: {  	v53 =	vld.idx.msk [tilespmem:v46+s12+$0x0], $0xffff;
	v2 =	vadd.f32 v3, v2;
	v3 =	vmul.f32 v44, v45  }
0x184: {  	v55 =	vor.u32 $0x1B, v1;
	v54 =	vld.idx.msk [tilespmem:v46+s11+$0x0], $0xffff  }
0x185: {  	v56 =	vld.idx.msk [tilespmem:v49+s12+$0x0], $0xffff;
	v2 =	vadd.f32 v3, v2;
	v3 =	vmul.f32 v47, v48  }
0x186: {  	v58 =	vor.u32 $0x1C, v1;
	v57 =	vld.idx.msk [tilespmem:v49+s11+$0x0], $0xffff  }
0x187: {  	v59 =	vld.idx.msk [tilespmem:v52+s12+$0x0], $0xffff;
	v2 =	vadd.f32 v3, v2;
	v3 =	vmul.f32 v50, v51  }
0x188: {  	v61 =	vor.u32 $0x1D, v1;
	v60 =	vld.idx.msk [tilespmem:v52+s11+$0x0], $0xffff  }
0x189: {  	v62 =	vld.idx.msk [tilespmem:v55+s12+$0x0], $0xffff;
	v2 =	vadd.f32 v3, v2;
	v3 =	vmul.f32 v53, v54  }
0x18a: {  	v16 =	vor.u32 $0x1E, v1;
	v63 =	vld.idx.msk [tilespmem:v55+s11+$0x0], $0xffff  }
0x18b: {  	v17 =	vld.idx.msk [tilespmem:v58+s12+$0x0], $0xffff;
	v2 =	vadd.f32 v3, v2;
	v3 =	vmul.f32 v56, v57  }
0x18c: {  	v19 =	vor.u32 $0x1F, v1;
	v18 =	vld.idx.msk [tilespmem:v58+s11+$0x0], $0xffff  }
0x18d: {  	v20 =	vld.idx.msk [tilespmem:v61+s12+$0x0], $0xffff;
	v2 =	vadd.f32 v3, v2;
	v3 =	vmul.f32 v59, v60  }
0x18e: {  	v21 =	vld.idx.msk [tilespmem:v61+s11+$0x0], $0xffff  }
0x18f: {  	v22 =	vld.idx.msk [tilespmem:v16+s12+$0x0], $0xffff;
	v2 =	vadd.f32 v3, v2;
	v3 =	vmul.f32 v62, v63  }
0x190: {  	v23 =	vld.idx.msk [tilespmem:v16+s11+$0x0], $0xffff  }
0x191: {  	v25 =	vld.idx.msk [tilespmem:v19+s11+$0x0], $0xffff;
	v2 =	vadd.f32 v3, v2;
	v3 =	vmul.f32 v17, v18  }
0x192: {  	v24 =	vld.idx.msk [tilespmem:v19+s12+$0x0], $0xffff  }
0x193: {  	v26 =	vld.idx.msk [tilespmem:v1+s12+$0x0], $0xffff;
	v2 =	vadd.f32 v3, v2;
	v3 =	vmul.f32 v20, v21  }
0x194: {  	v1 =	vld.idx.msk [tilespmem:v1+s11+$0x0], $0xffff  }
0x195: {  	v2 =	vadd.f32 v3, v2;
	v3 =	vmul.f32 v22, v23;
	_ =	sdelay $0x1  }
0x196: {  	v2 =	vadd.f32 v3, v2;
	v3 =	vmul.f32 v24, v25;
	_ =	sdelay $0x1  }
0x197: {  	v1 =	vmul.f32 v26, v1;
	v2 =	vadd.f32 v3, v2;
	_ =	sdelay $0x1  }
0x198: {  	v1 =	vsub.f32 v1, v2;
	_ =	sdelay $0x1  }
0x199: {  	v1 =	vmax.f32 v1, $1.000000120e+00  }
0x19a: {  	v2 =	vadd.f32 $-1.000000000e+00, v1;
	v3 =	vadd.f32 $1.000000000e+00, v1;
	_ =	sdelay $0x1  }
0x19b: {  	v2 =	vmul.f32 v3, v2;
	_ =	sdelay $0x1  }
0x19c: {  	v3 =	vshra.s32 v2, $0x1;
	v27 =	vmul.f32 $5.000000000e-01, v2  }
0x19d: {  	v3 =	vsub.s32 $0x5F3759DF, v3  }
0x19e: {  	v28 =	vmul.f32 v3, v27;
	_ =	sdelay $0x1  }
0x19f: {  	v5 =	vmul.f32 v3, v28;
	_ =	sdelay $0x1  }
0x1a0: {  	v5 =	vsub.f32 $1.500000000e+00, v5;
	_ =	sdelay $0x1  }
0x1a1: {  	v3 =	vmul.f32 v3, v5;
	_ =	sdelay $0x1  }
0x1a2: {  	v5 =	vmul.f32 v3, v27;
	_ =	sdelay $0x1  }
0x1a3: {  	v5 =	vmul.f32 v5, v3;
	_ =	sdelay $0x1  }
0x1a4: {  	v5 =	vsub.f32 $1.500000000e+00, v5;
	_ =	sdelay $0x1  }
0x1a5: {  	v3 =	vmul.f32 v5, v3;
	_ =	sdelay $0x1  }
0x1a6: {  	v4 =	vmul.f32 v3, v27;
	_ =	sdelay $0x1  }
0x1a7: {  	v4 =	vmul.f32 v4, v3;
	_ =	sdelay $0x1  }
0x1a8: {  	v4 =	vsub.f32 $1.500000000e+00, v4;
	_ =	sdelay $0x1  }
0x1a9: {  	v3 =	vmul.f32 v4, v3;
	_ =	sdelay $0x1  }
0x1aa: {  	v2 =	vmul.f32 v3, v2;
	_ =	sdelay $0x1  }
0x1ab: {  	v1 =	vadd.f32 v2, v1;
	_ =	sdelay $0x1  }
0x1ac: {  	v1 =	vmul.f32 $1.353352810e-01, v1;
	_ =	sdelay $0x1  }
0x1ad: {  	v1 =	vadd.f32 $1.000000000e+00, v1;
	_ =	sdelay $0x1  }
0x1ae: {  	(erf) = vrcp.f32 v1;
	_ =	sdelay $0x7  }
0x1af: {  	s31 =	simm.s32 $0x80  }
0x1b0: {  	s0 =	sadd.s32 $0x10, s0;
	v2 =	vmov s31;
	v1 =	vpop (erf)  }
0x1b1: {  	[tilespmem:s0+$0x0] =	vst v1;
	v1 =	vshll.u32 v2, $0x5  }
0x1b2: {  	_ =	swait.ge [sflag:s25], $0x1000;
	v1 =	vor.u32 v0, v1  }
0x1b3: {  	[sflag:s25] =	ssyncset.done $0x0;
	v2 =	vor.u32 $0x1, v1  }
0x1b4: {  	[sflag:s25] =	ssyncadd.s32 $0xFFFFF000  }
0x1b5: {  	v3 =	vor.u32 $0x2, v1;
	_ =	swait.ge [sflag:s25], $0x1000  }
0x1b6: {  	[sflag:s25] =	ssyncset.done $0x0  }
0x1b7: {  	v29 =	vor.u32 $0x3, v1;
	[sflag:s25] =	ssyncadd.s32 $0xFFFFF000  }
0x1b8: {  	v30 =	vld.idx.msk [tilespmem:v2+s12+$0x0], $0xffff  }
0x1b9: {  	v31 =	vor.u32 $0x4, v1;
	v2 =	vld.idx.msk [tilespmem:v2+s11+$0x0], $0xffff  }
0x1ba: {  	v32 =	vld.idx.msk [tilespmem:v3+s12+$0x0], $0xffff  }
0x1bb: {  	v33 =	vor.u32 $0x5, v1;
	v3 =	vld.idx.msk [tilespmem:v3+s11+$0x0], $0xffff  }
0x1bc: {  	v34 =	vld.idx.msk [tilespmem:v29+s12+$0x0], $0xffff  }
0x1bd: {  	v35 =	vor.u32 $0x6, v1;
	v4 =	vld.idx.msk [tilespmem:v29+s11+$0x0], $0xffff  }
0x1be: {  	v36 =	vld.idx.msk [tilespmem:v31+s12+$0x0], $0xffff;
	v2 =	vmul.f32 v30, v2  }
0x1bf: {  	v38 =	vor.u32 $0x7, v1;
	v37 =	vld.idx.msk [tilespmem:v31+s11+$0x0], $0xffff  }
0x1c0: {  	v39 =	vld.idx.msk [tilespmem:v33+s12+$0x0], $0xffff;
	v3 =	vmul.f32 v32, v3;
	v2 =	vadd.f32 $0.0e+00, v2  }
0x1c1: {  	v41 =	vor.u32 $0x8, v1;
	v40 =	vld.idx.msk [tilespmem:v33+s11+$0x0], $0xffff  }
0x1c2: {  	v42 =	vld.idx.msk [tilespmem:v35+s12+$0x0], $0xffff;
	v2 =	vadd.f32 v3, v2;
	v3 =	vmul.f32 v34, v4  }
0x1c3: {  	v44 =	vor.u32 $0x9, v1;
	v43 =	vld.idx.msk [tilespmem:v35+s11+$0x0], $0xffff  }
0x1c4: {  	v45 =	vld.idx.msk [tilespmem:v38+s12+$0x0], $0xffff;
	v2 =	vadd.f32 v3, v2;
	v3 =	vmul.f32 v36, v37  }
0x1c5: {  	v47 =	vor.u32 $0xA, v1;
	v46 =	vld.idx.msk [tilespmem:v38+s11+$0x0], $0xffff  }
0x1c6: {  	v48 =	vld.idx.msk [tilespmem:v41+s12+$0x0], $0xffff;
	v2 =	vadd.f32 v3, v2;
	v3 =	vmul.f32 v39, v40  }
0x1c7: {  	v50 =	vor.u32 $0xB, v1;
	v49 =	vld.idx.msk [tilespmem:v41+s11+$0x0], $0xffff  }
0x1c8: {  	v51 =	vld.idx.msk [tilespmem:v44+s12+$0x0], $0xffff;
	v2 =	vadd.f32 v3, v2;
	v3 =	vmul.f32 v42, v43  }
0x1c9: {  	v53 =	vor.u32 $0xC, v1;
	v52 =	vld.idx.msk [tilespmem:v44+s11+$0x0], $0xffff  }
0x1ca: {  	v54 =	vld.idx.msk [tilespmem:v47+s12+$0x0], $0xffff;
	v2 =	vadd.f32 v3, v2;
	v3 =	vmul.f32 v45, v46  }
0x1cb: {  	v56 =	vor.u32 $0xD, v1;
	v55 =	vld.idx.msk [tilespmem:v47+s11+$0x0], $0xffff  }
0x1cc: {  	v57 =	vld.idx.msk [tilespmem:v50+s12+$0x0], $0xffff;
	v2 =	vadd.f32 v3, v2;
	v3 =	vmul.f32 v48, v49  }
0x1cd: {  	v59 =	vor.u32 $0xE, v1;
	v58 =	vld.idx.msk [tilespmem:v50+s11+$0x0], $0xffff  }
0x1ce: {  	v60 =	vld.idx.msk [tilespmem:v53+s12+$0x0], $0xffff;
	v2 =	vadd.f32 v3, v2;
	v3 =	vmul.f32 v51, v52  }
0x1cf: {  	v62 =	vor.u32 $0xF, v1;
	v61 =	vld.idx.msk [tilespmem:v53+s11+$0x0], $0xffff  }
0x1d0: {  	v63 =	vld.idx.msk [tilespmem:v56+s12+$0x0], $0xffff;
	v2 =	vadd.f32 v3, v2;
	v3 =	vmul.f32 v54, v55  }
0x1d1: {  	v17 =	vor.u32 $0x10, v1;
	v16 =	vld.idx.msk [tilespmem:v56+s11+$0x0], $0xffff  }
0x1d2: {  	v18 =	vld.idx.msk [tilespmem:v59+s12+$0x0], $0xffff;
	v2 =	vadd.f32 v3, v2;
	v3 =	vmul.f32 v57, v58  }
0x1d3: {  	v20 =	vor.u32 $0x11, v1;
	v19 =	vld.idx.msk [tilespmem:v59+s11+$0x0], $0xffff  }
0x1d4: {  	v21 =	vld.idx.msk [tilespmem:v62+s12+$0x0], $0xffff;
	v2 =	vadd.f32 v3, v2;
	v3 =	vmul.f32 v60, v61  }
0x1d5: {  	v23 =	vor.u32 $0x12, v1;
	v22 =	vld.idx.msk [tilespmem:v62+s11+$0x0], $0xffff  }
0x1d6: {  	v24 =	vld.idx.msk [tilespmem:v17+s12+$0x0], $0xffff;
	v2 =	vadd.f32 v3, v2;
	v3 =	vmul.f32 v63, v16  }
0x1d7: {  	v26 =	vor.u32 $0x13, v1;
	v25 =	vld.idx.msk [tilespmem:v17+s11+$0x0], $0xffff  }
0x1d8: {  	v27 =	vld.idx.msk [tilespmem:v20+s12+$0x0], $0xffff;
	v2 =	vadd.f32 v3, v2;
	v3 =	vmul.f32 v18, v19  }
0x1d9: {  	v28 =	vld.idx.msk [tilespmem:v20+s11+$0x0], $0xffff;
	v29 =	vor.u32 $0x14, v1  }
0x1da: {  	v31 =	vld.idx.msk [tilespmem:v23+s11+$0x0], $0xffff;
	v2 =	vadd.f32 v3, v2;
	v3 =	vmul.f32 v21, v22  }
0x1db: {  	v30 =	vld.idx.msk [tilespmem:v23+s12+$0x0], $0xffff;
	v32 =	vor.u32 $0x15, v1  }
0x1dc: {  	v33 =	vld.idx.msk [tilespmem:v26+s12+$0x0], $0xffff;
	v2 =	vadd.f32 v3, v2;
	v3 =	vmul.f32 v24, v25  }
0x1dd: {  	v35 =	vor.u32 $0x16, v1;
	v34 =	vld.idx.msk [tilespmem:v26+s11+$0x0], $0xffff  }
0x1de: {  	v36 =	vld.idx.msk [tilespmem:v29+s12+$0x0], $0xffff;
	v2 =	vadd.f32 v3, v2;
	v3 =	vmul.f32 v27, v28  }
0x1df: {  	v38 =	vor.u32 $0x17, v1;
	v37 =	vld.idx.msk [tilespmem:v29+s11+$0x0], $0xffff  }
0x1e0: {  	v39 =	vld.idx.msk [tilespmem:v32+s12+$0x0], $0xffff;
	v2 =	vadd.f32 v3, v2;
	v3 =	vmul.f32 v30, v31  }
0x1e1: {  	v41 =	vor.u32 $0x18, v1;
	v40 =	vld.idx.msk [tilespmem:v32+s11+$0x0], $0xffff  }
0x1e2: {  	v42 =	vld.idx.msk [tilespmem:v35+s12+$0x0], $0xffff;
	v2 =	vadd.f32 v3, v2;
	v3 =	vmul.f32 v33, v34  }
0x1e3: {  	v44 =	vor.u32 $0x19, v1;
	v43 =	vld.idx.msk [tilespmem:v35+s11+$0x0], $0xffff  }
0x1e4: {  	v45 =	vld.idx.msk [tilespmem:v38+s12+$0x0], $0xffff;
	v2 =	vadd.f32 v3, v2;
	v3 =	vmul.f32 v36, v37  }
0x1e5: {  	v47 =	vor.u32 $0x1A, v1;
	v46 =	vld.idx.msk [tilespmem:v38+s11+$0x0], $0xffff  }
0x1e6: {  	v48 =	vld.idx.msk [tilespmem:v41+s12+$0x0], $0xffff;
	v2 =	vadd.f32 v3, v2;
	v3 =	vmul.f32 v39, v40  }
0x1e7: {  	v50 =	vor.u32 $0x1B, v1;
	v49 =	vld.idx.msk [tilespmem:v41+s11+$0x0], $0xffff  }
0x1e8: {  	v51 =	vld.idx.msk [tilespmem:v44+s12+$0x0], $0xffff;
	v2 =	vadd.f32 v3, v2;
	v3 =	vmul.f32 v42, v43  }
0x1e9: {  	v53 =	vor.u32 $0x1C, v1;
	v52 =	vld.idx.msk [tilespmem:v44+s11+$0x0], $0xffff  }
0x1ea: {  	v54 =	vld.idx.msk [tilespmem:v47+s12+$0x0], $0xffff;
	v2 =	vadd.f32 v3, v2;
	v3 =	vmul.f32 v45, v46  }
0x1eb: {  	v56 =	vor.u32 $0x1D, v1;
	v55 =	vld.idx.msk [tilespmem:v47+s11+$0x0], $0xffff  }
0x1ec: {  	v57 =	vld.idx.msk [tilespmem:v50+s12+$0x0], $0xffff;
	v2 =	vadd.f32 v3, v2;
	v3 =	vmul.f32 v48, v49  }
0x1ed: {  	v59 =	vor.u32 $0x1E, v1;
	v58 =	vld.idx.msk [tilespmem:v50+s11+$0x0], $0xffff  }
0x1ee: {  	v60 =	vld.idx.msk [tilespmem:v53+s12+$0x0], $0xffff;
	v2 =	vadd.f32 v3, v2;
	v3 =	vmul.f32 v51, v52  }
0x1ef: {  	v62 =	vor.u32 $0x1F, v1;
	v61 =	vld.idx.msk [tilespmem:v53+s11+$0x0], $0xffff  }
0x1f0: {  	v13 =	vld.idx.msk [tilespmem:v56+s11+$0x0], $0xffff;
	v2 =	vadd.f32 v3, v2;
	v3 =	vmul.f32 v54, v55  }
0x1f1: {  	v63 =	vld.idx.msk [tilespmem:v56+s12+$0x0], $0xffff  }
0x1f2: {  	v14 =	vld.idx.msk [tilespmem:v59+s12+$0x0], $0xffff;
	v2 =	vadd.f32 v3, v2;
	v3 =	vmul.f32 v57, v58  }
0x1f3: {  	v15 =	vld.idx.msk [tilespmem:v59+s11+$0x0], $0xffff  }
0x1f4: {  	v17 =	vld.idx.msk [tilespmem:v62+s11+$0x0], $0xffff;
	v2 =	vadd.f32 v3, v2;
	v3 =	vmul.f32 v60, v61  }
0x1f5: {  	v16 =	vld.idx.msk [tilespmem:v62+s12+$0x0], $0xffff  }
0x1f6: {  	v18 =	vld.idx.msk [tilespmem:v1+s12+$0x0], $0xffff;
	v2 =	vadd.f32 v3, v2;
	v3 =	vmul.f32 v63, v13  }
0x1f7: {  	v1 =	vld.idx.msk [tilespmem:v1+s11+$0x0], $0xffff  }
0x1f8: {  	v2 =	vadd.f32 v3, v2;
	v3 =	vmul.f32 v14, v15;
	_ =	sdelay $0x1  }
0x1f9: {  	v2 =	vadd.f32 v3, v2;
	v3 =	vmul.f32 v16, v17;
	_ =	sdelay $0x1  }
0x1fa: {  	v1 =	vmul.f32 v18, v1;
	v2 =	vadd.f32 v3, v2;
	_ =	sdelay $0x1  }
0x1fb: {  	v1 =	vsub.f32 v1, v2;
	_ =	sdelay $0x1  }
0x1fc: {  	v1 =	vmax.f32 v1, $1.000000120e+00  }
0x1fd: {  	v2 =	vadd.f32 $-1.000000000e+00, v1;
	v3 =	vadd.f32 $1.000000000e+00, v1;
	_ =	sdelay $0x1  }
0x1fe: {  	v2 =	vmul.f32 v3, v2;
	_ =	sdelay $0x1  }
0x1ff: {  	v3 =	vshra.s32 v2, $0x1;
	v19 =	vmul.f32 $5.000000000e-01, v2  }
0x200: {  	v3 =	vsub.s32 $0x5F3759DF, v3  }
0x201: {  	v20 =	vmul.f32 v3, v19;
	_ =	sdelay $0x1  }
0x202: {  	v5 =	vmul.f32 v3, v20;
	_ =	sdelay $0x1  }
0x203: {  	v5 =	vsub.f32 $1.500000000e+00, v5;
	_ =	sdelay $0x1  }
0x204: {  	v3 =	vmul.f32 v3, v5;
	_ =	sdelay $0x1  }
0x205: {  	v5 =	vmul.f32 v3, v19;
	_ =	sdelay $0x1  }
0x206: {  	v5 =	vmul.f32 v5, v3;
	_ =	sdelay $0x1  }
0x207: {  	v5 =	vsub.f32 $1.500000000e+00, v5;
	_ =	sdelay $0x1  }
0x208: {  	v3 =	vmul.f32 v5, v3;
	_ =	sdelay $0x1  }
0x209: {  	v4 =	vmul.f32 v3, v19;
	_ =	sdelay $0x1  }
0x20a: {  	v4 =	vmul.f32 v4, v3;
	_ =	sdelay $0x1  }
0x20b: {  	v4 =	vsub.f32 $1.500000000e+00, v4;
	_ =	sdelay $0x1  }
0x20c: {  	v3 =	vmul.f32 v4, v3;
	_ =	sdelay $0x1  }
0x20d: {  	v2 =	vmul.f32 v3, v2;
	_ =	sdelay $0x1  }
0x20e: {  	v1 =	vadd.f32 v2, v1;
	_ =	sdelay $0x1  }
0x20f: {  	v1 =	vmul.f32 $1.353352810e-01, v1;
	_ =	sdelay $0x1  }
0x210: {  	v1 =	vadd.f32 $1.000000000e+00, v1;
	_ =	sdelay $0x1  }
0x211: {  	(erf) = vrcp.f32 v1;
	_ =	sdelay $0x1  }
0x212: {  	s0 =	simm.s32 $0x90  }
0x213: {  	v1 =	vmov s0  }
0x214: {  	v1 =	vshll.u32 v1, $0x5  }
0x215: {  	v1 =	vor.u32 v0, v1  }
0x216: {  	v2 =	vor.u32 $0x1, v1;
	_ =	sdelay $0x1  }
0x217: {  	v3 =	vor.u32 $0x2, v1  }
0x218: {  	s31 =	simm.s32 $0x8480;
	v21 =	vpop (erf)  }
0x219: {  	v22 =	vor.u32 $0x3, v1;
	[tilespmem:s31+$0x0] =	vst v21  }
0x21a: {  	v4 =	vld.idx.msk [tilespmem:v2+s12+$0x0], $0xffff  }
0x21b: {  	v23 =	vor.u32 $0x4, v1;
	v2 =	vld.idx.msk [tilespmem:v2+s11+$0x0], $0xffff  }
0x21c: {  	v24 =	vld.idx.msk [tilespmem:v3+s12+$0x0], $0xffff  }
0x21d: {  	v25 =	vor.u32 $0x5, v1;
	v3 =	vld.idx.msk [tilespmem:v3+s11+$0x0], $0xffff  }
0x21e: {  	v26 =	vld.idx.msk [tilespmem:v22+s12+$0x0], $0xffff  }
0x21f: {  	v27 =	vor.u32 $0x6, v1;
	v5 =	vld.idx.msk [tilespmem:v22+s11+$0x0], $0xffff  }
0x220: {  	v28 =	vld.idx.msk [tilespmem:v23+s12+$0x0], $0xffff;
	v2 =	vmul.f32 v4, v2  }
0x221: {  	v30 =	vor.u32 $0x7, v1;
	v29 =	vld.idx.msk [tilespmem:v23+s11+$0x0], $0xffff  }
0x222: {  	v31 =	vld.idx.msk [tilespmem:v25+s12+$0x0], $0xffff;
	v3 =	vmul.f32 v24, v3;
	v2 =	vadd.f32 $0.0e+00, v2  }
0x223: {  	v33 =	vor.u32 $0x8, v1;
	v32 =	vld.idx.msk [tilespmem:v25+s11+$0x0], $0xffff  }
0x224: {  	v34 =	vld.idx.msk [tilespmem:v27+s12+$0x0], $0xffff;
	v2 =	vadd.f32 v3, v2;
	v3 =	vmul.f32 v26, v5  }
0x225: {  	v36 =	vor.u32 $0x9, v1;
	v35 =	vld.idx.msk [tilespmem:v27+s11+$0x0], $0xffff  }
0x226: {  	v37 =	vld.idx.msk [tilespmem:v30+s12+$0x0], $0xffff;
	v2 =	vadd.f32 v3, v2;
	v3 =	vmul.f32 v28, v29  }
0x227: {  	v39 =	vor.u32 $0xA, v1;
	v38 =	vld.idx.msk [tilespmem:v30+s11+$0x0], $0xffff  }
0x228: {  	v40 =	vld.idx.msk [tilespmem:v33+s12+$0x0], $0xffff;
	v2 =	vadd.f32 v3, v2;
	v3 =	vmul.f32 v31, v32  }
0x229: {  	v42 =	vor.u32 $0xB, v1;
	v41 =	vld.idx.msk [tilespmem:v33+s11+$0x0], $0xffff  }
0x22a: {  	v43 =	vld.idx.msk [tilespmem:v36+s12+$0x0], $0xffff;
	v2 =	vadd.f32 v3, v2;
	v3 =	vmul.f32 v34, v35  }
0x22b: {  	v45 =	vor.u32 $0xC, v1;
	v44 =	vld.idx.msk [tilespmem:v36+s11+$0x0], $0xffff  }
0x22c: {  	v46 =	vld.idx.msk [tilespmem:v39+s12+$0x0], $0xffff;
	v2 =	vadd.f32 v3, v2;
	v3 =	vmul.f32 v37, v38  }
0x22d: {  	v48 =	vor.u32 $0xD, v1;
	v47 =	vld.idx.msk [tilespmem:v39+s11+$0x0], $0xffff  }
0x22e: {  	v49 =	vld.idx.msk [tilespmem:v42+s12+$0x0], $0xffff;
	v2 =	vadd.f32 v3, v2;
	v3 =	vmul.f32 v40, v41  }
0x22f: {  	v51 =	vor.u32 $0xE, v1;
	v50 =	vld.idx.msk [tilespmem:v42+s11+$0x0], $0xffff  }
0x230: {  	v52 =	vld.idx.msk [tilespmem:v45+s12+$0x0], $0xffff;
	v2 =	vadd.f32 v3, v2;
	v3 =	vmul.f32 v43, v44  }
0x231: {  	v54 =	vor.u32 $0xF, v1;
	v53 =	vld.idx.msk [tilespmem:v45+s11+$0x0], $0xffff  }
0x232: {  	v55 =	vld.idx.msk [tilespmem:v48+s12+$0x0], $0xffff;
	v2 =	vadd.f32 v3, v2;
	v3 =	vmul.f32 v46, v47  }
0x233: {  	v57 =	vor.u32 $0x10, v1;
	v56 =	vld.idx.msk [tilespmem:v48+s11+$0x0], $0xffff  }
0x234: {  	v58 =	vld.idx.msk [tilespmem:v51+s12+$0x0], $0xffff;
	v2 =	vadd.f32 v3, v2;
	v3 =	vmul.f32 v49, v50  }
0x235: {  	v60 =	vor.u32 $0x11, v1;
	v59 =	vld.idx.msk [tilespmem:v51+s11+$0x0], $0xffff  }
0x236: {  	v61 =	vld.idx.msk [tilespmem:v54+s12+$0x0], $0xffff;
	v2 =	vadd.f32 v3, v2;
	v3 =	vmul.f32 v52, v53  }
0x237: {  	v63 =	vor.u32 $0x12, v1;
	v62 =	vld.idx.msk [tilespmem:v54+s11+$0x0], $0xffff  }
0x238: {  	v16 =	vld.idx.msk [tilespmem:v57+s12+$0x0], $0xffff;
	v2 =	vadd.f32 v3, v2;
	v3 =	vmul.f32 v55, v56  }
0x239: {  	v18 =	vor.u32 $0x13, v1;
	v17 =	vld.idx.msk [tilespmem:v57+s11+$0x0], $0xffff  }
0x23a: {  	v19 =	vld.idx.msk [tilespmem:v60+s12+$0x0], $0xffff;
	v2 =	vadd.f32 v3, v2;
	v3 =	vmul.f32 v58, v59  }
0x23b: {  	v21 =	vor.u32 $0x14, v1;
	v20 =	vld.idx.msk [tilespmem:v60+s11+$0x0], $0xffff  }
0x23c: {  	v22 =	vld.idx.msk [tilespmem:v63+s12+$0x0], $0xffff;
	v2 =	vadd.f32 v3, v2;
	v3 =	vmul.f32 v61, v62  }
0x23d: {  	v23 =	vld.idx.msk [tilespmem:v63+s11+$0x0], $0xffff;
	v24 =	vor.u32 $0x15, v1  }
0x23e: {  	v25 =	vld.idx.msk [tilespmem:v18+s12+$0x0], $0xffff;
	v2 =	vadd.f32 v3, v2;
	v3 =	vmul.f32 v16, v17  }
0x23f: {  	v27 =	vor.u32 $0x16, v1;
	v26 =	vld.idx.msk [tilespmem:v18+s11+$0x0], $0xffff  }
0x240: {  	v28 =	vld.idx.msk [tilespmem:v21+s12+$0x0], $0xffff;
	v2 =	vadd.f32 v3, v2;
	v3 =	vmul.f32 v19, v20  }
0x241: {  	v30 =	vor.u32 $0x17, v1;
	v29 =	vld.idx.msk [tilespmem:v21+s11+$0x0], $0xffff  }
0x242: {  	v31 =	vld.idx.msk [tilespmem:v24+s12+$0x0], $0xffff;
	v2 =	vadd.f32 v3, v2;
	v3 =	vmul.f32 v22, v23  }
0x243: {  	v33 =	vor.u32 $0x18, v1;
	v32 =	vld.idx.msk [tilespmem:v24+s11+$0x0], $0xffff  }
0x244: {  	v34 =	vld.idx.msk [tilespmem:v27+s12+$0x0], $0xffff;
	v2 =	vadd.f32 v3, v2;
	v3 =	vmul.f32 v25, v26  }
0x245: {  	v36 =	vor.u32 $0x19, v1;
	v35 =	vld.idx.msk [tilespmem:v27+s11+$0x0], $0xffff  }
0x246: {  	v37 =	vld.idx.msk [tilespmem:v30+s12+$0x0], $0xffff;
	v2 =	vadd.f32 v3, v2;
	v3 =	vmul.f32 v28, v29  }
0x247: {  	v39 =	vor.u32 $0x1A, v1;
	v38 =	vld.idx.msk [tilespmem:v30+s11+$0x0], $0xffff  }
0x248: {  	v40 =	vld.idx.msk [tilespmem:v33+s12+$0x0], $0xffff;
	v2 =	vadd.f32 v3, v2;
	v3 =	vmul.f32 v31, v32  }
0x249: {  	v42 =	vor.u32 $0x1B, v1;
	v41 =	vld.idx.msk [tilespmem:v33+s11+$0x0], $0xffff  }
0x24a: {  	v43 =	vld.idx.msk [tilespmem:v36+s12+$0x0], $0xffff;
	v2 =	vadd.f32 v3, v2;
	v3 =	vmul.f32 v34, v35  }
0x24b: {  	v45 =	vor.u32 $0x1C, v1;
	v44 =	vld.idx.msk [tilespmem:v36+s11+$0x0], $0xffff  }
0x24c: {  	v46 =	vld.idx.msk [tilespmem:v39+s12+$0x0], $0xffff;
	v2 =	vadd.f32 v3, v2;
	v3 =	vmul.f32 v37, v38  }
0x24d: {  	v48 =	vor.u32 $0x1D, v1;
	v47 =	vld.idx.msk [tilespmem:v39+s11+$0x0], $0xffff  }
0x24e: {  	v49 =	vld.idx.msk [tilespmem:v42+s12+$0x0], $0xffff;
	v2 =	vadd.f32 v3, v2;
	v3 =	vmul.f32 v40, v41  }
0x24f: {  	v51 =	vor.u32 $0x1E, v1;
	v50 =	vld.idx.msk [tilespmem:v42+s11+$0x0], $0xffff  }
0x250: {  	v52 =	vld.idx.msk [tilespmem:v45+s12+$0x0], $0xffff;
	v2 =	vadd.f32 v3, v2;
	v3 =	vmul.f32 v43, v44  }
0x251: {  	v54 =	vor.u32 $0x1F, v1;
	v53 =	vld.idx.msk [tilespmem:v45+s11+$0x0], $0xffff  }
0x252: {  	v55 =	vld.idx.msk [tilespmem:v48+s12+$0x0], $0xffff;
	v2 =	vadd.f32 v3, v2;
	v3 =	vmul.f32 v46, v47  }
0x253: {  	v56 =	vld.idx.msk [tilespmem:v48+s11+$0x0], $0xffff  }
0x254: {  	v57 =	vld.idx.msk [tilespmem:v51+s12+$0x0], $0xffff;
	v2 =	vadd.f32 v3, v2;
	v3 =	vmul.f32 v49, v50  }
0x255: {  	v58 =	vld.idx.msk [tilespmem:v51+s11+$0x0], $0xffff  }
0x256: {  	v60 =	vld.idx.msk [tilespmem:v54+s11+$0x0], $0xffff;
	v2 =	vadd.f32 v3, v2;
	v3 =	vmul.f32 v52, v53  }
0x257: {  	v59 =	vld.idx.msk [tilespmem:v54+s12+$0x0], $0xffff  }
0x258: {  	v61 =	vld.idx.msk [tilespmem:v1+s12+$0x0], $0xffff;
	v2 =	vadd.f32 v3, v2;
	v3 =	vmul.f32 v55, v56  }
0x259: {  	v1 =	vld.idx.msk [tilespmem:v1+s11+$0x0], $0xffff  }
0x25a: {  	v2 =	vadd.f32 v3, v2;
	v3 =	vmul.f32 v57, v58;
	_ =	sdelay $0x1  }
0x25b: {  	v2 =	vadd.f32 v3, v2;
	v3 =	vmul.f32 v59, v60;
	_ =	sdelay $0x1  }
0x25c: {  	v1 =	vmul.f32 v61, v1;
	v2 =	vadd.f32 v3, v2;
	_ =	sdelay $0x1  }
0x25d: {  	v1 =	vsub.f32 v1, v2;
	_ =	sdelay $0x1  }
0x25e: {  	v1 =	vmax.f32 v1, $1.000000120e+00  }
0x25f: {  	v2 =	vadd.f32 $-1.000000000e+00, v1;
	v3 =	vadd.f32 $1.000000000e+00, v1;
	_ =	sdelay $0x1  }
0x260: {  	v2 =	vmul.f32 v3, v2;
	_ =	sdelay $0x1  }
0x261: {  	v3 =	vshra.s32 v2, $0x1;
	v62 =	vmul.f32 $5.000000000e-01, v2  }
0x262: {  	v3 =	vsub.s32 $0x5F3759DF, v3  }
0x263: {  	v63 =	vmul.f32 v3, v62;
	_ =	sdelay $0x1  }
0x264: {  	v5 =	vmul.f32 v3, v63;
	_ =	sdelay $0x1  }
0x265: {  	v5 =	vsub.f32 $1.500000000e+00, v5;
	_ =	sdelay $0x1  }
0x266: {  	v3 =	vmul.f32 v3, v5;
	_ =	sdelay $0x1  }
0x267: {  	v5 =	vmul.f32 v3, v62;
	_ =	sdelay $0x1  }
0x268: {  	v5 =	vmul.f32 v5, v3;
	_ =	sdelay $0x1  }
0x269: {  	v5 =	vsub.f32 $1.500000000e+00, v5;
	_ =	sdelay $0x1  }
0x26a: {  	v3 =	vmul.f32 v5, v3;
	_ =	sdelay $0x1  }
0x26b: {  	v4 =	vmul.f32 v3, v62;
	_ =	sdelay $0x1  }
0x26c: {  	v4 =	vmul.f32 v4, v3;
	_ =	sdelay $0x1  }
0x26d: {  	v4 =	vsub.f32 $1.500000000e+00, v4;
	_ =	sdelay $0x1  }
0x26e: {  	v3 =	vmul.f32 v4, v3;
	_ =	sdelay $0x1  }
0x26f: {  	v2 =	vmul.f32 v3, v2;
	_ =	sdelay $0x1  }
0x270: {  	v1 =	vadd.f32 v2, v1;
	_ =	sdelay $0x1  }
0x271: {  	v1 =	vmul.f32 $1.353352810e-01, v1;
	_ =	sdelay $0x1  }
0x272: {  	v1 =	vadd.f32 $1.000000000e+00, v1;
	_ =	sdelay $0x1  }
0x273: {  	(erf) = vrcp.f32 v1;
	_ =	sdelay $0x1  }
0x274: {  	s0 =	simm.s32 $0xA0  }
0x275: {  	v2 =	vmov s0  }
0x276: {  	s0 =	simm.s32 $0xB0;
	v1 =	vshll.u32 v2, $0x5  }
.LBB2_4:
0x277: {  	p0 =	sne.s32 s0, $0xF0;
	v1 =	vor.u32 v0, v1  }
0x278: {  	v2 =	vor.u32 $0x1, v1;
	_ =	sdelay $0x1  }
0x279: {  	v3 =	vor.u32 $0x2, v1  }
0x27a: {  	s31 =	sadd.s32 $0x10, s31;
	v4 =	vpop (erf)  }
0x27b: {  	v5 =	vor.u32 $0x3, v1;
	[tilespmem:s31+$0x0] =	vst v4  }
0x27c: {  	v4 =	vld.idx.msk [tilespmem:v2+s12+$0x0], $0xffff  }
0x27d: {  	v6 =	vor.u32 $0x4, v1;
	v2 =	vld.idx.msk [tilespmem:v2+s11+$0x0], $0xffff  }
0x27e: {  	v7 =	vld.idx.msk [tilespmem:v3+s12+$0x0], $0xffff  }
0x27f: {  	v8 =	vor.u32 $0x5, v1;
	v3 =	vld.idx.msk [tilespmem:v3+s11+$0x0], $0xffff  }
0x280: {  	v9 =	vld.idx.msk [tilespmem:v5+s12+$0x0], $0xffff  }
0x281: {  	v10 =	vor.u32 $0x6, v1;
	v5 =	vld.idx.msk [tilespmem:v5+s11+$0x0], $0xffff  }
0x282: {  	v11 =	vld.idx.msk [tilespmem:v6+s12+$0x0], $0xffff  }
0x283: {  	v2 =	vmul.f32 v4, v2;
	v4 =	vld.idx.msk [tilespmem:v6+s11+$0x0], $0xffff;
	v6 =	vor.u32 $0x7, v1  }
0x284: {  	v12 =	vld.idx.msk [tilespmem:v8+s12+$0x0], $0xffff  }
0x285: {  	v2 =	vadd.f32 $0.0e+00, v2;
	v3 =	vmul.f32 v7, v3;
	v7 =	vld.idx.msk [tilespmem:v8+s11+$0x0], $0xffff;
	v8 =	vor.u32 $0x8, v1  }
0x286: {  	v13 =	vld.idx.msk [tilespmem:v10+s12+$0x0], $0xffff  }
0x287: {  	v2 =	vadd.f32 v3, v2;
	v3 =	vmul.f32 v9, v5;
	v9 =	vor.u32 $0x9, v1;
	v5 =	vld.idx.msk [tilespmem:v10+s11+$0x0], $0xffff  }
0x288: {  	v10 =	vld.idx.msk [tilespmem:v6+s12+$0x0], $0xffff  }
0x289: {  	v2 =	vadd.f32 v3, v2;
	v3 =	vmul.f32 v11, v4;
	v4 =	vld.idx.msk [tilespmem:v6+s11+$0x0], $0xffff;
	v6 =	vor.u32 $0xA, v1  }
0x28a: {  	v11 =	vld.idx.msk [tilespmem:v8+s12+$0x0], $0xffff  }
0x28b: {  	v2 =	vadd.f32 v3, v2;
	v3 =	vmul.f32 v12, v7;
	v7 =	vld.idx.msk [tilespmem:v8+s11+$0x0], $0xffff;
	v8 =	vor.u32 $0xB, v1  }
0x28c: {  	v12 =	vld.idx.msk [tilespmem:v9+s12+$0x0], $0xffff  }
0x28d: {  	v2 =	vadd.f32 v3, v2;
	v3 =	vmul.f32 v13, v5;
	v5 =	vld.idx.msk [tilespmem:v9+s11+$0x0], $0xffff;
	v9 =	vor.u32 $0xC, v1  }
0x28e: {  	v13 =	vld.idx.msk [tilespmem:v6+s12+$0x0], $0xffff  }
0x28f: {  	v2 =	vadd.f32 v3, v2;
	v3 =	vmul.f32 v10, v4;
	v4 =	vld.idx.msk [tilespmem:v6+s11+$0x0], $0xffff;
	v6 =	vor.u32 $0xD, v1  }
0x290: {  	v10 =	vld.idx.msk [tilespmem:v8+s12+$0x0], $0xffff  }
0x291: {  	v2 =	vadd.f32 v3, v2;
	v3 =	vmul.f32 v11, v7;
	v7 =	vld.idx.msk [tilespmem:v8+s11+$0x0], $0xffff;
	v8 =	vor.u32 $0xE, v1  }
0x292: {  	v11 =	vld.idx.msk [tilespmem:v9+s12+$0x0], $0xffff  }
0x293: {  	v2 =	vadd.f32 v3, v2;
	v3 =	vmul.f32 v12, v5;
	v5 =	vld.idx.msk [tilespmem:v9+s11+$0x0], $0xffff;
	v9 =	vor.u32 $0xF, v1  }
0x294: {  	v12 =	vld.idx.msk [tilespmem:v6+s12+$0x0], $0xffff  }
0x295: {  	v2 =	vadd.f32 v3, v2;
	v3 =	vmul.f32 v13, v4;
	v4 =	vld.idx.msk [tilespmem:v6+s11+$0x0], $0xffff;
	v6 =	vor.u32 $0x10, v1  }
0x296: {  	v13 =	vld.idx.msk [tilespmem:v8+s12+$0x0], $0xffff  }
0x297: {  	v2 =	vadd.f32 v3, v2;
	v3 =	vmul.f32 v10, v7;
	v7 =	vld.idx.msk [tilespmem:v8+s11+$0x0], $0xffff;
	v8 =	vor.u32 $0x11, v1  }
0x298: {  	v10 =	vld.idx.msk [tilespmem:v9+s12+$0x0], $0xffff  }
0x299: {  	v2 =	vadd.f32 v3, v2;
	v3 =	vmul.f32 v11, v5;
	v5 =	vld.idx.msk [tilespmem:v9+s11+$0x0], $0xffff;
	v9 =	vor.u32 $0x12, v1  }
0x29a: {  	v11 =	vld.idx.msk [tilespmem:v6+s12+$0x0], $0xffff  }
0x29b: {  	v2 =	vadd.f32 v3, v2;
	v3 =	vmul.f32 v12, v4;
	v4 =	vld.idx.msk [tilespmem:v6+s11+$0x0], $0xffff;
	v6 =	vor.u32 $0x13, v1  }
0x29c: {  	v12 =	vld.idx.msk [tilespmem:v8+s12+$0x0], $0xffff  }
0x29d: {  	v2 =	vadd.f32 v3, v2;
	v3 =	vmul.f32 v13, v7;
	v7 =	vld.idx.msk [tilespmem:v8+s11+$0x0], $0xffff;
	v8 =	vor.u32 $0x14, v1  }
0x29e: {  	v13 =	vld.idx.msk [tilespmem:v9+s12+$0x0], $0xffff  }
0x29f: {  	v2 =	vadd.f32 v3, v2;
	v3 =	vmul.f32 v10, v5;
	v5 =	vld.idx.msk [tilespmem:v9+s11+$0x0], $0xffff;
	v9 =	vor.u32 $0x15, v1  }
0x2a0: {  	v10 =	vld.idx.msk [tilespmem:v6+s12+$0x0], $0xffff  }
0x2a1: {  	v2 =	vadd.f32 v3, v2;
	v3 =	vmul.f32 v11, v4;
	v4 =	vld.idx.msk [tilespmem:v6+s11+$0x0], $0xffff;
	v6 =	vor.u32 $0x16, v1  }
0x2a2: {  	v11 =	vld.idx.msk [tilespmem:v8+s12+$0x0], $0xffff  }
0x2a3: {  	v2 =	vadd.f32 v3, v2;
	v3 =	vmul.f32 v12, v7;
	v7 =	vld.idx.msk [tilespmem:v8+s11+$0x0], $0xffff;
	v8 =	vor.u32 $0x17, v1  }
0x2a4: {  	v12 =	vld.idx.msk [tilespmem:v9+s12+$0x0], $0xffff  }
0x2a5: {  	v2 =	vadd.f32 v3, v2;
	v3 =	vmul.f32 v13, v5;
	v5 =	vld.idx.msk [tilespmem:v9+s11+$0x0], $0xffff;
	v9 =	vor.u32 $0x18, v1  }
0x2a6: {  	v13 =	vld.idx.msk [tilespmem:v6+s12+$0x0], $0xffff  }
0x2a7: {  	v2 =	vadd.f32 v3, v2;
	v3 =	vmul.f32 v10, v4;
	v4 =	vld.idx.msk [tilespmem:v6+s11+$0x0], $0xffff;
	v6 =	vor.u32 $0x19, v1  }
0x2a8: {  	v10 =	vld.idx.msk [tilespmem:v8+s12+$0x0], $0xffff  }
0x2a9: {  	v2 =	vadd.f32 v3, v2;
	v3 =	vmul.f32 v11, v7;
	v7 =	vld.idx.msk [tilespmem:v8+s11+$0x0], $0xffff;
	v8 =	vor.u32 $0x1A, v1  }
0x2aa: {  	v11 =	vld.idx.msk [tilespmem:v9+s12+$0x0], $0xffff  }
0x2ab: {  	v2 =	vadd.f32 v3, v2;
	v3 =	vmul.f32 v12, v5;
	v5 =	vld.idx.msk [tilespmem:v9+s11+$0x0], $0xffff;
	v9 =	vor.u32 $0x1B, v1  }
0x2ac: {  	v12 =	vld.idx.msk [tilespmem:v6+s12+$0x0], $0xffff  }
0x2ad: {  	v2 =	vadd.f32 v3, v2;
	v3 =	vmul.f32 v13, v4;
	v4 =	vld.idx.msk [tilespmem:v6+s11+$0x0], $0xffff;
	v6 =	vor.u32 $0x1C, v1  }
0x2ae: {  	v13 =	vld.idx.msk [tilespmem:v8+s12+$0x0], $0xffff  }
0x2af: {  	v2 =	vadd.f32 v3, v2;
	v3 =	vmul.f32 v10, v7;
	v7 =	vld.idx.msk [tilespmem:v8+s11+$0x0], $0xffff;
	v8 =	vor.u32 $0x1D, v1  }
0x2b0: {  	v10 =	vld.idx.msk [tilespmem:v9+s12+$0x0], $0xffff  }
0x2b1: {  	v2 =	vadd.f32 v3, v2;
	v3 =	vmul.f32 v11, v5;
	v5 =	vld.idx.msk [tilespmem:v9+s11+$0x0], $0xffff;
	v9 =	vor.u32 $0x1E, v1  }
0x2b2: {  	v11 =	vld.idx.msk [tilespmem:v6+s12+$0x0], $0xffff  }
0x2b3: {  	v2 =	vadd.f32 v3, v2;
	v3 =	vmul.f32 v12, v4;
	v4 =	vld.idx.msk [tilespmem:v6+s11+$0x0], $0xffff;
	v6 =	vor.u32 $0x1F, v1  }
0x2b4: {  	v12 =	vld.idx.msk [tilespmem:v8+s12+$0x0], $0xffff  }
0x2b5: {  	v2 =	vadd.f32 v3, v2;
	v3 =	vmul.f32 v13, v7;
	v7 =	vld.idx.msk [tilespmem:v8+s11+$0x0], $0xffff  }
0x2b6: {  	v8 =	vld.idx.msk [tilespmem:v9+s12+$0x0], $0xffff  }
0x2b7: {  	v2 =	vadd.f32 v3, v2;
	v3 =	vmul.f32 v10, v5;
	v5 =	vld.idx.msk [tilespmem:v9+s11+$0x0], $0xffff  }
0x2b8: {  	v9 =	vld.idx.msk [tilespmem:v6+s12+$0x0], $0xffff  }
0x2b9: {  	v2 =	vadd.f32 v3, v2;
	v3 =	vmul.f32 v11, v4;
	v4 =	vld.idx.msk [tilespmem:v6+s11+$0x0], $0xffff  }
0x2ba: {  	v6 =	vld.idx.msk [tilespmem:v1+s12+$0x0], $0xffff  }
0x2bb: {  	v2 =	vadd.f32 v3, v2;
	v3 =	vmul.f32 v12, v7;
	v1 =	vld.idx.msk [tilespmem:v1+s11+$0x0], $0xffff;
	_ =	sdelay $0x1  }
0x2bc: {  	v2 =	vadd.f32 v3, v2;
	v3 =	vmul.f32 v8, v5;
	_ =	sdelay $0x1  }
0x2bd: {  	v2 =	vadd.f32 v3, v2;
	v3 =	vmul.f32 v9, v4;
	_ =	sdelay $0x1  }
0x2be: {  	v1 =	vmul.f32 v6, v1;
	v2 =	vadd.f32 v3, v2;
	_ =	sdelay $0x1  }
0x2bf: {  	v1 =	vsub.f32 v1, v2;
	_ =	sdelay $0x1  }
0x2c0: {  	v1 =	vmax.f32 v1, $1.000000120e+00  }
0x2c1: {  	v2 =	vadd.f32 $-1.000000000e+00, v1;
	v3 =	vadd.f32 $1.000000000e+00, v1;
	_ =	sdelay $0x1  }
0x2c2: {  	v2 =	vmul.f32 v3, v2;
	_ =	sdelay $0x1  }
0x2c3: {  	v3 =	vshra.s32 v2, $0x1;
	v4 =	vmul.f32 $5.000000000e-01, v2  }
0x2c4: {  	v3 =	vsub.s32 $0x5F3759DF, v3  }
0x2c5: {  	v5 =	vmul.f32 v3, v4;
	_ =	sdelay $0x1  }
0x2c6: {  	v5 =	vmul.f32 v3, v5;
	_ =	sdelay $0x1  }
0x2c7: {  	v5 =	vsub.f32 $1.500000000e+00, v5;
	_ =	sdelay $0x1  }
0x2c8: {  	v3 =	vmul.f32 v3, v5;
	_ =	sdelay $0x1  }
0x2c9: {  	v5 =	vmul.f32 v3, v4;
	_ =	sdelay $0x1  }
0x2ca: {  	v5 =	vmul.f32 v5, v3;
	_ =	sdelay $0x1  }
0x2cb: {  	v5 =	vsub.f32 $1.500000000e+00, v5;
	_ =	sdelay $0x1  }
0x2cc: {  	v3 =	vmul.f32 v5, v3;
	_ =	sdelay $0x1  }
0x2cd: {  	v4 =	vmul.f32 v3, v4;
	_ =	sdelay $0x1  }
0x2ce: {  	v4 =	vmul.f32 v4, v3;
	_ =	sdelay $0x1  }
0x2cf: {  	v4 =	vsub.f32 $1.500000000e+00, v4;
	_ =	sdelay $0x1  }
0x2d0: {  	v3 =	vmul.f32 v4, v3;
	_ =	sdelay $0x1  }
0x2d1: {  	v2 =	vmul.f32 v3, v2;
	_ =	sdelay $0x1  }
0x2d2: {  	v1 =	vadd.f32 v2, v1;
	_ =	sdelay $0x1  }
0x2d3: {  	v1 =	vmul.f32 $1.353352810e-01, v1;
	_ =	sdelay $0x1  }
0x2d4: {  	v1 =	vadd.f32 $1.000000000e+00, v1;
	_ =	sdelay $0x1  }
.Ltmp1:
0x2d5: {  	(erf) = vrcp.f32 v1;
	(pc) =	sbr.rel @p0 .LBB2_4-.Ltmp1, $3  }
0x2d6: {  	_ =	sdelay $0x1  }
0x2d7: {  	v1 =	vmov s0  }
0x2d8: {  	s0 =	sadd.s32 $0x10, s0;
	v1 =	vshll.u32 v1, $0x5  }
0x2d9: {  	v1 =	vor.u32 v0, v1  }
0x2da: {  	v2 =	vor.u32 $0x1, v1;
	_ =	sdelay $0x1  }
0x2db: {  	v3 =	vor.u32 $0x2, v1  }
0x2dc: {  	s0 =	sadd.s32 $0x10, s31;
	v4 =	vpop (erf)  }
0x2dd: {  	v5 =	vor.u32 $0x3, v1;
	[tilespmem:s0+$0x0] =	vst v4  }
0x2de: {  	v4 =	vld.idx.msk [tilespmem:v2+s12+$0x0], $0xffff  }
0x2df: {  	v6 =	vor.u32 $0x4, v1;
	v2 =	vld.idx.msk [tilespmem:v2+s11+$0x0], $0xffff  }
0x2e0: {  	v7 =	vld.idx.msk [tilespmem:v3+s12+$0x0], $0xffff  }
0x2e1: {  	v8 =	vor.u32 $0x5, v1;
	v3 =	vld.idx.msk [tilespmem:v3+s11+$0x0], $0xffff  }
0x2e2: {  	v9 =	vld.idx.msk [tilespmem:v5+s12+$0x0], $0xffff  }
0x2e3: {  	v10 =	vor.u32 $0x6, v1;
	v5 =	vld.idx.msk [tilespmem:v5+s11+$0x0], $0xffff  }
0x2e4: {  	v11 =	vld.idx.msk [tilespmem:v6+s12+$0x0], $0xffff;
	v2 =	vmul.f32 v4, v2  }
0x2e5: {  	v45 =	vor.u32 $0x7, v1;
	v44 =	vld.idx.msk [tilespmem:v6+s11+$0x0], $0xffff  }
0x2e6: {  	v12 =	vld.idx.msk [tilespmem:v8+s12+$0x0], $0xffff;
	v3 =	vmul.f32 v7, v3;
	v2 =	vadd.f32 $0.0e+00, v2  }
0x2e7: {  	v47 =	vor.u32 $0x8, v1;
	v46 =	vld.idx.msk [tilespmem:v8+s11+$0x0], $0xffff  }
0x2e8: {  	v13 =	vld.idx.msk [tilespmem:v10+s12+$0x0], $0xffff;
	v2 =	vadd.f32 v3, v2;
	v3 =	vmul.f32 v9, v5  }
0x2e9: {  	v49 =	vor.u32 $0x9, v1;
	v48 =	vld.idx.msk [tilespmem:v10+s11+$0x0], $0xffff  }
0x2ea: {  	v50 =	vld.idx.msk [tilespmem:v45+s12+$0x0], $0xffff;
	v2 =	vadd.f32 v3, v2;
	v3 =	vmul.f32 v11, v44  }
0x2eb: {  	v52 =	vor.u32 $0xA, v1;
	v51 =	vld.idx.msk [tilespmem:v45+s11+$0x0], $0xffff  }
0x2ec: {  	v53 =	vld.idx.msk [tilespmem:v47+s12+$0x0], $0xffff;
	v2 =	vadd.f32 v3, v2;
	v3 =	vmul.f32 v12, v46  }
0x2ed: {  	v55 =	vor.u32 $0xB, v1;
	v54 =	vld.idx.msk [tilespmem:v47+s11+$0x0], $0xffff  }
0x2ee: {  	v56 =	vld.idx.msk [tilespmem:v49+s12+$0x0], $0xffff;
	v2 =	vadd.f32 v3, v2;
	v3 =	vmul.f32 v13, v48  }
0x2ef: {  	v58 =	vor.u32 $0xC, v1;
	v57 =	vld.idx.msk [tilespmem:v49+s11+$0x0], $0xffff  }
0x2f0: {  	v59 =	vld.idx.msk [tilespmem:v52+s12+$0x0], $0xffff;
	v2 =	vadd.f32 v3, v2;
	v3 =	vmul.f32 v50, v51  }
0x2f1: {  	v61 =	vor.u32 $0xD, v1;
	v60 =	vld.idx.msk [tilespmem:v52+s11+$0x0], $0xffff  }
0x2f2: {  	v62 =	vld.idx.msk [tilespmem:v55+s12+$0x0], $0xffff;
	v2 =	vadd.f32 v3, v2;
	v3 =	vmul.f32 v53, v54  }
0x2f3: {  	v16 =	vor.u32 $0xE, v1;
	v63 =	vld.idx.msk [tilespmem:v55+s11+$0x0], $0xffff  }
0x2f4: {  	v17 =	vld.idx.msk [tilespmem:v58+s12+$0x0], $0xffff;
	v2 =	vadd.f32 v3, v2;
	v3 =	vmul.f32 v56, v57  }
0x2f5: {  	v19 =	vor.u32 $0xF, v1;
	v18 =	vld.idx.msk [tilespmem:v58+s11+$0x0], $0xffff  }
0x2f6: {  	v20 =	vld.idx.msk [tilespmem:v61+s12+$0x0], $0xffff;
	v2 =	vadd.f32 v3, v2;
	v3 =	vmul.f32 v59, v60  }
0x2f7: {  	v22 =	vor.u32 $0x10, v1;
	v21 =	vld.idx.msk [tilespmem:v61+s11+$0x0], $0xffff  }
0x2f8: {  	v23 =	vld.idx.msk [tilespmem:v16+s12+$0x0], $0xffff;
	v2 =	vadd.f32 v3, v2;
	v3 =	vmul.f32 v62, v63  }
0x2f9: {  	v25 =	vor.u32 $0x11, v1;
	v24 =	vld.idx.msk [tilespmem:v16+s11+$0x0], $0xffff  }
0x2fa: {  	v26 =	vld.idx.msk [tilespmem:v19+s12+$0x0], $0xffff;
	v2 =	vadd.f32 v3, v2;
	v3 =	vmul.f32 v17, v18  }
0x2fb: {  	v28 =	vor.u32 $0x12, v1;
	v27 =	vld.idx.msk [tilespmem:v19+s11+$0x0], $0xffff  }
0x2fc: {  	v29 =	vld.idx.msk [tilespmem:v22+s12+$0x0], $0xffff;
	v2 =	vadd.f32 v3, v2;
	v3 =	vmul.f32 v20, v21  }
0x2fd: {  	v31 =	vor.u32 $0x13, v1;
	v30 =	vld.idx.msk [tilespmem:v22+s11+$0x0], $0xffff  }
0x2fe: {  	v32 =	vld.idx.msk [tilespmem:v25+s12+$0x0], $0xffff;
	v2 =	vadd.f32 v3, v2;
	v3 =	vmul.f32 v23, v24  }
0x2ff: {  	v34 =	vor.u32 $0x14, v1;
	v33 =	vld.idx.msk [tilespmem:v25+s11+$0x0], $0xffff  }
0x300: {  	v35 =	vld.idx.msk [tilespmem:v28+s12+$0x0], $0xffff;
	v2 =	vadd.f32 v3, v2;
	v3 =	vmul.f32 v26, v27  }
0x301: {  	v37 =	vor.u32 $0x15, v1;
	v36 =	vld.idx.msk [tilespmem:v28+s11+$0x0], $0xffff  }
0x302: {  	v38 =	vld.idx.msk [tilespmem:v31+s12+$0x0], $0xffff;
	v2 =	vadd.f32 v3, v2;
	v3 =	vmul.f32 v29, v30  }
0x303: {  	v40 =	vor.u32 $0x16, v1;
	v39 =	vld.idx.msk [tilespmem:v31+s11+$0x0], $0xffff  }
0x304: {  	v41 =	vld.idx.msk [tilespmem:v34+s12+$0x0], $0xffff;
	v2 =	vadd.f32 v3, v2;
	v3 =	vmul.f32 v32, v33  }
0x305: {  	v43 =	vor.u32 $0x17, v1;
	v42 =	vld.idx.msk [tilespmem:v34+s11+$0x0], $0xffff  }
0x306: {  	v45 =	vld.idx.msk [tilespmem:v37+s11+$0x0], $0xffff;
	v2 =	vadd.f32 v3, v2;
	v3 =	vmul.f32 v35, v36  }
0x307: {  	v44 =	vld.idx.msk [tilespmem:v37+s12+$0x0], $0xffff;
	v46 =	vor.u32 $0x18, v1  }
0x308: {  	v47 =	vld.idx.msk [tilespmem:v40+s12+$0x0], $0xffff;
	v2 =	vadd.f32 v3, v2;
	v3 =	vmul.f32 v38, v39  }
0x309: {  	v49 =	vor.u32 $0x19, v1;
	v48 =	vld.idx.msk [tilespmem:v40+s11+$0x0], $0xffff  }
0x30a: {  	v50 =	vld.idx.msk [tilespmem:v43+s12+$0x0], $0xffff;
	v2 =	vadd.f32 v3, v2;
	v3 =	vmul.f32 v41, v42  }
0x30b: {  	v52 =	vor.u32 $0x1A, v1;
	v51 =	vld.idx.msk [tilespmem:v43+s11+$0x0], $0xffff  }
0x30c: {  	v53 =	vld.idx.msk [tilespmem:v46+s12+$0x0], $0xffff;
	v2 =	vadd.f32 v3, v2;
	v3 =	vmul.f32 v44, v45  }
0x30d: {  	v55 =	vor.u32 $0x1B, v1;
	v54 =	vld.idx.msk [tilespmem:v46+s11+$0x0], $0xffff  }
0x30e: {  	v56 =	vld.idx.msk [tilespmem:v49+s12+$0x0], $0xffff;
	v2 =	vadd.f32 v3, v2;
	v3 =	vmul.f32 v47, v48  }
0x30f: {  	v58 =	vor.u32 $0x1C, v1;
	v57 =	vld.idx.msk [tilespmem:v49+s11+$0x0], $0xffff  }
0x310: {  	v59 =	vld.idx.msk [tilespmem:v52+s12+$0x0], $0xffff;
	v2 =	vadd.f32 v3, v2;
	v3 =	vmul.f32 v50, v51  }
0x311: {  	v61 =	vor.u32 $0x1D, v1;
	v60 =	vld.idx.msk [tilespmem:v52+s11+$0x0], $0xffff  }
0x312: {  	v62 =	vld.idx.msk [tilespmem:v55+s12+$0x0], $0xffff;
	v2 =	vadd.f32 v3, v2;
	v3 =	vmul.f32 v53, v54  }
0x313: {  	v16 =	vor.u32 $0x1E, v1;
	v63 =	vld.idx.msk [tilespmem:v55+s11+$0x0], $0xffff  }
0x314: {  	v17 =	vld.idx.msk [tilespmem:v58+s12+$0x0], $0xffff;
	v2 =	vadd.f32 v3, v2;
	v3 =	vmul.f32 v56, v57  }
0x315: {  	v19 =	vor.u32 $0x1F, v1;
	v18 =	vld.idx.msk [tilespmem:v58+s11+$0x0], $0xffff  }
0x316: {  	v20 =	vld.idx.msk [tilespmem:v61+s12+$0x0], $0xffff;
	v2 =	vadd.f32 v3, v2;
	v3 =	vmul.f32 v59, v60  }
0x317: {  	v21 =	vld.idx.msk [tilespmem:v61+s11+$0x0], $0xffff  }
0x318: {  	v22 =	vld.idx.msk [tilespmem:v16+s12+$0x0], $0xffff;
	v2 =	vadd.f32 v3, v2;
	v3 =	vmul.f32 v62, v63  }
0x319: {  	v23 =	vld.idx.msk [tilespmem:v16+s11+$0x0], $0xffff  }
0x31a: {  	v25 =	vld.idx.msk [tilespmem:v19+s11+$0x0], $0xffff;
	v2 =	vadd.f32 v3, v2;
	v3 =	vmul.f32 v17, v18  }
0x31b: {  	v24 =	vld.idx.msk [tilespmem:v19+s12+$0x0], $0xffff  }
0x31c: {  	v26 =	vld.idx.msk [tilespmem:v1+s12+$0x0], $0xffff;
	v2 =	vadd.f32 v3, v2;
	v3 =	vmul.f32 v20, v21  }
0x31d: {  	v1 =	vld.idx.msk [tilespmem:v1+s11+$0x0], $0xffff  }
0x31e: {  	v2 =	vadd.f32 v3, v2;
	v3 =	vmul.f32 v22, v23;
	_ =	sdelay $0x1  }
0x31f: {  	v2 =	vadd.f32 v3, v2;
	v3 =	vmul.f32 v24, v25;
	_ =	sdelay $0x1  }
0x320: {  	v1 =	vmul.f32 v26, v1;
	v2 =	vadd.f32 v3, v2;
	_ =	sdelay $0x1  }
0x321: {  	v1 =	vsub.f32 v1, v2;
	_ =	sdelay $0x1  }
0x322: {  	v1 =	vmax.f32 v1, $1.000000120e+00  }
0x323: {  	v2 =	vadd.f32 $-1.000000000e+00, v1;
	v3 =	vadd.f32 $1.000000000e+00, v1;
	_ =	sdelay $0x1  }
0x324: {  	v2 =	vmul.f32 v3, v2;
	_ =	sdelay $0x1  }
0x325: {  	v3 =	vshra.s32 v2, $0x1;
	v27 =	vmul.f32 $5.000000000e-01, v2  }
0x326: {  	v3 =	vsub.s32 $0x5F3759DF, v3  }
0x327: {  	v28 =	vmul.f32 v3, v27;
	_ =	sdelay $0x1  }
0x328: {  	v5 =	vmul.f32 v3, v28;
	_ =	sdelay $0x1  }
0x329: {  	v5 =	vsub.f32 $1.500000000e+00, v5;
	_ =	sdelay $0x1  }
0x32a: {  	v3 =	vmul.f32 v3, v5;
	_ =	sdelay $0x1  }
0x32b: {  	v5 =	vmul.f32 v3, v27;
	_ =	sdelay $0x1  }
0x32c: {  	v5 =	vmul.f32 v5, v3;
	_ =	sdelay $0x1  }
0x32d: {  	v5 =	vsub.f32 $1.500000000e+00, v5;
	_ =	sdelay $0x1  }
0x32e: {  	v3 =	vmul.f32 v5, v3;
	_ =	sdelay $0x1  }
0x32f: {  	v4 =	vmul.f32 v3, v27;
	_ =	sdelay $0x1  }
0x330: {  	v4 =	vmul.f32 v4, v3;
	_ =	sdelay $0x1  }
0x331: {  	v4 =	vsub.f32 $1.500000000e+00, v4;
	_ =	sdelay $0x1  }
0x332: {  	v3 =	vmul.f32 v4, v3;
	_ =	sdelay $0x1  }
0x333: {  	v2 =	vmul.f32 v3, v2;
	_ =	sdelay $0x1  }
0x334: {  	v1 =	vadd.f32 v2, v1;
	_ =	sdelay $0x1  }
0x335: {  	v1 =	vmul.f32 $1.353352810e-01, v1;
	_ =	sdelay $0x1  }
0x336: {  	v1 =	vadd.f32 $1.000000000e+00, v1;
	_ =	sdelay $0x1  }
0x337: {  	(erf) = vrcp.f32 v1;
	_ =	sdelay $0x7  }
0x338: {  	s31 =	simm.s32 $0x100  }
0x339: {  	s0 =	sadd.s32 $0x10, s0;
	v2 =	vmov s31;
	v1 =	vpop (erf)  }
0x33a: {  	[tilespmem:s0+$0x0] =	vst v1;
	v1 =	vshll.u32 v2, $0x5  }
0x33b: {  	_ =	swait.ge [sflag:s26], $0x1000;
	v1 =	vor.u32 v0, v1  }
0x33c: {  	[sflag:s26] =	ssyncset.done $0x0;
	v2 =	vor.u32 $0x1, v1  }
0x33d: {  	[sflag:s26] =	ssyncadd.s32 $0xFFFFF000  }
0x33e: {  	v3 =	vor.u32 $0x2, v1;
	_ =	swait.ge [sflag:s26], $0x1000  }
0x33f: {  	[sflag:s26] =	ssyncset.done $0x0  }
0x340: {  	v29 =	vor.u32 $0x3, v1;
	[sflag:s26] =	ssyncadd.s32 $0xFFFFF000  }
0x341: {  	v30 =	vld.idx.msk [tilespmem:v2+s12+$0x0], $0xffff  }
0x342: {  	v31 =	vor.u32 $0x4, v1;
	v2 =	vld.idx.msk [tilespmem:v2+s11+$0x0], $0xffff  }
0x343: {  	v32 =	vld.idx.msk [tilespmem:v3+s12+$0x0], $0xffff  }
0x344: {  	v33 =	vor.u32 $0x5, v1;
	v3 =	vld.idx.msk [tilespmem:v3+s11+$0x0], $0xffff  }
0x345: {  	v34 =	vld.idx.msk [tilespmem:v29+s12+$0x0], $0xffff  }
0x346: {  	v35 =	vor.u32 $0x6, v1;
	v4 =	vld.idx.msk [tilespmem:v29+s11+$0x0], $0xffff  }
0x347: {  	v36 =	vld.idx.msk [tilespmem:v31+s12+$0x0], $0xffff;
	v2 =	vmul.f32 v30, v2  }
0x348: {  	v38 =	vor.u32 $0x7, v1;
	v37 =	vld.idx.msk [tilespmem:v31+s11+$0x0], $0xffff  }
0x349: {  	v39 =	vld.idx.msk [tilespmem:v33+s12+$0x0], $0xffff;
	v3 =	vmul.f32 v32, v3;
	v2 =	vadd.f32 $0.0e+00, v2  }
0x34a: {  	v41 =	vor.u32 $0x8, v1;
	v40 =	vld.idx.msk [tilespmem:v33+s11+$0x0], $0xffff  }
0x34b: {  	v42 =	vld.idx.msk [tilespmem:v35+s12+$0x0], $0xffff;
	v2 =	vadd.f32 v3, v2;
	v3 =	vmul.f32 v34, v4  }
0x34c: {  	v44 =	vor.u32 $0x9, v1;
	v43 =	vld.idx.msk [tilespmem:v35+s11+$0x0], $0xffff  }
0x34d: {  	v45 =	vld.idx.msk [tilespmem:v38+s12+$0x0], $0xffff;
	v2 =	vadd.f32 v3, v2;
	v3 =	vmul.f32 v36, v37  }
0x34e: {  	v47 =	vor.u32 $0xA, v1;
	v46 =	vld.idx.msk [tilespmem:v38+s11+$0x0], $0xffff  }
0x34f: {  	v48 =	vld.idx.msk [tilespmem:v41+s12+$0x0], $0xffff;
	v2 =	vadd.f32 v3, v2;
	v3 =	vmul.f32 v39, v40  }
0x350: {  	v50 =	vor.u32 $0xB, v1;
	v49 =	vld.idx.msk [tilespmem:v41+s11+$0x0], $0xffff  }
0x351: {  	v51 =	vld.idx.msk [tilespmem:v44+s12+$0x0], $0xffff;
	v2 =	vadd.f32 v3, v2;
	v3 =	vmul.f32 v42, v43  }
0x352: {  	v53 =	vor.u32 $0xC, v1;
	v52 =	vld.idx.msk [tilespmem:v44+s11+$0x0], $0xffff  }
0x353: {  	v54 =	vld.idx.msk [tilespmem:v47+s12+$0x0], $0xffff;
	v2 =	vadd.f32 v3, v2;
	v3 =	vmul.f32 v45, v46  }
0x354: {  	v56 =	vor.u32 $0xD, v1;
	v55 =	vld.idx.msk [tilespmem:v47+s11+$0x0], $0xffff  }
0x355: {  	v57 =	vld.idx.msk [tilespmem:v50+s12+$0x0], $0xffff;
	v2 =	vadd.f32 v3, v2;
	v3 =	vmul.f32 v48, v49  }
0x356: {  	v59 =	vor.u32 $0xE, v1;
	v58 =	vld.idx.msk [tilespmem:v50+s11+$0x0], $0xffff  }
0x357: {  	v60 =	vld.idx.msk [tilespmem:v53+s12+$0x0], $0xffff;
	v2 =	vadd.f32 v3, v2;
	v3 =	vmul.f32 v51, v52  }
0x358: {  	v62 =	vor.u32 $0xF, v1;
	v61 =	vld.idx.msk [tilespmem:v53+s11+$0x0], $0xffff  }
0x359: {  	v63 =	vld.idx.msk [tilespmem:v56+s12+$0x0], $0xffff;
	v2 =	vadd.f32 v3, v2;
	v3 =	vmul.f32 v54, v55  }
0x35a: {  	v17 =	vor.u32 $0x10, v1;
	v16 =	vld.idx.msk [tilespmem:v56+s11+$0x0], $0xffff  }
0x35b: {  	v18 =	vld.idx.msk [tilespmem:v59+s12+$0x0], $0xffff;
	v2 =	vadd.f32 v3, v2;
	v3 =	vmul.f32 v57, v58  }
0x35c: {  	v20 =	vor.u32 $0x11, v1;
	v19 =	vld.idx.msk [tilespmem:v59+s11+$0x0], $0xffff  }
0x35d: {  	v21 =	vld.idx.msk [tilespmem:v62+s12+$0x0], $0xffff;
	v2 =	vadd.f32 v3, v2;
	v3 =	vmul.f32 v60, v61  }
0x35e: {  	v23 =	vor.u32 $0x12, v1;
	v22 =	vld.idx.msk [tilespmem:v62+s11+$0x0], $0xffff  }
0x35f: {  	v24 =	vld.idx.msk [tilespmem:v17+s12+$0x0], $0xffff;
	v2 =	vadd.f32 v3, v2;
	v3 =	vmul.f32 v63, v16  }
0x360: {  	v26 =	vor.u32 $0x13, v1;
	v25 =	vld.idx.msk [tilespmem:v17+s11+$0x0], $0xffff  }
0x361: {  	v27 =	vld.idx.msk [tilespmem:v20+s12+$0x0], $0xffff;
	v2 =	vadd.f32 v3, v2;
	v3 =	vmul.f32 v18, v19  }
0x362: {  	v28 =	vld.idx.msk [tilespmem:v20+s11+$0x0], $0xffff;
	v29 =	vor.u32 $0x14, v1  }
0x363: {  	v31 =	vld.idx.msk [tilespmem:v23+s11+$0x0], $0xffff;
	v2 =	vadd.f32 v3, v2;
	v3 =	vmul.f32 v21, v22  }
0x364: {  	v30 =	vld.idx.msk [tilespmem:v23+s12+$0x0], $0xffff;
	v32 =	vor.u32 $0x15, v1  }
0x365: {  	v33 =	vld.idx.msk [tilespmem:v26+s12+$0x0], $0xffff;
	v2 =	vadd.f32 v3, v2;
	v3 =	vmul.f32 v24, v25  }
0x366: {  	v35 =	vor.u32 $0x16, v1;
	v34 =	vld.idx.msk [tilespmem:v26+s11+$0x0], $0xffff  }
0x367: {  	v36 =	vld.idx.msk [tilespmem:v29+s12+$0x0], $0xffff;
	v2 =	vadd.f32 v3, v2;
	v3 =	vmul.f32 v27, v28  }
0x368: {  	v38 =	vor.u32 $0x17, v1;
	v37 =	vld.idx.msk [tilespmem:v29+s11+$0x0], $0xffff  }
0x369: {  	v39 =	vld.idx.msk [tilespmem:v32+s12+$0x0], $0xffff;
	v2 =	vadd.f32 v3, v2;
	v3 =	vmul.f32 v30, v31  }
0x36a: {  	v41 =	vor.u32 $0x18, v1;
	v40 =	vld.idx.msk [tilespmem:v32+s11+$0x0], $0xffff  }
0x36b: {  	v42 =	vld.idx.msk [tilespmem:v35+s12+$0x0], $0xffff;
	v2 =	vadd.f32 v3, v2;
	v3 =	vmul.f32 v33, v34  }
0x36c: {  	v44 =	vor.u32 $0x19, v1;
	v43 =	vld.idx.msk [tilespmem:v35+s11+$0x0], $0xffff  }
0x36d: {  	v45 =	vld.idx.msk [tilespmem:v38+s12+$0x0], $0xffff;
	v2 =	vadd.f32 v3, v2;
	v3 =	vmul.f32 v36, v37  }
0x36e: {  	v47 =	vor.u32 $0x1A, v1;
	v46 =	vld.idx.msk [tilespmem:v38+s11+$0x0], $0xffff  }
0x36f: {  	v48 =	vld.idx.msk [tilespmem:v41+s12+$0x0], $0xffff;
	v2 =	vadd.f32 v3, v2;
	v3 =	vmul.f32 v39, v40  }
0x370: {  	v50 =	vor.u32 $0x1B, v1;
	v49 =	vld.idx.msk [tilespmem:v41+s11+$0x0], $0xffff  }
0x371: {  	v51 =	vld.idx.msk [tilespmem:v44+s12+$0x0], $0xffff;
	v2 =	vadd.f32 v3, v2;
	v3 =	vmul.f32 v42, v43  }
0x372: {  	v53 =	vor.u32 $0x1C, v1;
	v52 =	vld.idx.msk [tilespmem:v44+s11+$0x0], $0xffff  }
0x373: {  	v54 =	vld.idx.msk [tilespmem:v47+s12+$0x0], $0xffff;
	v2 =	vadd.f32 v3, v2;
	v3 =	vmul.f32 v45, v46  }
0x374: {  	v56 =	vor.u32 $0x1D, v1;
	v55 =	vld.idx.msk [tilespmem:v47+s11+$0x0], $0xffff  }
0x375: {  	v57 =	vld.idx.msk [tilespmem:v50+s12+$0x0], $0xffff;
	v2 =	vadd.f32 v3, v2;
	v3 =	vmul.f32 v48, v49  }
0x376: {  	v59 =	vor.u32 $0x1E, v1;
	v58 =	vld.idx.msk [tilespmem:v50+s11+$0x0], $0xffff  }
0x377: {  	v60 =	vld.idx.msk [tilespmem:v53+s12+$0x0], $0xffff;
	v2 =	vadd.f32 v3, v2;
	v3 =	vmul.f32 v51, v52  }
0x378: {  	v62 =	vor.u32 $0x1F, v1;
	v61 =	vld.idx.msk [tilespmem:v53+s11+$0x0], $0xffff  }
0x379: {  	v13 =	vld.idx.msk [tilespmem:v56+s11+$0x0], $0xffff;
	v2 =	vadd.f32 v3, v2;
	v3 =	vmul.f32 v54, v55  }
0x37a: {  	v63 =	vld.idx.msk [tilespmem:v56+s12+$0x0], $0xffff  }
0x37b: {  	v14 =	vld.idx.msk [tilespmem:v59+s12+$0x0], $0xffff;
	v2 =	vadd.f32 v3, v2;
	v3 =	vmul.f32 v57, v58  }
0x37c: {  	v15 =	vld.idx.msk [tilespmem:v59+s11+$0x0], $0xffff  }
0x37d: {  	v17 =	vld.idx.msk [tilespmem:v62+s11+$0x0], $0xffff;
	v2 =	vadd.f32 v3, v2;
	v3 =	vmul.f32 v60, v61  }
0x37e: {  	v16 =	vld.idx.msk [tilespmem:v62+s12+$0x0], $0xffff  }
0x37f: {  	v18 =	vld.idx.msk [tilespmem:v1+s12+$0x0], $0xffff;
	v2 =	vadd.f32 v3, v2;
	v3 =	vmul.f32 v63, v13  }
0x380: {  	v1 =	vld.idx.msk [tilespmem:v1+s11+$0x0], $0xffff  }
0x381: {  	v2 =	vadd.f32 v3, v2;
	v3 =	vmul.f32 v14, v15;
	_ =	sdelay $0x1  }
0x382: {  	v2 =	vadd.f32 v3, v2;
	v3 =	vmul.f32 v16, v17;
	_ =	sdelay $0x1  }
0x383: {  	v1 =	vmul.f32 v18, v1;
	v2 =	vadd.f32 v3, v2;
	_ =	sdelay $0x1  }
0x384: {  	v1 =	vsub.f32 v1, v2;
	_ =	sdelay $0x1  }
0x385: {  	v1 =	vmax.f32 v1, $1.000000120e+00  }
0x386: {  	v2 =	vadd.f32 $-1.000000000e+00, v1;
	v3 =	vadd.f32 $1.000000000e+00, v1;
	_ =	sdelay $0x1  }
0x387: {  	v2 =	vmul.f32 v3, v2;
	_ =	sdelay $0x1  }
0x388: {  	v3 =	vshra.s32 v2, $0x1;
	v19 =	vmul.f32 $5.000000000e-01, v2  }
0x389: {  	v3 =	vsub.s32 $0x5F3759DF, v3  }
0x38a: {  	v20 =	vmul.f32 v3, v19;
	_ =	sdelay $0x1  }
0x38b: {  	v5 =	vmul.f32 v3, v20;
	_ =	sdelay $0x1  }
0x38c: {  	v5 =	vsub.f32 $1.500000000e+00, v5;
	_ =	sdelay $0x1  }
0x38d: {  	v3 =	vmul.f32 v3, v5;
	_ =	sdelay $0x1  }
0x38e: {  	v5 =	vmul.f32 v3, v19;
	_ =	sdelay $0x1  }
0x38f: {  	v5 =	vmul.f32 v5, v3;
	_ =	sdelay $0x1  }
0x390: {  	v5 =	vsub.f32 $1.500000000e+00, v5;
	_ =	sdelay $0x1  }
0x391: {  	v3 =	vmul.f32 v5, v3;
	_ =	sdelay $0x1  }
0x392: {  	v4 =	vmul.f32 v3, v19;
	_ =	sdelay $0x1  }
0x393: {  	v4 =	vmul.f32 v4, v3;
	_ =	sdelay $0x1  }
0x394: {  	v4 =	vsub.f32 $1.500000000e+00, v4;
	_ =	sdelay $0x1  }
0x395: {  	v3 =	vmul.f32 v4, v3;
	_ =	sdelay $0x1  }
0x396: {  	v2 =	vmul.f32 v3, v2;
	_ =	sdelay $0x1  }
0x397: {  	v1 =	vadd.f32 v2, v1;
	_ =	sdelay $0x1  }
0x398: {  	v1 =	vmul.f32 $1.353352810e-01, v1;
	_ =	sdelay $0x1  }
0x399: {  	v1 =	vadd.f32 $1.000000000e+00, v1;
	_ =	sdelay $0x1  }
0x39a: {  	(erf) = vrcp.f32 v1;
	_ =	sdelay $0x1  }
0x39b: {  	s0 =	simm.s32 $0x110  }
0x39c: {  	v1 =	vmov s0  }
0x39d: {  	v1 =	vshll.u32 v1, $0x5  }
0x39e: {  	v1 =	vor.u32 v0, v1  }
0x39f: {  	v2 =	vor.u32 $0x1, v1;
	_ =	sdelay $0x1  }
0x3a0: {  	v3 =	vor.u32 $0x2, v1  }
0x3a1: {  	s31 =	simm.s32 $0x8500;
	v21 =	vpop (erf)  }
0x3a2: {  	v22 =	vor.u32 $0x3, v1;
	[tilespmem:s31+$0x0] =	vst v21  }
0x3a3: {  	v4 =	vld.idx.msk [tilespmem:v2+s12+$0x0], $0xffff  }
0x3a4: {  	v23 =	vor.u32 $0x4, v1;
	v2 =	vld.idx.msk [tilespmem:v2+s11+$0x0], $0xffff  }
0x3a5: {  	v24 =	vld.idx.msk [tilespmem:v3+s12+$0x0], $0xffff  }
0x3a6: {  	v25 =	vor.u32 $0x5, v1;
	v3 =	vld.idx.msk [tilespmem:v3+s11+$0x0], $0xffff  }
0x3a7: {  	v26 =	vld.idx.msk [tilespmem:v22+s12+$0x0], $0xffff  }
0x3a8: {  	v27 =	vor.u32 $0x6, v1;
	v5 =	vld.idx.msk [tilespmem:v22+s11+$0x0], $0xffff  }
0x3a9: {  	v28 =	vld.idx.msk [tilespmem:v23+s12+$0x0], $0xffff;
	v2 =	vmul.f32 v4, v2  }
0x3aa: {  	v30 =	vor.u32 $0x7, v1;
	v29 =	vld.idx.msk [tilespmem:v23+s11+$0x0], $0xffff  }
0x3ab: {  	v31 =	vld.idx.msk [tilespmem:v25+s12+$0x0], $0xffff;
	v3 =	vmul.f32 v24, v3;
	v2 =	vadd.f32 $0.0e+00, v2  }
0x3ac: {  	v33 =	vor.u32 $0x8, v1;
	v32 =	vld.idx.msk [tilespmem:v25+s11+$0x0], $0xffff  }
0x3ad: {  	v34 =	vld.idx.msk [tilespmem:v27+s12+$0x0], $0xffff;
	v2 =	vadd.f32 v3, v2;
	v3 =	vmul.f32 v26, v5  }
0x3ae: {  	v36 =	vor.u32 $0x9, v1;
	v35 =	vld.idx.msk [tilespmem:v27+s11+$0x0], $0xffff  }
0x3af: {  	v37 =	vld.idx.msk [tilespmem:v30+s12+$0x0], $0xffff;
	v2 =	vadd.f32 v3, v2;
	v3 =	vmul.f32 v28, v29  }
0x3b0: {  	v39 =	vor.u32 $0xA, v1;
	v38 =	vld.idx.msk [tilespmem:v30+s11+$0x0], $0xffff  }
0x3b1: {  	v40 =	vld.idx.msk [tilespmem:v33+s12+$0x0], $0xffff;
	v2 =	vadd.f32 v3, v2;
	v3 =	vmul.f32 v31, v32  }
0x3b2: {  	v42 =	vor.u32 $0xB, v1;
	v41 =	vld.idx.msk [tilespmem:v33+s11+$0x0], $0xffff  }
0x3b3: {  	v43 =	vld.idx.msk [tilespmem:v36+s12+$0x0], $0xffff;
	v2 =	vadd.f32 v3, v2;
	v3 =	vmul.f32 v34, v35  }
0x3b4: {  	v45 =	vor.u32 $0xC, v1;
	v44 =	vld.idx.msk [tilespmem:v36+s11+$0x0], $0xffff  }
0x3b5: {  	v46 =	vld.idx.msk [tilespmem:v39+s12+$0x0], $0xffff;
	v2 =	vadd.f32 v3, v2;
	v3 =	vmul.f32 v37, v38  }
0x3b6: {  	v48 =	vor.u32 $0xD, v1;
	v47 =	vld.idx.msk [tilespmem:v39+s11+$0x0], $0xffff  }
0x3b7: {  	v49 =	vld.idx.msk [tilespmem:v42+s12+$0x0], $0xffff;
	v2 =	vadd.f32 v3, v2;
	v3 =	vmul.f32 v40, v41  }
0x3b8: {  	v51 =	vor.u32 $0xE, v1;
	v50 =	vld.idx.msk [tilespmem:v42+s11+$0x0], $0xffff  }
0x3b9: {  	v52 =	vld.idx.msk [tilespmem:v45+s12+$0x0], $0xffff;
	v2 =	vadd.f32 v3, v2;
	v3 =	vmul.f32 v43, v44  }
0x3ba: {  	v54 =	vor.u32 $0xF, v1;
	v53 =	vld.idx.msk [tilespmem:v45+s11+$0x0], $0xffff  }
0x3bb: {  	v55 =	vld.idx.msk [tilespmem:v48+s12+$0x0], $0xffff;
	v2 =	vadd.f32 v3, v2;
	v3 =	vmul.f32 v46, v47  }
0x3bc: {  	v57 =	vor.u32 $0x10, v1;
	v56 =	vld.idx.msk [tilespmem:v48+s11+$0x0], $0xffff  }
0x3bd: {  	v58 =	vld.idx.msk [tilespmem:v51+s12+$0x0], $0xffff;
	v2 =	vadd.f32 v3, v2;
	v3 =	vmul.f32 v49, v50  }
0x3be: {  	v60 =	vor.u32 $0x11, v1;
	v59 =	vld.idx.msk [tilespmem:v51+s11+$0x0], $0xffff  }
0x3bf: {  	v61 =	vld.idx.msk [tilespmem:v54+s12+$0x0], $0xffff;
	v2 =	vadd.f32 v3, v2;
	v3 =	vmul.f32 v52, v53  }
0x3c0: {  	v63 =	vor.u32 $0x12, v1;
	v62 =	vld.idx.msk [tilespmem:v54+s11+$0x0], $0xffff  }
0x3c1: {  	v16 =	vld.idx.msk [tilespmem:v57+s12+$0x0], $0xffff;
	v2 =	vadd.f32 v3, v2;
	v3 =	vmul.f32 v55, v56  }
0x3c2: {  	v18 =	vor.u32 $0x13, v1;
	v17 =	vld.idx.msk [tilespmem:v57+s11+$0x0], $0xffff  }
0x3c3: {  	v19 =	vld.idx.msk [tilespmem:v60+s12+$0x0], $0xffff;
	v2 =	vadd.f32 v3, v2;
	v3 =	vmul.f32 v58, v59  }
0x3c4: {  	v21 =	vor.u32 $0x14, v1;
	v20 =	vld.idx.msk [tilespmem:v60+s11+$0x0], $0xffff  }
0x3c5: {  	v22 =	vld.idx.msk [tilespmem:v63+s12+$0x0], $0xffff;
	v2 =	vadd.f32 v3, v2;
	v3 =	vmul.f32 v61, v62  }
0x3c6: {  	v23 =	vld.idx.msk [tilespmem:v63+s11+$0x0], $0xffff;
	v24 =	vor.u32 $0x15, v1  }
0x3c7: {  	v25 =	vld.idx.msk [tilespmem:v18+s12+$0x0], $0xffff;
	v2 =	vadd.f32 v3, v2;
	v3 =	vmul.f32 v16, v17  }
0x3c8: {  	v27 =	vor.u32 $0x16, v1;
	v26 =	vld.idx.msk [tilespmem:v18+s11+$0x0], $0xffff  }
0x3c9: {  	v28 =	vld.idx.msk [tilespmem:v21+s12+$0x0], $0xffff;
	v2 =	vadd.f32 v3, v2;
	v3 =	vmul.f32 v19, v20  }
0x3ca: {  	v30 =	vor.u32 $0x17, v1;
	v29 =	vld.idx.msk [tilespmem:v21+s11+$0x0], $0xffff  }
0x3cb: {  	v31 =	vld.idx.msk [tilespmem:v24+s12+$0x0], $0xffff;
	v2 =	vadd.f32 v3, v2;
	v3 =	vmul.f32 v22, v23  }
0x3cc: {  	v33 =	vor.u32 $0x18, v1;
	v32 =	vld.idx.msk [tilespmem:v24+s11+$0x0], $0xffff  }
0x3cd: {  	v34 =	vld.idx.msk [tilespmem:v27+s12+$0x0], $0xffff;
	v2 =	vadd.f32 v3, v2;
	v3 =	vmul.f32 v25, v26  }
0x3ce: {  	v36 =	vor.u32 $0x19, v1;
	v35 =	vld.idx.msk [tilespmem:v27+s11+$0x0], $0xffff  }
0x3cf: {  	v37 =	vld.idx.msk [tilespmem:v30+s12+$0x0], $0xffff;
	v2 =	vadd.f32 v3, v2;
	v3 =	vmul.f32 v28, v29  }
0x3d0: {  	v39 =	vor.u32 $0x1A, v1;
	v38 =	vld.idx.msk [tilespmem:v30+s11+$0x0], $0xffff  }
0x3d1: {  	v40 =	vld.idx.msk [tilespmem:v33+s12+$0x0], $0xffff;
	v2 =	vadd.f32 v3, v2;
	v3 =	vmul.f32 v31, v32  }
0x3d2: {  	v42 =	vor.u32 $0x1B, v1;
	v41 =	vld.idx.msk [tilespmem:v33+s11+$0x0], $0xffff  }
0x3d3: {  	v43 =	vld.idx.msk [tilespmem:v36+s12+$0x0], $0xffff;
	v2 =	vadd.f32 v3, v2;
	v3 =	vmul.f32 v34, v35  }
0x3d4: {  	v45 =	vor.u32 $0x1C, v1;
	v44 =	vld.idx.msk [tilespmem:v36+s11+$0x0], $0xffff  }
0x3d5: {  	v46 =	vld.idx.msk [tilespmem:v39+s12+$0x0], $0xffff;
	v2 =	vadd.f32 v3, v2;
	v3 =	vmul.f32 v37, v38  }
0x3d6: {  	v48 =	vor.u32 $0x1D, v1;
	v47 =	vld.idx.msk [tilespmem:v39+s11+$0x0], $0xffff  }
0x3d7: {  	v49 =	vld.idx.msk [tilespmem:v42+s12+$0x0], $0xffff;
	v2 =	vadd.f32 v3, v2;
	v3 =	vmul.f32 v40, v41  }
0x3d8: {  	v51 =	vor.u32 $0x1E, v1;
	v50 =	vld.idx.msk [tilespmem:v42+s11+$0x0], $0xffff  }
0x3d9: {  	v52 =	vld.idx.msk [tilespmem:v45+s12+$0x0], $0xffff;
	v2 =	vadd.f32 v3, v2;
	v3 =	vmul.f32 v43, v44  }
0x3da: {  	v54 =	vor.u32 $0x1F, v1;
	v53 =	vld.idx.msk [tilespmem:v45+s11+$0x0], $0xffff  }
0x3db: {  	v55 =	vld.idx.msk [tilespmem:v48+s12+$0x0], $0xffff;
	v2 =	vadd.f32 v3, v2;
	v3 =	vmul.f32 v46, v47  }
0x3dc: {  	v56 =	vld.idx.msk [tilespmem:v48+s11+$0x0], $0xffff  }
0x3dd: {  	v57 =	vld.idx.msk [tilespmem:v51+s12+$0x0], $0xffff;
	v2 =	vadd.f32 v3, v2;
	v3 =	vmul.f32 v49, v50  }
0x3de: {  	v58 =	vld.idx.msk [tilespmem:v51+s11+$0x0], $0xffff  }
0x3df: {  	v60 =	vld.idx.msk [tilespmem:v54+s11+$0x0], $0xffff;
	v2 =	vadd.f32 v3, v2;
	v3 =	vmul.f32 v52, v53  }
0x3e0: {  	v59 =	vld.idx.msk [tilespmem:v54+s12+$0x0], $0xffff  }
0x3e1: {  	v61 =	vld.idx.msk [tilespmem:v1+s12+$0x0], $0xffff;
	v2 =	vadd.f32 v3, v2;
	v3 =	vmul.f32 v55, v56  }
0x3e2: {  	v1 =	vld.idx.msk [tilespmem:v1+s11+$0x0], $0xffff  }
0x3e3: {  	v2 =	vadd.f32 v3, v2;
	v3 =	vmul.f32 v57, v58;
	_ =	sdelay $0x1  }
0x3e4: {  	v2 =	vadd.f32 v3, v2;
	v3 =	vmul.f32 v59, v60;
	_ =	sdelay $0x1  }
0x3e5: {  	v1 =	vmul.f32 v61, v1;
	v2 =	vadd.f32 v3, v2;
	_ =	sdelay $0x1  }
0x3e6: {  	v1 =	vsub.f32 v1, v2;
	_ =	sdelay $0x1  }
0x3e7: {  	v1 =	vmax.f32 v1, $1.000000120e+00  }
0x3e8: {  	v2 =	vadd.f32 $-1.000000000e+00, v1;
	v3 =	vadd.f32 $1.000000000e+00, v1;
	_ =	sdelay $0x1  }
0x3e9: {  	v2 =	vmul.f32 v3, v2;
	_ =	sdelay $0x1  }
0x3ea: {  	v3 =	vshra.s32 v2, $0x1;
	v62 =	vmul.f32 $5.000000000e-01, v2  }
0x3eb: {  	v3 =	vsub.s32 $0x5F3759DF, v3  }
0x3ec: {  	v63 =	vmul.f32 v3, v62;
	_ =	sdelay $0x1  }
0x3ed: {  	v5 =	vmul.f32 v3, v63;
	_ =	sdelay $0x1  }
0x3ee: {  	v5 =	vsub.f32 $1.500000000e+00, v5;
	_ =	sdelay $0x1  }
0x3ef: {  	v3 =	vmul.f32 v3, v5;
	_ =	sdelay $0x1  }
0x3f0: {  	v5 =	vmul.f32 v3, v62;
	_ =	sdelay $0x1  }
0x3f1: {  	v5 =	vmul.f32 v5, v3;
	_ =	sdelay $0x1  }
0x3f2: {  	v5 =	vsub.f32 $1.500000000e+00, v5;
	_ =	sdelay $0x1  }
0x3f3: {  	v3 =	vmul.f32 v5, v3;
	_ =	sdelay $0x1  }
0x3f4: {  	v4 =	vmul.f32 v3, v62;
	_ =	sdelay $0x1  }
0x3f5: {  	v4 =	vmul.f32 v4, v3;
	_ =	sdelay $0x1  }
0x3f6: {  	v4 =	vsub.f32 $1.500000000e+00, v4;
	_ =	sdelay $0x1  }
0x3f7: {  	v3 =	vmul.f32 v4, v3;
	_ =	sdelay $0x1  }
0x3f8: {  	v2 =	vmul.f32 v3, v2;
	_ =	sdelay $0x1  }
0x3f9: {  	v1 =	vadd.f32 v2, v1;
	_ =	sdelay $0x1  }
0x3fa: {  	v1 =	vmul.f32 $1.353352810e-01, v1;
	_ =	sdelay $0x1  }
0x3fb: {  	v1 =	vadd.f32 $1.000000000e+00, v1;
	_ =	sdelay $0x1  }
0x3fc: {  	(erf) = vrcp.f32 v1;
	_ =	sdelay $0x1  }
0x3fd: {  	s0 =	simm.s32 $0x120  }
0x3fe: {  	v2 =	vmov s0  }
0x3ff: {  	s0 =	simm.s32 $0x130;
	v1 =	vshll.u32 v2, $0x5  }
.LBB2_6:
0x400: {  	p0 =	sne.s32 s0, $0x170;
	v1 =	vor.u32 v0, v1  }
0x401: {  	v2 =	vor.u32 $0x1, v1;
	_ =	sdelay $0x1  }
0x402: {  	v3 =	vor.u32 $0x2, v1  }
0x403: {  	s31 =	sadd.s32 $0x10, s31;
	v4 =	vpop (erf)  }
0x404: {  	v5 =	vor.u32 $0x3, v1;
	[tilespmem:s31+$0x0] =	vst v4  }
0x405: {  	v4 =	vld.idx.msk [tilespmem:v2+s12+$0x0], $0xffff  }
0x406: {  	v6 =	vor.u32 $0x4, v1;
	v2 =	vld.idx.msk [tilespmem:v2+s11+$0x0], $0xffff  }
0x407: {  	v7 =	vld.idx.msk [tilespmem:v3+s12+$0x0], $0xffff  }
0x408: {  	v8 =	vor.u32 $0x5, v1;
	v3 =	vld.idx.msk [tilespmem:v3+s11+$0x0], $0xffff  }
0x409: {  	v9 =	vld.idx.msk [tilespmem:v5+s12+$0x0], $0xffff  }
0x40a: {  	v10 =	vor.u32 $0x6, v1;
	v5 =	vld.idx.msk [tilespmem:v5+s11+$0x0], $0xffff  }
0x40b: {  	v11 =	vld.idx.msk [tilespmem:v6+s12+$0x0], $0xffff  }
0x40c: {  	v2 =	vmul.f32 v4, v2;
	v4 =	vld.idx.msk [tilespmem:v6+s11+$0x0], $0xffff;
	v6 =	vor.u32 $0x7, v1  }
0x40d: {  	v12 =	vld.idx.msk [tilespmem:v8+s12+$0x0], $0xffff  }
0x40e: {  	v2 =	vadd.f32 $0.0e+00, v2;
	v3 =	vmul.f32 v7, v3;
	v7 =	vld.idx.msk [tilespmem:v8+s11+$0x0], $0xffff;
	v8 =	vor.u32 $0x8, v1  }
0x40f: {  	v13 =	vld.idx.msk [tilespmem:v10+s12+$0x0], $0xffff  }
0x410: {  	v2 =	vadd.f32 v3, v2;
	v3 =	vmul.f32 v9, v5;
	v9 =	vor.u32 $0x9, v1;
	v5 =	vld.idx.msk [tilespmem:v10+s11+$0x0], $0xffff  }
0x411: {  	v10 =	vld.idx.msk [tilespmem:v6+s12+$0x0], $0xffff  }
0x412: {  	v2 =	vadd.f32 v3, v2;
	v3 =	vmul.f32 v11, v4;
	v4 =	vld.idx.msk [tilespmem:v6+s11+$0x0], $0xffff;
	v6 =	vor.u32 $0xA, v1  }
0x413: {  	v11 =	vld.idx.msk [tilespmem:v8+s12+$0x0], $0xffff  }
0x414: {  	v2 =	vadd.f32 v3, v2;
	v3 =	vmul.f32 v12, v7;
	v7 =	vld.idx.msk [tilespmem:v8+s11+$0x0], $0xffff;
	v8 =	vor.u32 $0xB, v1  }
0x415: {  	v12 =	vld.idx.msk [tilespmem:v9+s12+$0x0], $0xffff  }
0x416: {  	v2 =	vadd.f32 v3, v2;
	v3 =	vmul.f32 v13, v5;
	v5 =	vld.idx.msk [tilespmem:v9+s11+$0x0], $0xffff;
	v9 =	vor.u32 $0xC, v1  }
0x417: {  	v13 =	vld.idx.msk [tilespmem:v6+s12+$0x0], $0xffff  }
0x418: {  	v2 =	vadd.f32 v3, v2;
	v3 =	vmul.f32 v10, v4;
	v4 =	vld.idx.msk [tilespmem:v6+s11+$0x0], $0xffff;
	v6 =	vor.u32 $0xD, v1  }
0x419: {  	v10 =	vld.idx.msk [tilespmem:v8+s12+$0x0], $0xffff  }
0x41a: {  	v2 =	vadd.f32 v3, v2;
	v3 =	vmul.f32 v11, v7;
	v7 =	vld.idx.msk [tilespmem:v8+s11+$0x0], $0xffff;
	v8 =	vor.u32 $0xE, v1  }
0x41b: {  	v11 =	vld.idx.msk [tilespmem:v9+s12+$0x0], $0xffff  }
0x41c: {  	v2 =	vadd.f32 v3, v2;
	v3 =	vmul.f32 v12, v5;
	v5 =	vld.idx.msk [tilespmem:v9+s11+$0x0], $0xffff;
	v9 =	vor.u32 $0xF, v1  }
0x41d: {  	v12 =	vld.idx.msk [tilespmem:v6+s12+$0x0], $0xffff  }
0x41e: {  	v2 =	vadd.f32 v3, v2;
	v3 =	vmul.f32 v13, v4;
	v4 =	vld.idx.msk [tilespmem:v6+s11+$0x0], $0xffff;
	v6 =	vor.u32 $0x10, v1  }
0x41f: {  	v13 =	vld.idx.msk [tilespmem:v8+s12+$0x0], $0xffff  }
0x420: {  	v2 =	vadd.f32 v3, v2;
	v3 =	vmul.f32 v10, v7;
	v7 =	vld.idx.msk [tilespmem:v8+s11+$0x0], $0xffff;
	v8 =	vor.u32 $0x11, v1  }
0x421: {  	v10 =	vld.idx.msk [tilespmem:v9+s12+$0x0], $0xffff  }
0x422: {  	v2 =	vadd.f32 v3, v2;
	v3 =	vmul.f32 v11, v5;
	v5 =	vld.idx.msk [tilespmem:v9+s11+$0x0], $0xffff;
	v9 =	vor.u32 $0x12, v1  }
0x423: {  	v11 =	vld.idx.msk [tilespmem:v6+s12+$0x0], $0xffff  }
0x424: {  	v2 =	vadd.f32 v3, v2;
	v3 =	vmul.f32 v12, v4;
	v4 =	vld.idx.msk [tilespmem:v6+s11+$0x0], $0xffff;
	v6 =	vor.u32 $0x13, v1  }
0x425: {  	v12 =	vld.idx.msk [tilespmem:v8+s12+$0x0], $0xffff  }
0x426: {  	v2 =	vadd.f32 v3, v2;
	v3 =	vmul.f32 v13, v7;
	v7 =	vld.idx.msk [tilespmem:v8+s11+$0x0], $0xffff;
	v8 =	vor.u32 $0x14, v1  }
0x427: {  	v13 =	vld.idx.msk [tilespmem:v9+s12+$0x0], $0xffff  }
0x428: {  	v2 =	vadd.f32 v3, v2;
	v3 =	vmul.f32 v10, v5;
	v5 =	vld.idx.msk [tilespmem:v9+s11+$0x0], $0xffff;
	v9 =	vor.u32 $0x15, v1  }
0x429: {  	v10 =	vld.idx.msk [tilespmem:v6+s12+$0x0], $0xffff  }
0x42a: {  	v2 =	vadd.f32 v3, v2;
	v3 =	vmul.f32 v11, v4;
	v4 =	vld.idx.msk [tilespmem:v6+s11+$0x0], $0xffff;
	v6 =	vor.u32 $0x16, v1  }
0x42b: {  	v11 =	vld.idx.msk [tilespmem:v8+s12+$0x0], $0xffff  }
0x42c: {  	v2 =	vadd.f32 v3, v2;
	v3 =	vmul.f32 v12, v7;
	v7 =	vld.idx.msk [tilespmem:v8+s11+$0x0], $0xffff;
	v8 =	vor.u32 $0x17, v1  }
0x42d: {  	v12 =	vld.idx.msk [tilespmem:v9+s12+$0x0], $0xffff  }
0x42e: {  	v2 =	vadd.f32 v3, v2;
	v3 =	vmul.f32 v13, v5;
	v5 =	vld.idx.msk [tilespmem:v9+s11+$0x0], $0xffff;
	v9 =	vor.u32 $0x18, v1  }
0x42f: {  	v13 =	vld.idx.msk [tilespmem:v6+s12+$0x0], $0xffff  }
0x430: {  	v2 =	vadd.f32 v3, v2;
	v3 =	vmul.f32 v10, v4;
	v4 =	vld.idx.msk [tilespmem:v6+s11+$0x0], $0xffff;
	v6 =	vor.u32 $0x19, v1  }
0x431: {  	v10 =	vld.idx.msk [tilespmem:v8+s12+$0x0], $0xffff  }
0x432: {  	v2 =	vadd.f32 v3, v2;
	v3 =	vmul.f32 v11, v7;
	v7 =	vld.idx.msk [tilespmem:v8+s11+$0x0], $0xffff;
	v8 =	vor.u32 $0x1A, v1  }
0x433: {  	v11 =	vld.idx.msk [tilespmem:v9+s12+$0x0], $0xffff  }
0x434: {  	v2 =	vadd.f32 v3, v2;
	v3 =	vmul.f32 v12, v5;
	v5 =	vld.idx.msk [tilespmem:v9+s11+$0x0], $0xffff;
	v9 =	vor.u32 $0x1B, v1  }
0x435: {  	v12 =	vld.idx.msk [tilespmem:v6+s12+$0x0], $0xffff  }
0x436: {  	v2 =	vadd.f32 v3, v2;
	v3 =	vmul.f32 v13, v4;
	v4 =	vld.idx.msk [tilespmem:v6+s11+$0x0], $0xffff;
	v6 =	vor.u32 $0x1C, v1  }
0x437: {  	v13 =	vld.idx.msk [tilespmem:v8+s12+$0x0], $0xffff  }
0x438: {  	v2 =	vadd.f32 v3, v2;
	v3 =	vmul.f32 v10, v7;
	v7 =	vld.idx.msk [tilespmem:v8+s11+$0x0], $0xffff;
	v8 =	vor.u32 $0x1D, v1  }
0x439: {  	v10 =	vld.idx.msk [tilespmem:v9+s12+$0x0], $0xffff  }
0x43a: {  	v2 =	vadd.f32 v3, v2;
	v3 =	vmul.f32 v11, v5;
	v5 =	vld.idx.msk [tilespmem:v9+s11+$0x0], $0xffff;
	v9 =	vor.u32 $0x1E, v1  }
0x43b: {  	v11 =	vld.idx.msk [tilespmem:v6+s12+$0x0], $0xffff  }
0x43c: {  	v2 =	vadd.f32 v3, v2;
	v3 =	vmul.f32 v12, v4;
	v4 =	vld.idx.msk [tilespmem:v6+s11+$0x0], $0xffff;
	v6 =	vor.u32 $0x1F, v1  }
0x43d: {  	v12 =	vld.idx.msk [tilespmem:v8+s12+$0x0], $0xffff  }
0x43e: {  	v2 =	vadd.f32 v3, v2;
	v3 =	vmul.f32 v13, v7;
	v7 =	vld.idx.msk [tilespmem:v8+s11+$0x0], $0xffff  }
0x43f: {  	v8 =	vld.idx.msk [tilespmem:v9+s12+$0x0], $0xffff  }
0x440: {  	v2 =	vadd.f32 v3, v2;
	v3 =	vmul.f32 v10, v5;
	v5 =	vld.idx.msk [tilespmem:v9+s11+$0x0], $0xffff  }
0x441: {  	v9 =	vld.idx.msk [tilespmem:v6+s12+$0x0], $0xffff  }
0x442: {  	v2 =	vadd.f32 v3, v2;
	v3 =	vmul.f32 v11, v4;
	v4 =	vld.idx.msk [tilespmem:v6+s11+$0x0], $0xffff  }
0x443: {  	v6 =	vld.idx.msk [tilespmem:v1+s12+$0x0], $0xffff  }
0x444: {  	v2 =	vadd.f32 v3, v2;
	v3 =	vmul.f32 v12, v7;
	v1 =	vld.idx.msk [tilespmem:v1+s11+$0x0], $0xffff;
	_ =	sdelay $0x1  }
0x445: {  	v2 =	vadd.f32 v3, v2;
	v3 =	vmul.f32 v8, v5;
	_ =	sdelay $0x1  }
0x446: {  	v2 =	vadd.f32 v3, v2;
	v3 =	vmul.f32 v9, v4;
	_ =	sdelay $0x1  }
0x447: {  	v1 =	vmul.f32 v6, v1;
	v2 =	vadd.f32 v3, v2;
	_ =	sdelay $0x1  }
0x448: {  	v1 =	vsub.f32 v1, v2;
	_ =	sdelay $0x1  }
0x449: {  	v1 =	vmax.f32 v1, $1.000000120e+00  }
0x44a: {  	v2 =	vadd.f32 $-1.000000000e+00, v1;
	v3 =	vadd.f32 $1.000000000e+00, v1;
	_ =	sdelay $0x1  }
0x44b: {  	v2 =	vmul.f32 v3, v2;
	_ =	sdelay $0x1  }
0x44c: {  	v3 =	vshra.s32 v2, $0x1;
	v4 =	vmul.f32 $5.000000000e-01, v2  }
0x44d: {  	v3 =	vsub.s32 $0x5F3759DF, v3  }
0x44e: {  	v5 =	vmul.f32 v3, v4;
	_ =	sdelay $0x1  }
0x44f: {  	v5 =	vmul.f32 v3, v5;
	_ =	sdelay $0x1  }
0x450: {  	v5 =	vsub.f32 $1.500000000e+00, v5;
	_ =	sdelay $0x1  }
0x451: {  	v3 =	vmul.f32 v3, v5;
	_ =	sdelay $0x1  }
0x452: {  	v5 =	vmul.f32 v3, v4;
	_ =	sdelay $0x1  }
0x453: {  	v5 =	vmul.f32 v5, v3;
	_ =	sdelay $0x1  }
0x454: {  	v5 =	vsub.f32 $1.500000000e+00, v5;
	_ =	sdelay $0x1  }
0x455: {  	v3 =	vmul.f32 v5, v3;
	_ =	sdelay $0x1  }
0x456: {  	v4 =	vmul.f32 v3, v4;
	_ =	sdelay $0x1  }
0x457: {  	v4 =	vmul.f32 v4, v3;
	_ =	sdelay $0x1  }
0x458: {  	v4 =	vsub.f32 $1.500000000e+00, v4;
	_ =	sdelay $0x1  }
0x459: {  	v3 =	vmul.f32 v4, v3;
	_ =	sdelay $0x1  }
0x45a: {  	v2 =	vmul.f32 v3, v2;
	_ =	sdelay $0x1  }
0x45b: {  	v1 =	vadd.f32 v2, v1;
	_ =	sdelay $0x1  }
0x45c: {  	v1 =	vmul.f32 $1.353352810e-01, v1;
	_ =	sdelay $0x1  }
0x45d: {  	v1 =	vadd.f32 $1.000000000e+00, v1;
	_ =	sdelay $0x1  }
.Ltmp2:
0x45e: {  	(erf) = vrcp.f32 v1;
	(pc) =	sbr.rel @p0 .LBB2_6-.Ltmp2, $3  }
0x45f: {  	_ =	sdelay $0x1  }
0x460: {  	v1 =	vmov s0  }
0x461: {  	s0 =	sadd.s32 $0x10, s0;
	v1 =	vshll.u32 v1, $0x5  }
0x462: {  	v1 =	vor.u32 v0, v1  }
0x463: {  	v2 =	vor.u32 $0x1, v1;
	_ =	sdelay $0x1  }
0x464: {  	v3 =	vor.u32 $0x2, v1  }
0x465: {  	s0 =	sadd.s32 $0x10, s31;
	v4 =	vpop (erf)  }
0x466: {  	v5 =	vor.u32 $0x3, v1;
	[tilespmem:s0+$0x0] =	vst v4  }
0x467: {  	v4 =	vld.idx.msk [tilespmem:v2+s12+$0x0], $0xffff  }
0x468: {  	v6 =	vor.u32 $0x4, v1;
	v2 =	vld.idx.msk [tilespmem:v2+s11+$0x0], $0xffff  }
0x469: {  	v7 =	vld.idx.msk [tilespmem:v3+s12+$0x0], $0xffff  }
0x46a: {  	v8 =	vor.u32 $0x5, v1;
	v3 =	vld.idx.msk [tilespmem:v3+s11+$0x0], $0xffff  }
0x46b: {  	v9 =	vld.idx.msk [tilespmem:v5+s12+$0x0], $0xffff  }
0x46c: {  	v10 =	vor.u32 $0x6, v1;
	v5 =	vld.idx.msk [tilespmem:v5+s11+$0x0], $0xffff  }
0x46d: {  	v11 =	vld.idx.msk [tilespmem:v6+s12+$0x0], $0xffff;
	v2 =	vmul.f32 v4, v2  }
0x46e: {  	v45 =	vor.u32 $0x7, v1;
	v44 =	vld.idx.msk [tilespmem:v6+s11+$0x0], $0xffff  }
0x46f: {  	v12 =	vld.idx.msk [tilespmem:v8+s12+$0x0], $0xffff;
	v3 =	vmul.f32 v7, v3;
	v2 =	vadd.f32 $0.0e+00, v2  }
0x470: {  	v47 =	vor.u32 $0x8, v1;
	v46 =	vld.idx.msk [tilespmem:v8+s11+$0x0], $0xffff  }
0x471: {  	v13 =	vld.idx.msk [tilespmem:v10+s12+$0x0], $0xffff;
	v2 =	vadd.f32 v3, v2;
	v3 =	vmul.f32 v9, v5  }
0x472: {  	v49 =	vor.u32 $0x9, v1;
	v48 =	vld.idx.msk [tilespmem:v10+s11+$0x0], $0xffff  }
0x473: {  	v50 =	vld.idx.msk [tilespmem:v45+s12+$0x0], $0xffff;
	v2 =	vadd.f32 v3, v2;
	v3 =	vmul.f32 v11, v44  }
0x474: {  	v52 =	vor.u32 $0xA, v1;
	v51 =	vld.idx.msk [tilespmem:v45+s11+$0x0], $0xffff  }
0x475: {  	v53 =	vld.idx.msk [tilespmem:v47+s12+$0x0], $0xffff;
	v2 =	vadd.f32 v3, v2;
	v3 =	vmul.f32 v12, v46  }
0x476: {  	v55 =	vor.u32 $0xB, v1;
	v54 =	vld.idx.msk [tilespmem:v47+s11+$0x0], $0xffff  }
0x477: {  	v56 =	vld.idx.msk [tilespmem:v49+s12+$0x0], $0xffff;
	v2 =	vadd.f32 v3, v2;
	v3 =	vmul.f32 v13, v48  }
0x478: {  	v58 =	vor.u32 $0xC, v1;
	v57 =	vld.idx.msk [tilespmem:v49+s11+$0x0], $0xffff  }
0x479: {  	v59 =	vld.idx.msk [tilespmem:v52+s12+$0x0], $0xffff;
	v2 =	vadd.f32 v3, v2;
	v3 =	vmul.f32 v50, v51  }
0x47a: {  	v61 =	vor.u32 $0xD, v1;
	v60 =	vld.idx.msk [tilespmem:v52+s11+$0x0], $0xffff  }
0x47b: {  	v62 =	vld.idx.msk [tilespmem:v55+s12+$0x0], $0xffff;
	v2 =	vadd.f32 v3, v2;
	v3 =	vmul.f32 v53, v54  }
0x47c: {  	v16 =	vor.u32 $0xE, v1;
	v63 =	vld.idx.msk [tilespmem:v55+s11+$0x0], $0xffff  }
0x47d: {  	v17 =	vld.idx.msk [tilespmem:v58+s12+$0x0], $0xffff;
	v2 =	vadd.f32 v3, v2;
	v3 =	vmul.f32 v56, v57  }
0x47e: {  	v19 =	vor.u32 $0xF, v1;
	v18 =	vld.idx.msk [tilespmem:v58+s11+$0x0], $0xffff  }
0x47f: {  	v20 =	vld.idx.msk [tilespmem:v61+s12+$0x0], $0xffff;
	v2 =	vadd.f32 v3, v2;
	v3 =	vmul.f32 v59, v60  }
0x480: {  	v22 =	vor.u32 $0x10, v1;
	v21 =	vld.idx.msk [tilespmem:v61+s11+$0x0], $0xffff  }
0x481: {  	v23 =	vld.idx.msk [tilespmem:v16+s12+$0x0], $0xffff;
	v2 =	vadd.f32 v3, v2;
	v3 =	vmul.f32 v62, v63  }
0x482: {  	v25 =	vor.u32 $0x11, v1;
	v24 =	vld.idx.msk [tilespmem:v16+s11+$0x0], $0xffff  }
0x483: {  	v26 =	vld.idx.msk [tilespmem:v19+s12+$0x0], $0xffff;
	v2 =	vadd.f32 v3, v2;
	v3 =	vmul.f32 v17, v18  }
0x484: {  	v28 =	vor.u32 $0x12, v1;
	v27 =	vld.idx.msk [tilespmem:v19+s11+$0x0], $0xffff  }
0x485: {  	v29 =	vld.idx.msk [tilespmem:v22+s12+$0x0], $0xffff;
	v2 =	vadd.f32 v3, v2;
	v3 =	vmul.f32 v20, v21  }
0x486: {  	v31 =	vor.u32 $0x13, v1;
	v30 =	vld.idx.msk [tilespmem:v22+s11+$0x0], $0xffff  }
0x487: {  	v32 =	vld.idx.msk [tilespmem:v25+s12+$0x0], $0xffff;
	v2 =	vadd.f32 v3, v2;
	v3 =	vmul.f32 v23, v24  }
0x488: {  	v34 =	vor.u32 $0x14, v1;
	v33 =	vld.idx.msk [tilespmem:v25+s11+$0x0], $0xffff  }
0x489: {  	v35 =	vld.idx.msk [tilespmem:v28+s12+$0x0], $0xffff;
	v2 =	vadd.f32 v3, v2;
	v3 =	vmul.f32 v26, v27  }
0x48a: {  	v37 =	vor.u32 $0x15, v1;
	v36 =	vld.idx.msk [tilespmem:v28+s11+$0x0], $0xffff  }
0x48b: {  	v38 =	vld.idx.msk [tilespmem:v31+s12+$0x0], $0xffff;
	v2 =	vadd.f32 v3, v2;
	v3 =	vmul.f32 v29, v30  }
0x48c: {  	v40 =	vor.u32 $0x16, v1;
	v39 =	vld.idx.msk [tilespmem:v31+s11+$0x0], $0xffff  }
0x48d: {  	v41 =	vld.idx.msk [tilespmem:v34+s12+$0x0], $0xffff;
	v2 =	vadd.f32 v3, v2;
	v3 =	vmul.f32 v32, v33  }
0x48e: {  	v43 =	vor.u32 $0x17, v1;
	v42 =	vld.idx.msk [tilespmem:v34+s11+$0x0], $0xffff  }
0x48f: {  	v45 =	vld.idx.msk [tilespmem:v37+s11+$0x0], $0xffff;
	v2 =	vadd.f32 v3, v2;
	v3 =	vmul.f32 v35, v36  }
0x490: {  	v44 =	vld.idx.msk [tilespmem:v37+s12+$0x0], $0xffff;
	v46 =	vor.u32 $0x18, v1  }
0x491: {  	v47 =	vld.idx.msk [tilespmem:v40+s12+$0x0], $0xffff;
	v2 =	vadd.f32 v3, v2;
	v3 =	vmul.f32 v38, v39  }
0x492: {  	v49 =	vor.u32 $0x19, v1;
	v48 =	vld.idx.msk [tilespmem:v40+s11+$0x0], $0xffff  }
0x493: {  	v50 =	vld.idx.msk [tilespmem:v43+s12+$0x0], $0xffff;
	v2 =	vadd.f32 v3, v2;
	v3 =	vmul.f32 v41, v42  }
0x494: {  	v52 =	vor.u32 $0x1A, v1;
	v51 =	vld.idx.msk [tilespmem:v43+s11+$0x0], $0xffff  }
0x495: {  	v53 =	vld.idx.msk [tilespmem:v46+s12+$0x0], $0xffff;
	v2 =	vadd.f32 v3, v2;
	v3 =	vmul.f32 v44, v45  }
0x496: {  	v55 =	vor.u32 $0x1B, v1;
	v54 =	vld.idx.msk [tilespmem:v46+s11+$0x0], $0xffff  }
0x497: {  	v56 =	vld.idx.msk [tilespmem:v49+s12+$0x0], $0xffff;
	v2 =	vadd.f32 v3, v2;
	v3 =	vmul.f32 v47, v48  }
0x498: {  	v58 =	vor.u32 $0x1C, v1;
	v57 =	vld.idx.msk [tilespmem:v49+s11+$0x0], $0xffff  }
0x499: {  	v59 =	vld.idx.msk [tilespmem:v52+s12+$0x0], $0xffff;
	v2 =	vadd.f32 v3, v2;
	v3 =	vmul.f32 v50, v51  }
0x49a: {  	v61 =	vor.u32 $0x1D, v1;
	v60 =	vld.idx.msk [tilespmem:v52+s11+$0x0], $0xffff  }
0x49b: {  	v62 =	vld.idx.msk [tilespmem:v55+s12+$0x0], $0xffff;
	v2 =	vadd.f32 v3, v2;
	v3 =	vmul.f32 v53, v54  }
0x49c: {  	v16 =	vor.u32 $0x1E, v1;
	v63 =	vld.idx.msk [tilespmem:v55+s11+$0x0], $0xffff  }
0x49d: {  	v17 =	vld.idx.msk [tilespmem:v58+s12+$0x0], $0xffff;
	v2 =	vadd.f32 v3, v2;
	v3 =	vmul.f32 v56, v57  }
0x49e: {  	v19 =	vor.u32 $0x1F, v1;
	v18 =	vld.idx.msk [tilespmem:v58+s11+$0x0], $0xffff  }
0x49f: {  	v20 =	vld.idx.msk [tilespmem:v61+s12+$0x0], $0xffff;
	v2 =	vadd.f32 v3, v2;
	v3 =	vmul.f32 v59, v60  }
0x4a0: {  	v21 =	vld.idx.msk [tilespmem:v61+s11+$0x0], $0xffff  }
0x4a1: {  	v22 =	vld.idx.msk [tilespmem:v16+s12+$0x0], $0xffff;
	v2 =	vadd.f32 v3, v2;
	v3 =	vmul.f32 v62, v63  }
0x4a2: {  	v23 =	vld.idx.msk [tilespmem:v16+s11+$0x0], $0xffff  }
0x4a3: {  	v25 =	vld.idx.msk [tilespmem:v19+s11+$0x0], $0xffff;
	v2 =	vadd.f32 v3, v2;
	v3 =	vmul.f32 v17, v18  }
0x4a4: {  	v24 =	vld.idx.msk [tilespmem:v19+s12+$0x0], $0xffff  }
0x4a5: {  	v26 =	vld.idx.msk [tilespmem:v1+s12+$0x0], $0xffff;
	v2 =	vadd.f32 v3, v2;
	v3 =	vmul.f32 v20, v21  }
0x4a6: {  	v1 =	vld.idx.msk [tilespmem:v1+s11+$0x0], $0xffff  }
0x4a7: {  	v2 =	vadd.f32 v3, v2;
	v3 =	vmul.f32 v22, v23;
	_ =	sdelay $0x1  }
0x4a8: {  	v2 =	vadd.f32 v3, v2;
	v3 =	vmul.f32 v24, v25;
	_ =	sdelay $0x1  }
0x4a9: {  	v1 =	vmul.f32 v26, v1;
	v2 =	vadd.f32 v3, v2;
	_ =	sdelay $0x1  }
0x4aa: {  	v1 =	vsub.f32 v1, v2;
	_ =	sdelay $0x1  }
0x4ab: {  	v1 =	vmax.f32 v1, $1.000000120e+00  }
0x4ac: {  	v2 =	vadd.f32 $-1.000000000e+00, v1;
	v3 =	vadd.f32 $1.000000000e+00, v1;
	_ =	sdelay $0x1  }
0x4ad: {  	v2 =	vmul.f32 v3, v2;
	_ =	sdelay $0x1  }
0x4ae: {  	v3 =	vshra.s32 v2, $0x1;
	v27 =	vmul.f32 $5.000000000e-01, v2  }
0x4af: {  	v3 =	vsub.s32 $0x5F3759DF, v3  }
0x4b0: {  	v28 =	vmul.f32 v3, v27;
	_ =	sdelay $0x1  }
0x4b1: {  	v5 =	vmul.f32 v3, v28;
	_ =	sdelay $0x1  }
0x4b2: {  	v5 =	vsub.f32 $1.500000000e+00, v5;
	_ =	sdelay $0x1  }
0x4b3: {  	v3 =	vmul.f32 v3, v5;
	_ =	sdelay $0x1  }
0x4b4: {  	v5 =	vmul.f32 v3, v27;
	_ =	sdelay $0x1  }
0x4b5: {  	v5 =	vmul.f32 v5, v3;
	_ =	sdelay $0x1  }
0x4b6: {  	v5 =	vsub.f32 $1.500000000e+00, v5;
	_ =	sdelay $0x1  }
0x4b7: {  	v3 =	vmul.f32 v5, v3;
	_ =	sdelay $0x1  }
0x4b8: {  	v4 =	vmul.f32 v3, v27;
	_ =	sdelay $0x1  }
0x4b9: {  	v4 =	vmul.f32 v4, v3;
	_ =	sdelay $0x1  }
0x4ba: {  	v4 =	vsub.f32 $1.500000000e+00, v4;
	_ =	sdelay $0x1  }
0x4bb: {  	v3 =	vmul.f32 v4, v3;
	_ =	sdelay $0x1  }
0x4bc: {  	v2 =	vmul.f32 v3, v2;
	_ =	sdelay $0x1  }
0x4bd: {  	v1 =	vadd.f32 v2, v1;
	_ =	sdelay $0x1  }
0x4be: {  	v1 =	vmul.f32 $1.353352810e-01, v1;
	_ =	sdelay $0x1  }
0x4bf: {  	v1 =	vadd.f32 $1.000000000e+00, v1;
	_ =	sdelay $0x1  }
0x4c0: {  	(erf) = vrcp.f32 v1;
	_ =	sdelay $0x7  }
0x4c1: {  	s31 =	simm.s32 $0x180  }
0x4c2: {  	s0 =	sadd.s32 $0x10, s0;
	v2 =	vmov s31;
	v1 =	vpop (erf)  }
0x4c3: {  	[tilespmem:s0+$0x0] =	vst v1;
	v1 =	vshll.u32 v2, $0x5  }
0x4c4: {  	_ =	swait.ge [sflag:s28], $0x1000;
	v1 =	vor.u32 v0, v1  }
0x4c5: {  	[sflag:s28] =	ssyncset.done $0x0;
	v2 =	vor.u32 $0x1, v1  }
0x4c6: {  	[sflag:s28] =	ssyncadd.s32 $0xFFFFF000  }
0x4c7: {  	v3 =	vor.u32 $0x2, v1;
	_ =	swait.ge [sflag:s28], $0x1000  }
0x4c8: {  	[sflag:s28] =	ssyncset.done $0x0  }
0x4c9: {  	v29 =	vor.u32 $0x3, v1;
	[sflag:s28] =	ssyncadd.s32 $0xFFFFF000  }
0x4ca: {  	v30 =	vld.idx.msk [tilespmem:v2+s12+$0x0], $0xffff  }
0x4cb: {  	v31 =	vor.u32 $0x4, v1;
	v2 =	vld.idx.msk [tilespmem:v2+s11+$0x0], $0xffff  }
0x4cc: {  	v32 =	vld.idx.msk [tilespmem:v3+s12+$0x0], $0xffff  }
0x4cd: {  	v33 =	vor.u32 $0x5, v1;
	v3 =	vld.idx.msk [tilespmem:v3+s11+$0x0], $0xffff  }
0x4ce: {  	v34 =	vld.idx.msk [tilespmem:v29+s12+$0x0], $0xffff  }
0x4cf: {  	v35 =	vor.u32 $0x6, v1;
	v4 =	vld.idx.msk [tilespmem:v29+s11+$0x0], $0xffff  }
0x4d0: {  	v36 =	vld.idx.msk [tilespmem:v31+s12+$0x0], $0xffff;
	v2 =	vmul.f32 v30, v2  }
0x4d1: {  	v38 =	vor.u32 $0x7, v1;
	v37 =	vld.idx.msk [tilespmem:v31+s11+$0x0], $0xffff  }
0x4d2: {  	v39 =	vld.idx.msk [tilespmem:v33+s12+$0x0], $0xffff;
	v3 =	vmul.f32 v32, v3;
	v2 =	vadd.f32 $0.0e+00, v2  }
0x4d3: {  	v41 =	vor.u32 $0x8, v1;
	v40 =	vld.idx.msk [tilespmem:v33+s11+$0x0], $0xffff  }
0x4d4: {  	v42 =	vld.idx.msk [tilespmem:v35+s12+$0x0], $0xffff;
	v2 =	vadd.f32 v3, v2;
	v3 =	vmul.f32 v34, v4  }
0x4d5: {  	v44 =	vor.u32 $0x9, v1;
	v43 =	vld.idx.msk [tilespmem:v35+s11+$0x0], $0xffff  }
0x4d6: {  	v45 =	vld.idx.msk [tilespmem:v38+s12+$0x0], $0xffff;
	v2 =	vadd.f32 v3, v2;
	v3 =	vmul.f32 v36, v37  }
0x4d7: {  	v47 =	vor.u32 $0xA, v1;
	v46 =	vld.idx.msk [tilespmem:v38+s11+$0x0], $0xffff  }
0x4d8: {  	v48 =	vld.idx.msk [tilespmem:v41+s12+$0x0], $0xffff;
	v2 =	vadd.f32 v3, v2;
	v3 =	vmul.f32 v39, v40  }
0x4d9: {  	v50 =	vor.u32 $0xB, v1;
	v49 =	vld.idx.msk [tilespmem:v41+s11+$0x0], $0xffff  }
0x4da: {  	v51 =	vld.idx.msk [tilespmem:v44+s12+$0x0], $0xffff;
	v2 =	vadd.f32 v3, v2;
	v3 =	vmul.f32 v42, v43  }
0x4db: {  	v53 =	vor.u32 $0xC, v1;
	v52 =	vld.idx.msk [tilespmem:v44+s11+$0x0], $0xffff  }
0x4dc: {  	v54 =	vld.idx.msk [tilespmem:v47+s12+$0x0], $0xffff;
	v2 =	vadd.f32 v3, v2;
	v3 =	vmul.f32 v45, v46  }
0x4dd: {  	v56 =	vor.u32 $0xD, v1;
	v55 =	vld.idx.msk [tilespmem:v47+s11+$0x0], $0xffff  }
0x4de: {  	v57 =	vld.idx.msk [tilespmem:v50+s12+$0x0], $0xffff;
	v2 =	vadd.f32 v3, v2;
	v3 =	vmul.f32 v48, v49  }
0x4df: {  	v59 =	vor.u32 $0xE, v1;
	v58 =	vld.idx.msk [tilespmem:v50+s11+$0x0], $0xffff  }
0x4e0: {  	v60 =	vld.idx.msk [tilespmem:v53+s12+$0x0], $0xffff;
	v2 =	vadd.f32 v3, v2;
	v3 =	vmul.f32 v51, v52  }
0x4e1: {  	v62 =	vor.u32 $0xF, v1;
	v61 =	vld.idx.msk [tilespmem:v53+s11+$0x0], $0xffff  }
0x4e2: {  	v63 =	vld.idx.msk [tilespmem:v56+s12+$0x0], $0xffff;
	v2 =	vadd.f32 v3, v2;
	v3 =	vmul.f32 v54, v55  }
0x4e3: {  	v17 =	vor.u32 $0x10, v1;
	v16 =	vld.idx.msk [tilespmem:v56+s11+$0x0], $0xffff  }
0x4e4: {  	v18 =	vld.idx.msk [tilespmem:v59+s12+$0x0], $0xffff;
	v2 =	vadd.f32 v3, v2;
	v3 =	vmul.f32 v57, v58  }
0x4e5: {  	v20 =	vor.u32 $0x11, v1;
	v19 =	vld.idx.msk [tilespmem:v59+s11+$0x0], $0xffff  }
0x4e6: {  	v21 =	vld.idx.msk [tilespmem:v62+s12+$0x0], $0xffff;
	v2 =	vadd.f32 v3, v2;
	v3 =	vmul.f32 v60, v61  }
0x4e7: {  	v23 =	vor.u32 $0x12, v1;
	v22 =	vld.idx.msk [tilespmem:v62+s11+$0x0], $0xffff  }
0x4e8: {  	v24 =	vld.idx.msk [tilespmem:v17+s12+$0x0], $0xffff;
	v2 =	vadd.f32 v3, v2;
	v3 =	vmul.f32 v63, v16  }
0x4e9: {  	v26 =	vor.u32 $0x13, v1;
	v25 =	vld.idx.msk [tilespmem:v17+s11+$0x0], $0xffff  }
0x4ea: {  	v27 =	vld.idx.msk [tilespmem:v20+s12+$0x0], $0xffff;
	v2 =	vadd.f32 v3, v2;
	v3 =	vmul.f32 v18, v19  }
0x4eb: {  	v28 =	vld.idx.msk [tilespmem:v20+s11+$0x0], $0xffff;
	v29 =	vor.u32 $0x14, v1  }
0x4ec: {  	v31 =	vld.idx.msk [tilespmem:v23+s11+$0x0], $0xffff;
	v2 =	vadd.f32 v3, v2;
	v3 =	vmul.f32 v21, v22  }
0x4ed: {  	v30 =	vld.idx.msk [tilespmem:v23+s12+$0x0], $0xffff;
	v32 =	vor.u32 $0x15, v1  }
0x4ee: {  	v33 =	vld.idx.msk [tilespmem:v26+s12+$0x0], $0xffff;
	v2 =	vadd.f32 v3, v2;
	v3 =	vmul.f32 v24, v25  }
0x4ef: {  	v35 =	vor.u32 $0x16, v1;
	v34 =	vld.idx.msk [tilespmem:v26+s11+$0x0], $0xffff  }
0x4f0: {  	v36 =	vld.idx.msk [tilespmem:v29+s12+$0x0], $0xffff;
	v2 =	vadd.f32 v3, v2;
	v3 =	vmul.f32 v27, v28  }
0x4f1: {  	v38 =	vor.u32 $0x17, v1;
	v37 =	vld.idx.msk [tilespmem:v29+s11+$0x0], $0xffff  }
0x4f2: {  	v39 =	vld.idx.msk [tilespmem:v32+s12+$0x0], $0xffff;
	v2 =	vadd.f32 v3, v2;
	v3 =	vmul.f32 v30, v31  }
0x4f3: {  	v41 =	vor.u32 $0x18, v1;
	v40 =	vld.idx.msk [tilespmem:v32+s11+$0x0], $0xffff  }
0x4f4: {  	v42 =	vld.idx.msk [tilespmem:v35+s12+$0x0], $0xffff;
	v2 =	vadd.f32 v3, v2;
	v3 =	vmul.f32 v33, v34  }
0x4f5: {  	v44 =	vor.u32 $0x19, v1;
	v43 =	vld.idx.msk [tilespmem:v35+s11+$0x0], $0xffff  }
0x4f6: {  	v45 =	vld.idx.msk [tilespmem:v38+s12+$0x0], $0xffff;
	v2 =	vadd.f32 v3, v2;
	v3 =	vmul.f32 v36, v37  }
0x4f7: {  	v47 =	vor.u32 $0x1A, v1;
	v46 =	vld.idx.msk [tilespmem:v38+s11+$0x0], $0xffff  }
0x4f8: {  	v48 =	vld.idx.msk [tilespmem:v41+s12+$0x0], $0xffff;
	v2 =	vadd.f32 v3, v2;
	v3 =	vmul.f32 v39, v40  }
0x4f9: {  	v50 =	vor.u32 $0x1B, v1;
	v49 =	vld.idx.msk [tilespmem:v41+s11+$0x0], $0xffff  }
0x4fa: {  	v51 =	vld.idx.msk [tilespmem:v44+s12+$0x0], $0xffff;
	v2 =	vadd.f32 v3, v2;
	v3 =	vmul.f32 v42, v43  }
0x4fb: {  	v53 =	vor.u32 $0x1C, v1;
	v52 =	vld.idx.msk [tilespmem:v44+s11+$0x0], $0xffff  }
0x4fc: {  	v54 =	vld.idx.msk [tilespmem:v47+s12+$0x0], $0xffff;
	v2 =	vadd.f32 v3, v2;
	v3 =	vmul.f32 v45, v46  }
0x4fd: {  	v56 =	vor.u32 $0x1D, v1;
	v55 =	vld.idx.msk [tilespmem:v47+s11+$0x0], $0xffff  }
0x4fe: {  	v57 =	vld.idx.msk [tilespmem:v50+s12+$0x0], $0xffff;
	v2 =	vadd.f32 v3, v2;
	v3 =	vmul.f32 v48, v49  }
0x4ff: {  	v59 =	vor.u32 $0x1E, v1;
	v58 =	vld.idx.msk [tilespmem:v50+s11+$0x0], $0xffff  }
0x500: {  	v60 =	vld.idx.msk [tilespmem:v53+s12+$0x0], $0xffff;
	v2 =	vadd.f32 v3, v2;
	v3 =	vmul.f32 v51, v52  }
0x501: {  	v62 =	vor.u32 $0x1F, v1;
	v61 =	vld.idx.msk [tilespmem:v53+s11+$0x0], $0xffff  }
0x502: {  	v13 =	vld.idx.msk [tilespmem:v56+s11+$0x0], $0xffff;
	v2 =	vadd.f32 v3, v2;
	v3 =	vmul.f32 v54, v55  }
0x503: {  	v63 =	vld.idx.msk [tilespmem:v56+s12+$0x0], $0xffff  }
0x504: {  	v14 =	vld.idx.msk [tilespmem:v59+s12+$0x0], $0xffff;
	v2 =	vadd.f32 v3, v2;
	v3 =	vmul.f32 v57, v58  }
0x505: {  	v15 =	vld.idx.msk [tilespmem:v59+s11+$0x0], $0xffff  }
0x506: {  	v17 =	vld.idx.msk [tilespmem:v62+s11+$0x0], $0xffff;
	v2 =	vadd.f32 v3, v2;
	v3 =	vmul.f32 v60, v61  }
0x507: {  	v16 =	vld.idx.msk [tilespmem:v62+s12+$0x0], $0xffff  }
0x508: {  	v18 =	vld.idx.msk [tilespmem:v1+s12+$0x0], $0xffff;
	v2 =	vadd.f32 v3, v2;
	v3 =	vmul.f32 v63, v13  }
0x509: {  	v1 =	vld.idx.msk [tilespmem:v1+s11+$0x0], $0xffff  }
0x50a: {  	v2 =	vadd.f32 v3, v2;
	v3 =	vmul.f32 v14, v15;
	_ =	sdelay $0x1  }
0x50b: {  	v2 =	vadd.f32 v3, v2;
	v3 =	vmul.f32 v16, v17;
	_ =	sdelay $0x1  }
0x50c: {  	v1 =	vmul.f32 v18, v1;
	v2 =	vadd.f32 v3, v2;
	_ =	sdelay $0x1  }
0x50d: {  	v1 =	vsub.f32 v1, v2;
	_ =	sdelay $0x1  }
0x50e: {  	v1 =	vmax.f32 v1, $1.000000120e+00  }
0x50f: {  	v2 =	vadd.f32 $-1.000000000e+00, v1;
	v3 =	vadd.f32 $1.000000000e+00, v1;
	_ =	sdelay $0x1  }
0x510: {  	v2 =	vmul.f32 v3, v2;
	_ =	sdelay $0x1  }
0x511: {  	v3 =	vshra.s32 v2, $0x1;
	v19 =	vmul.f32 $5.000000000e-01, v2  }
0x512: {  	v3 =	vsub.s32 $0x5F3759DF, v3  }
0x513: {  	v20 =	vmul.f32 v3, v19;
	_ =	sdelay $0x1  }
0x514: {  	v5 =	vmul.f32 v3, v20;
	_ =	sdelay $0x1  }
0x515: {  	v5 =	vsub.f32 $1.500000000e+00, v5;
	_ =	sdelay $0x1  }
0x516: {  	v3 =	vmul.f32 v3, v5;
	_ =	sdelay $0x1  }
0x517: {  	v5 =	vmul.f32 v3, v19;
	_ =	sdelay $0x1  }
0x518: {  	v5 =	vmul.f32 v5, v3;
	_ =	sdelay $0x1  }
0x519: {  	v5 =	vsub.f32 $1.500000000e+00, v5;
	_ =	sdelay $0x1  }
0x51a: {  	v3 =	vmul.f32 v5, v3;
	_ =	sdelay $0x1  }
0x51b: {  	v4 =	vmul.f32 v3, v19;
	_ =	sdelay $0x1  }
0x51c: {  	v4 =	vmul.f32 v4, v3;
	_ =	sdelay $0x1  }
0x51d: {  	v4 =	vsub.f32 $1.500000000e+00, v4;
	_ =	sdelay $0x1  }
0x51e: {  	v3 =	vmul.f32 v4, v3;
	_ =	sdelay $0x1  }
0x51f: {  	v2 =	vmul.f32 v3, v2;
	_ =	sdelay $0x1  }
0x520: {  	v1 =	vadd.f32 v2, v1;
	_ =	sdelay $0x1  }
0x521: {  	v1 =	vmul.f32 $1.353352810e-01, v1;
	_ =	sdelay $0x1  }
0x522: {  	v1 =	vadd.f32 $1.000000000e+00, v1;
	_ =	sdelay $0x1  }
0x523: {  	(erf) = vrcp.f32 v1;
	_ =	sdelay $0x1  }
0x524: {  	s0 =	simm.s32 $0x190  }
0x525: {  	v1 =	vmov s0  }
0x526: {  	v1 =	vshll.u32 v1, $0x5  }
0x527: {  	v1 =	vor.u32 v0, v1  }
0x528: {  	v2 =	vor.u32 $0x1, v1;
	_ =	sdelay $0x1  }
0x529: {  	v3 =	vor.u32 $0x2, v1  }
0x52a: {  	s31 =	simm.s32 $0x8580;
	v21 =	vpop (erf)  }
0x52b: {  	v22 =	vor.u32 $0x3, v1;
	[tilespmem:s31+$0x0] =	vst v21  }
0x52c: {  	v4 =	vld.idx.msk [tilespmem:v2+s12+$0x0], $0xffff  }
0x52d: {  	v23 =	vor.u32 $0x4, v1;
	v2 =	vld.idx.msk [tilespmem:v2+s11+$0x0], $0xffff  }
0x52e: {  	v24 =	vld.idx.msk [tilespmem:v3+s12+$0x0], $0xffff  }
0x52f: {  	v25 =	vor.u32 $0x5, v1;
	v3 =	vld.idx.msk [tilespmem:v3+s11+$0x0], $0xffff  }
0x530: {  	v26 =	vld.idx.msk [tilespmem:v22+s12+$0x0], $0xffff  }
0x531: {  	v27 =	vor.u32 $0x6, v1;
	v5 =	vld.idx.msk [tilespmem:v22+s11+$0x0], $0xffff  }
0x532: {  	v28 =	vld.idx.msk [tilespmem:v23+s12+$0x0], $0xffff;
	v2 =	vmul.f32 v4, v2  }
0x533: {  	v30 =	vor.u32 $0x7, v1;
	v29 =	vld.idx.msk [tilespmem:v23+s11+$0x0], $0xffff  }
0x534: {  	v31 =	vld.idx.msk [tilespmem:v25+s12+$0x0], $0xffff;
	v3 =	vmul.f32 v24, v3;
	v2 =	vadd.f32 $0.0e+00, v2  }
0x535: {  	v33 =	vor.u32 $0x8, v1;
	v32 =	vld.idx.msk [tilespmem:v25+s11+$0x0], $0xffff  }
0x536: {  	v34 =	vld.idx.msk [tilespmem:v27+s12+$0x0], $0xffff;
	v2 =	vadd.f32 v3, v2;
	v3 =	vmul.f32 v26, v5  }
0x537: {  	v36 =	vor.u32 $0x9, v1;
	v35 =	vld.idx.msk [tilespmem:v27+s11+$0x0], $0xffff  }
0x538: {  	v37 =	vld.idx.msk [tilespmem:v30+s12+$0x0], $0xffff;
	v2 =	vadd.f32 v3, v2;
	v3 =	vmul.f32 v28, v29  }
0x539: {  	v39 =	vor.u32 $0xA, v1;
	v38 =	vld.idx.msk [tilespmem:v30+s11+$0x0], $0xffff  }
0x53a: {  	v40 =	vld.idx.msk [tilespmem:v33+s12+$0x0], $0xffff;
	v2 =	vadd.f32 v3, v2;
	v3 =	vmul.f32 v31, v32  }
0x53b: {  	v42 =	vor.u32 $0xB, v1;
	v41 =	vld.idx.msk [tilespmem:v33+s11+$0x0], $0xffff  }
0x53c: {  	v43 =	vld.idx.msk [tilespmem:v36+s12+$0x0], $0xffff;
	v2 =	vadd.f32 v3, v2;
	v3 =	vmul.f32 v34, v35  }
0x53d: {  	v45 =	vor.u32 $0xC, v1;
	v44 =	vld.idx.msk [tilespmem:v36+s11+$0x0], $0xffff  }
0x53e: {  	v46 =	vld.idx.msk [tilespmem:v39+s12+$0x0], $0xffff;
	v2 =	vadd.f32 v3, v2;
	v3 =	vmul.f32 v37, v38  }
0x53f: {  	v48 =	vor.u32 $0xD, v1;
	v47 =	vld.idx.msk [tilespmem:v39+s11+$0x0], $0xffff  }
0x540: {  	v49 =	vld.idx.msk [tilespmem:v42+s12+$0x0], $0xffff;
	v2 =	vadd.f32 v3, v2;
	v3 =	vmul.f32 v40, v41  }
0x541: {  	v51 =	vor.u32 $0xE, v1;
	v50 =	vld.idx.msk [tilespmem:v42+s11+$0x0], $0xffff  }
0x542: {  	v52 =	vld.idx.msk [tilespmem:v45+s12+$0x0], $0xffff;
	v2 =	vadd.f32 v3, v2;
	v3 =	vmul.f32 v43, v44  }
0x543: {  	v54 =	vor.u32 $0xF, v1;
	v53 =	vld.idx.msk [tilespmem:v45+s11+$0x0], $0xffff  }
0x544: {  	v55 =	vld.idx.msk [tilespmem:v48+s12+$0x0], $0xffff;
	v2 =	vadd.f32 v3, v2;
	v3 =	vmul.f32 v46, v47  }
0x545: {  	v57 =	vor.u32 $0x10, v1;
	v56 =	vld.idx.msk [tilespmem:v48+s11+$0x0], $0xffff  }
0x546: {  	v58 =	vld.idx.msk [tilespmem:v51+s12+$0x0], $0xffff;
	v2 =	vadd.f32 v3, v2;
	v3 =	vmul.f32 v49, v50  }
0x547: {  	v60 =	vor.u32 $0x11, v1;
	v59 =	vld.idx.msk [tilespmem:v51+s11+$0x0], $0xffff  }
0x548: {  	v61 =	vld.idx.msk [tilespmem:v54+s12+$0x0], $0xffff;
	v2 =	vadd.f32 v3, v2;
	v3 =	vmul.f32 v52, v53  }
0x549: {  	v63 =	vor.u32 $0x12, v1;
	v62 =	vld.idx.msk [tilespmem:v54+s11+$0x0], $0xffff  }
0x54a: {  	v16 =	vld.idx.msk [tilespmem:v57+s12+$0x0], $0xffff;
	v2 =	vadd.f32 v3, v2;
	v3 =	vmul.f32 v55, v56  }
0x54b: {  	v18 =	vor.u32 $0x13, v1;
	v17 =	vld.idx.msk [tilespmem:v57+s11+$0x0], $0xffff  }
0x54c: {  	v19 =	vld.idx.msk [tilespmem:v60+s12+$0x0], $0xffff;
	v2 =	vadd.f32 v3, v2;
	v3 =	vmul.f32 v58, v59  }
0x54d: {  	v21 =	vor.u32 $0x14, v1;
	v20 =	vld.idx.msk [tilespmem:v60+s11+$0x0], $0xffff  }
0x54e: {  	v22 =	vld.idx.msk [tilespmem:v63+s12+$0x0], $0xffff;
	v2 =	vadd.f32 v3, v2;
	v3 =	vmul.f32 v61, v62  }
0x54f: {  	v23 =	vld.idx.msk [tilespmem:v63+s11+$0x0], $0xffff;
	v24 =	vor.u32 $0x15, v1  }
0x550: {  	v25 =	vld.idx.msk [tilespmem:v18+s12+$0x0], $0xffff;
	v2 =	vadd.f32 v3, v2;
	v3 =	vmul.f32 v16, v17  }
0x551: {  	v27 =	vor.u32 $0x16, v1;
	v26 =	vld.idx.msk [tilespmem:v18+s11+$0x0], $0xffff  }
0x552: {  	v28 =	vld.idx.msk [tilespmem:v21+s12+$0x0], $0xffff;
	v2 =	vadd.f32 v3, v2;
	v3 =	vmul.f32 v19, v20  }
0x553: {  	v30 =	vor.u32 $0x17, v1;
	v29 =	vld.idx.msk [tilespmem:v21+s11+$0x0], $0xffff  }
0x554: {  	v31 =	vld.idx.msk [tilespmem:v24+s12+$0x0], $0xffff;
	v2 =	vadd.f32 v3, v2;
	v3 =	vmul.f32 v22, v23  }
0x555: {  	v33 =	vor.u32 $0x18, v1;
	v32 =	vld.idx.msk [tilespmem:v24+s11+$0x0], $0xffff  }
0x556: {  	v34 =	vld.idx.msk [tilespmem:v27+s12+$0x0], $0xffff;
	v2 =	vadd.f32 v3, v2;
	v3 =	vmul.f32 v25, v26  }
0x557: {  	v36 =	vor.u32 $0x19, v1;
	v35 =	vld.idx.msk [tilespmem:v27+s11+$0x0], $0xffff  }
0x558: {  	v37 =	vld.idx.msk [tilespmem:v30+s12+$0x0], $0xffff;
	v2 =	vadd.f32 v3, v2;
	v3 =	vmul.f32 v28, v29  }
0x559: {  	v39 =	vor.u32 $0x1A, v1;
	v38 =	vld.idx.msk [tilespmem:v30+s11+$0x0], $0xffff  }
0x55a: {  	v40 =	vld.idx.msk [tilespmem:v33+s12+$0x0], $0xffff;
	v2 =	vadd.f32 v3, v2;
	v3 =	vmul.f32 v31, v32  }
0x55b: {  	v42 =	vor.u32 $0x1B, v1;
	v41 =	vld.idx.msk [tilespmem:v33+s11+$0x0], $0xffff  }
0x55c: {  	v43 =	vld.idx.msk [tilespmem:v36+s12+$0x0], $0xffff;
	v2 =	vadd.f32 v3, v2;
	v3 =	vmul.f32 v34, v35  }
0x55d: {  	v45 =	vor.u32 $0x1C, v1;
	v44 =	vld.idx.msk [tilespmem:v36+s11+$0x0], $0xffff  }
0x55e: {  	v46 =	vld.idx.msk [tilespmem:v39+s12+$0x0], $0xffff;
	v2 =	vadd.f32 v3, v2;
	v3 =	vmul.f32 v37, v38  }
0x55f: {  	v48 =	vor.u32 $0x1D, v1;
	v47 =	vld.idx.msk [tilespmem:v39+s11+$0x0], $0xffff  }
0x560: {  	v49 =	vld.idx.msk [tilespmem:v42+s12+$0x0], $0xffff;
	v2 =	vadd.f32 v3, v2;
	v3 =	vmul.f32 v40, v41  }
0x561: {  	v51 =	vor.u32 $0x1E, v1;
	v50 =	vld.idx.msk [tilespmem:v42+s11+$0x0], $0xffff  }
0x562: {  	v52 =	vld.idx.msk [tilespmem:v45+s12+$0x0], $0xffff;
	v2 =	vadd.f32 v3, v2;
	v3 =	vmul.f32 v43, v44  }
0x563: {  	v54 =	vor.u32 $0x1F, v1;
	v53 =	vld.idx.msk [tilespmem:v45+s11+$0x0], $0xffff  }
0x564: {  	v55 =	vld.idx.msk [tilespmem:v48+s12+$0x0], $0xffff;
	v2 =	vadd.f32 v3, v2;
	v3 =	vmul.f32 v46, v47  }
0x565: {  	v56 =	vld.idx.msk [tilespmem:v48+s11+$0x0], $0xffff  }
0x566: {  	v57 =	vld.idx.msk [tilespmem:v51+s12+$0x0], $0xffff;
	v2 =	vadd.f32 v3, v2;
	v3 =	vmul.f32 v49, v50  }
0x567: {  	v58 =	vld.idx.msk [tilespmem:v51+s11+$0x0], $0xffff  }
0x568: {  	v60 =	vld.idx.msk [tilespmem:v54+s11+$0x0], $0xffff;
	v2 =	vadd.f32 v3, v2;
	v3 =	vmul.f32 v52, v53  }
0x569: {  	v59 =	vld.idx.msk [tilespmem:v54+s12+$0x0], $0xffff  }
0x56a: {  	v61 =	vld.idx.msk [tilespmem:v1+s12+$0x0], $0xffff;
	v2 =	vadd.f32 v3, v2;
	v3 =	vmul.f32 v55, v56  }
0x56b: {  	v1 =	vld.idx.msk [tilespmem:v1+s11+$0x0], $0xffff  }
0x56c: {  	v2 =	vadd.f32 v3, v2;
	v3 =	vmul.f32 v57, v58;
	_ =	sdelay $0x1  }
0x56d: {  	v2 =	vadd.f32 v3, v2;
	v3 =	vmul.f32 v59, v60;
	_ =	sdelay $0x1  }
0x56e: {  	v1 =	vmul.f32 v61, v1;
	v2 =	vadd.f32 v3, v2;
	_ =	sdelay $0x1  }
0x56f: {  	v1 =	vsub.f32 v1, v2;
	_ =	sdelay $0x1  }
0x570: {  	v1 =	vmax.f32 v1, $1.000000120e+00  }
0x571: {  	v2 =	vadd.f32 $-1.000000000e+00, v1;
	v3 =	vadd.f32 $1.000000000e+00, v1;
	_ =	sdelay $0x1  }
0x572: {  	v2 =	vmul.f32 v3, v2;
	_ =	sdelay $0x1  }
0x573: {  	v3 =	vshra.s32 v2, $0x1;
	v62 =	vmul.f32 $5.000000000e-01, v2  }
0x574: {  	v3 =	vsub.s32 $0x5F3759DF, v3  }
0x575: {  	v63 =	vmul.f32 v3, v62;
	_ =	sdelay $0x1  }
0x576: {  	v5 =	vmul.f32 v3, v63;
	_ =	sdelay $0x1  }
0x577: {  	v5 =	vsub.f32 $1.500000000e+00, v5;
	_ =	sdelay $0x1  }
0x578: {  	v3 =	vmul.f32 v3, v5;
	_ =	sdelay $0x1  }
0x579: {  	v5 =	vmul.f32 v3, v62;
	_ =	sdelay $0x1  }
0x57a: {  	v5 =	vmul.f32 v5, v3;
	_ =	sdelay $0x1  }
0x57b: {  	v5 =	vsub.f32 $1.500000000e+00, v5;
	_ =	sdelay $0x1  }
0x57c: {  	v3 =	vmul.f32 v5, v3;
	_ =	sdelay $0x1  }
0x57d: {  	v4 =	vmul.f32 v3, v62;
	_ =	sdelay $0x1  }
0x57e: {  	v4 =	vmul.f32 v4, v3;
	_ =	sdelay $0x1  }
0x57f: {  	v4 =	vsub.f32 $1.500000000e+00, v4;
	_ =	sdelay $0x1  }
0x580: {  	v3 =	vmul.f32 v4, v3;
	_ =	sdelay $0x1  }
0x581: {  	v2 =	vmul.f32 v3, v2;
	_ =	sdelay $0x1  }
0x582: {  	v1 =	vadd.f32 v2, v1;
	_ =	sdelay $0x1  }
0x583: {  	v1 =	vmul.f32 $1.353352810e-01, v1;
	_ =	sdelay $0x1  }
0x584: {  	v1 =	vadd.f32 $1.000000000e+00, v1;
	_ =	sdelay $0x1  }
0x585: {  	(erf) = vrcp.f32 v1;
	_ =	sdelay $0x1  }
0x586: {  	s0 =	simm.s32 $0x1A0  }
0x587: {  	v2 =	vmov s0  }
0x588: {  	s0 =	simm.s32 $0x1B0;
	v1 =	vshll.u32 v2, $0x5  }
.LBB2_8:
0x589: {  	p0 =	sne.s32 s0, $0x1F0;
	v1 =	vor.u32 v0, v1  }
0x58a: {  	v2 =	vor.u32 $0x1, v1;
	_ =	sdelay $0x1  }
0x58b: {  	v3 =	vor.u32 $0x2, v1  }
0x58c: {  	s31 =	sadd.s32 $0x10, s31;
	v4 =	vpop (erf)  }
0x58d: {  	v5 =	vor.u32 $0x3, v1;
	[tilespmem:s31+$0x0] =	vst v4  }
0x58e: {  	v4 =	vld.idx.msk [tilespmem:v2+s12+$0x0], $0xffff  }
0x58f: {  	v6 =	vor.u32 $0x4, v1;
	v2 =	vld.idx.msk [tilespmem:v2+s11+$0x0], $0xffff  }
0x590: {  	v7 =	vld.idx.msk [tilespmem:v3+s12+$0x0], $0xffff  }
0x591: {  	v8 =	vor.u32 $0x5, v1;
	v3 =	vld.idx.msk [tilespmem:v3+s11+$0x0], $0xffff  }
0x592: {  	v9 =	vld.idx.msk [tilespmem:v5+s12+$0x0], $0xffff  }
0x593: {  	v10 =	vor.u32 $0x6, v1;
	v5 =	vld.idx.msk [tilespmem:v5+s11+$0x0], $0xffff  }
0x594: {  	v11 =	vld.idx.msk [tilespmem:v6+s12+$0x0], $0xffff  }
0x595: {  	v2 =	vmul.f32 v4, v2;
	v4 =	vld.idx.msk [tilespmem:v6+s11+$0x0], $0xffff;
	v6 =	vor.u32 $0x7, v1  }
0x596: {  	v12 =	vld.idx.msk [tilespmem:v8+s12+$0x0], $0xffff  }
0x597: {  	v2 =	vadd.f32 $0.0e+00, v2;
	v3 =	vmul.f32 v7, v3;
	v7 =	vld.idx.msk [tilespmem:v8+s11+$0x0], $0xffff;
	v8 =	vor.u32 $0x8, v1  }
0x598: {  	v13 =	vld.idx.msk [tilespmem:v10+s12+$0x0], $0xffff  }
0x599: {  	v2 =	vadd.f32 v3, v2;
	v3 =	vmul.f32 v9, v5;
	v9 =	vor.u32 $0x9, v1;
	v5 =	vld.idx.msk [tilespmem:v10+s11+$0x0], $0xffff  }
0x59a: {  	v10 =	vld.idx.msk [tilespmem:v6+s12+$0x0], $0xffff  }
0x59b: {  	v2 =	vadd.f32 v3, v2;
	v3 =	vmul.f32 v11, v4;
	v4 =	vld.idx.msk [tilespmem:v6+s11+$0x0], $0xffff;
	v6 =	vor.u32 $0xA, v1  }
0x59c: {  	v11 =	vld.idx.msk [tilespmem:v8+s12+$0x0], $0xffff  }
0x59d: {  	v2 =	vadd.f32 v3, v2;
	v3 =	vmul.f32 v12, v7;
	v7 =	vld.idx.msk [tilespmem:v8+s11+$0x0], $0xffff;
	v8 =	vor.u32 $0xB, v1  }
0x59e: {  	v12 =	vld.idx.msk [tilespmem:v9+s12+$0x0], $0xffff  }
0x59f: {  	v2 =	vadd.f32 v3, v2;
	v3 =	vmul.f32 v13, v5;
	v5 =	vld.idx.msk [tilespmem:v9+s11+$0x0], $0xffff;
	v9 =	vor.u32 $0xC, v1  }
0x5a0: {  	v13 =	vld.idx.msk [tilespmem:v6+s12+$0x0], $0xffff  }
0x5a1: {  	v2 =	vadd.f32 v3, v2;
	v3 =	vmul.f32 v10, v4;
	v4 =	vld.idx.msk [tilespmem:v6+s11+$0x0], $0xffff;
	v6 =	vor.u32 $0xD, v1  }
0x5a2: {  	v10 =	vld.idx.msk [tilespmem:v8+s12+$0x0], $0xffff  }
0x5a3: {  	v2 =	vadd.f32 v3, v2;
	v3 =	vmul.f32 v11, v7;
	v7 =	vld.idx.msk [tilespmem:v8+s11+$0x0], $0xffff;
	v8 =	vor.u32 $0xE, v1  }
0x5a4: {  	v11 =	vld.idx.msk [tilespmem:v9+s12+$0x0], $0xffff  }
0x5a5: {  	v2 =	vadd.f32 v3, v2;
	v3 =	vmul.f32 v12, v5;
	v5 =	vld.idx.msk [tilespmem:v9+s11+$0x0], $0xffff;
	v9 =	vor.u32 $0xF, v1  }
0x5a6: {  	v12 =	vld.idx.msk [tilespmem:v6+s12+$0x0], $0xffff  }
0x5a7: {  	v2 =	vadd.f32 v3, v2;
	v3 =	vmul.f32 v13, v4;
	v4 =	vld.idx.msk [tilespmem:v6+s11+$0x0], $0xffff;
	v6 =	vor.u32 $0x10, v1  }
0x5a8: {  	v13 =	vld.idx.msk [tilespmem:v8+s12+$0x0], $0xffff  }
0x5a9: {  	v2 =	vadd.f32 v3, v2;
	v3 =	vmul.f32 v10, v7;
	v7 =	vld.idx.msk [tilespmem:v8+s11+$0x0], $0xffff;
	v8 =	vor.u32 $0x11, v1  }
0x5aa: {  	v10 =	vld.idx.msk [tilespmem:v9+s12+$0x0], $0xffff  }
0x5ab: {  	v2 =	vadd.f32 v3, v2;
	v3 =	vmul.f32 v11, v5;
	v5 =	vld.idx.msk [tilespmem:v9+s11+$0x0], $0xffff;
	v9 =	vor.u32 $0x12, v1  }
0x5ac: {  	v11 =	vld.idx.msk [tilespmem:v6+s12+$0x0], $0xffff  }
0x5ad: {  	v2 =	vadd.f32 v3, v2;
	v3 =	vmul.f32 v12, v4;
	v4 =	vld.idx.msk [tilespmem:v6+s11+$0x0], $0xffff;
	v6 =	vor.u32 $0x13, v1  }
0x5ae: {  	v12 =	vld.idx.msk [tilespmem:v8+s12+$0x0], $0xffff  }
0x5af: {  	v2 =	vadd.f32 v3, v2;
	v3 =	vmul.f32 v13, v7;
	v7 =	vld.idx.msk [tilespmem:v8+s11+$0x0], $0xffff;
	v8 =	vor.u32 $0x14, v1  }
0x5b0: {  	v13 =	vld.idx.msk [tilespmem:v9+s12+$0x0], $0xffff  }
0x5b1: {  	v2 =	vadd.f32 v3, v2;
	v3 =	vmul.f32 v10, v5;
	v5 =	vld.idx.msk [tilespmem:v9+s11+$0x0], $0xffff;
	v9 =	vor.u32 $0x15, v1  }
0x5b2: {  	v10 =	vld.idx.msk [tilespmem:v6+s12+$0x0], $0xffff  }
0x5b3: {  	v2 =	vadd.f32 v3, v2;
	v3 =	vmul.f32 v11, v4;
	v4 =	vld.idx.msk [tilespmem:v6+s11+$0x0], $0xffff;
	v6 =	vor.u32 $0x16, v1  }
0x5b4: {  	v11 =	vld.idx.msk [tilespmem:v8+s12+$0x0], $0xffff  }
0x5b5: {  	v2 =	vadd.f32 v3, v2;
	v3 =	vmul.f32 v12, v7;
	v7 =	vld.idx.msk [tilespmem:v8+s11+$0x0], $0xffff;
	v8 =	vor.u32 $0x17, v1  }
0x5b6: {  	v12 =	vld.idx.msk [tilespmem:v9+s12+$0x0], $0xffff  }
0x5b7: {  	v2 =	vadd.f32 v3, v2;
	v3 =	vmul.f32 v13, v5;
	v5 =	vld.idx.msk [tilespmem:v9+s11+$0x0], $0xffff;
	v9 =	vor.u32 $0x18, v1  }
0x5b8: {  	v13 =	vld.idx.msk [tilespmem:v6+s12+$0x0], $0xffff  }
0x5b9: {  	v2 =	vadd.f32 v3, v2;
	v3 =	vmul.f32 v10, v4;
	v4 =	vld.idx.msk [tilespmem:v6+s11+$0x0], $0xffff;
	v6 =	vor.u32 $0x19, v1  }
0x5ba: {  	v10 =	vld.idx.msk [tilespmem:v8+s12+$0x0], $0xffff  }
0x5bb: {  	v2 =	vadd.f32 v3, v2;
	v3 =	vmul.f32 v11, v7;
	v7 =	vld.idx.msk [tilespmem:v8+s11+$0x0], $0xffff;
	v8 =	vor.u32 $0x1A, v1  }
0x5bc: {  	v11 =	vld.idx.msk [tilespmem:v9+s12+$0x0], $0xffff  }
0x5bd: {  	v2 =	vadd.f32 v3, v2;
	v3 =	vmul.f32 v12, v5;
	v5 =	vld.idx.msk [tilespmem:v9+s11+$0x0], $0xffff;
	v9 =	vor.u32 $0x1B, v1  }
0x5be: {  	v12 =	vld.idx.msk [tilespmem:v6+s12+$0x0], $0xffff  }
0x5bf: {  	v2 =	vadd.f32 v3, v2;
	v3 =	vmul.f32 v13, v4;
	v4 =	vld.idx.msk [tilespmem:v6+s11+$0x0], $0xffff;
	v6 =	vor.u32 $0x1C, v1  }
0x5c0: {  	v13 =	vld.idx.msk [tilespmem:v8+s12+$0x0], $0xffff  }
0x5c1: {  	v2 =	vadd.f32 v3, v2;
	v3 =	vmul.f32 v10, v7;
	v7 =	vld.idx.msk [tilespmem:v8+s11+$0x0], $0xffff;
	v8 =	vor.u32 $0x1D, v1  }
0x5c2: {  	v10 =	vld.idx.msk [tilespmem:v9+s12+$0x0], $0xffff  }
0x5c3: {  	v2 =	vadd.f32 v3, v2;
	v3 =	vmul.f32 v11, v5;
	v5 =	vld.idx.msk [tilespmem:v9+s11+$0x0], $0xffff;
	v9 =	vor.u32 $0x1E, v1  }
0x5c4: {  	v11 =	vld.idx.msk [tilespmem:v6+s12+$0x0], $0xffff  }
0x5c5: {  	v2 =	vadd.f32 v3, v2;
	v3 =	vmul.f32 v12, v4;
	v4 =	vld.idx.msk [tilespmem:v6+s11+$0x0], $0xffff;
	v6 =	vor.u32 $0x1F, v1  }
0x5c6: {  	v12 =	vld.idx.msk [tilespmem:v8+s12+$0x0], $0xffff  }
0x5c7: {  	v2 =	vadd.f32 v3, v2;
	v3 =	vmul.f32 v13, v7;
	v7 =	vld.idx.msk [tilespmem:v8+s11+$0x0], $0xffff  }
0x5c8: {  	v8 =	vld.idx.msk [tilespmem:v9+s12+$0x0], $0xffff  }
0x5c9: {  	v2 =	vadd.f32 v3, v2;
	v3 =	vmul.f32 v10, v5;
	v5 =	vld.idx.msk [tilespmem:v9+s11+$0x0], $0xffff  }
0x5ca: {  	v9 =	vld.idx.msk [tilespmem:v6+s12+$0x0], $0xffff  }
0x5cb: {  	v2 =	vadd.f32 v3, v2;
	v3 =	vmul.f32 v11, v4;
	v4 =	vld.idx.msk [tilespmem:v6+s11+$0x0], $0xffff  }
0x5cc: {  	v6 =	vld.idx.msk [tilespmem:v1+s12+$0x0], $0xffff  }
0x5cd: {  	v2 =	vadd.f32 v3, v2;
	v3 =	vmul.f32 v12, v7;
	v1 =	vld.idx.msk [tilespmem:v1+s11+$0x0], $0xffff;
	_ =	sdelay $0x1  }
0x5ce: {  	v2 =	vadd.f32 v3, v2;
	v3 =	vmul.f32 v8, v5;
	_ =	sdelay $0x1  }
0x5cf: {  	v2 =	vadd.f32 v3, v2;
	v3 =	vmul.f32 v9, v4;
	_ =	sdelay $0x1  }
0x5d0: {  	v1 =	vmul.f32 v6, v1;
	v2 =	vadd.f32 v3, v2;
	_ =	sdelay $0x1  }
0x5d1: {  	v1 =	vsub.f32 v1, v2;
	_ =	sdelay $0x1  }
0x5d2: {  	v1 =	vmax.f32 v1, $1.000000120e+00  }
0x5d3: {  	v2 =	vadd.f32 $-1.000000000e+00, v1;
	v3 =	vadd.f32 $1.000000000e+00, v1;
	_ =	sdelay $0x1  }
0x5d4: {  	v2 =	vmul.f32 v3, v2;
	_ =	sdelay $0x1  }
0x5d5: {  	v3 =	vshra.s32 v2, $0x1;
	v4 =	vmul.f32 $5.000000000e-01, v2  }
0x5d6: {  	v3 =	vsub.s32 $0x5F3759DF, v3  }
0x5d7: {  	v5 =	vmul.f32 v3, v4;
	_ =	sdelay $0x1  }
0x5d8: {  	v5 =	vmul.f32 v3, v5;
	_ =	sdelay $0x1  }
0x5d9: {  	v5 =	vsub.f32 $1.500000000e+00, v5;
	_ =	sdelay $0x1  }
0x5da: {  	v3 =	vmul.f32 v3, v5;
	_ =	sdelay $0x1  }
0x5db: {  	v5 =	vmul.f32 v3, v4;
	_ =	sdelay $0x1  }
0x5dc: {  	v5 =	vmul.f32 v5, v3;
	_ =	sdelay $0x1  }
0x5dd: {  	v5 =	vsub.f32 $1.500000000e+00, v5;
	_ =	sdelay $0x1  }
0x5de: {  	v3 =	vmul.f32 v5, v3;
	_ =	sdelay $0x1  }
0x5df: {  	v4 =	vmul.f32 v3, v4;
	_ =	sdelay $0x1  }
0x5e0: {  	v4 =	vmul.f32 v4, v3;
	_ =	sdelay $0x1  }
0x5e1: {  	v4 =	vsub.f32 $1.500000000e+00, v4;
	_ =	sdelay $0x1  }
0x5e2: {  	v3 =	vmul.f32 v4, v3;
	_ =	sdelay $0x1  }
0x5e3: {  	v2 =	vmul.f32 v3, v2;
	_ =	sdelay $0x1  }
0x5e4: {  	v1 =	vadd.f32 v2, v1;
	_ =	sdelay $0x1  }
0x5e5: {  	v1 =	vmul.f32 $1.353352810e-01, v1;
	_ =	sdelay $0x1  }
0x5e6: {  	v1 =	vadd.f32 $1.000000000e+00, v1;
	_ =	sdelay $0x1  }
.Ltmp3:
0x5e7: {  	(erf) = vrcp.f32 v1;
	(pc) =	sbr.rel @p0 .LBB2_8-.Ltmp3, $3  }
0x5e8: {  	_ =	sdelay $0x1  }
0x5e9: {  	v1 =	vmov s0  }
0x5ea: {  	s0 =	sadd.s32 $0x10, s0;
	v1 =	vshll.u32 v1, $0x5  }
0x5eb: {  	v1 =	vor.u32 v0, v1  }
0x5ec: {  	v2 =	vor.u32 $0x1, v1;
	_ =	sdelay $0x1  }
0x5ed: {  	v3 =	vor.u32 $0x2, v1  }
0x5ee: {  	s0 =	sadd.s32 $0x10, s31;
	v4 =	vpop (erf)  }
0x5ef: {  	v5 =	vor.u32 $0x3, v1;
	[tilespmem:s0+$0x0] =	vst v4  }
0x5f0: {  	v4 =	vld.idx.msk [tilespmem:v2+s12+$0x0], $0xffff  }
0x5f1: {  	v6 =	vor.u32 $0x4, v1;
	v2 =	vld.idx.msk [tilespmem:v2+s11+$0x0], $0xffff  }
0x5f2: {  	v7 =	vld.idx.msk [tilespmem:v3+s12+$0x0], $0xffff  }
0x5f3: {  	v8 =	vor.u32 $0x5, v1;
	v3 =	vld.idx.msk [tilespmem:v3+s11+$0x0], $0xffff  }
0x5f4: {  	v9 =	vld.idx.msk [tilespmem:v5+s12+$0x0], $0xffff  }
0x5f5: {  	v10 =	vor.u32 $0x6, v1;
	v5 =	vld.idx.msk [tilespmem:v5+s11+$0x0], $0xffff  }
0x5f6: {  	v11 =	vld.idx.msk [tilespmem:v6+s12+$0x0], $0xffff;
	v2 =	vmul.f32 v4, v2  }
0x5f7: {  	v32 =	vor.u32 $0x7, v1;
	v31 =	vld.idx.msk [tilespmem:v6+s11+$0x0], $0xffff  }
0x5f8: {  	v12 =	vld.idx.msk [tilespmem:v8+s12+$0x0], $0xffff;
	v3 =	vmul.f32 v7, v3;
	v2 =	vadd.f32 $0.0e+00, v2  }
0x5f9: {  	v34 =	vor.u32 $0x8, v1;
	v33 =	vld.idx.msk [tilespmem:v8+s11+$0x0], $0xffff  }
0x5fa: {  	v13 =	vld.idx.msk [tilespmem:v10+s12+$0x0], $0xffff;
	v2 =	vadd.f32 v3, v2;
	v3 =	vmul.f32 v9, v5  }
0x5fb: {  	v36 =	vor.u32 $0x9, v1;
	v35 =	vld.idx.msk [tilespmem:v10+s11+$0x0], $0xffff  }
0x5fc: {  	v37 =	vld.idx.msk [tilespmem:v32+s12+$0x0], $0xffff;
	v2 =	vadd.f32 v3, v2;
	v3 =	vmul.f32 v11, v31  }
0x5fd: {  	v39 =	vor.u32 $0xA, v1;
	v38 =	vld.idx.msk [tilespmem:v32+s11+$0x0], $0xffff  }
0x5fe: {  	v40 =	vld.idx.msk [tilespmem:v34+s12+$0x0], $0xffff;
	v2 =	vadd.f32 v3, v2;
	v3 =	vmul.f32 v12, v33  }
0x5ff: {  	v42 =	vor.u32 $0xB, v1;
	v41 =	vld.idx.msk [tilespmem:v34+s11+$0x0], $0xffff  }
0x600: {  	v43 =	vld.idx.msk [tilespmem:v36+s12+$0x0], $0xffff;
	v2 =	vadd.f32 v3, v2;
	v3 =	vmul.f32 v13, v35  }
0x601: {  	v45 =	vor.u32 $0xC, v1;
	v44 =	vld.idx.msk [tilespmem:v36+s11+$0x0], $0xffff  }
0x602: {  	v46 =	vld.idx.msk [tilespmem:v39+s12+$0x0], $0xffff;
	v2 =	vadd.f32 v3, v2;
	v3 =	vmul.f32 v37, v38  }
0x603: {  	v48 =	vor.u32 $0xD, v1;
	v47 =	vld.idx.msk [tilespmem:v39+s11+$0x0], $0xffff  }
0x604: {  	v49 =	vld.idx.msk [tilespmem:v42+s12+$0x0], $0xffff;
	v2 =	vadd.f32 v3, v2;
	v3 =	vmul.f32 v40, v41  }
0x605: {  	v51 =	vor.u32 $0xE, v1;
	v50 =	vld.idx.msk [tilespmem:v42+s11+$0x0], $0xffff  }
0x606: {  	v52 =	vld.idx.msk [tilespmem:v45+s12+$0x0], $0xffff;
	v2 =	vadd.f32 v3, v2;
	v3 =	vmul.f32 v43, v44  }
0x607: {  	v54 =	vor.u32 $0xF, v1;
	v53 =	vld.idx.msk [tilespmem:v45+s11+$0x0], $0xffff  }
0x608: {  	v55 =	vld.idx.msk [tilespmem:v48+s12+$0x0], $0xffff;
	v2 =	vadd.f32 v3, v2;
	v3 =	vmul.f32 v46, v47  }
0x609: {  	v57 =	vor.u32 $0x10, v1;
	v56 =	vld.idx.msk [tilespmem:v48+s11+$0x0], $0xffff  }
0x60a: {  	v58 =	vld.idx.msk [tilespmem:v51+s12+$0x0], $0xffff;
	v2 =	vadd.f32 v3, v2;
	v3 =	vmul.f32 v49, v50  }
0x60b: {  	v60 =	vor.u32 $0x11, v1;
	v59 =	vld.idx.msk [tilespmem:v51+s11+$0x0], $0xffff  }
0x60c: {  	v61 =	vld.idx.msk [tilespmem:v54+s12+$0x0], $0xffff;
	v2 =	vadd.f32 v3, v2;
	v3 =	vmul.f32 v52, v53  }
0x60d: {  	v63 =	vor.u32 $0x12, v1;
	v62 =	vld.idx.msk [tilespmem:v54+s11+$0x0], $0xffff  }
0x60e: {  	v16 =	vld.idx.msk [tilespmem:v57+s12+$0x0], $0xffff;
	v2 =	vadd.f32 v3, v2;
	v3 =	vmul.f32 v55, v56  }
0x60f: {  	v18 =	vor.u32 $0x13, v1;
	v17 =	vld.idx.msk [tilespmem:v57+s11+$0x0], $0xffff  }
0x610: {  	v19 =	vld.idx.msk [tilespmem:v60+s12+$0x0], $0xffff;
	v2 =	vadd.f32 v3, v2;
	v3 =	vmul.f32 v58, v59  }
0x611: {  	v21 =	vor.u32 $0x14, v1;
	v20 =	vld.idx.msk [tilespmem:v60+s11+$0x0], $0xffff  }
0x612: {  	v22 =	vld.idx.msk [tilespmem:v63+s12+$0x0], $0xffff;
	v2 =	vadd.f32 v3, v2;
	v3 =	vmul.f32 v61, v62  }
0x613: {  	v24 =	vor.u32 $0x15, v1;
	v23 =	vld.idx.msk [tilespmem:v63+s11+$0x0], $0xffff  }
0x614: {  	v25 =	vld.idx.msk [tilespmem:v18+s12+$0x0], $0xffff;
	v2 =	vadd.f32 v3, v2;
	v3 =	vmul.f32 v16, v17  }
0x615: {  	v27 =	vor.u32 $0x16, v1;
	v26 =	vld.idx.msk [tilespmem:v18+s11+$0x0], $0xffff  }
0x616: {  	v28 =	vld.idx.msk [tilespmem:v21+s12+$0x0], $0xffff;
	v2 =	vadd.f32 v3, v2;
	v3 =	vmul.f32 v19, v20  }
0x617: {  	v30 =	vor.u32 $0x17, v1;
	v29 =	vld.idx.msk [tilespmem:v21+s11+$0x0], $0xffff  }
0x618: {  	v32 =	vld.idx.msk [tilespmem:v24+s11+$0x0], $0xffff;
	v2 =	vadd.f32 v3, v2;
	v3 =	vmul.f32 v22, v23  }
0x619: {  	v31 =	vld.idx.msk [tilespmem:v24+s12+$0x0], $0xffff;
	v33 =	vor.u32 $0x18, v1  }
0x61a: {  	v34 =	vld.idx.msk [tilespmem:v27+s12+$0x0], $0xffff;
	v2 =	vadd.f32 v3, v2;
	v3 =	vmul.f32 v25, v26  }
0x61b: {  	v36 =	vor.u32 $0x19, v1;
	v35 =	vld.idx.msk [tilespmem:v27+s11+$0x0], $0xffff  }
0x61c: {  	v37 =	vld.idx.msk [tilespmem:v30+s12+$0x0], $0xffff;
	v2 =	vadd.f32 v3, v2;
	v3 =	vmul.f32 v28, v29  }
0x61d: {  	v39 =	vor.u32 $0x1A, v1;
	v38 =	vld.idx.msk [tilespmem:v30+s11+$0x0], $0xffff  }
0x61e: {  	v40 =	vld.idx.msk [tilespmem:v33+s12+$0x0], $0xffff;
	v2 =	vadd.f32 v3, v2;
	v3 =	vmul.f32 v31, v32  }
0x61f: {  	v42 =	vor.u32 $0x1B, v1;
	v41 =	vld.idx.msk [tilespmem:v33+s11+$0x0], $0xffff  }
0x620: {  	v43 =	vld.idx.msk [tilespmem:v36+s12+$0x0], $0xffff;
	v2 =	vadd.f32 v3, v2;
	v3 =	vmul.f32 v34, v35  }
0x621: {  	v45 =	vor.u32 $0x1C, v1;
	v44 =	vld.idx.msk [tilespmem:v36+s11+$0x0], $0xffff  }
0x622: {  	v46 =	vld.idx.msk [tilespmem:v39+s12+$0x0], $0xffff;
	v2 =	vadd.f32 v3, v2;
	v3 =	vmul.f32 v37, v38  }
0x623: {  	v48 =	vor.u32 $0x1D, v1;
	v47 =	vld.idx.msk [tilespmem:v39+s11+$0x0], $0xffff  }
0x624: {  	v49 =	vld.idx.msk [tilespmem:v42+s12+$0x0], $0xffff;
	v2 =	vadd.f32 v3, v2;
	v3 =	vmul.f32 v40, v41  }
0x625: {  	v51 =	vor.u32 $0x1E, v1;
	v50 =	vld.idx.msk [tilespmem:v42+s11+$0x0], $0xffff  }
0x626: {  	v52 =	vld.idx.msk [tilespmem:v45+s12+$0x0], $0xffff;
	v2 =	vadd.f32 v3, v2;
	v3 =	vmul.f32 v43, v44  }
0x627: {  	v54 =	vor.u32 $0x1F, v1;
	v53 =	vld.idx.msk [tilespmem:v45+s11+$0x0], $0xffff  }
0x628: {  	v55 =	vld.idx.msk [tilespmem:v48+s12+$0x0], $0xffff;
	v2 =	vadd.f32 v3, v2;
	v3 =	vmul.f32 v46, v47  }
0x629: {  	v56 =	vld.idx.msk [tilespmem:v48+s11+$0x0], $0xffff  }
0x62a: {  	v57 =	vld.idx.msk [tilespmem:v51+s12+$0x0], $0xffff;
	v2 =	vadd.f32 v3, v2;
	v3 =	vmul.f32 v49, v50  }
0x62b: {  	v58 =	vld.idx.msk [tilespmem:v51+s11+$0x0], $0xffff  }
0x62c: {  	v60 =	vld.idx.msk [tilespmem:v54+s11+$0x0], $0xffff;
	v2 =	vadd.f32 v3, v2;
	v3 =	vmul.f32 v52, v53  }
0x62d: {  	v59 =	vld.idx.msk [tilespmem:v54+s12+$0x0], $0xffff  }
0x62e: {  	v61 =	vld.idx.msk [tilespmem:v1+s12+$0x0], $0xffff;
	v2 =	vadd.f32 v3, v2;
	v3 =	vmul.f32 v55, v56  }
0x62f: {  	v1 =	vld.idx.msk [tilespmem:v1+s11+$0x0], $0xffff  }
0x630: {  	v2 =	vadd.f32 v3, v2;
	v3 =	vmul.f32 v57, v58;
	_ =	sdelay $0x1  }
0x631: {  	v2 =	vadd.f32 v3, v2;
	v3 =	vmul.f32 v59, v60;
	_ =	sdelay $0x1  }
0x632: {  	v1 =	vmul.f32 v61, v1;
	v2 =	vadd.f32 v3, v2;
	_ =	sdelay $0x1  }
0x633: {  	v1 =	vsub.f32 v1, v2;
	_ =	sdelay $0x1  }
0x634: {  	v1 =	vmax.f32 v1, $1.000000120e+00  }
0x635: {  	v2 =	vadd.f32 $-1.000000000e+00, v1;
	v3 =	vadd.f32 $1.000000000e+00, v1;
	_ =	sdelay $0x1  }
0x636: {  	v2 =	vmul.f32 v3, v2;
	_ =	sdelay $0x1  }
0x637: {  	v3 =	vshra.s32 v2, $0x1;
	v62 =	vmul.f32 $5.000000000e-01, v2  }
0x638: {  	v3 =	vsub.s32 $0x5F3759DF, v3  }
0x639: {  	v63 =	vmul.f32 v3, v62;
	_ =	sdelay $0x1  }
0x63a: {  	v5 =	vmul.f32 v3, v63;
	_ =	sdelay $0x1  }
0x63b: {  	v5 =	vsub.f32 $1.500000000e+00, v5;
	_ =	sdelay $0x1  }
0x63c: {  	v3 =	vmul.f32 v3, v5;
	_ =	sdelay $0x1  }
0x63d: {  	v5 =	vmul.f32 v3, v62;
	_ =	sdelay $0x1  }
0x63e: {  	v5 =	vmul.f32 v5, v3;
	_ =	sdelay $0x1  }
0x63f: {  	v5 =	vsub.f32 $1.500000000e+00, v5;
	_ =	sdelay $0x1  }
0x640: {  	v3 =	vmul.f32 v5, v3;
	_ =	sdelay $0x1  }
0x641: {  	v4 =	vmul.f32 v3, v62;
	_ =	sdelay $0x1  }
0x642: {  	v4 =	vmul.f32 v4, v3;
	_ =	sdelay $0x1  }
0x643: {  	v4 =	vsub.f32 $1.500000000e+00, v4;
	_ =	sdelay $0x1  }
0x644: {  	v3 =	vmul.f32 v4, v3;
	_ =	sdelay $0x1  }
0x645: {  	v2 =	vmul.f32 v3, v2;
	_ =	sdelay $0x1  }
0x646: {  	v1 =	vadd.f32 v2, v1;
	_ =	sdelay $0x1  }
0x647: {  	v1 =	vmul.f32 $1.353352810e-01, v1;
	_ =	sdelay $0x1  }
0x648: {  	v1 =	vadd.f32 $1.000000000e+00, v1;
	_ =	sdelay $0x1  }
0x649: {  	(erf) = vrcp.f32 v1;
	_ =	sdelay $0x7  }
0x64a: {  	s30 =	sadd.s32 $0x1, s30  }
0x64b: {  	p0 =	sne.s32 s30, s7;
	s0 =	sadd.s32 $0x10, s0;
	v1 =	vpop (erf)  }
.Ltmp4:
0x64c: {  	[tilespmem:s0+$0x0] =	vst v1;
	(pc) =	sbr.rel @p0 .LBB2_1-.Ltmp4, $4  }
0x64d: {  	[hbm4b:s6+s2] =	stream.linear.scatter [tilespmem:s29], [sflag:$0x5], $0x200, $0x38;
	[tilespmem:$0x8600] =	vst v63  }
0x64e: {  	_ =	swait.ge [sflag:s8], $0x200  }
0x64f: {  	[sflag:s8] =	ssyncset.done $0x0  }
0x650: {  	[sflag:s8] =	ssyncadd.s32 $0xFFFFFE00  }
0x651: {  	_ =	sfence.sel $0x180000  }
0x652: {  	[bflag:$0x0] =	sbarrier.arrive $0xFFFF  }
0x653: {  	_ =	strace $0x90000047  }
0x654: {  	[bflag:$0x2] =	sbarrier.arrive $0xFFFF  }
0x655: {  	p0 =	sne.s32 s1, $0x0;
	s0 =	rddreg [dreg:$0x4]  }
0x656: {  	s0 =	sadd.s32 @!p0 $0x100000, s0  }
0x657: {  	[sflag:s0] =	ssyncadd.tile.s32 @!p0 $0x1;
	_ =	shalt  }
.Lfunc_end2:
_tile_overlayer_lowered:
.L_overlay_start_2:
0x658: {  	(tag) =	ssettag $0x2  }
0x659: {  	s0 =	rddreg [dreg:$0x0];
	s2 =	stileid.u32  }
0x65a: {  	s1 =	rddreg [dreg:$0x1];
	p0 =	sne.s32 s2, $0x0  }
0x65b: {  	s3 =	rddreg [dreg:$0x2];
	[bflag:$0x3] =	sbarrier.arrive $0xFFFF;
	s2 =	simm.s32 @!p0 $0x1C05  }
0x65c: {  	[timem:s3], [sflag:s2] =	dma.local @!p0 [hbm:s0], s1  }
0x65d: {  	s0 =	simm.s32 @!p0 $0x5  }
0x65e: {  	_ =	swait.ge @!p0 [sflag:s0], s1  }
0x65f: {  	s1 =	ssub.s32 @!p0 $0x0, s1;
	[sflag:s0] =	ssyncset.done @!p0 $0x0  }
0x660: {  	[sflag:s0] =	ssyncadd.s32 @!p0 s1  }
0x661: {  	[bflag:$0x3] =	sbarrier.arrive $0xFFFF  }
0x662: {  	_ =	shalt  }

</sc_bundles>
